<compile_context>
chip_gen: v7x
topology: tpu7x:2x2x1
jax: 0.10.2.dev20260603
libtpu: 0.0.44.dev20260713+nightly
codegen_flags: <defaults>
</compile_context>

<pallas_src>
import functools

import jax
import jax.numpy as jnp
from jax import lax
from jax.experimental import pallas as pl
from jax.experimental.pallas import tpu as pltpu
from jax.experimental.pallas import tpu_sc as plsc

N_VOX = 50000
K = 20
D = 64
NUM_POINTS = 200000

C = 40
IDX_PER_CHUNK = C * K
NCHUNK = N_VOX // C
NW = 32
CHUNKS_PER_W = -(-NCHUNK // NW)
GATHER_B = 80
NGATHER = IDX_PER_CHUNK // GATHER_B
LANES = 16
BLK = 2 * LANES

_mesh = plsc.VectorSubcoreMesh(core_axis_name="c", subcore_axis_name="s")


@functools.partial(
    pl.kernel,
    mesh=_mesh,
    compiler_params=pltpu.CompilerParams(
        use_tc_tiling_on_sc=False, needs_layout_passes=False),
    out_type=jax.ShapeDtypeStruct((N_VOX, D), jnp.float32),
    scratch_types=[
        pltpu.VMEM((C, 128), jnp.int32),
        pltpu.VMEM((C, 128), jnp.int32),
        pltpu.VMEM((IDX_PER_CHUNK,), jnp.int32),
        pltpu.VMEM((IDX_PER_CHUNK,), jnp.int32),
        pltpu.VMEM((IDX_PER_CHUNK, D), jnp.bfloat16),
        pltpu.VMEM((IDX_PER_CHUNK, D), jnp.bfloat16),
        pltpu.VMEM((C, D), jnp.float32),
        pltpu.VMEM((C, D), jnp.float32),
        pltpu.SemaphoreType.DMA,
        pltpu.SemaphoreType.DMA,
        pltpu.SemaphoreType.DMA,
        pltpu.SemaphoreType.DMA,
        pltpu.SemaphoreType.DMA,
        pltpu.SemaphoreType.DMA,
    ],
)
def _pool(map_hbm, feat_hbm, out_hbm,
          raw0, raw1, fix0, fix1, rows0, rows1, out0, out1,
          msem0, msem1, gsem0, gsem1, osem0, osem1):
    wid = lax.axis_index("s") * 2 + lax.axis_index("c")
    raw = (raw0, raw1)
    fixv = (fix0, fix1)
    rows = (rows0, rows1)
    outv = (out0, out1)
    msem = (msem0, msem1)
    gsem = (gsem0, gsem1)
    osem = (osem0, osem1)

    def start_map(c, b):
        pltpu.async_copy(
            map_hbm.at[pl.ds(c * C, C), :], raw[b], msem[b])

    def front(c, b):
        pltpu.make_async_copy(
            map_hbm.at[pl.ds(c * C, C), :], raw[b], msem[b]).wait()

        iota16 = lax.iota(jnp.int32, LANES)
        zcol = iota16 * 0
        for v in range(C):
            rowv = zcol + v
            vals0 = raw[b][v, pl.ds(0, LANES)]
            vals1 = raw[b][v, pl.ds(K - LANES, LANES)]
            first = plsc.load_gather(raw[b], [rowv, zcol])
            f0 = jnp.where(vals0 == 0, first, vals0)
            f1 = jnp.where(vals1 == 0, first, vals1)
            plsc.store_scatter(fixv[b], [v * K + iota16], f0)
            plsc.store_scatter(fixv[b], [v * K + (K - LANES) + iota16], f1)

        for j in range(NGATHER):
            pltpu.async_copy(
                feat_hbm.at[fixv[b].at[pl.ds(j * GATHER_B, GATHER_B)]],
                rows[b].at[pl.ds(j * GATHER_B, GATHER_B), :],
                gsem[b],
            )

        @pl.when(c + 2 * NW < NCHUNK)
        def _():
            start_map(c + 2 * NW, b)

    def back(c, b):
        for j in range(NGATHER):
            pltpu.make_async_copy(
                feat_hbm.at[fixv[b].at[pl.ds(j * GATHER_B, GATHER_B)]],
                rows[b].at[pl.ds(j * GATHER_B, GATHER_B), :],
                gsem[b],
            ).wait()

        @pl.when(c >= 2 * NW)
        def _():
            pltpu.make_async_copy(
                outv[b], out_hbm.at[pl.ds(c * C, C), :], osem[b]).wait()

        iota = lax.iota(jnp.int32, LANES)
        ev = iota * 2
        od = iota * 2 + 1

        def pool_one(v, carry):
            rbase = v * K
            rowv = jnp.full((LANES,), 0, jnp.int32) + v
            for m in range(D // BLK):
                sl = pl.ds(m * BLK, BLK)
                acc_a = rows[b][rbase, sl]
                acc_b = rows[b][rbase + K // 2, sl]
                for k in range(1, K // 2):
                    acc_a = acc_a + rows[b][rbase + k, sl]
                    acc_b = acc_b + rows[b][rbase + K // 2 + k, sl]
                acc = acc_a + acc_b
                lo, hi = plsc.unpack(acc, format=plsc.PackFormat.INTERLEAVED)
                plsc.store_scatter(
                    outv[b], [rowv, m * BLK + ev], lo * (1.0 / K))
                plsc.store_scatter(
                    outv[b], [rowv, m * BLK + od], hi * (1.0 / K))
            return carry

        lax.fori_loop(0, C, pool_one, 0)
        pltpu.async_copy(outv[b], out_hbm.at[pl.ds(c * C, C), :], osem[b])

    start_map(wid, 0)
    start_map(wid + NW, 1)
    front(wid, 0)

    def pair(ii, carry):
        for b in range(2):
            c_cur = wid + (ii * 2 + b) * NW
            c_next = c_cur + NW

            @pl.when(c_next < NCHUNK)
            def _():
                front(c_next, 1 - b)

            @pl.when(c_cur < NCHUNK)
            def _():
                back(c_cur, b)

        return carry

    lax.fori_loop(0, CHUNKS_PER_W // 2, pair, 0)

    for b in range(2):
        pltpu.make_async_copy(
            outv[b], out_hbm.at[pl.ds(0, C), :], osem[b]).wait()


def kernel(invoxel_xyz, invoxel_map, src_feat):
    del invoxel_xyz
    map_p = jnp.pad(invoxel_map, ((0, 0), (0, 128 - K)))
    return _pool(map_p, src_feat.astype(jnp.bfloat16))

# --- scband reference (transcript-rebuilt; emitter-appended) ---
"""Pipeline reference for scband-voxel-pooling-75290776699042 (READ-ONLY COPY).

The authoritative reference and input builder live on the scoring server;
editing this copy changes nothing except your own understanding.
"""

import jax, jax.numpy as jnp
import numpy as np

FUSE_K = 20
N_VOXELS = 50000
NUM_POINTS = 200000
D_FEAT = 64


def setup_inputs(seed: int = 0) -> dict:
    key = jax.random.key(seed)
    k1, k2, k3 = jax.random.split(key, 3)
    invoxel_xyz = jax.random.normal(k1, (N_VOXELS, FUSE_K, 3), dtype=jnp.float32)
    invoxel_map = jax.random.randint(k2, (N_VOXELS, FUSE_K), 0, NUM_POINTS)
    src_feat = jax.random.normal(k3, (NUM_POINTS, D_FEAT), dtype=jnp.float32)
    return {"invoxel_xyz": invoxel_xyz, "invoxel_map": invoxel_map, "src_feat": src_feat}


def reference(invoxel_xyz, invoxel_map, src_feat):
    # pooling_mode == 'mean' path of VoxelPooling.forward
    fuse_k = FUSE_K
    voxel2point_map = invoxel_map[:, :fuse_k]
    N, K = voxel2point_map.shape
    # index_feat: replace entries equal to 0 with the group's first index
    group_first = jnp.broadcast_to(voxel2point_map[:, 0:1], (N, K))
    mask = voxel2point_map == 0
    idx = jnp.where(mask, group_first, voxel2point_map)
    flat_index = idx.reshape((N * K,))
    selected_feat = jnp.take(src_feat, flat_index, axis=0)
    selected_feat = selected_feat.reshape((N, K, -1))
    # mean pooling over the K in-voxel points
    features = jnp.mean(selected_feat, axis=1)
    return features

if __name__ == "__main__":
    import jax
    _d = setup_inputs()
    print(jax.jit(kernel)(*tuple(_d.values())))

</pallas_src>

<mosaic_0001>
#map = affine_map<(d0, d1) -> (0, 0)>
module attributes {stable_mosaic.version = 14 : i64} {
  func.func @_pool(%arg0: i32, %arg1: i32, %arg2: memref<50000x128xi32, #tpu.memory_space<hbm>>, %arg3: memref<200000x64xbf16, #tpu.memory_space<hbm>>, %arg4: memref<50000x64xf32, #tpu.memory_space<hbm>>, %arg5: memref<40x128xi32, #tpu.memory_space<vmem>>, %arg6: memref<40x128xi32, #tpu.memory_space<vmem>>, %arg7: memref<800xi32, #tpu.memory_space<vmem>>, %arg8: memref<800xi32, #tpu.memory_space<vmem>>, %arg9: memref<800x64xbf16, #tpu.memory_space<vmem>>, %arg10: memref<800x64xbf16, #tpu.memory_space<vmem>>, %arg11: memref<40x64xf32, #tpu.memory_space<vmem>>, %arg12: memref<40x64xf32, #tpu.memory_space<vmem>>, %arg13: memref<!tpu.dma_semaphore, #tpu.memory_space<semaphore_mem>>, %arg14: memref<!tpu.dma_semaphore, #tpu.memory_space<semaphore_mem>>, %arg15: memref<!tpu.dma_semaphore, #tpu.memory_space<semaphore_mem>>, %arg16: memref<!tpu.dma_semaphore, #tpu.memory_space<semaphore_mem>>, %arg17: memref<!tpu.dma_semaphore, #tpu.memory_space<semaphore_mem>>, %arg18: memref<!tpu.dma_semaphore, #tpu.memory_space<semaphore_mem>>) attributes {dimension_semantics = [#tpu.dimension_semantics<core_parallel>, #tpu.dimension_semantics<subcore_parallel>], iteration_bounds = array<i64: 2, 16>, scalar_prefetch = 0 : i64, scratch_operands = 14 : i64, tpu.core_type = #tpu.core_type<sc_vector_subcore>, window_params = [{transform_indices = #map}, {transform_indices = #map}, {transform_indices = #map}]} {
    %mul3A = arith.constant 2 : i32
    %mul3A_0 = arith.muli %arg1, %mul3A : i32
    %add3A = arith.addi %mul3A_0, %arg0 : i32
    %mul3A_1 = arith.constant 40 : i32
    %mul3A_2 = arith.muli %add3A, %mul3A_1 : i32
    %dma_start3A = arith.constant 0 : i32
    %dma_start3A_3 = tpu.memref_slice %arg2[%mul3A_2, %dma_start3A] : memref<50000x128xi32, #tpu.memory_space<hbm>> -> memref<40x128xi32, #tpu.memory_space<hbm>>
    %dma_start3A_4 = arith.constant 0 : i32
    %dma_start3A_5 = tpu.memref_slice %arg2[%mul3A_2, %dma_start3A_4] : memref<50000x128xi32, #tpu.memory_space<hbm>> -> memref<40x128xi32, #tpu.memory_space<hbm>>
    tpu.enqueue_dma source(%dma_start3A_5 : memref<40x128xi32, #tpu.memory_space<hbm>>) target(%arg5 : memref<40x128xi32, #tpu.memory_space<vmem>>) target_semaphore(%arg13 : memref<!tpu.dma_semaphore, #tpu.memory_space<semaphore_mem>>)
    %add3A_6 = arith.constant 32 : i32
    %add3A_7 = arith.addi %add3A, %add3A_6 : i32
    %mul3A_8 = arith.constant 40 : i32
    %mul3A_9 = arith.muli %add3A_7, %mul3A_8 : i32
    %dma_start3A_10 = arith.constant 0 : i32
    %dma_start3A_11 = tpu.memref_slice %arg2[%mul3A_9, %dma_start3A_10] : memref<50000x128xi32, #tpu.memory_space<hbm>> -> memref<40x128xi32, #tpu.memory_space<hbm>>
    %dma_start3A_12 = arith.constant 0 : i32
    %dma_start3A_13 = tpu.memref_slice %arg2[%mul3A_9, %dma_start3A_12] : memref<50000x128xi32, #tpu.memory_space<hbm>> -> memref<40x128xi32, #tpu.memory_space<hbm>>
    tpu.enqueue_dma source(%dma_start3A_13 : memref<40x128xi32, #tpu.memory_space<hbm>>) target(%arg6 : memref<40x128xi32, #tpu.memory_space<vmem>>) target_semaphore(%arg14 : memref<!tpu.dma_semaphore, #tpu.memory_space<semaphore_mem>>)
    %mul3A_14 = arith.constant 40 : i32
    %mul3A_15 = arith.muli %add3A, %mul3A_14 : i32
    %dma_wait3A = arith.constant 0 : i32
    %dma_wait3A_16 = tpu.memref_slice %arg2[%mul3A_15, %dma_wait3A] : memref<50000x128xi32, #tpu.memory_space<hbm>> -> memref<40x128xi32, #tpu.memory_space<hbm>>
    %dma_wait3A_17 = arith.constant 0 : i32
    %dma_wait3A_18 = tpu.memref_slice %arg2[%mul3A_15, %dma_wait3A_17] : memref<50000x128xi32, #tpu.memory_space<hbm>> -> memref<40x128xi32, #tpu.memory_space<hbm>>
    tpu.wait_dma2 semaphore(%arg13 : memref<!tpu.dma_semaphore, #tpu.memory_space<semaphore_mem>>) src(%dma_wait3A_18 : memref<40x128xi32, #tpu.memory_space<hbm>>) dst(%arg5 : memref<40x128xi32, #tpu.memory_space<vmem>>)
    %iota3A = tpu.iota {dimensions = array<i32: 0>} : vector<16xi32>
    %mul3A_19 = arith.constant 0 : i32
    %mul3A_20 = vector.broadcast %mul3A_19 : i32 to vector<16xi32>
    %mul3A_21 = arith.muli %iota3A, %mul3A_20 : vector<16xi32>
    %add3A_22 = arith.constant 0 : i32
    %add3A_23 = vector.broadcast %add3A_22 : i32 to vector<16xi32>
    %add3A_24 = arith.addi %mul3A_21, %add3A_23 : vector<16xi32>
    %get3A = arith.constant 0 : i32
    %get3A_25 = arith.index_cast %get3A : i32 to index
    %get3A_26 = arith.constant 0 : index
    %get3A_27 = tpu.vector_load %arg5[%get3A_25, %get3A_26] {strides = array<i32>} : memref<40x128xi32, #tpu.memory_space<vmem>>, vector<16xi32>,
    %get3A_28 = arith.constant 0 : i32
    %get3A_29 = arith.index_cast %get3A_28 : i32 to index
    %get3A_30 = arith.constant 4 : index
    %get3A_31 = tpu.vector_load %arg5[%get3A_29, %get3A_30] {strides = array<i32>} : memref<40x128xi32, #tpu.memory_space<vmem>>, vector<16xi32>,
    %gather3A = tpu.vector_load_idx %arg5[%add3A_24, %mul3A_21] : memref<40x128xi32, #tpu.memory_space<vmem>>[vector<16xi32>, vector<16xi32>], vector<16xi32>,
    %eq3A = arith.constant 0 : i32
    %eq3A_32 = vector.broadcast %eq3A : i32 to vector<16xi32>
    %eq3A_33 = arith.cmpi eq, %get3A_27, %eq3A_32 : vector<16xi32>
    %select_n3A = arith.select %eq3A_33, %gather3A, %get3A_27 : vector<16xi1>, vector<16xi32>
    %eq3A_34 = arith.constant 0 : i32
    %eq3A_35 = vector.broadcast %eq3A_34 : i32 to vector<16xi32>
    %eq3A_36 = arith.cmpi eq, %get3A_31, %eq3A_35 : vector<16xi32>
    %select_n3A_37 = arith.select %eq3A_36, %gather3A, %get3A_31 : vector<16xi1>, vector<16xi32>
    %add3A_38 = arith.constant 0 : i32
    %add3A_39 = vector.broadcast %add3A_38 : i32 to vector<16xi32>
    %add3A_40 = arith.addi %add3A_39, %iota3A : vector<16xi32>
    tpu.vector_store_idx %arg7[%add3A_40], %select_n3A : memref<800xi32, #tpu.memory_space<vmem>>[vector<16xi32>], vector<16xi32>,
    %add3A_41 = arith.constant 4 : i32
    %add3A_42 = vector.broadcast %add3A_41 : i32 to vector<16xi32>
    %add3A_43 = arith.addi %add3A_42, %iota3A : vector<16xi32>
    tpu.vector_store_idx %arg7[%add3A_43], %select_n3A_37 : memref<800xi32, #tpu.memory_space<vmem>>[vector<16xi32>], vector<16xi32>,
    %add3A_44 = arith.constant 1 : i32
    %add3A_45 = vector.broadcast %add3A_44 : i32 to vector<16xi32>
    %add3A_46 = arith.addi %mul3A_21, %add3A_45 : vector<16xi32>
    %get3A_47 = arith.constant 1 : i32
    %get3A_48 = arith.index_cast %get3A_47 : i32 to index
    %get3A_49 = arith.constant 0 : index
    %get3A_50 = tpu.vector_load %arg5[%get3A_48, %get3A_49] {strides = array<i32>} : memref<40x128xi32, #tpu.memory_space<vmem>>, vector<16xi32>,
    %get3A_51 = arith.constant 1 : i32
    %get3A_52 = arith.index_cast %get3A_51 : i32 to index
    %get3A_53 = arith.constant 4 : index
    %get3A_54 = tpu.vector_load %arg5[%get3A_52, %get3A_53] {strides = array<i32>} : memref<40x128xi32, #tpu.memory_space<vmem>>, vector<16xi32>,
    %gather3A_55 = tpu.vector_load_idx %arg5[%add3A_46, %mul3A_21] : memref<40x128xi32, #tpu.memory_space<vmem>>[vector<16xi32>, vector<16xi32>], vector<16xi32>,
    %eq3A_56 = arith.constant 0 : i32
    %eq3A_57 = vector.broadcast %eq3A_56 : i32 to vector<16xi32>
    %eq3A_58 = arith.cmpi eq, %get3A_50, %eq3A_57 : vector<16xi32>
    %select_n3A_59 = arith.select %eq3A_58, %gather3A_55, %get3A_50 : vector<16xi1>, vector<16xi32>
    %eq3A_60 = arith.constant 0 : i32
    %eq3A_61 = vector.broadcast %eq3A_60 : i32 to vector<16xi32>
    %eq3A_62 = arith.cmpi eq, %get3A_54, %eq3A_61 : vector<16xi32>
    %select_n3A_63 = arith.select %eq3A_62, %gather3A_55, %get3A_54 : vector<16xi1>, vector<16xi32>
    %add3A_64 = arith.constant 20 : i32
    %add3A_65 = vector.broadcast %add3A_64 : i32 to vector<16xi32>
    %add3A_66 = arith.addi %add3A_65, %iota3A : vector<16xi32>
    tpu.vector_store_idx %arg7[%add3A_66], %select_n3A_59 : memref<800xi32, #tpu.memory_space<vmem>>[vector<16xi32>], vector<16xi32>,
    %add3A_67 = arith.constant 24 : i32
    %add3A_68 = vector.broadcast %add3A_67 : i32 to vector<16xi32>
    %add3A_69 = arith.addi %add3A_68, %iota3A : vector<16xi32>
    tpu.vector_store_idx %arg7[%add3A_69], %select_n3A_63 : memref<800xi32, #tpu.memory_space<vmem>>[vector<16xi32>], vector<16xi32>,
    %add3A_70 = arith.constant 2 : i32
    %add3A_71 = vector.broadcast %add3A_70 : i32 to vector<16xi32>
    %add3A_72 = arith.addi %mul3A_21, %add3A_71 : vector<16xi32>
    %get3A_73 = arith.constant 2 : i32
    %get3A_74 = arith.index_cast %get3A_73 : i32 to index
    %get3A_75 = arith.constant 0 : index
    %get3A_76 = tpu.vector_load %arg5[%get3A_74, %get3A_75] {strides = array<i32>} : memref<40x128xi32, #tpu.memory_space<vmem>>, vector<16xi32>,
    %get3A_77 = arith.constant 2 : i32
    %get3A_78 = arith.index_cast %get3A_77 : i32 to index
    %get3A_79 = arith.constant 4 : index
    %get3A_80 = tpu.vector_load %arg5[%get3A_78, %get3A_79] {strides = array<i32>} : memref<40x128xi32, #tpu.memory_space<vmem>>, vector<16xi32>,
    %gather3A_81 = tpu.vector_load_idx %arg5[%add3A_72, %mul3A_21] : memref<40x128xi32, #tpu.memory_space<vmem>>[vector<16xi32>, vector<16xi32>], vector<16xi32>,
    %eq3A_82 = arith.constant 0 : i32
    %eq3A_83 = vector.broadcast %eq3A_82 : i32 to vector<16xi32>
    %eq3A_84 = arith.cmpi eq, %get3A_76, %eq3A_83 : vector<16xi32>
    %select_n3A_85 = arith.select %eq3A_84, %gather3A_81, %get3A_76 : vector<16xi1>, vector<16xi32>
    %eq3A_86 = arith.constant 0 : i32
    %eq3A_87 = vector.broadcast %eq3A_86 : i32 to vector<16xi32>
    %eq3A_88 = arith.cmpi eq, %get3A_80, %eq3A_87 : vector<16xi32>
    %select_n3A_89 = arith.select %eq3A_88, %gather3A_81, %get3A_80 : vector<16xi1>, vector<16xi32>
    %add3A_90 = arith.constant 40 : i32
    %add3A_91 = vector.broadcast %add3A_90 : i32 to vector<16xi32>
    %add3A_92 = arith.addi %add3A_91, %iota3A : vector<16xi32>
    tpu.vector_store_idx %arg7[%add3A_92], %select_n3A_85 : memref<800xi32, #tpu.memory_space<vmem>>[vector<16xi32>], vector<16xi32>,
    %add3A_93 = arith.constant 44 : i32
    %add3A_94 = vector.broadcast %add3A_93 : i32 to vector<16xi32>
    %add3A_95 = arith.addi %add3A_94, %iota3A : vector<16xi32>
    tpu.vector_store_idx %arg7[%add3A_95], %select_n3A_89 : memref<800xi32, #tpu.memory_space<vmem>>[vector<16xi32>], vector<16xi32>,
    %add3A_96 = arith.constant 3 : i32
    %add3A_97 = vector.broadcast %add3A_96 : i32 to vector<16xi32>
    %add3A_98 = arith.addi %mul3A_21, %add3A_97 : vector<16xi32>
    %get3A_99 = arith.constant 3 : i32
    %get3A_100 = arith.index_cast %get3A_99 : i32 to index
    %get3A_101 = arith.constant 0 : index
    %get3A_102 = tpu.vector_load %arg5[%get3A_100, %get3A_101] {strides = array<i32>} : memref<40x128xi32, #tpu.memory_space<vmem>>, vector<16xi32>,
    %get3A_103 = arith.constant 3 : i32
    %get3A_104 = arith.index_cast %get3A_103 : i32 to index
    %get3A_105 = arith.constant 4 : index
    %get3A_106 = tpu.vector_load %arg5[%get3A_104, %get3A_105] {strides = array<i32>} : memref<40x128xi32, #tpu.memory_space<vmem>>, vector<16xi32>,
    %gather3A_107 = tpu.vector_load_idx %arg5[%add3A_98, %mul3A_21] : memref<40x128xi32, #tpu.memory_space<vmem>>[vector<16xi32>, vector<16xi32>], vector<16xi32>,
    %eq3A_108 = arith.constant 0 : i32
    %eq3A_109 = vector.broadcast %eq3A_108 : i32 to vector<16xi32>
    %eq3A_110 = arith.cmpi eq, %get3A_102, %eq3A_109 : vector<16xi32>
    %select_n3A_111 = arith.select %eq3A_110, %gather3A_107, %get3A_102 : vector<16xi1>, vector<16xi32>
    %eq3A_112 = arith.constant 0 : i32
    %eq3A_113 = vector.broadcast %eq3A_112 : i32 to vector<16xi32>
    %eq3A_114 = arith.cmpi eq, %get3A_106, %eq3A_113 : vector<16xi32>
    %select_n3A_115 = arith.select %eq3A_114, %gather3A_107, %get3A_106 : vector<16xi1>, vector<16xi32>
    %add3A_116 = arith.constant 60 : i32
    %add3A_117 = vector.broadcast %add3A_116 : i32 to vector<16xi32>
    %add3A_118 = arith.addi %add3A_117, %iota3A : vector<16xi32>
    tpu.vector_store_idx %arg7[%add3A_118], %select_n3A_111 : memref<800xi32, #tpu.memory_space<vmem>>[vector<16xi32>], vector<16xi32>,
    %add3A_119 = arith.constant 64 : i32
    %add3A_120 = vector.broadcast %add3A_119 : i32 to vector<16xi32>
    %add3A_121 = arith.addi %add3A_120, %iota3A : vector<16xi32>
    tpu.vector_store_idx %arg7[%add3A_121], %select_n3A_115 : memref<800xi32, #tpu.memory_space<vmem>>[vector<16xi32>], vector<16xi32>,
    %add3A_122 = arith.constant 4 : i32
    %add3A_123 = vector.broadcast %add3A_122 : i32 to vector<16xi32>
    %add3A_124 = arith.addi %mul3A_21, %add3A_123 : vector<16xi32>
    %get3A_125 = arith.constant 4 : i32
    %get3A_126 = arith.index_cast %get3A_125 : i32 to index
    %get3A_127 = arith.constant 0 : index
    %get3A_128 = tpu.vector_load %arg5[%get3A_126, %get3A_127] {strides = array<i32>} : memref<40x128xi32, #tpu.memory_space<vmem>>, vector<16xi32>,
    %get3A_129 = arith.constant 4 : i32
    %get3A_130 = arith.index_cast %get3A_129 : i32 to index
    %get3A_131 = arith.constant 4 : index
    %get3A_132 = tpu.vector_load %arg5[%get3A_130, %get3A_131] {strides = array<i32>} : memref<40x128xi32, #tpu.memory_space<vmem>>, vector<16xi32>,
    %gather3A_133 = tpu.vector_load_idx %arg5[%add3A_124, %mul3A_21] : memref<40x128xi32, #tpu.memory_space<vmem>>[vector<16xi32>, vector<16xi32>], vector<16xi32>,
    %eq3A_134 = arith.constant 0 : i32
    %eq3A_135 = vector.broadcast %eq3A_134 : i32 to vector<16xi32>
    %eq3A_136 = arith.cmpi eq, %get3A_128, %eq3A_135 : vector<16xi32>
    %select_n3A_137 = arith.select %eq3A_136, %gather3A_133, %get3A_128 : vector<16xi1>, vector<16xi32>
    %eq3A_138 = arith.constant 0 : i32
    %eq3A_139 = vector.broadcast %eq3A_138 : i32 to vector<16xi32>
    %eq3A_140 = arith.cmpi eq, %get3A_132, %eq3A_139 : vector<16xi32>
    %select_n3A_141 = arith.select %eq3A_140, %gather3A_133, %get3A_132 : vector<16xi1>, vector<16xi32>
    %add3A_142 = arith.constant 80 : i32
    %add3A_143 = vector.broadcast %add3A_142 : i32 to vector<16xi32>
    %add3A_144 = arith.addi %add3A_143, %iota3A : vector<16xi32>
    tpu.vector_store_idx %arg7[%add3A_144], %select_n3A_137 : memref<800xi32, #tpu.memory_space<vmem>>[vector<16xi32>], vector<16xi32>,
    %add3A_145 = arith.constant 84 : i32
    %add3A_146 = vector.broadcast %add3A_145 : i32 to vector<16xi32>
    %add3A_147 = arith.addi %add3A_146, %iota3A : vector<16xi32>
    tpu.vector_store_idx %arg7[%add3A_147], %select_n3A_141 : memref<800xi32, #tpu.memory_space<vmem>>[vector<16xi32>], vector<16xi32>,
    %add3A_148 = arith.constant 5 : i32
    %add3A_149 = vector.broadcast %add3A_148 : i32 to vector<16xi32>
    %add3A_150 = arith.addi %mul3A_21, %add3A_149 : vector<16xi32>
    %get3A_151 = arith.constant 5 : i32
    %get3A_152 = arith.index_cast %get3A_151 : i32 to index
    %get3A_153 = arith.constant 0 : index
    %get3A_154 = tpu.vector_load %arg5[%get3A_152, %get3A_153] {strides = array<i32>} : memref<40x128xi32, #tpu.memory_space<vmem>>, vector<16xi32>,
    %get3A_155 = arith.constant 5 : i32
    %get3A_156 = arith.index_cast %get3A_155 : i32 to index
    %get3A_157 = arith.constant 4 : index
    %get3A_158 = tpu.vector_load %arg5[%get3A_156, %get3A_157] {strides = array<i32>} : memref<40x128xi32, #tpu.memory_space<vmem>>, vector<16xi32>,
    %gather3A_159 = tpu.vector_load_idx %arg5[%add3A_150, %mul3A_21] : memref<40x128xi32, #tpu.memory_space<vmem>>[vector<16xi32>, vector<16xi32>], vector<16xi32>,
    %eq3A_160 = arith.constant 0 : i32
    %eq3A_161 = vector.broadcast %eq3A_160 : i32 to vector<16xi32>
    %eq3A_162 = arith.cmpi eq, %get3A_154, %eq3A_161 : vector<16xi32>
    %select_n3A_163 = arith.select %eq3A_162, %gather3A_159, %get3A_154 : vector<16xi1>, vector<16xi32>
    %eq3A_164 = arith.constant 0 : i32
    %eq3A_165 = vector.broadcast %eq3A_164 : i32 to vector<16xi32>
    %eq3A_166 = arith.cmpi eq, %get3A_158, %eq3A_165 : vector<16xi32>
    %select_n3A_167 = arith.select %eq3A_166, %gather3A_159, %get3A_158 : vector<16xi1>, vector<16xi32>
    %add3A_168 = arith.constant 100 : i32
    %add3A_169 = vector.broadcast %add3A_168 : i32 to vector<16xi32>
    %add3A_170 = arith.addi %add3A_169, %iota3A : vector<16xi32>
    tpu.vector_store_idx %arg7[%add3A_170], %select_n3A_163 : memref<800xi32, #tpu.memory_space<vmem>>[vector<16xi32>], vector<16xi32>,
    %add3A_171 = arith.constant 104 : i32
    %add3A_172 = vector.broadcast %add3A_171 : i32 to vector<16xi32>
    %add3A_173 = arith.addi %add3A_172, %iota3A : vector<16xi32>
    tpu.vector_store_idx %arg7[%add3A_173], %select_n3A_167 : memref<800xi32, #tpu.memory_space<vmem>>[vector<16xi32>], vector<16xi32>,
    %add3A_174 = arith.constant 6 : i32
    %add3A_175 = vector.broadcast %add3A_174 : i32 to vector<16xi32>
    %add3A_176 = arith.addi %mul3A_21, %add3A_175 : vector<16xi32>
    %get3A_177 = arith.constant 6 : i32
    %get3A_178 = arith.index_cast %get3A_177 : i32 to index
    %get3A_179 = arith.constant 0 : index
    %get3A_180 = tpu.vector_load %arg5[%get3A_178, %get3A_179] {strides = array<i32>} : memref<40x128xi32, #tpu.memory_space<vmem>>, vector<16xi32>,
    %get3A_181 = arith.constant 6 : i32
    %get3A_182 = arith.index_cast %get3A_181 : i32 to index
    %get3A_183 = arith.constant 4 : index
    %get3A_184 = tpu.vector_load %arg5[%get3A_182, %get3A_183] {strides = array<i32>} : memref<40x128xi32, #tpu.memory_space<vmem>>, vector<16xi32>,
    %gather3A_185 = tpu.vector_load_idx %arg5[%add3A_176, %mul3A_21] : memref<40x128xi32, #tpu.memory_space<vmem>>[vector<16xi32>, vector<16xi32>], vector<16xi32>,
    %eq3A_186 = arith.constant 0 : i32
    %eq3A_187 = vector.broadcast %eq3A_186 : i32 to vector<16xi32>
    %eq3A_188 = arith.cmpi eq, %get3A_180, %eq3A_187 : vector<16xi32>
    %select_n3A_189 = arith.select %eq3A_188, %gather3A_185, %get3A_180 : vector<16xi1>, vector<16xi32>
    %eq3A_190 = arith.constant 0 : i32
    %eq3A_191 = vector.broadcast %eq3A_190 : i32 to vector<16xi32>
    %eq3A_192 = arith.cmpi eq, %get3A_184, %eq3A_191 : vector<16xi32>
    %select_n3A_193 = arith.select %eq3A_192, %gather3A_185, %get3A_184 : vector<16xi1>, vector<16xi32>
    %add3A_194 = arith.constant 120 : i32
    %add3A_195 = vector.broadcast %add3A_194 : i32 to vector<16xi32>
    %add3A_196 = arith.addi %add3A_195, %iota3A : vector<16xi32>
    tpu.vector_store_idx %arg7[%add3A_196], %select_n3A_189 : memref<800xi32, #tpu.memory_space<vmem>>[vector<16xi32>], vector<16xi32>,
    %add3A_197 = arith.constant 124 : i32
    %add3A_198 = vector.broadcast %add3A_197 : i32 to vector<16xi32>
    %add3A_199 = arith.addi %add3A_198, %iota3A : vector<16xi32>
    tpu.vector_store_idx %arg7[%add3A_199], %select_n3A_193 : memref<800xi32, #tpu.memory_space<vmem>>[vector<16xi32>], vector<16xi32>,
    %add3A_200 = arith.constant 7 : i32
    %add3A_201 = vector.broadcast %add3A_200 : i32 to vector<16xi32>
    %add3A_202 = arith.addi %mul3A_21, %add3A_201 : vector<16xi32>
    %get3A_203 = arith.constant 7 : i32
    %get3A_204 = arith.index_cast %get3A_203 : i32 to index
    %get3A_205 = arith.constant 0 : index
    %get3A_206 = tpu.vector_load %arg5[%get3A_204, %get3A_205] {strides = array<i32>} : memref<40x128xi32, #tpu.memory_space<vmem>>, vector<16xi32>,
    %get3A_207 = arith.constant 7 : i32
    %get3A_208 = arith.index_cast %get3A_207 : i32 to index
    %get3A_209 = arith.constant 4 : index
    %get3A_210 = tpu.vector_load %arg5[%get3A_208, %get3A_209] {strides = array<i32>} : memref<40x128xi32, #tpu.memory_space<vmem>>, vector<16xi32>,
    %gather3A_211 = tpu.vector_load_idx %arg5[%add3A_202, %mul3A_21] : memref<40x128xi32, #tpu.memory_space<vmem>>[vector<16xi32>, vector<16xi32>], vector<16xi32>,
    %eq3A_212 = arith.constant 0 : i32
    %eq3A_213 = vector.broadcast %eq3A_212 : i32 to vector<16xi32>
    %eq3A_214 = arith.cmpi eq, %get3A_206, %eq3A_213 : vector<16xi32>
    %select_n3A_215 = arith.select %eq3A_214, %gather3A_211, %get3A_206 : vector<16xi1>, vector<16xi32>
    %eq3A_216 = arith.constant 0 : i32
    %eq3A_217 = vector.broadcast %eq3A_216 : i32 to vector<16xi32>
    %eq3A_218 = arith.cmpi eq, %get3A_210, %eq3A_217 : vector<16xi32>
    %select_n3A_219 = arith.select %eq3A_218, %gather3A_211, %get3A_210 : vector<16xi1>, vector<16xi32>
    %add3A_220 = arith.constant 140 : i32
    %add3A_221 = vector.broadcast %add3A_220 : i32 to vector<16xi32>
    %add3A_222 = arith.addi %add3A_221, %iota3A : vector<16xi32>
    tpu.vector_store_idx %arg7[%add3A_222], %select_n3A_215 : memref<800xi32, #tpu.memory_space<vmem>>[vector<16xi32>], vector<16xi32>,
    %add3A_223 = arith.constant 144 : i32
    %add3A_224 = vector.broadcast %add3A_223 : i32 to vector<16xi32>
    %add3A_225 = arith.addi %add3A_224, %iota3A : vector<16xi32>
    tpu.vector_store_idx %arg7[%add3A_225], %select_n3A_219 : memref<800xi32, #tpu.memory_space<vmem>>[vector<16xi32>], vector<16xi32>,
    %add3A_226 = arith.constant 8 : i32
    %add3A_227 = vector.broadcast %add3A_226 : i32 to vector<16xi32>
    %add3A_228 = arith.addi %mul3A_21, %add3A_227 : vector<16xi32>
    %get3A_229 = arith.constant 8 : i32
    %get3A_230 = arith.index_cast %get3A_229 : i32 to index
    %get3A_231 = arith.constant 0 : index
    %get3A_232 = tpu.vector_load %arg5[%get3A_230, %get3A_231] {strides = array<i32>} : memref<40x128xi32, #tpu.memory_space<vmem>>, vector<16xi32>,
    %get3A_233 = arith.constant 8 : i32
    %get3A_234 = arith.index_cast %get3A_233 : i32 to index
    %get3A_235 = arith.constant 4 : index
    %get3A_236 = tpu.vector_load %arg5[%get3A_234, %get3A_235] {strides = array<i32>} : memref<40x128xi32, #tpu.memory_space<vmem>>, vector<16xi32>,
    %gather3A_237 = tpu.vector_load_idx %arg5[%add3A_228, %mul3A_21] : memref<40x128xi32, #tpu.memory_space<vmem>>[vector<16xi32>, vector<16xi32>], vector<16xi32>,
    %eq3A_238 = arith.constant 0 : i32
    %eq3A_239 = vector.broadcast %eq3A_238 : i32 to vector<16xi32>
    %eq3A_240 = arith.cmpi eq, %get3A_232, %eq3A_239 : vector<16xi32>
    %select_n3A_241 = arith.select %eq3A_240, %gather3A_237, %get3A_232 : vector<16xi1>, vector<16xi32>
    %eq3A_242 = arith.constant 0 : i32
    %eq3A_243 = vector.broadcast %eq3A_242 : i32 to vector<16xi32>
    %eq3A_244 = arith.cmpi eq, %get3A_236, %eq3A_243 : vector<16xi32>
    %select_n3A_245 = arith.select %eq3A_244, %gather3A_237, %get3A_236 : vector<16xi1>, vector<16xi32>
    %add3A_246 = arith.constant 160 : i32
    %add3A_247 = vector.broadcast %add3A_246 : i32 to vector<16xi32>
    %add3A_248 = arith.addi %add3A_247, %iota3A : vector<16xi32>
    tpu.vector_store_idx %arg7[%add3A_248], %select_n3A_241 : memref<800xi32, #tpu.memory_space<vmem>>[vector<16xi32>], vector<16xi32>,
    %add3A_249 = arith.constant 164 : i32
    %add3A_250 = vector.broadcast %add3A_249 : i32 to vector<16xi32>
    %add3A_251 = arith.addi %add3A_250, %iota3A : vector<16xi32>
    tpu.vector_store_idx %arg7[%add3A_251], %select_n3A_245 : memref<800xi32, #tpu.memory_space<vmem>>[vector<16xi32>], vector<16xi32>,
    %add3A_252 = arith.constant 9 : i32
    %add3A_253 = vector.broadcast %add3A_252 : i32 to vector<16xi32>
    %add3A_254 = arith.addi %mul3A_21, %add3A_253 : vector<16xi32>
    %get3A_255 = arith.constant 9 : i32
    %get3A_256 = arith.index_cast %get3A_255 : i32 to index
    %get3A_257 = arith.constant 0 : index
    %get3A_258 = tpu.vector_load %arg5[%get3A_256, %get3A_257] {strides = array<i32>} : memref<40x128xi32, #tpu.memory_space<vmem>>, vector<16xi32>,
    %get3A_259 = arith.constant 9 : i32
    %get3A_260 = arith.index_cast %get3A_259 : i32 to index
    %get3A_261 = arith.constant 4 : index
    %get3A_262 = tpu.vector_load %arg5[%get3A_260, %get3A_261] {strides = array<i32>} : memref<40x128xi32, #tpu.memory_space<vmem>>, vector<16xi32>,
    %gather3A_263 = tpu.vector_load_idx %arg5[%add3A_254, %mul3A_21] : memref<40x128xi32, #tpu.memory_space<vmem>>[vector<16xi32>, vector<16xi32>], vector<16xi32>,
    %eq3A_264 = arith.constant 0 : i32
    %eq3A_265 = vector.broadcast %eq3A_264 : i32 to vector<16xi32>
    %eq3A_266 = arith.cmpi eq, %get3A_258, %eq3A_265 : vector<16xi32>
    %select_n3A_267 = arith.select %eq3A_266, %gather3A_263, %get3A_258 : vector<16xi1>, vector<16xi32>
    %eq3A_268 = arith.constant 0 : i32
    %eq3A_269 = vector.broadcast %eq3A_268 : i32 to vector<16xi32>
    %eq3A_270 = arith.cmpi eq, %get3A_262, %eq3A_269 : vector<16xi32>
    %select_n3A_271 = arith.select %eq3A_270, %gather3A_263, %get3A_262 : vector<16xi1>, vector<16xi32>
    %add3A_272 = arith.constant 180 : i32
    %add3A_273 = vector.broadcast %add3A_272 : i32 to vector<16xi32>
    %add3A_274 = arith.addi %add3A_273, %iota3A : vector<16xi32>
    tpu.vector_store_idx %arg7[%add3A_274], %select_n3A_267 : memref<800xi32, #tpu.memory_space<vmem>>[vector<16xi32>], vector<16xi32>,
    %add3A_275 = arith.constant 184 : i32
    %add3A_276 = vector.broadcast %add3A_275 : i32 to vector<16xi32>
    %add3A_277 = arith.addi %add3A_276, %iota3A : vector<16xi32>
    tpu.vector_store_idx %arg7[%add3A_277], %select_n3A_271 : memref<800xi32, #tpu.memory_space<vmem>>[vector<16xi32>], vector<16xi32>,
    %add3A_278 = arith.constant 10 : i32
    %add3A_279 = vector.broadcast %add3A_278 : i32 to vector<16xi32>
    %add3A_280 = arith.addi %mul3A_21, %add3A_279 : vector<16xi32>
    %get3A_281 = arith.constant 10 : i32
    %get3A_282 = arith.index_cast %get3A_281 : i32 to index
    %get3A_283 = arith.constant 0 : index
    %get3A_284 = tpu.vector_load %arg5[%get3A_282, %get3A_283] {strides = array<i32>} : memref<40x128xi32, #tpu.memory_space<vmem>>, vector<16xi32>,
    %get3A_285 = arith.constant 10 : i32
    %get3A_286 = arith.index_cast %get3A_285 : i32 to index
    %get3A_287 = arith.constant 4 : index
    %get3A_288 = tpu.vector_load %arg5[%get3A_286, %get3A_287] {strides = array<i32>} : memref<40x128xi32, #tpu.memory_space<vmem>>, vector<16xi32>,
    %gather3A_289 = tpu.vector_load_idx %arg5[%add3A_280, %mul3A_21] : memref<40x128xi32, #tpu.memory_space<vmem>>[vector<16xi32>, vector<16xi32>], vector<16xi32>,
    %eq3A_290 = arith.constant 0 : i32
    %eq3A_291 = vector.broadcast %eq3A_290 : i32 to vector<16xi32>
    %eq3A_292 = arith.cmpi eq, %get3A_284, %eq3A_291 : vector<16xi32>
    %select_n3A_293 = arith.select %eq3A_292, %gather3A_289, %get3A_284 : vector<16xi1>, vector<16xi32>
    %eq3A_294 = arith.constant 0 : i32
    %eq3A_295 = vector.broadcast %eq3A_294 : i32 to vector<16xi32>
    %eq3A_296 = arith.cmpi eq, %get3A_288, %eq3A_295 : vector<16xi32>
    %select_n3A_297 = arith.select %eq3A_296, %gather3A_289, %get3A_288 : vector<16xi1>, vector<16xi32>
    %add3A_298 = arith.constant 200 : i32
    %add3A_299 = vector.broadcast %add3A_298 : i32 to vector<16xi32>
    %add3A_300 = arith.addi %add3A_299, %iota3A : vector<16xi32>
    tpu.vector_store_idx %arg7[%add3A_300], %select_n3A_293 : memref<800xi32, #tpu.memory_space<vmem>>[vector<16xi32>], vector<16xi32>,
    %add3A_301 = arith.constant 204 : i32
    %add3A_302 = vector.broadcast %add3A_301 : i32 to vector<16xi32>
    %add3A_303 = arith.addi %add3A_302, %iota3A : vector<16xi32>
    tpu.vector_store_idx %arg7[%add3A_303], %select_n3A_297 : memref<800xi32, #tpu.memory_space<vmem>>[vector<16xi32>], vector<16xi32>,
    %add3A_304 = arith.constant 11 : i32
    %add3A_305 = vector.broadcast %add3A_304 : i32 to vector<16xi32>
    %add3A_306 = arith.addi %mul3A_21, %add3A_305 : vector<16xi32>
    %get3A_307 = arith.constant 11 : i32
    %get3A_308 = arith.index_cast %get3A_307 : i32 to index
    %get3A_309 = arith.constant 0 : index
    %get3A_310 = tpu.vector_load %arg5[%get3A_308, %get3A_309] {strides = array<i32>} : memref<40x128xi32, #tpu.memory_space<vmem>>, vector<16xi32>,
    %get3A_311 = arith.constant 11 : i32
    %get3A_312 = arith.index_cast %get3A_311 : i32 to index
    %get3A_313 = arith.constant 4 : index
    %get3A_314 = tpu.vector_load %arg5[%get3A_312, %get3A_313] {strides = array<i32>} : memref<40x128xi32, #tpu.memory_space<vmem>>, vector<16xi32>,
    %gather3A_315 = tpu.vector_load_idx %arg5[%add3A_306, %mul3A_21] : memref<40x128xi32, #tpu.memory_space<vmem>>[vector<16xi32>, vector<16xi32>], vector<16xi32>,
    %eq3A_316 = arith.constant 0 : i32
    %eq3A_317 = vector.broadcast %eq3A_316 : i32 to vector<16xi32>
    %eq3A_318 = arith.cmpi eq, %get3A_310, %eq3A_317 : vector<16xi32>
    %select_n3A_319 = arith.select %eq3A_318, %gather3A_315, %get3A_310 : vector<16xi1>, vector<16xi32>
    %eq3A_320 = arith.constant 0 : i32
    %eq3A_321 = vector.broadcast %eq3A_320 : i32 to vector<16xi32>
    %eq3A_322 = arith.cmpi eq, %get3A_314, %eq3A_321 : vector<16xi32>
    %select_n3A_323 = arith.select %eq3A_322, %gather3A_315, %get3A_314 : vector<16xi1>, vector<16xi32>
    %add3A_324 = arith.constant 220 : i32
    %add3A_325 = vector.broadcast %add3A_324 : i32 to vector<16xi32>
    %add3A_326 = arith.addi %add3A_325, %iota3A : vector<16xi32>
    tpu.vector_store_idx %arg7[%add3A_326], %select_n3A_319 : memref<800xi32, #tpu.memory_space<vmem>>[vector<16xi32>], vector<16xi32>,
    %add3A_327 = arith.constant 224 : i32
    %add3A_328 = vector.broadcast %add3A_327 : i32 to vector<16xi32>
    %add3A_329 = arith.addi %add3A_328, %iota3A : vector<16xi32>
    tpu.vector_store_idx %arg7[%add3A_329], %select_n3A_323 : memref<800xi32, #tpu.memory_space<vmem>>[vector<16xi32>], vector<16xi32>,
    %add3A_330 = arith.constant 12 : i32
    %add3A_331 = vector.broadcast %add3A_330 : i32 to vector<16xi32>
    %add3A_332 = arith.addi %mul3A_21, %add3A_331 : vector<16xi32>
    %get3A_333 = arith.constant 12 : i32
    %get3A_334 = arith.index_cast %get3A_333 : i32 to index
    %get3A_335 = arith.constant 0 : index
    %get3A_336 = tpu.vector_load %arg5[%get3A_334, %get3A_335] {strides = array<i32>} : memref<40x128xi32, #tpu.memory_space<vmem>>, vector<16xi32>,
    %get3A_337 = arith.constant 12 : i32
    %get3A_338 = arith.index_cast %get3A_337 : i32 to index
    %get3A_339 = arith.constant 4 : index
    %get3A_340 = tpu.vector_load %arg5[%get3A_338, %get3A_339] {strides = array<i32>} : memref<40x128xi32, #tpu.memory_space<vmem>>, vector<16xi32>,
    %gather3A_341 = tpu.vector_load_idx %arg5[%add3A_332, %mul3A_21] : memref<40x128xi32, #tpu.memory_space<vmem>>[vector<16xi32>, vector<16xi32>], vector<16xi32>,
    %eq3A_342 = arith.constant 0 : i32
    %eq3A_343 = vector.broadcast %eq3A_342 : i32 to vector<16xi32>
    %eq3A_344 = arith.cmpi eq, %get3A_336, %eq3A_343 : vector<16xi32>
    %select_n3A_345 = arith.select %eq3A_344, %gather3A_341, %get3A_336 : vector<16xi1>, vector<16xi32>
    %eq3A_346 = arith.constant 0 : i32
    %eq3A_347 = vector.broadcast %eq3A_346 : i32 to vector<16xi32>
    %eq3A_348 = arith.cmpi eq, %get3A_340, %eq3A_347 : vector<16xi32>
    %select_n3A_349 = arith.select %eq3A_348, %gather3A_341, %get3A_340 : vector<16xi1>, vector<16xi32>
    %add3A_350 = arith.constant 240 : i32
    %add3A_351 = vector.broadcast %add3A_350 : i32 to vector<16xi32>
    %add3A_352 = arith.addi %add3A_351, %iota3A : vector<16xi32>
    tpu.vector_store_idx %arg7[%add3A_352], %select_n3A_345 : memref<800xi32, #tpu.memory_space<vmem>>[vector<16xi32>], vector<16xi32>,
    %add3A_353 = arith.constant 244 : i32
    %add3A_354 = vector.broadcast %add3A_353 : i32 to vector<16xi32>
    %add3A_355 = arith.addi %add3A_354, %iota3A : vector<16xi32>
    tpu.vector_store_idx %arg7[%add3A_355], %select_n3A_349 : memref<800xi32, #tpu.memory_space<vmem>>[vector<16xi32>], vector<16xi32>,
    %add3A_356 = arith.constant 13 : i32
    %add3A_357 = vector.broadcast %add3A_356 : i32 to vector<16xi32>
    %add3A_358 = arith.addi %mul3A_21, %add3A_357 : vector<16xi32>
    %get3A_359 = arith.constant 13 : i32
    %get3A_360 = arith.index_cast %get3A_359 : i32 to index
    %get3A_361 = arith.constant 0 : index
    %get3A_362 = tpu.vector_load %arg5[%get3A_360, %get3A_361] {strides = array<i32>} : memref<40x128xi32, #tpu.memory_space<vmem>>, vector<16xi32>,
    %get3A_363 = arith.constant 13 : i32
    %get3A_364 = arith.index_cast %get3A_363 : i32 to index
    %get3A_365 = arith.constant 4 : index
    %get3A_366 = tpu.vector_load %arg5[%get3A_364, %get3A_365] {strides = array<i32>} : memref<40x128xi32, #tpu.memory_space<vmem>>, vector<16xi32>,
    %gather3A_367 = tpu.vector_load_idx %arg5[%add3A_358, %mul3A_21] : memref<40x128xi32, #tpu.memory_space<vmem>>[vector<16xi32>, vector<16xi32>], vector<16xi32>,
    %eq3A_368 = arith.constant 0 : i32
    %eq3A_369 = vector.broadcast %eq3A_368 : i32 to vector<16xi32>
    %eq3A_370 = arith.cmpi eq, %get3A_362, %eq3A_369 : vector<16xi32>
    %select_n3A_371 = arith.select %eq3A_370, %gather3A_367, %get3A_362 : vector<16xi1>, vector<16xi32>
    %eq3A_372 = arith.constant 0 : i32
    %eq3A_373 = vector.broadcast %eq3A_372 : i32 to vector<16xi32>
    %eq3A_374 = arith.cmpi eq, %get3A_366, %eq3A_373 : vector<16xi32>
    %select_n3A_375 = arith.select %eq3A_374, %gather3A_367, %get3A_366 : vector<16xi1>, vector<16xi32>
    %add3A_376 = arith.constant 260 : i32
    %add3A_377 = vector.broadcast %add3A_376 : i32 to vector<16xi32>
    %add3A_378 = arith.addi %add3A_377, %iota3A : vector<16xi32>
    tpu.vector_store_idx %arg7[%add3A_378], %select_n3A_371 : memref<800xi32, #tpu.memory_space<vmem>>[vector<16xi32>], vector<16xi32>,
    %add3A_379 = arith.constant 264 : i32
    %add3A_380 = vector.broadcast %add3A_379 : i32 to vector<16xi32>
    %add3A_381 = arith.addi %add3A_380, %iota3A : vector<16xi32>
    tpu.vector_store_idx %arg7[%add3A_381], %select_n3A_375 : memref<800xi32, #tpu.memory_space<vmem>>[vector<16xi32>], vector<16xi32>,
    %add3A_382 = arith.constant 14 : i32
    %add3A_383 = vector.broadcast %add3A_382 : i32 to vector<16xi32>
    %add3A_384 = arith.addi %mul3A_21, %add3A_383 : vector<16xi32>
    %get3A_385 = arith.constant 14 : i32
    %get3A_386 = arith.index_cast %get3A_385 : i32 to index
    %get3A_387 = arith.constant 0 : index
    %get3A_388 = tpu.vector_load %arg5[%get3A_386, %get3A_387] {strides = array<i32>} : memref<40x128xi32, #tpu.memory_space<vmem>>, vector<16xi32>,
    %get3A_389 = arith.constant 14 : i32
    %get3A_390 = arith.index_cast %get3A_389 : i32 to index
    %get3A_391 = arith.constant 4 : index
    %get3A_392 = tpu.vector_load %arg5[%get3A_390, %get3A_391] {strides = array<i32>} : memref<40x128xi32, #tpu.memory_space<vmem>>, vector<16xi32>,
    %gather3A_393 = tpu.vector_load_idx %arg5[%add3A_384, %mul3A_21] : memref<40x128xi32, #tpu.memory_space<vmem>>[vector<16xi32>, vector<16xi32>], vector<16xi32>,
    %eq3A_394 = arith.constant 0 : i32
    %eq3A_395 = vector.broadcast %eq3A_394 : i32 to vector<16xi32>
    %eq3A_396 = arith.cmpi eq, %get3A_388, %eq3A_395 : vector<16xi32>
    %select_n3A_397 = arith.select %eq3A_396, %gather3A_393, %get3A_388 : vector<16xi1>, vector<16xi32>
    %eq3A_398 = arith.constant 0 : i32
    %eq3A_399 = vector.broadcast %eq3A_398 : i32 to vector<16xi32>
    %eq3A_400 = arith.cmpi eq, %get3A_392, %eq3A_399 : vector<16xi32>
    %select_n3A_401 = arith.select %eq3A_400, %gather3A_393, %get3A_392 : vector<16xi1>, vector<16xi32>
    %add3A_402 = arith.constant 280 : i32
    %add3A_403 = vector.broadcast %add3A_402 : i32 to vector<16xi32>
    %add3A_404 = arith.addi %add3A_403, %iota3A : vector<16xi32>
    tpu.vector_store_idx %arg7[%add3A_404], %select_n3A_397 : memref<800xi32, #tpu.memory_space<vmem>>[vector<16xi32>], vector<16xi32>,
    %add3A_405 = arith.constant 284 : i32
    %add3A_406 = vector.broadcast %add3A_405 : i32 to vector<16xi32>
    %add3A_407 = arith.addi %add3A_406, %iota3A : vector<16xi32>
    tpu.vector_store_idx %arg7[%add3A_407], %select_n3A_401 : memref<800xi32, #tpu.memory_space<vmem>>[vector<16xi32>], vector<16xi32>,
    %add3A_408 = arith.constant 15 : i32
    %add3A_409 = vector.broadcast %add3A_408 : i32 to vector<16xi32>
    %add3A_410 = arith.addi %mul3A_21, %add3A_409 : vector<16xi32>
    %get3A_411 = arith.constant 15 : i32
    %get3A_412 = arith.index_cast %get3A_411 : i32 to index
    %get3A_413 = arith.constant 0 : index
    %get3A_414 = tpu.vector_load %arg5[%get3A_412, %get3A_413] {strides = array<i32>} : memref<40x128xi32, #tpu.memory_space<vmem>>, vector<16xi32>,
    %get3A_415 = arith.constant 15 : i32
    %get3A_416 = arith.index_cast %get3A_415 : i32 to index
    %get3A_417 = arith.constant 4 : index
    %get3A_418 = tpu.vector_load %arg5[%get3A_416, %get3A_417] {strides = array<i32>} : memref<40x128xi32, #tpu.memory_space<vmem>>, vector<16xi32>,
    %gather3A_419 = tpu.vector_load_idx %arg5[%add3A_410, %mul3A_21] : memref<40x128xi32, #tpu.memory_space<vmem>>[vector<16xi32>, vector<16xi32>], vector<16xi32>,
    %eq3A_420 = arith.constant 0 : i32
    %eq3A_421 = vector.broadcast %eq3A_420 : i32 to vector<16xi32>
    %eq3A_422 = arith.cmpi eq, %get3A_414, %eq3A_421 : vector<16xi32>
    %select_n3A_423 = arith.select %eq3A_422, %gather3A_419, %get3A_414 : vector<16xi1>, vector<16xi32>
    %eq3A_424 = arith.constant 0 : i32
    %eq3A_425 = vector.broadcast %eq3A_424 : i32 to vector<16xi32>
    %eq3A_426 = arith.cmpi eq, %get3A_418, %eq3A_425 : vector<16xi32>
    %select_n3A_427 = arith.select %eq3A_426, %gather3A_419, %get3A_418 : vector<16xi1>, vector<16xi32>
    %add3A_428 = arith.constant 300 : i32
    %add3A_429 = vector.broadcast %add3A_428 : i32 to vector<16xi32>
    %add3A_430 = arith.addi %add3A_429, %iota3A : vector<16xi32>
    tpu.vector_store_idx %arg7[%add3A_430], %select_n3A_423 : memref<800xi32, #tpu.memory_space<vmem>>[vector<16xi32>], vector<16xi32>,
    %add3A_431 = arith.constant 304 : i32
    %add3A_432 = vector.broadcast %add3A_431 : i32 to vector<16xi32>
    %add3A_433 = arith.addi %add3A_432, %iota3A : vector<16xi32>
    tpu.vector_store_idx %arg7[%add3A_433], %select_n3A_427 : memref<800xi32, #tpu.memory_space<vmem>>[vector<16xi32>], vector<16xi32>,
    %add3A_434 = arith.constant 16 : i32
    %add3A_435 = vector.broadcast %add3A_434 : i32 to vector<16xi32>
    %add3A_436 = arith.addi %mul3A_21, %add3A_435 : vector<16xi32>
    %get3A_437 = arith.constant 16 : i32
    %get3A_438 = arith.index_cast %get3A_437 : i32 to index
    %get3A_439 = arith.constant 0 : index
    %get3A_440 = tpu.vector_load %arg5[%get3A_438, %get3A_439] {strides = array<i32>} : memref<40x128xi32, #tpu.memory_space<vmem>>, vector<16xi32>,
    %get3A_441 = arith.constant 16 : i32
    %get3A_442 = arith.index_cast %get3A_441 : i32 to index
    %get3A_443 = arith.constant 4 : index
    %get3A_444 = tpu.vector_load %arg5[%get3A_442, %get3A_443] {strides = array<i32>} : memref<40x128xi32, #tpu.memory_space<vmem>>, vector<16xi32>,
    %gather3A_445 = tpu.vector_load_idx %arg5[%add3A_436, %mul3A_21] : memref<40x128xi32, #tpu.memory_space<vmem>>[vector<16xi32>, vector<16xi32>], vector<16xi32>,
    %eq3A_446 = arith.constant 0 : i32
    %eq3A_447 = vector.broadcast %eq3A_446 : i32 to vector<16xi32>
    %eq3A_448 = arith.cmpi eq, %get3A_440, %eq3A_447 : vector<16xi32>
    %select_n3A_449 = arith.select %eq3A_448, %gather3A_445, %get3A_440 : vector<16xi1>, vector<16xi32>
    %eq3A_450 = arith.constant 0 : i32
    %eq3A_451 = vector.broadcast %eq3A_450 : i32 to vector<16xi32>
    %eq3A_452 = arith.cmpi eq, %get3A_444, %eq3A_451 : vector<16xi32>
    %select_n3A_453 = arith.select %eq3A_452, %gather3A_445, %get3A_444 : vector<16xi1>, vector<16xi32>
    %add3A_454 = arith.constant 320 : i32
    %add3A_455 = vector.broadcast %add3A_454 : i32 to vector<16xi32>
    %add3A_456 = arith.addi %add3A_455, %iota3A : vector<16xi32>
    tpu.vector_store_idx %arg7[%add3A_456], %select_n3A_449 : memref<800xi32, #tpu.memory_space<vmem>>[vector<16xi32>], vector<16xi32>,
    %add3A_457 = arith.constant 324 : i32
    %add3A_458 = vector.broadcast %add3A_457 : i32 to vector<16xi32>
    %add3A_459 = arith.addi %add3A_458, %iota3A : vector<16xi32>
    tpu.vector_store_idx %arg7[%add3A_459], %select_n3A_453 : memref<800xi32, #tpu.memory_space<vmem>>[vector<16xi32>], vector<16xi32>,
    %add3A_460 = arith.constant 17 : i32
    %add3A_461 = vector.broadcast %add3A_460 : i32 to vector<16xi32>
    %add3A_462 = arith.addi %mul3A_21, %add3A_461 : vector<16xi32>
    %get3A_463 = arith.constant 17 : i32
    %get3A_464 = arith.index_cast %get3A_463 : i32 to index
    %get3A_465 = arith.constant 0 : index
    %get3A_466 = tpu.vector_load %arg5[%get3A_464, %get3A_465] {strides = array<i32>} : memref<40x128xi32, #tpu.memory_space<vmem>>, vector<16xi32>,
    %get3A_467 = arith.constant 17 : i32
    %get3A_468 = arith.index_cast %get3A_467 : i32 to index
    %get3A_469 = arith.constant 4 : index
    %get3A_470 = tpu.vector_load %arg5[%get3A_468, %get3A_469] {strides = array<i32>} : memref<40x128xi32, #tpu.memory_space<vmem>>, vector<16xi32>,
    %gather3A_471 = tpu.vector_load_idx %arg5[%add3A_462, %mul3A_21] : memref<40x128xi32, #tpu.memory_space<vmem>>[vector<16xi32>, vector<16xi32>], vector<16xi32>,
    %eq3A_472 = arith.constant 0 : i32
    %eq3A_473 = vector.broadcast %eq3A_472 : i32 to vector<16xi32>
    %eq3A_474 = arith.cmpi eq, %get3A_466, %eq3A_473 : vector<16xi32>
    %select_n3A_475 = arith.select %eq3A_474, %gather3A_471, %get3A_466 : vector<16xi1>, vector<16xi32>
    %eq3A_476 = arith.constant 0 : i32
    %eq3A_477 = vector.broadcast %eq3A_476 : i32 to vector<16xi32>
    %eq3A_478 = arith.cmpi eq, %get3A_470, %eq3A_477 : vector<16xi32>
    %select_n3A_479 = arith.select %eq3A_478, %gather3A_471, %get3A_470 : vector<16xi1>, vector<16xi32>
    %add3A_480 = arith.constant 340 : i32
    %add3A_481 = vector.broadcast %add3A_480 : i32 to vector<16xi32>
    %add3A_482 = arith.addi %add3A_481, %iota3A : vector<16xi32>
    tpu.vector_store_idx %arg7[%add3A_482], %select_n3A_475 : memref<800xi32, #tpu.memory_space<vmem>>[vector<16xi32>], vector<16xi32>,
    %add3A_483 = arith.constant 344 : i32
    %add3A_484 = vector.broadcast %add3A_483 : i32 to vector<16xi32>
    %add3A_485 = arith.addi %add3A_484, %iota3A : vector<16xi32>
    tpu.vector_store_idx %arg7[%add3A_485], %select_n3A_479 : memref<800xi32, #tpu.memory_space<vmem>>[vector<16xi32>], vector<16xi32>,
    %add3A_486 = arith.constant 18 : i32
    %add3A_487 = vector.broadcast %add3A_486 : i32 to vector<16xi32>
    %add3A_488 = arith.addi %mul3A_21, %add3A_487 : vector<16xi32>
    %get3A_489 = arith.constant 18 : i32
    %get3A_490 = arith.index_cast %get3A_489 : i32 to index
    %get3A_491 = arith.constant 0 : index
    %get3A_492 = tpu.vector_load %arg5[%get3A_490, %get3A_491] {strides = array<i32>} : memref<40x128xi32, #tpu.memory_space<vmem>>, vector<16xi32>,
    %get3A_493 = arith.constant 18 : i32
    %get3A_494 = arith.index_cast %get3A_493 : i32 to index
    %get3A_495 = arith.constant 4 : index
    %get3A_496 = tpu.vector_load %arg5[%get3A_494, %get3A_495] {strides = array<i32>} : memref<40x128xi32, #tpu.memory_space<vmem>>, vector<16xi32>,
    %gather3A_497 = tpu.vector_load_idx %arg5[%add3A_488, %mul3A_21] : memref<40x128xi32, #tpu.memory_space<vmem>>[vector<16xi32>, vector<16xi32>], vector<16xi32>,
    %eq3A_498 = arith.constant 0 : i32
    %eq3A_499 = vector.broadcast %eq3A_498 : i32 to vector<16xi32>
    %eq3A_500 = arith.cmpi eq, %get3A_492, %eq3A_499 : vector<16xi32>
    %select_n3A_501 = arith.select %eq3A_500, %gather3A_497, %get3A_492 : vector<16xi1>, vector<16xi32>
    %eq3A_502 = arith.constant 0 : i32
    %eq3A_503 = vector.broadcast %eq3A_502 : i32 to vector<16xi32>
    %eq3A_504 = arith.cmpi eq, %get3A_496, %eq3A_503 : vector<16xi32>
    %select_n3A_505 = arith.select %eq3A_504, %gather3A_497, %get3A_496 : vector<16xi1>, vector<16xi32>
    %add3A_506 = arith.constant 360 : i32
    %add3A_507 = vector.broadcast %add3A_506 : i32 to vector<16xi32>
    %add3A_508 = arith.addi %add3A_507, %iota3A : vector<16xi32>
    tpu.vector_store_idx %arg7[%add3A_508], %select_n3A_501 : memref<800xi32, #tpu.memory_space<vmem>>[vector<16xi32>], vector<16xi32>,
    %add3A_509 = arith.constant 364 : i32
    %add3A_510 = vector.broadcast %add3A_509 : i32 to vector<16xi32>
    %add3A_511 = arith.addi %add3A_510, %iota3A : vector<16xi32>
    tpu.vector_store_idx %arg7[%add3A_511], %select_n3A_505 : memref<800xi32, #tpu.memory_space<vmem>>[vector<16xi32>], vector<16xi32>,
    %add3A_512 = arith.constant 19 : i32
    %add3A_513 = vector.broadcast %add3A_512 : i32 to vector<16xi32>
    %add3A_514 = arith.addi %mul3A_21, %add3A_513 : vector<16xi32>
    %get3A_515 = arith.constant 19 : i32
    %get3A_516 = arith.index_cast %get3A_515 : i32 to index
    %get3A_517 = arith.constant 0 : index
    %get3A_518 = tpu.vector_load %arg5[%get3A_516, %get3A_517] {strides = array<i32>} : memref<40x128xi32, #tpu.memory_space<vmem>>, vector<16xi32>,
    %get3A_519 = arith.constant 19 : i32
    %get3A_520 = arith.index_cast %get3A_519 : i32 to index
    %get3A_521 = arith.constant 4 : index
    %get3A_522 = tpu.vector_load %arg5[%get3A_520, %get3A_521] {strides = array<i32>} : memref<40x128xi32, #tpu.memory_space<vmem>>, vector<16xi32>,
    %gather3A_523 = tpu.vector_load_idx %arg5[%add3A_514, %mul3A_21] : memref<40x128xi32, #tpu.memory_space<vmem>>[vector<16xi32>, vector<16xi32>], vector<16xi32>,
    %eq3A_524 = arith.constant 0 : i32
    %eq3A_525 = vector.broadcast %eq3A_524 : i32 to vector<16xi32>
    %eq3A_526 = arith.cmpi eq, %get3A_518, %eq3A_525 : vector<16xi32>
    %select_n3A_527 = arith.select %eq3A_526, %gather3A_523, %get3A_518 : vector<16xi1>, vector<16xi32>
    %eq3A_528 = arith.constant 0 : i32
    %eq3A_529 = vector.broadcast %eq3A_528 : i32 to vector<16xi32>
    %eq3A_530 = arith.cmpi eq, %get3A_522, %eq3A_529 : vector<16xi32>
    %select_n3A_531 = arith.select %eq3A_530, %gather3A_523, %get3A_522 : vector<16xi1>, vector<16xi32>
    %add3A_532 = arith.constant 380 : i32
    %add3A_533 = vector.broadcast %add3A_532 : i32 to vector<16xi32>
    %add3A_534 = arith.addi %add3A_533, %iota3A : vector<16xi32>
    tpu.vector_store_idx %arg7[%add3A_534], %select_n3A_527 : memref<800xi32, #tpu.memory_space<vmem>>[vector<16xi32>], vector<16xi32>,
    %add3A_535 = arith.constant 384 : i32
    %add3A_536 = vector.broadcast %add3A_535 : i32 to vector<16xi32>
    %add3A_537 = arith.addi %add3A_536, %iota3A : vector<16xi32>
    tpu.vector_store_idx %arg7[%add3A_537], %select_n3A_531 : memref<800xi32, #tpu.memory_space<vmem>>[vector<16xi32>], vector<16xi32>,
    %add3A_538 = arith.constant 20 : i32
    %add3A_539 = vector.broadcast %add3A_538 : i32 to vector<16xi32>
    %add3A_540 = arith.addi %mul3A_21, %add3A_539 : vector<16xi32>
    %get3A_541 = arith.constant 20 : i32
    %get3A_542 = arith.index_cast %get3A_541 : i32 to index
    %get3A_543 = arith.constant 0 : index
    %get3A_544 = tpu.vector_load %arg5[%get3A_542, %get3A_543] {strides = array<i32>} : memref<40x128xi32, #tpu.memory_space<vmem>>, vector<16xi32>,
    %get3A_545 = arith.constant 20 : i32
    %get3A_546 = arith.index_cast %get3A_545 : i32 to index
    %get3A_547 = arith.constant 4 : index
    %get3A_548 = tpu.vector_load %arg5[%get3A_546, %get3A_547] {strides = array<i32>} : memref<40x128xi32, #tpu.memory_space<vmem>>, vector<16xi32>,
    %gather3A_549 = tpu.vector_load_idx %arg5[%add3A_540, %mul3A_21] : memref<40x128xi32, #tpu.memory_space<vmem>>[vector<16xi32>, vector<16xi32>], vector<16xi32>,
    %eq3A_550 = arith.constant 0 : i32
    %eq3A_551 = vector.broadcast %eq3A_550 : i32 to vector<16xi32>
    %eq3A_552 = arith.cmpi eq, %get3A_544, %eq3A_551 : vector<16xi32>
    %select_n3A_553 = arith.select %eq3A_552, %gather3A_549, %get3A_544 : vector<16xi1>, vector<16xi32>
    %eq3A_554 = arith.constant 0 : i32
    %eq3A_555 = vector.broadcast %eq3A_554 : i32 to vector<16xi32>
    %eq3A_556 = arith.cmpi eq, %get3A_548, %eq3A_555 : vector<16xi32>
    %select_n3A_557 = arith.select %eq3A_556, %gather3A_549, %get3A_548 : vector<16xi1>, vector<16xi32>
    %add3A_558 = arith.constant 400 : i32
    %add3A_559 = vector.broadcast %add3A_558 : i32 to vector<16xi32>
    %add3A_560 = arith.addi %add3A_559, %iota3A : vector<16xi32>
    tpu.vector_store_idx %arg7[%add3A_560], %select_n3A_553 : memref<800xi32, #tpu.memory_space<vmem>>[vector<16xi32>], vector<16xi32>,
    %add3A_561 = arith.constant 404 : i32
    %add3A_562 = vector.broadcast %add3A_561 : i32 to vector<16xi32>
    %add3A_563 = arith.addi %add3A_562, %iota3A : vector<16xi32>
    tpu.vector_store_idx %arg7[%add3A_563], %select_n3A_557 : memref<800xi32, #tpu.memory_space<vmem>>[vector<16xi32>], vector<16xi32>,
    %add3A_564 = arith.constant 21 : i32
    %add3A_565 = vector.broadcast %add3A_564 : i32 to vector<16xi32>
    %add3A_566 = arith.addi %mul3A_21, %add3A_565 : vector<16xi32>
    %get3A_567 = arith.constant 21 : i32
    %get3A_568 = arith.index_cast %get3A_567 : i32 to index
    %get3A_569 = arith.constant 0 : index
    %get3A_570 = tpu.vector_load %arg5[%get3A_568, %get3A_569] {strides = array<i32>} : memref<40x128xi32, #tpu.memory_space<vmem>>, vector<16xi32>,
    %get3A_571 = arith.constant 21 : i32
    %get3A_572 = arith.index_cast %get3A_571 : i32 to index
    %get3A_573 = arith.constant 4 : index
    %get3A_574 = tpu.vector_load %arg5[%get3A_572, %get3A_573] {strides = array<i32>} : memref<40x128xi32, #tpu.memory_space<vmem>>, vector<16xi32>,
    %gather3A_575 = tpu.vector_load_idx %arg5[%add3A_566, %mul3A_21] : memref<40x128xi32, #tpu.memory_space<vmem>>[vector<16xi32>, vector<16xi32>], vector<16xi32>,
    %eq3A_576 = arith.constant 0 : i32
    %eq3A_577 = vector.broadcast %eq3A_576 : i32 to vector<16xi32>
    %eq3A_578 = arith.cmpi eq, %get3A_570, %eq3A_577 : vector<16xi32>
    %select_n3A_579 = arith.select %eq3A_578, %gather3A_575, %get3A_570 : vector<16xi1>, vector<16xi32>
    %eq3A_580 = arith.constant 0 : i32
    %eq3A_581 = vector.broadcast %eq3A_580 : i32 to vector<16xi32>
    %eq3A_582 = arith.cmpi eq, %get3A_574, %eq3A_581 : vector<16xi32>
    %select_n3A_583 = arith.select %eq3A_582, %gather3A_575, %get3A_574 : vector<16xi1>, vector<16xi32>
    %add3A_584 = arith.constant 420 : i32
    %add3A_585 = vector.broadcast %add3A_584 : i32 to vector<16xi32>
    %add3A_586 = arith.addi %add3A_585, %iota3A : vector<16xi32>
    tpu.vector_store_idx %arg7[%add3A_586], %select_n3A_579 : memref<800xi32, #tpu.memory_space<vmem>>[vector<16xi32>], vector<16xi32>,
    %add3A_587 = arith.constant 424 : i32
    %add3A_588 = vector.broadcast %add3A_587 : i32 to vector<16xi32>
    %add3A_589 = arith.addi %add3A_588, %iota3A : vector<16xi32>
    tpu.vector_store_idx %arg7[%add3A_589], %select_n3A_583 : memref<800xi32, #tpu.memory_space<vmem>>[vector<16xi32>], vector<16xi32>,
    %add3A_590 = arith.constant 22 : i32
    %add3A_591 = vector.broadcast %add3A_590 : i32 to vector<16xi32>
    %add3A_592 = arith.addi %mul3A_21, %add3A_591 : vector<16xi32>
    %get3A_593 = arith.constant 22 : i32
    %get3A_594 = arith.index_cast %get3A_593 : i32 to index
    %get3A_595 = arith.constant 0 : index
    %get3A_596 = tpu.vector_load %arg5[%get3A_594, %get3A_595] {strides = array<i32>} : memref<40x128xi32, #tpu.memory_space<vmem>>, vector<16xi32>,
    %get3A_597 = arith.constant 22 : i32
    %get3A_598 = arith.index_cast %get3A_597 : i32 to index
    %get3A_599 = arith.constant 4 : index
    %get3A_600 = tpu.vector_load %arg5[%get3A_598, %get3A_599] {strides = array<i32>} : memref<40x128xi32, #tpu.memory_space<vmem>>, vector<16xi32>,
    %gather3A_601 = tpu.vector_load_idx %arg5[%add3A_592, %mul3A_21] : memref<40x128xi32, #tpu.memory_space<vmem>>[vector<16xi32>, vector<16xi32>], vector<16xi32>,
    %eq3A_602 = arith.constant 0 : i32
    %eq3A_603 = vector.broadcast %eq3A_602 : i32 to vector<16xi32>
    %eq3A_604 = arith.cmpi eq, %get3A_596, %eq3A_603 : vector<16xi32>
    %select_n3A_605 = arith.select %eq3A_604, %gather3A_601, %get3A_596 : vector<16xi1>, vector<16xi32>
    %eq3A_606 = arith.constant 0 : i32
    %eq3A_607 = vector.broadcast %eq3A_606 : i32 to vector<16xi32>
    %eq3A_608 = arith.cmpi eq, %get3A_600, %eq3A_607 : vector<16xi32>
    %select_n3A_609 = arith.select %eq3A_608, %gather3A_601, %get3A_600 : vector<16xi1>, vector<16xi32>
    %add3A_610 = arith.constant 440 : i32
    %add3A_611 = vector.broadcast %add3A_610 : i32 to vector<16xi32>
    %add3A_612 = arith.addi %add3A_611, %iota3A : vector<16xi32>
    tpu.vector_store_idx %arg7[%add3A_612], %select_n3A_605 : memref<800xi32, #tpu.memory_space<vmem>>[vector<16xi32>], vector<16xi32>,
    %add3A_613 = arith.constant 444 : i32
    %add3A_614 = vector.broadcast %add3A_613 : i32 to vector<16xi32>
    %add3A_615 = arith.addi %add3A_614, %iota3A : vector<16xi32>
    tpu.vector_store_idx %arg7[%add3A_615], %select_n3A_609 : memref<800xi32, #tpu.memory_space<vmem>>[vector<16xi32>], vector<16xi32>,
    %add3A_616 = arith.constant 23 : i32
    %add3A_617 = vector.broadcast %add3A_616 : i32 to vector<16xi32>
    %add3A_618 = arith.addi %mul3A_21, %add3A_617 : vector<16xi32>
    %get3A_619 = arith.constant 23 : i32
    %get3A_620 = arith.index_cast %get3A_619 : i32 to index
    %get3A_621 = arith.constant 0 : index
    %get3A_622 = tpu.vector_load %arg5[%get3A_620, %get3A_621] {strides = array<i32>} : memref<40x128xi32, #tpu.memory_space<vmem>>, vector<16xi32>,
    %get3A_623 = arith.constant 23 : i32
    %get3A_624 = arith.index_cast %get3A_623 : i32 to index
    %get3A_625 = arith.constant 4 : index
    %get3A_626 = tpu.vector_load %arg5[%get3A_624, %get3A_625] {strides = array<i32>} : memref<40x128xi32, #tpu.memory_space<vmem>>, vector<16xi32>,
    %gather3A_627 = tpu.vector_load_idx %arg5[%add3A_618, %mul3A_21] : memref<40x128xi32, #tpu.memory_space<vmem>>[vector<16xi32>, vector<16xi32>], vector<16xi32>,
    %eq3A_628 = arith.constant 0 : i32
    %eq3A_629 = vector.broadcast %eq3A_628 : i32 to vector<16xi32>
    %eq3A_630 = arith.cmpi eq, %get3A_622, %eq3A_629 : vector<16xi32>
    %select_n3A_631 = arith.select %eq3A_630, %gather3A_627, %get3A_622 : vector<16xi1>, vector<16xi32>
    %eq3A_632 = arith.constant 0 : i32
    %eq3A_633 = vector.broadcast %eq3A_632 : i32 to vector<16xi32>
    %eq3A_634 = arith.cmpi eq, %get3A_626, %eq3A_633 : vector<16xi32>
    %select_n3A_635 = arith.select %eq3A_634, %gather3A_627, %get3A_626 : vector<16xi1>, vector<16xi32>
    %add3A_636 = arith.constant 460 : i32
    %add3A_637 = vector.broadcast %add3A_636 : i32 to vector<16xi32>
    %add3A_638 = arith.addi %add3A_637, %iota3A : vector<16xi32>
    tpu.vector_store_idx %arg7[%add3A_638], %select_n3A_631 : memref<800xi32, #tpu.memory_space<vmem>>[vector<16xi32>], vector<16xi32>,
    %add3A_639 = arith.constant 464 : i32
    %add3A_640 = vector.broadcast %add3A_639 : i32 to vector<16xi32>
    %add3A_641 = arith.addi %add3A_640, %iota3A : vector<16xi32>
    tpu.vector_store_idx %arg7[%add3A_641], %select_n3A_635 : memref<800xi32, #tpu.memory_space<vmem>>[vector<16xi32>], vector<16xi32>,
    %add3A_642 = arith.constant 24 : i32
    %add3A_643 = vector.broadcast %add3A_642 : i32 to vector<16xi32>
    %add3A_644 = arith.addi %mul3A_21, %add3A_643 : vector<16xi32>
    %get3A_645 = arith.constant 24 : i32
    %get3A_646 = arith.index_cast %get3A_645 : i32 to index
    %get3A_647 = arith.constant 0 : index
    %get3A_648 = tpu.vector_load %arg5[%get3A_646, %get3A_647] {strides = array<i32>} : memref<40x128xi32, #tpu.memory_space<vmem>>, vector<16xi32>,
    %get3A_649 = arith.constant 24 : i32
    %get3A_650 = arith.index_cast %get3A_649 : i32 to index
    %get3A_651 = arith.constant 4 : index
    %get3A_652 = tpu.vector_load %arg5[%get3A_650, %get3A_651] {strides = array<i32>} : memref<40x128xi32, #tpu.memory_space<vmem>>, vector<16xi32>,
    %gather3A_653 = tpu.vector_load_idx %arg5[%add3A_644, %mul3A_21] : memref<40x128xi32, #tpu.memory_space<vmem>>[vector<16xi32>, vector<16xi32>], vector<16xi32>,
    %eq3A_654 = arith.constant 0 : i32
    %eq3A_655 = vector.broadcast %eq3A_654 : i32 to vector<16xi32>
    %eq3A_656 = arith.cmpi eq, %get3A_648, %eq3A_655 : vector<16xi32>
    %select_n3A_657 = arith.select %eq3A_656, %gather3A_653, %get3A_648 : vector<16xi1>, vector<16xi32>
    %eq3A_658 = arith.constant 0 : i32
    %eq3A_659 = vector.broadcast %eq3A_658 : i32 to vector<16xi32>
    %eq3A_660 = arith.cmpi eq, %get3A_652, %eq3A_659 : vector<16xi32>
    %select_n3A_661 = arith.select %eq3A_660, %gather3A_653, %get3A_652 : vector<16xi1>, vector<16xi32>
    %add3A_662 = arith.constant 480 : i32
    %add3A_663 = vector.broadcast %add3A_662 : i32 to vector<16xi32>
    %add3A_664 = arith.addi %add3A_663, %iota3A : vector<16xi32>
    tpu.vector_store_idx %arg7[%add3A_664], %select_n3A_657 : memref<800xi32, #tpu.memory_space<vmem>>[vector<16xi32>], vector<16xi32>,
    %add3A_665 = arith.constant 484 : i32
    %add3A_666 = vector.broadcast %add3A_665 : i32 to vector<16xi32>
    %add3A_667 = arith.addi %add3A_666, %iota3A : vector<16xi32>
    tpu.vector_store_idx %arg7[%add3A_667], %select_n3A_661 : memref<800xi32, #tpu.memory_space<vmem>>[vector<16xi32>], vector<16xi32>,
    %add3A_668 = arith.constant 25 : i32
    %add3A_669 = vector.broadcast %add3A_668 : i32 to vector<16xi32>
    %add3A_670 = arith.addi %mul3A_21, %add3A_669 : vector<16xi32>
    %get3A_671 = arith.constant 25 : i32
    %get3A_672 = arith.index_cast %get3A_671 : i32 to index
    %get3A_673 = arith.constant 0 : index
    %get3A_674 = tpu.vector_load %arg5[%get3A_672, %get3A_673] {strides = array<i32>} : memref<40x128xi32, #tpu.memory_space<vmem>>, vector<16xi32>,
    %get3A_675 = arith.constant 25 : i32
    %get3A_676 = arith.index_cast %get3A_675 : i32 to index
    %get3A_677 = arith.constant 4 : index
    %get3A_678 = tpu.vector_load %arg5[%get3A_676, %get3A_677] {strides = array<i32>} : memref<40x128xi32, #tpu.memory_space<vmem>>, vector<16xi32>,
    %gather3A_679 = tpu.vector_load_idx %arg5[%add3A_670, %mul3A_21] : memref<40x128xi32, #tpu.memory_space<vmem>>[vector<16xi32>, vector<16xi32>], vector<16xi32>,
    %eq3A_680 = arith.constant 0 : i32
    %eq3A_681 = vector.broadcast %eq3A_680 : i32 to vector<16xi32>
    %eq3A_682 = arith.cmpi eq, %get3A_674, %eq3A_681 : vector<16xi32>
    %select_n3A_683 = arith.select %eq3A_682, %gather3A_679, %get3A_674 : vector<16xi1>, vector<16xi32>
    %eq3A_684 = arith.constant 0 : i32
    %eq3A_685 = vector.broadcast %eq3A_684 : i32 to vector<16xi32>
    %eq3A_686 = arith.cmpi eq, %get3A_678, %eq3A_685 : vector<16xi32>
    %select_n3A_687 = arith.select %eq3A_686, %gather3A_679, %get3A_678 : vector<16xi1>, vector<16xi32>
    %add3A_688 = arith.constant 500 : i32
    %add3A_689 = vector.broadcast %add3A_688 : i32 to vector<16xi32>
    %add3A_690 = arith.addi %add3A_689, %iota3A : vector<16xi32>
    tpu.vector_store_idx %arg7[%add3A_690], %select_n3A_683 : memref<800xi32, #tpu.memory_space<vmem>>[vector<16xi32>], vector<16xi32>,
    %add3A_691 = arith.constant 504 : i32
    %add3A_692 = vector.broadcast %add3A_691 : i32 to vector<16xi32>
    %add3A_693 = arith.addi %add3A_692, %iota3A : vector<16xi32>
    tpu.vector_store_idx %arg7[%add3A_693], %select_n3A_687 : memref<800xi32, #tpu.memory_space<vmem>>[vector<16xi32>], vector<16xi32>,
    %add3A_694 = arith.constant 26 : i32
    %add3A_695 = vector.broadcast %add3A_694 : i32 to vector<16xi32>
    %add3A_696 = arith.addi %mul3A_21, %add3A_695 : vector<16xi32>
    %get3A_697 = arith.constant 26 : i32
    %get3A_698 = arith.index_cast %get3A_697 : i32 to index
    %get3A_699 = arith.constant 0 : index
    %get3A_700 = tpu.vector_load %arg5[%get3A_698, %get3A_699] {strides = array<i32>} : memref<40x128xi32, #tpu.memory_space<vmem>>, vector<16xi32>,
    %get3A_701 = arith.constant 26 : i32
    %get3A_702 = arith.index_cast %get3A_701 : i32 to index
    %get3A_703 = arith.constant 4 : index
    %get3A_704 = tpu.vector_load %arg5[%get3A_702, %get3A_703] {strides = array<i32>} : memref<40x128xi32, #tpu.memory_space<vmem>>, vector<16xi32>,
    %gather3A_705 = tpu.vector_load_idx %arg5[%add3A_696, %mul3A_21] : memref<40x128xi32, #tpu.memory_space<vmem>>[vector<16xi32>, vector<16xi32>], vector<16xi32>,
    %eq3A_706 = arith.constant 0 : i32
    %eq3A_707 = vector.broadcast %eq3A_706 : i32 to vector<16xi32>
    %eq3A_708 = arith.cmpi eq, %get3A_700, %eq3A_707 : vector<16xi32>
    %select_n3A_709 = arith.select %eq3A_708, %gather3A_705, %get3A_700 : vector<16xi1>, vector<16xi32>
    %eq3A_710 = arith.constant 0 : i32
    %eq3A_711 = vector.broadcast %eq3A_710 : i32 to vector<16xi32>
    %eq3A_712 = arith.cmpi eq, %get3A_704, %eq3A_711 : vector<16xi32>
    %select_n3A_713 = arith.select %eq3A_712, %gather3A_705, %get3A_704 : vector<16xi1>, vector<16xi32>
    %add3A_714 = arith.constant 520 : i32
    %add3A_715 = vector.broadcast %add3A_714 : i32 to vector<16xi32>
    %add3A_716 = arith.addi %add3A_715, %iota3A : vector<16xi32>
    tpu.vector_store_idx %arg7[%add3A_716], %select_n3A_709 : memref<800xi32, #tpu.memory_space<vmem>>[vector<16xi32>], vector<16xi32>,
    %add3A_717 = arith.constant 524 : i32
    %add3A_718 = vector.broadcast %add3A_717 : i32 to vector<16xi32>
    %add3A_719 = arith.addi %add3A_718, %iota3A : vector<16xi32>
    tpu.vector_store_idx %arg7[%add3A_719], %select_n3A_713 : memref<800xi32, #tpu.memory_space<vmem>>[vector<16xi32>], vector<16xi32>,
    %add3A_720 = arith.constant 27 : i32
    %add3A_721 = vector.broadcast %add3A_720 : i32 to vector<16xi32>
    %add3A_722 = arith.addi %mul3A_21, %add3A_721 : vector<16xi32>
    %get3A_723 = arith.constant 27 : i32
    %get3A_724 = arith.index_cast %get3A_723 : i32 to index
    %get3A_725 = arith.constant 0 : index
    %get3A_726 = tpu.vector_load %arg5[%get3A_724, %get3A_725] {strides = array<i32>} : memref<40x128xi32, #tpu.memory_space<vmem>>, vector<16xi32>,
    %get3A_727 = arith.constant 27 : i32
    %get3A_728 = arith.index_cast %get3A_727 : i32 to index
    %get3A_729 = arith.constant 4 : index
    %get3A_730 = tpu.vector_load %arg5[%get3A_728, %get3A_729] {strides = array<i32>} : memref<40x128xi32, #tpu.memory_space<vmem>>, vector<16xi32>,
    %gather3A_731 = tpu.vector_load_idx %arg5[%add3A_722, %mul3A_21] : memref<40x128xi32, #tpu.memory_space<vmem>>[vector<16xi32>, vector<16xi32>], vector<16xi32>,
    %eq3A_732 = arith.constant 0 : i32
    %eq3A_733 = vector.broadcast %eq3A_732 : i32 to vector<16xi32>
    %eq3A_734 = arith.cmpi eq, %get3A_726, %eq3A_733 : vector<16xi32>
    %select_n3A_735 = arith.select %eq3A_734, %gather3A_731, %get3A_726 : vector<16xi1>, vector<16xi32>
    %eq3A_736 = arith.constant 0 : i32
    %eq3A_737 = vector.broadcast %eq3A_736 : i32 to vector<16xi32>
    %eq3A_738 = arith.cmpi eq, %get3A_730, %eq3A_737 : vector<16xi32>
    %select_n3A_739 = arith.select %eq3A_738, %gather3A_731, %get3A_730 : vector<16xi1>, vector<16xi32>
    %add3A_740 = arith.constant 540 : i32
    %add3A_741 = vector.broadcast %add3A_740 : i32 to vector<16xi32>
    %add3A_742 = arith.addi %add3A_741, %iota3A : vector<16xi32>
    tpu.vector_store_idx %arg7[%add3A_742], %select_n3A_735 : memref<800xi32, #tpu.memory_space<vmem>>[vector<16xi32>], vector<16xi32>,
    %add3A_743 = arith.constant 544 : i32
    %add3A_744 = vector.broadcast %add3A_743 : i32 to vector<16xi32>
    %add3A_745 = arith.addi %add3A_744, %iota3A : vector<16xi32>
    tpu.vector_store_idx %arg7[%add3A_745], %select_n3A_739 : memref<800xi32, #tpu.memory_space<vmem>>[vector<16xi32>], vector<16xi32>,
    %add3A_746 = arith.constant 28 : i32
    %add3A_747 = vector.broadcast %add3A_746 : i32 to vector<16xi32>
    %add3A_748 = arith.addi %mul3A_21, %add3A_747 : vector<16xi32>
    %get3A_749 = arith.constant 28 : i32
    %get3A_750 = arith.index_cast %get3A_749 : i32 to index
    %get3A_751 = arith.constant 0 : index
    %get3A_752 = tpu.vector_load %arg5[%get3A_750, %get3A_751] {strides = array<i32>} : memref<40x128xi32, #tpu.memory_space<vmem>>, vector<16xi32>,
    %get3A_753 = arith.constant 28 : i32
    %get3A_754 = arith.index_cast %get3A_753 : i32 to index
    %get3A_755 = arith.constant 4 : index
    %get3A_756 = tpu.vector_load %arg5[%get3A_754, %get3A_755] {strides = array<i32>} : memref<40x128xi32, #tpu.memory_space<vmem>>, vector<16xi32>,
    %gather3A_757 = tpu.vector_load_idx %arg5[%add3A_748, %mul3A_21] : memref<40x128xi32, #tpu.memory_space<vmem>>[vector<16xi32>, vector<16xi32>], vector<16xi32>,
    %eq3A_758 = arith.constant 0 : i32
    %eq3A_759 = vector.broadcast %eq3A_758 : i32 to vector<16xi32>
    %eq3A_760 = arith.cmpi eq, %get3A_752, %eq3A_759 : vector<16xi32>
    %select_n3A_761 = arith.select %eq3A_760, %gather3A_757, %get3A_752 : vector<16xi1>, vector<16xi32>
    %eq3A_762 = arith.constant 0 : i32
    %eq3A_763 = vector.broadcast %eq3A_762 : i32 to vector<16xi32>
    %eq3A_764 = arith.cmpi eq, %get3A_756, %eq3A_763 : vector<16xi32>
    %select_n3A_765 = arith.select %eq3A_764, %gather3A_757, %get3A_756 : vector<16xi1>, vector<16xi32>
    %add3A_766 = arith.constant 560 : i32
    %add3A_767 = vector.broadcast %add3A_766 : i32 to vector<16xi32>
    %add3A_768 = arith.addi %add3A_767, %iota3A : vector<16xi32>
    tpu.vector_store_idx %arg7[%add3A_768], %select_n3A_761 : memref<800xi32, #tpu.memory_space<vmem>>[vector<16xi32>], vector<16xi32>,
    %add3A_769 = arith.constant 564 : i32
    %add3A_770 = vector.broadcast %add3A_769 : i32 to vector<16xi32>
    %add3A_771 = arith.addi %add3A_770, %iota3A : vector<16xi32>
    tpu.vector_store_idx %arg7[%add3A_771], %select_n3A_765 : memref<800xi32, #tpu.memory_space<vmem>>[vector<16xi32>], vector<16xi32>,
    %add3A_772 = arith.constant 29 : i32
    %add3A_773 = vector.broadcast %add3A_772 : i32 to vector<16xi32>
    %add3A_774 = arith.addi %mul3A_21, %add3A_773 : vector<16xi32>
    %get3A_775 = arith.constant 29 : i32
    %get3A_776 = arith.index_cast %get3A_775 : i32 to index
    %get3A_777 = arith.constant 0 : index
    %get3A_778 = tpu.vector_load %arg5[%get3A_776, %get3A_777] {strides = array<i32>} : memref<40x128xi32, #tpu.memory_space<vmem>>, vector<16xi32>,
    %get3A_779 = arith.constant 29 : i32
    %get3A_780 = arith.index_cast %get3A_779 : i32 to index
    %get3A_781 = arith.constant 4 : index
    %get3A_782 = tpu.vector_load %arg5[%get3A_780, %get3A_781] {strides = array<i32>} : memref<40x128xi32, #tpu.memory_space<vmem>>, vector<16xi32>,
    %gather3A_783 = tpu.vector_load_idx %arg5[%add3A_774, %mul3A_21] : memref<40x128xi32, #tpu.memory_space<vmem>>[vector<16xi32>, vector<16xi32>], vector<16xi32>,
    %eq3A_784 = arith.constant 0 : i32
    %eq3A_785 = vector.broadcast %eq3A_784 : i32 to vector<16xi32>
    %eq3A_786 = arith.cmpi eq, %get3A_778, %eq3A_785 : vector<16xi32>
    %select_n3A_787 = arith.select %eq3A_786, %gather3A_783, %get3A_778 : vector<16xi1>, vector<16xi32>
    %eq3A_788 = arith.constant 0 : i32
    %eq3A_789 = vector.broadcast %eq3A_788 : i32 to vector<16xi32>
    %eq3A_790 = arith.cmpi eq, %get3A_782, %eq3A_789 : vector<16xi32>
    %select_n3A_791 = arith.select %eq3A_790, %gather3A_783, %get3A_782 : vector<16xi1>, vector<16xi32>
    %add3A_792 = arith.constant 580 : i32
    %add3A_793 = vector.broadcast %add3A_792 : i32 to vector<16xi32>
    %add3A_794 = arith.addi %add3A_793, %iota3A : vector<16xi32>
    tpu.vector_store_idx %arg7[%add3A_794], %select_n3A_787 : memref<800xi32, #tpu.memory_space<vmem>>[vector<16xi32>], vector<16xi32>,
    %add3A_795 = arith.constant 584 : i32
    %add3A_796 = vector.broadcast %add3A_795 : i32 to vector<16xi32>
    %add3A_797 = arith.addi %add3A_796, %iota3A : vector<16xi32>
    tpu.vector_store_idx %arg7[%add3A_797], %select_n3A_791 : memref<800xi32, #tpu.memory_space<vmem>>[vector<16xi32>], vector<16xi32>,
    %add3A_798 = arith.constant 30 : i32
    %add3A_799 = vector.broadcast %add3A_798 : i32 to vector<16xi32>
    %add3A_800 = arith.addi %mul3A_21, %add3A_799 : vector<16xi32>
    %get3A_801 = arith.constant 30 : i32
    %get3A_802 = arith.index_cast %get3A_801 : i32 to index
    %get3A_803 = arith.constant 0 : index
    %get3A_804 = tpu.vector_load %arg5[%get3A_802, %get3A_803] {strides = array<i32>} : memref<40x128xi32, #tpu.memory_space<vmem>>, vector<16xi32>,
    %get3A_805 = arith.constant 30 : i32
    %get3A_806 = arith.index_cast %get3A_805 : i32 to index
    %get3A_807 = arith.constant 4 : index
    %get3A_808 = tpu.vector_load %arg5[%get3A_806, %get3A_807] {strides = array<i32>} : memref<40x128xi32, #tpu.memory_space<vmem>>, vector<16xi32>,
    %gather3A_809 = tpu.vector_load_idx %arg5[%add3A_800, %mul3A_21] : memref<40x128xi32, #tpu.memory_space<vmem>>[vector<16xi32>, vector<16xi32>], vector<16xi32>,
    %eq3A_810 = arith.constant 0 : i32
    %eq3A_811 = vector.broadcast %eq3A_810 : i32 to vector<16xi32>
    %eq3A_812 = arith.cmpi eq, %get3A_804, %eq3A_811 : vector<16xi32>
    %select_n3A_813 = arith.select %eq3A_812, %gather3A_809, %get3A_804 : vector<16xi1>, vector<16xi32>
    %eq3A_814 = arith.constant 0 : i32
    %eq3A_815 = vector.broadcast %eq3A_814 : i32 to vector<16xi32>
    %eq3A_816 = arith.cmpi eq, %get3A_808, %eq3A_815 : vector<16xi32>
    %select_n3A_817 = arith.select %eq3A_816, %gather3A_809, %get3A_808 : vector<16xi1>, vector<16xi32>
    %add3A_818 = arith.constant 600 : i32
    %add3A_819 = vector.broadcast %add3A_818 : i32 to vector<16xi32>
    %add3A_820 = arith.addi %add3A_819, %iota3A : vector<16xi32>
    tpu.vector_store_idx %arg7[%add3A_820], %select_n3A_813 : memref<800xi32, #tpu.memory_space<vmem>>[vector<16xi32>], vector<16xi32>,
    %add3A_821 = arith.constant 604 : i32
    %add3A_822 = vector.broadcast %add3A_821 : i32 to vector<16xi32>
    %add3A_823 = arith.addi %add3A_822, %iota3A : vector<16xi32>
    tpu.vector_store_idx %arg7[%add3A_823], %select_n3A_817 : memref<800xi32, #tpu.memory_space<vmem>>[vector<16xi32>], vector<16xi32>,
    %add3A_824 = arith.constant 31 : i32
    %add3A_825 = vector.broadcast %add3A_824 : i32 to vector<16xi32>
    %add3A_826 = arith.addi %mul3A_21, %add3A_825 : vector<16xi32>
    %get3A_827 = arith.constant 31 : i32
    %get3A_828 = arith.index_cast %get3A_827 : i32 to index
    %get3A_829 = arith.constant 0 : index
    %get3A_830 = tpu.vector_load %arg5[%get3A_828, %get3A_829] {strides = array<i32>} : memref<40x128xi32, #tpu.memory_space<vmem>>, vector<16xi32>,
    %get3A_831 = arith.constant 31 : i32
    %get3A_832 = arith.index_cast %get3A_831 : i32 to index
    %get3A_833 = arith.constant 4 : index
    %get3A_834 = tpu.vector_load %arg5[%get3A_832, %get3A_833] {strides = array<i32>} : memref<40x128xi32, #tpu.memory_space<vmem>>, vector<16xi32>,
    %gather3A_835 = tpu.vector_load_idx %arg5[%add3A_826, %mul3A_21] : memref<40x128xi32, #tpu.memory_space<vmem>>[vector<16xi32>, vector<16xi32>], vector<16xi32>,
    %eq3A_836 = arith.constant 0 : i32
    %eq3A_837 = vector.broadcast %eq3A_836 : i32 to vector<16xi32>
    %eq3A_838 = arith.cmpi eq, %get3A_830, %eq3A_837 : vector<16xi32>
    %select_n3A_839 = arith.select %eq3A_838, %gather3A_835, %get3A_830 : vector<16xi1>, vector<16xi32>
    %eq3A_840 = arith.constant 0 : i32
    %eq3A_841 = vector.broadcast %eq3A_840 : i32 to vector<16xi32>
    %eq3A_842 = arith.cmpi eq, %get3A_834, %eq3A_841 : vector<16xi32>
    %select_n3A_843 = arith.select %eq3A_842, %gather3A_835, %get3A_834 : vector<16xi1>, vector<16xi32>
    %add3A_844 = arith.constant 620 : i32
    %add3A_845 = vector.broadcast %add3A_844 : i32 to vector<16xi32>
    %add3A_846 = arith.addi %add3A_845, %iota3A : vector<16xi32>
    tpu.vector_store_idx %arg7[%add3A_846], %select_n3A_839 : memref<800xi32, #tpu.memory_space<vmem>>[vector<16xi32>], vector<16xi32>,
    %add3A_847 = arith.constant 624 : i32
    %add3A_848 = vector.broadcast %add3A_847 : i32 to vector<16xi32>
    %add3A_849 = arith.addi %add3A_848, %iota3A : vector<16xi32>
    tpu.vector_store_idx %arg7[%add3A_849], %select_n3A_843 : memref<800xi32, #tpu.memory_space<vmem>>[vector<16xi32>], vector<16xi32>,
    %add3A_850 = arith.constant 32 : i32
    %add3A_851 = vector.broadcast %add3A_850 : i32 to vector<16xi32>
    %add3A_852 = arith.addi %mul3A_21, %add3A_851 : vector<16xi32>
    %get3A_853 = arith.constant 32 : i32
    %get3A_854 = arith.index_cast %get3A_853 : i32 to index
    %get3A_855 = arith.constant 0 : index
    %get3A_856 = tpu.vector_load %arg5[%get3A_854, %get3A_855] {strides = array<i32>} : memref<40x128xi32, #tpu.memory_space<vmem>>, vector<16xi32>,
    %get3A_857 = arith.constant 32 : i32
    %get3A_858 = arith.index_cast %get3A_857 : i32 to index
    %get3A_859 = arith.constant 4 : index
    %get3A_860 = tpu.vector_load %arg5[%get3A_858, %get3A_859] {strides = array<i32>} : memref<40x128xi32, #tpu.memory_space<vmem>>, vector<16xi32>,
    %gather3A_861 = tpu.vector_load_idx %arg5[%add3A_852, %mul3A_21] : memref<40x128xi32, #tpu.memory_space<vmem>>[vector<16xi32>, vector<16xi32>], vector<16xi32>,
    %eq3A_862 = arith.constant 0 : i32
    %eq3A_863 = vector.broadcast %eq3A_862 : i32 to vector<16xi32>
    %eq3A_864 = arith.cmpi eq, %get3A_856, %eq3A_863 : vector<16xi32>
    %select_n3A_865 = arith.select %eq3A_864, %gather3A_861, %get3A_856 : vector<16xi1>, vector<16xi32>
    %eq3A_866 = arith.constant 0 : i32
    %eq3A_867 = vector.broadcast %eq3A_866 : i32 to vector<16xi32>
    %eq3A_868 = arith.cmpi eq, %get3A_860, %eq3A_867 : vector<16xi32>
    %select_n3A_869 = arith.select %eq3A_868, %gather3A_861, %get3A_860 : vector<16xi1>, vector<16xi32>
    %add3A_870 = arith.constant 640 : i32
    %add3A_871 = vector.broadcast %add3A_870 : i32 to vector<16xi32>
    %add3A_872 = arith.addi %add3A_871, %iota3A : vector<16xi32>
    tpu.vector_store_idx %arg7[%add3A_872], %select_n3A_865 : memref<800xi32, #tpu.memory_space<vmem>>[vector<16xi32>], vector<16xi32>,
    %add3A_873 = arith.constant 644 : i32
    %add3A_874 = vector.broadcast %add3A_873 : i32 to vector<16xi32>
    %add3A_875 = arith.addi %add3A_874, %iota3A : vector<16xi32>
    tpu.vector_store_idx %arg7[%add3A_875], %select_n3A_869 : memref<800xi32, #tpu.memory_space<vmem>>[vector<16xi32>], vector<16xi32>,
    %add3A_876 = arith.constant 33 : i32
    %add3A_877 = vector.broadcast %add3A_876 : i32 to vector<16xi32>
    %add3A_878 = arith.addi %mul3A_21, %add3A_877 : vector<16xi32>
    %get3A_879 = arith.constant 33 : i32
    %get3A_880 = arith.index_cast %get3A_879 : i32 to index
    %get3A_881 = arith.constant 0 : index
    %get3A_882 = tpu.vector_load %arg5[%get3A_880, %get3A_881] {strides = array<i32>} : memref<40x128xi32, #tpu.memory_space<vmem>>, vector<16xi32>,
    %get3A_883 = arith.constant 33 : i32
    %get3A_884 = arith.index_cast %get3A_883 : i32 to index
    %get3A_885 = arith.constant 4 : index
    %get3A_886 = tpu.vector_load %arg5[%get3A_884, %get3A_885] {strides = array<i32>} : memref<40x128xi32, #tpu.memory_space<vmem>>, vector<16xi32>,
    %gather3A_887 = tpu.vector_load_idx %arg5[%add3A_878, %mul3A_21] : memref<40x128xi32, #tpu.memory_space<vmem>>[vector<16xi32>, vector<16xi32>], vector<16xi32>,
    %eq3A_888 = arith.constant 0 : i32
    %eq3A_889 = vector.broadcast %eq3A_888 : i32 to vector<16xi32>
    %eq3A_890 = arith.cmpi eq, %get3A_882, %eq3A_889 : vector<16xi32>
    %select_n3A_891 = arith.select %eq3A_890, %gather3A_887, %get3A_882 : vector<16xi1>, vector<16xi32>
    %eq3A_892 = arith.constant 0 : i32
    %eq3A_893 = vector.broadcast %eq3A_892 : i32 to vector<16xi32>
    %eq3A_894 = arith.cmpi eq, %get3A_886, %eq3A_893 : vector<16xi32>
    %select_n3A_895 = arith.select %eq3A_894, %gather3A_887, %get3A_886 : vector<16xi1>, vector<16xi32>
    %add3A_896 = arith.constant 660 : i32
    %add3A_897 = vector.broadcast %add3A_896 : i32 to vector<16xi32>
    %add3A_898 = arith.addi %add3A_897, %iota3A : vector<16xi32>
    tpu.vector_store_idx %arg7[%add3A_898], %select_n3A_891 : memref<800xi32, #tpu.memory_space<vmem>>[vector<16xi32>], vector<16xi32>,
    %add3A_899 = arith.constant 664 : i32
    %add3A_900 = vector.broadcast %add3A_899 : i32 to vector<16xi32>
    %add3A_901 = arith.addi %add3A_900, %iota3A : vector<16xi32>
    tpu.vector_store_idx %arg7[%add3A_901], %select_n3A_895 : memref<800xi32, #tpu.memory_space<vmem>>[vector<16xi32>], vector<16xi32>,
    %add3A_902 = arith.constant 34 : i32
    %add3A_903 = vector.broadcast %add3A_902 : i32 to vector<16xi32>
    %add3A_904 = arith.addi %mul3A_21, %add3A_903 : vector<16xi32>
    %get3A_905 = arith.constant 34 : i32
    %get3A_906 = arith.index_cast %get3A_905 : i32 to index
    %get3A_907 = arith.constant 0 : index
    %get3A_908 = tpu.vector_load %arg5[%get3A_906, %get3A_907] {strides = array<i32>} : memref<40x128xi32, #tpu.memory_space<vmem>>, vector<16xi32>,
    %get3A_909 = arith.constant 34 : i32
    %get3A_910 = arith.index_cast %get3A_909 : i32 to index
    %get3A_911 = arith.constant 4 : index
    %get3A_912 = tpu.vector_load %arg5[%get3A_910, %get3A_911] {strides = array<i32>} : memref<40x128xi32, #tpu.memory_space<vmem>>, vector<16xi32>,
    %gather3A_913 = tpu.vector_load_idx %arg5[%add3A_904, %mul3A_21] : memref<40x128xi32, #tpu.memory_space<vmem>>[vector<16xi32>, vector<16xi32>], vector<16xi32>,
    %eq3A_914 = arith.constant 0 : i32
    %eq3A_915 = vector.broadcast %eq3A_914 : i32 to vector<16xi32>
    %eq3A_916 = arith.cmpi eq, %get3A_908, %eq3A_915 : vector<16xi32>
    %select_n3A_917 = arith.select %eq3A_916, %gather3A_913, %get3A_908 : vector<16xi1>, vector<16xi32>
    %eq3A_918 = arith.constant 0 : i32
    %eq3A_919 = vector.broadcast %eq3A_918 : i32 to vector<16xi32>
    %eq3A_920 = arith.cmpi eq, %get3A_912, %eq3A_919 : vector<16xi32>
    %select_n3A_921 = arith.select %eq3A_920, %gather3A_913, %get3A_912 : vector<16xi1>, vector<16xi32>
    %add3A_922 = arith.constant 680 : i32
    %add3A_923 = vector.broadcast %add3A_922 : i32 to vector<16xi32>
    %add3A_924 = arith.addi %add3A_923, %iota3A : vector<16xi32>
    tpu.vector_store_idx %arg7[%add3A_924], %select_n3A_917 : memref<800xi32, #tpu.memory_space<vmem>>[vector<16xi32>], vector<16xi32>,
    %add3A_925 = arith.constant 684 : i32
    %add3A_926 = vector.broadcast %add3A_925 : i32 to vector<16xi32>
    %add3A_927 = arith.addi %add3A_926, %iota3A : vector<16xi32>
    tpu.vector_store_idx %arg7[%add3A_927], %select_n3A_921 : memref<800xi32, #tpu.memory_space<vmem>>[vector<16xi32>], vector<16xi32>,
    %add3A_928 = arith.constant 35 : i32
    %add3A_929 = vector.broadcast %add3A_928 : i32 to vector<16xi32>
    %add3A_930 = arith.addi %mul3A_21, %add3A_929 : vector<16xi32>
    %get3A_931 = arith.constant 35 : i32
    %get3A_932 = arith.index_cast %get3A_931 : i32 to index
    %get3A_933 = arith.constant 0 : index
    %get3A_934 = tpu.vector_load %arg5[%get3A_932, %get3A_933] {strides = array<i32>} : memref<40x128xi32, #tpu.memory_space<vmem>>, vector<16xi32>,
    %get3A_935 = arith.constant 35 : i32
    %get3A_936 = arith.index_cast %get3A_935 : i32 to index
    %get3A_937 = arith.constant 4 : index
    %get3A_938 = tpu.vector_load %arg5[%get3A_936, %get3A_937] {strides = array<i32>} : memref<40x128xi32, #tpu.memory_space<vmem>>, vector<16xi32>,
    %gather3A_939 = tpu.vector_load_idx %arg5[%add3A_930, %mul3A_21] : memref<40x128xi32, #tpu.memory_space<vmem>>[vector<16xi32>, vector<16xi32>], vector<16xi32>,
    %eq3A_940 = arith.constant 0 : i32
    %eq3A_941 = vector.broadcast %eq3A_940 : i32 to vector<16xi32>
    %eq3A_942 = arith.cmpi eq, %get3A_934, %eq3A_941 : vector<16xi32>
    %select_n3A_943 = arith.select %eq3A_942, %gather3A_939, %get3A_934 : vector<16xi1>, vector<16xi32>
    %eq3A_944 = arith.constant 0 : i32
    %eq3A_945 = vector.broadcast %eq3A_944 : i32 to vector<16xi32>
    %eq3A_946 = arith.cmpi eq, %get3A_938, %eq3A_945 : vector<16xi32>
    %select_n3A_947 = arith.select %eq3A_946, %gather3A_939, %get3A_938 : vector<16xi1>, vector<16xi32>
    %add3A_948 = arith.constant 700 : i32
    %add3A_949 = vector.broadcast %add3A_948 : i32 to vector<16xi32>
    %add3A_950 = arith.addi %add3A_949, %iota3A : vector<16xi32>
    tpu.vector_store_idx %arg7[%add3A_950], %select_n3A_943 : memref<800xi32, #tpu.memory_space<vmem>>[vector<16xi32>], vector<16xi32>,
    %add3A_951 = arith.constant 704 : i32
    %add3A_952 = vector.broadcast %add3A_951 : i32 to vector<16xi32>
    %add3A_953 = arith.addi %add3A_952, %iota3A : vector<16xi32>
    tpu.vector_store_idx %arg7[%add3A_953], %select_n3A_947 : memref<800xi32, #tpu.memory_space<vmem>>[vector<16xi32>], vector<16xi32>,
    %add3A_954 = arith.constant 36 : i32
    %add3A_955 = vector.broadcast %add3A_954 : i32 to vector<16xi32>
    %add3A_956 = arith.addi %mul3A_21, %add3A_955 : vector<16xi32>
    %get3A_957 = arith.constant 36 : i32
    %get3A_958 = arith.index_cast %get3A_957 : i32 to index
    %get3A_959 = arith.constant 0 : index
    %get3A_960 = tpu.vector_load %arg5[%get3A_958, %get3A_959] {strides = array<i32>} : memref<40x128xi32, #tpu.memory_space<vmem>>, vector<16xi32>,
    %get3A_961 = arith.constant 36 : i32
    %get3A_962 = arith.index_cast %get3A_961 : i32 to index
    %get3A_963 = arith.constant 4 : index
    %get3A_964 = tpu.vector_load %arg5[%get3A_962, %get3A_963] {strides = array<i32>} : memref<40x128xi32, #tpu.memory_space<vmem>>, vector<16xi32>,
    %gather3A_965 = tpu.vector_load_idx %arg5[%add3A_956, %mul3A_21] : memref<40x128xi32, #tpu.memory_space<vmem>>[vector<16xi32>, vector<16xi32>], vector<16xi32>,
    %eq3A_966 = arith.constant 0 : i32
    %eq3A_967 = vector.broadcast %eq3A_966 : i32 to vector<16xi32>
    %eq3A_968 = arith.cmpi eq, %get3A_960, %eq3A_967 : vector<16xi32>
    %select_n3A_969 = arith.select %eq3A_968, %gather3A_965, %get3A_960 : vector<16xi1>, vector<16xi32>
    %eq3A_970 = arith.constant 0 : i32
    %eq3A_971 = vector.broadcast %eq3A_970 : i32 to vector<16xi32>
    %eq3A_972 = arith.cmpi eq, %get3A_964, %eq3A_971 : vector<16xi32>
    %select_n3A_973 = arith.select %eq3A_972, %gather3A_965, %get3A_964 : vector<16xi1>, vector<16xi32>
    %add3A_974 = arith.constant 720 : i32
    %add3A_975 = vector.broadcast %add3A_974 : i32 to vector<16xi32>
    %add3A_976 = arith.addi %add3A_975, %iota3A : vector<16xi32>
    tpu.vector_store_idx %arg7[%add3A_976], %select_n3A_969 : memref<800xi32, #tpu.memory_space<vmem>>[vector<16xi32>], vector<16xi32>,
    %add3A_977 = arith.constant 724 : i32
    %add3A_978 = vector.broadcast %add3A_977 : i32 to vector<16xi32>
    %add3A_979 = arith.addi %add3A_978, %iota3A : vector<16xi32>
    tpu.vector_store_idx %arg7[%add3A_979], %select_n3A_973 : memref<800xi32, #tpu.memory_space<vmem>>[vector<16xi32>], vector<16xi32>,
    %add3A_980 = arith.constant 37 : i32
    %add3A_981 = vector.broadcast %add3A_980 : i32 to vector<16xi32>
    %add3A_982 = arith.addi %mul3A_21, %add3A_981 : vector<16xi32>
    %get3A_983 = arith.constant 37 : i32
    %get3A_984 = arith.index_cast %get3A_983 : i32 to index
    %get3A_985 = arith.constant 0 : index
    %get3A_986 = tpu.vector_load %arg5[%get3A_984, %get3A_985] {strides = array<i32>} : memref<40x128xi32, #tpu.memory_space<vmem>>, vector<16xi32>,
    %get3A_987 = arith.constant 37 : i32
    %get3A_988 = arith.index_cast %get3A_987 : i32 to index
    %get3A_989 = arith.constant 4 : index
    %get3A_990 = tpu.vector_load %arg5[%get3A_988, %get3A_989] {strides = array<i32>} : memref<40x128xi32, #tpu.memory_space<vmem>>, vector<16xi32>,
    %gather3A_991 = tpu.vector_load_idx %arg5[%add3A_982, %mul3A_21] : memref<40x128xi32, #tpu.memory_space<vmem>>[vector<16xi32>, vector<16xi32>], vector<16xi32>,
    %eq3A_992 = arith.constant 0 : i32
    %eq3A_993 = vector.broadcast %eq3A_992 : i32 to vector<16xi32>
    %eq3A_994 = arith.cmpi eq, %get3A_986, %eq3A_993 : vector<16xi32>
    %select_n3A_995 = arith.select %eq3A_994, %gather3A_991, %get3A_986 : vector<16xi1>, vector<16xi32>
    %eq3A_996 = arith.constant 0 : i32
    %eq3A_997 = vector.broadcast %eq3A_996 : i32 to vector<16xi32>
    %eq3A_998 = arith.cmpi eq, %get3A_990, %eq3A_997 : vector<16xi32>
    %select_n3A_999 = arith.select %eq3A_998, %gather3A_991, %get3A_990 : vector<16xi1>, vector<16xi32>
    %add3A_1000 = arith.constant 740 : i32
    %add3A_1001 = vector.broadcast %add3A_1000 : i32 to vector<16xi32>
    %add3A_1002 = arith.addi %add3A_1001, %iota3A : vector<16xi32>
    tpu.vector_store_idx %arg7[%add3A_1002], %select_n3A_995 : memref<800xi32, #tpu.memory_space<vmem>>[vector<16xi32>], vector<16xi32>,
    %add3A_1003 = arith.constant 744 : i32
    %add3A_1004 = vector.broadcast %add3A_1003 : i32 to vector<16xi32>
    %add3A_1005 = arith.addi %add3A_1004, %iota3A : vector<16xi32>
    tpu.vector_store_idx %arg7[%add3A_1005], %select_n3A_999 : memref<800xi32, #tpu.memory_space<vmem>>[vector<16xi32>], vector<16xi32>,
    %add3A_1006 = arith.constant 38 : i32
    %add3A_1007 = vector.broadcast %add3A_1006 : i32 to vector<16xi32>
    %add3A_1008 = arith.addi %mul3A_21, %add3A_1007 : vector<16xi32>
    %get3A_1009 = arith.constant 38 : i32
    %get3A_1010 = arith.index_cast %get3A_1009 : i32 to index
    %get3A_1011 = arith.constant 0 : index
    %get3A_1012 = tpu.vector_load %arg5[%get3A_1010, %get3A_1011] {strides = array<i32>} : memref<40x128xi32, #tpu.memory_space<vmem>>, vector<16xi32>,
    %get3A_1013 = arith.constant 38 : i32
    %get3A_1014 = arith.index_cast %get3A_1013 : i32 to index
    %get3A_1015 = arith.constant 4 : index
    %get3A_1016 = tpu.vector_load %arg5[%get3A_1014, %get3A_1015] {strides = array<i32>} : memref<40x128xi32, #tpu.memory_space<vmem>>, vector<16xi32>,
    %gather3A_1017 = tpu.vector_load_idx %arg5[%add3A_1008, %mul3A_21] : memref<40x128xi32, #tpu.memory_space<vmem>>[vector<16xi32>, vector<16xi32>], vector<16xi32>,
    %eq3A_1018 = arith.constant 0 : i32
    %eq3A_1019 = vector.broadcast %eq3A_1018 : i32 to vector<16xi32>
    %eq3A_1020 = arith.cmpi eq, %get3A_1012, %eq3A_1019 : vector<16xi32>
    %select_n3A_1021 = arith.select %eq3A_1020, %gather3A_1017, %get3A_1012 : vector<16xi1>, vector<16xi32>
    %eq3A_1022 = arith.constant 0 : i32
    %eq3A_1023 = vector.broadcast %eq3A_1022 : i32 to vector<16xi32>
    %eq3A_1024 = arith.cmpi eq, %get3A_1016, %eq3A_1023 : vector<16xi32>
    %select_n3A_1025 = arith.select %eq3A_1024, %gather3A_1017, %get3A_1016 : vector<16xi1>, vector<16xi32>
    %add3A_1026 = arith.constant 760 : i32
    %add3A_1027 = vector.broadcast %add3A_1026 : i32 to vector<16xi32>
    %add3A_1028 = arith.addi %add3A_1027, %iota3A : vector<16xi32>
    tpu.vector_store_idx %arg7[%add3A_1028], %select_n3A_1021 : memref<800xi32, #tpu.memory_space<vmem>>[vector<16xi32>], vector<16xi32>,
    %add3A_1029 = arith.constant 764 : i32
    %add3A_1030 = vector.broadcast %add3A_1029 : i32 to vector<16xi32>
    %add3A_1031 = arith.addi %add3A_1030, %iota3A : vector<16xi32>
    tpu.vector_store_idx %arg7[%add3A_1031], %select_n3A_1025 : memref<800xi32, #tpu.memory_space<vmem>>[vector<16xi32>], vector<16xi32>,
    %add3A_1032 = arith.constant 39 : i32
    %add3A_1033 = vector.broadcast %add3A_1032 : i32 to vector<16xi32>
    %add3A_1034 = arith.addi %mul3A_21, %add3A_1033 : vector<16xi32>
    %get3A_1035 = arith.constant 39 : i32
    %get3A_1036 = arith.index_cast %get3A_1035 : i32 to index
    %get3A_1037 = arith.constant 0 : index
    %get3A_1038 = tpu.vector_load %arg5[%get3A_1036, %get3A_1037] {strides = array<i32>} : memref<40x128xi32, #tpu.memory_space<vmem>>, vector<16xi32>,
    %get3A_1039 = arith.constant 39 : i32
    %get3A_1040 = arith.index_cast %get3A_1039 : i32 to index
    %get3A_1041 = arith.constant 4 : index
    %get3A_1042 = tpu.vector_load %arg5[%get3A_1040, %get3A_1041] {strides = array<i32>} : memref<40x128xi32, #tpu.memory_space<vmem>>, vector<16xi32>,
    %gather3A_1043 = tpu.vector_load_idx %arg5[%add3A_1034, %mul3A_21] : memref<40x128xi32, #tpu.memory_space<vmem>>[vector<16xi32>, vector<16xi32>], vector<16xi32>,
    %eq3A_1044 = arith.constant 0 : i32
    %eq3A_1045 = vector.broadcast %eq3A_1044 : i32 to vector<16xi32>
    %eq3A_1046 = arith.cmpi eq, %get3A_1038, %eq3A_1045 : vector<16xi32>
    %select_n3A_1047 = arith.select %eq3A_1046, %gather3A_1043, %get3A_1038 : vector<16xi1>, vector<16xi32>
    %eq3A_1048 = arith.constant 0 : i32
    %eq3A_1049 = vector.broadcast %eq3A_1048 : i32 to vector<16xi32>
    %eq3A_1050 = arith.cmpi eq, %get3A_1042, %eq3A_1049 : vector<16xi32>
    %select_n3A_1051 = arith.select %eq3A_1050, %gather3A_1043, %get3A_1042 : vector<16xi1>, vector<16xi32>
    %add3A_1052 = arith.constant 780 : i32
    %add3A_1053 = vector.broadcast %add3A_1052 : i32 to vector<16xi32>
    %add3A_1054 = arith.addi %add3A_1053, %iota3A : vector<16xi32>
    tpu.vector_store_idx %arg7[%add3A_1054], %select_n3A_1047 : memref<800xi32, #tpu.memory_space<vmem>>[vector<16xi32>], vector<16xi32>,
    %add3A_1055 = arith.constant 784 : i32
    %add3A_1056 = vector.broadcast %add3A_1055 : i32 to vector<16xi32>
    %add3A_1057 = arith.addi %add3A_1056, %iota3A : vector<16xi32>
    tpu.vector_store_idx %arg7[%add3A_1057], %select_n3A_1051 : memref<800xi32, #tpu.memory_space<vmem>>[vector<16xi32>], vector<16xi32>,
    %dma_start3A_1058 = arith.constant 0 : i32
    %dma_start3A_1059 = arith.constant 0 : i32
    %dma_start3A_1060 = tpu.memref_slice %arg9[%dma_start3A_1058, %dma_start3A_1059] : memref<800x64xbf16, #tpu.memory_space<vmem>> -> memref<80x64xbf16, #tpu.memory_space<vmem>>
    %dma_start3A_1061 = arith.constant 0 : i32
    %dma_start3A_1062 = tpu.memref_slice %arg7[%dma_start3A_1061] : memref<800xi32, #tpu.memory_space<vmem>> -> memref<80xi32, #tpu.memory_space<vmem>>
    %dma_start3A_1063 = arith.constant 0 : i32
    %dma_start3A_1064 = arith.constant 0 : i32
    %dma_start3A_1065 = tpu.memref_slice %arg3[%dma_start3A_1063, %dma_start3A_1064] : memref<200000x64xbf16, #tpu.memory_space<hbm>> -> memref<200000x64xbf16, #tpu.memory_space<hbm>>
    tpu.enqueue_indirect_dma source(%dma_start3A_1065 : memref<200000x64xbf16, #tpu.memory_space<hbm>>) target(%dma_start3A_1060 : memref<80x64xbf16, #tpu.memory_space<vmem>>) offsets(%dma_start3A_1062 : memref<80xi32, #tpu.memory_space<vmem>>) semaphore(%arg15 : memref<!tpu.dma_semaphore, #tpu.memory_space<semaphore_mem>>)
    %dma_start3A_1066 = arith.constant 80 : i32
    %dma_start3A_1067 = arith.constant 0 : i32
    %dma_start3A_1068 = tpu.memref_slice %arg9[%dma_start3A_1066, %dma_start3A_1067] : memref<800x64xbf16, #tpu.memory_space<vmem>> -> memref<80x64xbf16, #tpu.memory_space<vmem>>
    %dma_start3A_1069 = arith.constant 80 : i32
    %dma_start3A_1070 = tpu.memref_slice %arg7[%dma_start3A_1069] : memref<800xi32, #tpu.memory_space<vmem>> -> memref<80xi32, #tpu.memory_space<vmem>>
    %dma_start3A_1071 = arith.constant 0 : i32
    %dma_start3A_1072 = arith.constant 0 : i32
    %dma_start3A_1073 = tpu.memref_slice %arg3[%dma_start3A_1071, %dma_start3A_1072] : memref<200000x64xbf16, #tpu.memory_space<hbm>> -> memref<200000x64xbf16, #tpu.memory_space<hbm>>
    tpu.enqueue_indirect_dma source(%dma_start3A_1073 : memref<200000x64xbf16, #tpu.memory_space<hbm>>) target(%dma_start3A_1068 : memref<80x64xbf16, #tpu.memory_space<vmem>>) offsets(%dma_start3A_1070 : memref<80xi32, #tpu.memory_space<vmem>>) semaphore(%arg15 : memref<!tpu.dma_semaphore, #tpu.memory_space<semaphore_mem>>)
    %dma_start3A_1074 = arith.constant 160 : i32
    %dma_start3A_1075 = arith.constant 0 : i32
    %dma_start3A_1076 = tpu.memref_slice %arg9[%dma_start3A_1074, %dma_start3A_1075] : memref<800x64xbf16, #tpu.memory_space<vmem>> -> memref<80x64xbf16, #tpu.memory_space<vmem>>
    %dma_start3A_1077 = arith.constant 160 : i32
    %dma_start3A_1078 = tpu.memref_slice %arg7[%dma_start3A_1077] : memref<800xi32, #tpu.memory_space<vmem>> -> memref<80xi32, #tpu.memory_space<vmem>>
    %dma_start3A_1079 = arith.constant 0 : i32
    %dma_start3A_1080 = arith.constant 0 : i32
    %dma_start3A_1081 = tpu.memref_slice %arg3[%dma_start3A_1079, %dma_start3A_1080] : memref<200000x64xbf16, #tpu.memory_space<hbm>> -> memref<200000x64xbf16, #tpu.memory_space<hbm>>
    tpu.enqueue_indirect_dma source(%dma_start3A_1081 : memref<200000x64xbf16, #tpu.memory_space<hbm>>) target(%dma_start3A_1076 : memref<80x64xbf16, #tpu.memory_space<vmem>>) offsets(%dma_start3A_1078 : memref<80xi32, #tpu.memory_space<vmem>>) semaphore(%arg15 : memref<!tpu.dma_semaphore, #tpu.memory_space<semaphore_mem>>)
    %dma_start3A_1082 = arith.constant 240 : i32
    %dma_start3A_1083 = arith.constant 0 : i32
    %dma_start3A_1084 = tpu.memref_slice %arg9[%dma_start3A_1082, %dma_start3A_1083] : memref<800x64xbf16, #tpu.memory_space<vmem>> -> memref<80x64xbf16, #tpu.memory_space<vmem>>
    %dma_start3A_1085 = arith.constant 240 : i32
    %dma_start3A_1086 = tpu.memref_slice %arg7[%dma_start3A_1085] : memref<800xi32, #tpu.memory_space<vmem>> -> memref<80xi32, #tpu.memory_space<vmem>>
    %dma_start3A_1087 = arith.constant 0 : i32
    %dma_start3A_1088 = arith.constant 0 : i32
    %dma_start3A_1089 = tpu.memref_slice %arg3[%dma_start3A_1087, %dma_start3A_1088] : memref<200000x64xbf16, #tpu.memory_space<hbm>> -> memref<200000x64xbf16, #tpu.memory_space<hbm>>
    tpu.enqueue_indirect_dma source(%dma_start3A_1089 : memref<200000x64xbf16, #tpu.memory_space<hbm>>) target(%dma_start3A_1084 : memref<80x64xbf16, #tpu.memory_space<vmem>>) offsets(%dma_start3A_1086 : memref<80xi32, #tpu.memory_space<vmem>>) semaphore(%arg15 : memref<!tpu.dma_semaphore, #tpu.memory_space<semaphore_mem>>)
    %dma_start3A_1090 = arith.constant 320 : i32
    %dma_start3A_1091 = arith.constant 0 : i32
    %dma_start3A_1092 = tpu.memref_slice %arg9[%dma_start3A_1090, %dma_start3A_1091] : memref<800x64xbf16, #tpu.memory_space<vmem>> -> memref<80x64xbf16, #tpu.memory_space<vmem>>
    %dma_start3A_1093 = arith.constant 320 : i32
    %dma_start3A_1094 = tpu.memref_slice %arg7[%dma_start3A_1093] : memref<800xi32, #tpu.memory_space<vmem>> -> memref<80xi32, #tpu.memory_space<vmem>>
    %dma_start3A_1095 = arith.constant 0 : i32
    %dma_start3A_1096 = arith.constant 0 : i32
    %dma_start3A_1097 = tpu.memref_slice %arg3[%dma_start3A_1095, %dma_start3A_1096] : memref<200000x64xbf16, #tpu.memory_space<hbm>> -> memref<200000x64xbf16, #tpu.memory_space<hbm>>
    tpu.enqueue_indirect_dma source(%dma_start3A_1097 : memref<200000x64xbf16, #tpu.memory_space<hbm>>) target(%dma_start3A_1092 : memref<80x64xbf16, #tpu.memory_space<vmem>>) offsets(%dma_start3A_1094 : memref<80xi32, #tpu.memory_space<vmem>>) semaphore(%arg15 : memref<!tpu.dma_semaphore, #tpu.memory_space<semaphore_mem>>)
    %dma_start3A_1098 = arith.constant 400 : i32
    %dma_start3A_1099 = arith.constant 0 : i32
    %dma_start3A_1100 = tpu.memref_slice %arg9[%dma_start3A_1098, %dma_start3A_1099] : memref<800x64xbf16, #tpu.memory_space<vmem>> -> memref<80x64xbf16, #tpu.memory_space<vmem>>
    %dma_start3A_1101 = arith.constant 400 : i32
    %dma_start3A_1102 = tpu.memref_slice %arg7[%dma_start3A_1101] : memref<800xi32, #tpu.memory_space<vmem>> -> memref<80xi32, #tpu.memory_space<vmem>>
    %dma_start3A_1103 = arith.constant 0 : i32
    %dma_start3A_1104 = arith.constant 0 : i32
    %dma_start3A_1105 = tpu.memref_slice %arg3[%dma_start3A_1103, %dma_start3A_1104] : memref<200000x64xbf16, #tpu.memory_space<hbm>> -> memref<200000x64xbf16, #tpu.memory_space<hbm>>
    tpu.enqueue_indirect_dma source(%dma_start3A_1105 : memref<200000x64xbf16, #tpu.memory_space<hbm>>) target(%dma_start3A_1100 : memref<80x64xbf16, #tpu.memory_space<vmem>>) offsets(%dma_start3A_1102 : memref<80xi32, #tpu.memory_space<vmem>>) semaphore(%arg15 : memref<!tpu.dma_semaphore, #tpu.memory_space<semaphore_mem>>)
    %dma_start3A_1106 = arith.constant 480 : i32
    %dma_start3A_1107 = arith.constant 0 : i32
    %dma_start3A_1108 = tpu.memref_slice %arg9[%dma_start3A_1106, %dma_start3A_1107] : memref<800x64xbf16, #tpu.memory_space<vmem>> -> memref<80x64xbf16, #tpu.memory_space<vmem>>
    %dma_start3A_1109 = arith.constant 480 : i32
    %dma_start3A_1110 = tpu.memref_slice %arg7[%dma_start3A_1109] : memref<800xi32, #tpu.memory_space<vmem>> -> memref<80xi32, #tpu.memory_space<vmem>>
    %dma_start3A_1111 = arith.constant 0 : i32
    %dma_start3A_1112 = arith.constant 0 : i32
    %dma_start3A_1113 = tpu.memref_slice %arg3[%dma_start3A_1111, %dma_start3A_1112] : memref<200000x64xbf16, #tpu.memory_space<hbm>> -> memref<200000x64xbf16, #tpu.memory_space<hbm>>
    tpu.enqueue_indirect_dma source(%dma_start3A_1113 : memref<200000x64xbf16, #tpu.memory_space<hbm>>) target(%dma_start3A_1108 : memref<80x64xbf16, #tpu.memory_space<vmem>>) offsets(%dma_start3A_1110 : memref<80xi32, #tpu.memory_space<vmem>>) semaphore(%arg15 : memref<!tpu.dma_semaphore, #tpu.memory_space<semaphore_mem>>)
    %dma_start3A_1114 = arith.constant 560 : i32
    %dma_start3A_1115 = arith.constant 0 : i32
    %dma_start3A_1116 = tpu.memref_slice %arg9[%dma_start3A_1114, %dma_start3A_1115] : memref<800x64xbf16, #tpu.memory_space<vmem>> -> memref<80x64xbf16, #tpu.memory_space<vmem>>
    %dma_start3A_1117 = arith.constant 560 : i32
    %dma_start3A_1118 = tpu.memref_slice %arg7[%dma_start3A_1117] : memref<800xi32, #tpu.memory_space<vmem>> -> memref<80xi32, #tpu.memory_space<vmem>>
    %dma_start3A_1119 = arith.constant 0 : i32
    %dma_start3A_1120 = arith.constant 0 : i32
    %dma_start3A_1121 = tpu.memref_slice %arg3[%dma_start3A_1119, %dma_start3A_1120] : memref<200000x64xbf16, #tpu.memory_space<hbm>> -> memref<200000x64xbf16, #tpu.memory_space<hbm>>
    tpu.enqueue_indirect_dma source(%dma_start3A_1121 : memref<200000x64xbf16, #tpu.memory_space<hbm>>) target(%dma_start3A_1116 : memref<80x64xbf16, #tpu.memory_space<vmem>>) offsets(%dma_start3A_1118 : memref<80xi32, #tpu.memory_space<vmem>>) semaphore(%arg15 : memref<!tpu.dma_semaphore, #tpu.memory_space<semaphore_mem>>)
    %dma_start3A_1122 = arith.constant 640 : i32
    %dma_start3A_1123 = arith.constant 0 : i32
    %dma_start3A_1124 = tpu.memref_slice %arg9[%dma_start3A_1122, %dma_start3A_1123] : memref<800x64xbf16, #tpu.memory_space<vmem>> -> memref<80x64xbf16, #tpu.memory_space<vmem>>
    %dma_start3A_1125 = arith.constant 640 : i32
    %dma_start3A_1126 = tpu.memref_slice %arg7[%dma_start3A_1125] : memref<800xi32, #tpu.memory_space<vmem>> -> memref<80xi32, #tpu.memory_space<vmem>>
    %dma_start3A_1127 = arith.constant 0 : i32
    %dma_start3A_1128 = arith.constant 0 : i32
    %dma_start3A_1129 = tpu.memref_slice %arg3[%dma_start3A_1127, %dma_start3A_1128] : memref<200000x64xbf16, #tpu.memory_space<hbm>> -> memref<200000x64xbf16, #tpu.memory_space<hbm>>
    tpu.enqueue_indirect_dma source(%dma_start3A_1129 : memref<200000x64xbf16, #tpu.memory_space<hbm>>) target(%dma_start3A_1124 : memref<80x64xbf16, #tpu.memory_space<vmem>>) offsets(%dma_start3A_1126 : memref<80xi32, #tpu.memory_space<vmem>>) semaphore(%arg15 : memref<!tpu.dma_semaphore, #tpu.memory_space<semaphore_mem>>)
    %dma_start3A_1130 = arith.constant 720 : i32
    %dma_start3A_1131 = arith.constant 0 : i32
    %dma_start3A_1132 = tpu.memref_slice %arg9[%dma_start3A_1130, %dma_start3A_1131] : memref<800x64xbf16, #tpu.memory_space<vmem>> -> memref<80x64xbf16, #tpu.memory_space<vmem>>
    %dma_start3A_1133 = arith.constant 720 : i32
    %dma_start3A_1134 = tpu.memref_slice %arg7[%dma_start3A_1133] : memref<800xi32, #tpu.memory_space<vmem>> -> memref<80xi32, #tpu.memory_space<vmem>>
    %dma_start3A_1135 = arith.constant 0 : i32
    %dma_start3A_1136 = arith.constant 0 : i32
    %dma_start3A_1137 = tpu.memref_slice %arg3[%dma_start3A_1135, %dma_start3A_1136] : memref<200000x64xbf16, #tpu.memory_space<hbm>> -> memref<200000x64xbf16, #tpu.memory_space<hbm>>
    tpu.enqueue_indirect_dma source(%dma_start3A_1137 : memref<200000x64xbf16, #tpu.memory_space<hbm>>) target(%dma_start3A_1132 : memref<80x64xbf16, #tpu.memory_space<vmem>>) offsets(%dma_start3A_1134 : memref<80xi32, #tpu.memory_space<vmem>>) semaphore(%arg15 : memref<!tpu.dma_semaphore, #tpu.memory_space<semaphore_mem>>)
    %add3A_1138 = arith.constant 64 : i32
    %add3A_1139 = arith.addi %add3A, %add3A_1138 : i32
    %lt3A = arith.constant 1250 : i32
    %lt3A_1140 = arith.cmpi slt, %add3A_1139, %lt3A : i32
    %convert_element_type3A = arith.extui %lt3A_1140 : i1 to i32
    %cond3A = arith.constant 0 : i32
    %cond3A_1141 = arith.cmpi ne, %convert_element_type3A, %cond3A : i32
    scf.if %cond3A_1141 {
      %add3A_1159 = arith.constant 64 : i32
      %add3A_1160 = arith.addi %add3A, %add3A_1159 : i32
      %mul3A_1161 = arith.constant 40 : i32
      %mul3A_1162 = arith.muli %add3A_1160, %mul3A_1161 : i32
      %dma_start3A_1163 = arith.constant 0 : i32
      %dma_start3A_1164 = tpu.memref_slice %arg2[%mul3A_1162, %dma_start3A_1163] : memref<50000x128xi32, #tpu.memory_space<hbm>> -> memref<40x128xi32, #tpu.memory_space<hbm>>
      %dma_start3A_1165 = arith.constant 0 : i32
      %dma_start3A_1166 = tpu.memref_slice %arg2[%mul3A_1162, %dma_start3A_1165] : memref<50000x128xi32, #tpu.memory_space<hbm>> -> memref<40x128xi32, #tpu.memory_space<hbm>>
      tpu.enqueue_dma source(%dma_start3A_1166 : memref<40x128xi32, #tpu.memory_space<hbm>>) target(%arg5 : memref<40x128xi32, #tpu.memory_space<vmem>>) target_semaphore(%arg13 : memref<!tpu.dma_semaphore, #tpu.memory_space<semaphore_mem>>)
    } else {
    }
    %scan3A = arith.constant 0 : i32
    %scan3A_1142 = arith.constant 0 : i32
    %scan3A_1143 = arith.constant 20 : i32
    %scan3A_1144 = arith.addi %scan3A_1142, %scan3A_1143 : i32
    %scan3A_1145 = arith.constant 1 : i32
    scf.for %scan3A_1159 = %scan3A_1142 to %scan3A_1144 step %scan3A_1145  : i32 {
      %mul3A_1160 = arith.constant 2 : i32
      %mul3A_1161 = arith.muli %scan3A_1159, %mul3A_1160 : i32
      %add3A_1162 = arith.constant 0 : i32
      %add3A_1163 = arith.addi %mul3A_1161, %add3A_1162 : i32
      %mul3A_1164 = arith.constant 32 : i32
      %mul3A_1165 = arith.muli %add3A_1163, %mul3A_1164 : i32
      %add3A_1166 = arith.addi %add3A, %mul3A_1165 : i32
      %add3A_1167 = arith.constant 32 : i32
      %add3A_1168 = arith.addi %add3A_1166, %add3A_1167 : i32
      %lt3A_1169 = arith.constant 1250 : i32
      %lt3A_1170 = arith.cmpi slt, %add3A_1168, %lt3A_1169 : i32
      %convert_element_type3A_1171 = arith.extui %lt3A_1170 : i1 to i32
      %cond3A_1172 = arith.constant 0 : i32
      %cond3A_1173 = arith.cmpi ne, %convert_element_type3A_1171, %cond3A_1172 : i32
      scf.if %cond3A_1173 {
        %mul3A_1198 = arith.constant 40 : i32
        %mul3A_1199 = arith.muli %add3A_1168, %mul3A_1198 : i32
        %dma_wait3A_1200 = arith.constant 0 : i32
        %dma_wait3A_1201 = tpu.memref_slice %arg2[%mul3A_1199, %dma_wait3A_1200] : memref<50000x128xi32, #tpu.memory_space<hbm>> -> memref<40x128xi32, #tpu.memory_space<hbm>>
        %dma_wait3A_1202 = arith.constant 0 : i32
        %dma_wait3A_1203 = tpu.memref_slice %arg2[%mul3A_1199, %dma_wait3A_1202] : memref<50000x128xi32, #tpu.memory_space<hbm>> -> memref<40x128xi32, #tpu.memory_space<hbm>>
        tpu.wait_dma2 semaphore(%arg14 : memref<!tpu.dma_semaphore, #tpu.memory_space<semaphore_mem>>) src(%dma_wait3A_1203 : memref<40x128xi32, #tpu.memory_space<hbm>>) dst(%arg6 : memref<40x128xi32, #tpu.memory_space<vmem>>)
        %iota3A_1204 = tpu.iota {dimensions = array<i32: 0>} : vector<16xi32>
        %mul3A_1205 = arith.constant 0 : i32
        %mul3A_1206 = vector.broadcast %mul3A_1205 : i32 to vector<16xi32>
        %mul3A_1207 = arith.muli %iota3A_1204, %mul3A_1206 : vector<16xi32>
        %add3A_1208 = arith.constant 0 : i32
        %add3A_1209 = vector.broadcast %add3A_1208 : i32 to vector<16xi32>
        %add3A_1210 = arith.addi %mul3A_1207, %add3A_1209 : vector<16xi32>
        %get3A_1211 = arith.constant 0 : i32
        %get3A_1212 = arith.index_cast %get3A_1211 : i32 to index
        %get3A_1213 = arith.constant 0 : index
        %get3A_1214 = tpu.vector_load %arg6[%get3A_1212, %get3A_1213] {strides = array<i32>} : memref<40x128xi32, #tpu.memory_space<vmem>>, vector<16xi32>,
        %get3A_1215 = arith.constant 0 : i32
        %get3A_1216 = arith.index_cast %get3A_1215 : i32 to index
        %get3A_1217 = arith.constant 4 : index
        %get3A_1218 = tpu.vector_load %arg6[%get3A_1216, %get3A_1217] {strides = array<i32>} : memref<40x128xi32, #tpu.memory_space<vmem>>, vector<16xi32>,
        %gather3A_1219 = tpu.vector_load_idx %arg6[%add3A_1210, %mul3A_1207] : memref<40x128xi32, #tpu.memory_space<vmem>>[vector<16xi32>, vector<16xi32>], vector<16xi32>,
        %eq3A_1220 = arith.constant 0 : i32
        %eq3A_1221 = vector.broadcast %eq3A_1220 : i32 to vector<16xi32>
        %eq3A_1222 = arith.cmpi eq, %get3A_1214, %eq3A_1221 : vector<16xi32>
        %select_n3A_1223 = arith.select %eq3A_1222, %gather3A_1219, %get3A_1214 : vector<16xi1>, vector<16xi32>
        %eq3A_1224 = arith.constant 0 : i32
        %eq3A_1225 = vector.broadcast %eq3A_1224 : i32 to vector<16xi32>
        %eq3A_1226 = arith.cmpi eq, %get3A_1218, %eq3A_1225 : vector<16xi32>
        %select_n3A_1227 = arith.select %eq3A_1226, %gather3A_1219, %get3A_1218 : vector<16xi1>, vector<16xi32>
        %add3A_1228 = arith.constant 0 : i32
        %add3A_1229 = vector.broadcast %add3A_1228 : i32 to vector<16xi32>
        %add3A_1230 = arith.addi %add3A_1229, %iota3A_1204 : vector<16xi32>
        tpu.vector_store_idx %arg8[%add3A_1230], %select_n3A_1223 : memref<800xi32, #tpu.memory_space<vmem>>[vector<16xi32>], vector<16xi32>,
        %add3A_1231 = arith.constant 4 : i32
        %add3A_1232 = vector.broadcast %add3A_1231 : i32 to vector<16xi32>
        %add3A_1233 = arith.addi %add3A_1232, %iota3A_1204 : vector<16xi32>
        tpu.vector_store_idx %arg8[%add3A_1233], %select_n3A_1227 : memref<800xi32, #tpu.memory_space<vmem>>[vector<16xi32>], vector<16xi32>,
        %add3A_1234 = arith.constant 1 : i32
        %add3A_1235 = vector.broadcast %add3A_1234 : i32 to vector<16xi32>
        %add3A_1236 = arith.addi %mul3A_1207, %add3A_1235 : vector<16xi32>
        %get3A_1237 = arith.constant 1 : i32
        %get3A_1238 = arith.index_cast %get3A_1237 : i32 to index
        %get3A_1239 = arith.constant 0 : index
        %get3A_1240 = tpu.vector_load %arg6[%get3A_1238, %get3A_1239] {strides = array<i32>} : memref<40x128xi32, #tpu.memory_space<vmem>>, vector<16xi32>,
        %get3A_1241 = arith.constant 1 : i32
        %get3A_1242 = arith.index_cast %get3A_1241 : i32 to index
        %get3A_1243 = arith.constant 4 : index
        %get3A_1244 = tpu.vector_load %arg6[%get3A_1242, %get3A_1243] {strides = array<i32>} : memref<40x128xi32, #tpu.memory_space<vmem>>, vector<16xi32>,
        %gather3A_1245 = tpu.vector_load_idx %arg6[%add3A_1236, %mul3A_1207] : memref<40x128xi32, #tpu.memory_space<vmem>>[vector<16xi32>, vector<16xi32>], vector<16xi32>,
        %eq3A_1246 = arith.constant 0 : i32
        %eq3A_1247 = vector.broadcast %eq3A_1246 : i32 to vector<16xi32>
        %eq3A_1248 = arith.cmpi eq, %get3A_1240, %eq3A_1247 : vector<16xi32>
        %select_n3A_1249 = arith.select %eq3A_1248, %gather3A_1245, %get3A_1240 : vector<16xi1>, vector<16xi32>
        %eq3A_1250 = arith.constant 0 : i32
        %eq3A_1251 = vector.broadcast %eq3A_1250 : i32 to vector<16xi32>
        %eq3A_1252 = arith.cmpi eq, %get3A_1244, %eq3A_1251 : vector<16xi32>
        %select_n3A_1253 = arith.select %eq3A_1252, %gather3A_1245, %get3A_1244 : vector<16xi1>, vector<16xi32>
        %add3A_1254 = arith.constant 20 : i32
        %add3A_1255 = vector.broadcast %add3A_1254 : i32 to vector<16xi32>
        %add3A_1256 = arith.addi %add3A_1255, %iota3A_1204 : vector<16xi32>
        tpu.vector_store_idx %arg8[%add3A_1256], %select_n3A_1249 : memref<800xi32, #tpu.memory_space<vmem>>[vector<16xi32>], vector<16xi32>,
        %add3A_1257 = arith.constant 24 : i32
        %add3A_1258 = vector.broadcast %add3A_1257 : i32 to vector<16xi32>
        %add3A_1259 = arith.addi %add3A_1258, %iota3A_1204 : vector<16xi32>
        tpu.vector_store_idx %arg8[%add3A_1259], %select_n3A_1253 : memref<800xi32, #tpu.memory_space<vmem>>[vector<16xi32>], vector<16xi32>,
        %add3A_1260 = arith.constant 2 : i32
        %add3A_1261 = vector.broadcast %add3A_1260 : i32 to vector<16xi32>
        %add3A_1262 = arith.addi %mul3A_1207, %add3A_1261 : vector<16xi32>
        %get3A_1263 = arith.constant 2 : i32
        %get3A_1264 = arith.index_cast %get3A_1263 : i32 to index
        %get3A_1265 = arith.constant 0 : index
        %get3A_1266 = tpu.vector_load %arg6[%get3A_1264, %get3A_1265] {strides = array<i32>} : memref<40x128xi32, #tpu.memory_space<vmem>>, vector<16xi32>,
        %get3A_1267 = arith.constant 2 : i32
        %get3A_1268 = arith.index_cast %get3A_1267 : i32 to index
        %get3A_1269 = arith.constant 4 : index
        %get3A_1270 = tpu.vector_load %arg6[%get3A_1268, %get3A_1269] {strides = array<i32>} : memref<40x128xi32, #tpu.memory_space<vmem>>, vector<16xi32>,
        %gather3A_1271 = tpu.vector_load_idx %arg6[%add3A_1262, %mul3A_1207] : memref<40x128xi32, #tpu.memory_space<vmem>>[vector<16xi32>, vector<16xi32>], vector<16xi32>,
        %eq3A_1272 = arith.constant 0 : i32
        %eq3A_1273 = vector.broadcast %eq3A_1272 : i32 to vector<16xi32>
        %eq3A_1274 = arith.cmpi eq, %get3A_1266, %eq3A_1273 : vector<16xi32>
        %select_n3A_1275 = arith.select %eq3A_1274, %gather3A_1271, %get3A_1266 : vector<16xi1>, vector<16xi32>
        %eq3A_1276 = arith.constant 0 : i32
        %eq3A_1277 = vector.broadcast %eq3A_1276 : i32 to vector<16xi32>
        %eq3A_1278 = arith.cmpi eq, %get3A_1270, %eq3A_1277 : vector<16xi32>
        %select_n3A_1279 = arith.select %eq3A_1278, %gather3A_1271, %get3A_1270 : vector<16xi1>, vector<16xi32>
        %add3A_1280 = arith.constant 40 : i32
        %add3A_1281 = vector.broadcast %add3A_1280 : i32 to vector<16xi32>
        %add3A_1282 = arith.addi %add3A_1281, %iota3A_1204 : vector<16xi32>
        tpu.vector_store_idx %arg8[%add3A_1282], %select_n3A_1275 : memref<800xi32, #tpu.memory_space<vmem>>[vector<16xi32>], vector<16xi32>,
        %add3A_1283 = arith.constant 44 : i32
        %add3A_1284 = vector.broadcast %add3A_1283 : i32 to vector<16xi32>
        %add3A_1285 = arith.addi %add3A_1284, %iota3A_1204 : vector<16xi32>
        tpu.vector_store_idx %arg8[%add3A_1285], %select_n3A_1279 : memref<800xi32, #tpu.memory_space<vmem>>[vector<16xi32>], vector<16xi32>,
        %add3A_1286 = arith.constant 3 : i32
        %add3A_1287 = vector.broadcast %add3A_1286 : i32 to vector<16xi32>
        %add3A_1288 = arith.addi %mul3A_1207, %add3A_1287 : vector<16xi32>
        %get3A_1289 = arith.constant 3 : i32
        %get3A_1290 = arith.index_cast %get3A_1289 : i32 to index
        %get3A_1291 = arith.constant 0 : index
        %get3A_1292 = tpu.vector_load %arg6[%get3A_1290, %get3A_1291] {strides = array<i32>} : memref<40x128xi32, #tpu.memory_space<vmem>>, vector<16xi32>,
        %get3A_1293 = arith.constant 3 : i32
        %get3A_1294 = arith.index_cast %get3A_1293 : i32 to index
        %get3A_1295 = arith.constant 4 : index
        %get3A_1296 = tpu.vector_load %arg6[%get3A_1294, %get3A_1295] {strides = array<i32>} : memref<40x128xi32, #tpu.memory_space<vmem>>, vector<16xi32>,
        %gather3A_1297 = tpu.vector_load_idx %arg6[%add3A_1288, %mul3A_1207] : memref<40x128xi32, #tpu.memory_space<vmem>>[vector<16xi32>, vector<16xi32>], vector<16xi32>,
        %eq3A_1298 = arith.constant 0 : i32
        %eq3A_1299 = vector.broadcast %eq3A_1298 : i32 to vector<16xi32>
        %eq3A_1300 = arith.cmpi eq, %get3A_1292, %eq3A_1299 : vector<16xi32>
        %select_n3A_1301 = arith.select %eq3A_1300, %gather3A_1297, %get3A_1292 : vector<16xi1>, vector<16xi32>
        %eq3A_1302 = arith.constant 0 : i32
        %eq3A_1303 = vector.broadcast %eq3A_1302 : i32 to vector<16xi32>
        %eq3A_1304 = arith.cmpi eq, %get3A_1296, %eq3A_1303 : vector<16xi32>
        %select_n3A_1305 = arith.select %eq3A_1304, %gather3A_1297, %get3A_1296 : vector<16xi1>, vector<16xi32>
        %add3A_1306 = arith.constant 60 : i32
        %add3A_1307 = vector.broadcast %add3A_1306 : i32 to vector<16xi32>
        %add3A_1308 = arith.addi %add3A_1307, %iota3A_1204 : vector<16xi32>
        tpu.vector_store_idx %arg8[%add3A_1308], %select_n3A_1301 : memref<800xi32, #tpu.memory_space<vmem>>[vector<16xi32>], vector<16xi32>,
        %add3A_1309 = arith.constant 64 : i32
        %add3A_1310 = vector.broadcast %add3A_1309 : i32 to vector<16xi32>
        %add3A_1311 = arith.addi %add3A_1310, %iota3A_1204 : vector<16xi32>
        tpu.vector_store_idx %arg8[%add3A_1311], %select_n3A_1305 : memref<800xi32, #tpu.memory_space<vmem>>[vector<16xi32>], vector<16xi32>,
        %add3A_1312 = arith.constant 4 : i32
        %add3A_1313 = vector.broadcast %add3A_1312 : i32 to vector<16xi32>
        %add3A_1314 = arith.addi %mul3A_1207, %add3A_1313 : vector<16xi32>
        %get3A_1315 = arith.constant 4 : i32
        %get3A_1316 = arith.index_cast %get3A_1315 : i32 to index
        %get3A_1317 = arith.constant 0 : index
        %get3A_1318 = tpu.vector_load %arg6[%get3A_1316, %get3A_1317] {strides = array<i32>} : memref<40x128xi32, #tpu.memory_space<vmem>>, vector<16xi32>,
        %get3A_1319 = arith.constant 4 : i32
        %get3A_1320 = arith.index_cast %get3A_1319 : i32 to index
        %get3A_1321 = arith.constant 4 : index
        %get3A_1322 = tpu.vector_load %arg6[%get3A_1320, %get3A_1321] {strides = array<i32>} : memref<40x128xi32, #tpu.memory_space<vmem>>, vector<16xi32>,
        %gather3A_1323 = tpu.vector_load_idx %arg6[%add3A_1314, %mul3A_1207] : memref<40x128xi32, #tpu.memory_space<vmem>>[vector<16xi32>, vector<16xi32>], vector<16xi32>,
        %eq3A_1324 = arith.constant 0 : i32
        %eq3A_1325 = vector.broadcast %eq3A_1324 : i32 to vector<16xi32>
        %eq3A_1326 = arith.cmpi eq, %get3A_1318, %eq3A_1325 : vector<16xi32>
        %select_n3A_1327 = arith.select %eq3A_1326, %gather3A_1323, %get3A_1318 : vector<16xi1>, vector<16xi32>
        %eq3A_1328 = arith.constant 0 : i32
        %eq3A_1329 = vector.broadcast %eq3A_1328 : i32 to vector<16xi32>
        %eq3A_1330 = arith.cmpi eq, %get3A_1322, %eq3A_1329 : vector<16xi32>
        %select_n3A_1331 = arith.select %eq3A_1330, %gather3A_1323, %get3A_1322 : vector<16xi1>, vector<16xi32>
        %add3A_1332 = arith.constant 80 : i32
        %add3A_1333 = vector.broadcast %add3A_1332 : i32 to vector<16xi32>
        %add3A_1334 = arith.addi %add3A_1333, %iota3A_1204 : vector<16xi32>
        tpu.vector_store_idx %arg8[%add3A_1334], %select_n3A_1327 : memref<800xi32, #tpu.memory_space<vmem>>[vector<16xi32>], vector<16xi32>,
        %add3A_1335 = arith.constant 84 : i32
        %add3A_1336 = vector.broadcast %add3A_1335 : i32 to vector<16xi32>
        %add3A_1337 = arith.addi %add3A_1336, %iota3A_1204 : vector<16xi32>
        tpu.vector_store_idx %arg8[%add3A_1337], %select_n3A_1331 : memref<800xi32, #tpu.memory_space<vmem>>[vector<16xi32>], vector<16xi32>,
        %add3A_1338 = arith.constant 5 : i32
        %add3A_1339 = vector.broadcast %add3A_1338 : i32 to vector<16xi32>
        %add3A_1340 = arith.addi %mul3A_1207, %add3A_1339 : vector<16xi32>
        %get3A_1341 = arith.constant 5 : i32
        %get3A_1342 = arith.index_cast %get3A_1341 : i32 to index
        %get3A_1343 = arith.constant 0 : index
        %get3A_1344 = tpu.vector_load %arg6[%get3A_1342, %get3A_1343] {strides = array<i32>} : memref<40x128xi32, #tpu.memory_space<vmem>>, vector<16xi32>,
        %get3A_1345 = arith.constant 5 : i32
        %get3A_1346 = arith.index_cast %get3A_1345 : i32 to index
        %get3A_1347 = arith.constant 4 : index
        %get3A_1348 = tpu.vector_load %arg6[%get3A_1346, %get3A_1347] {strides = array<i32>} : memref<40x128xi32, #tpu.memory_space<vmem>>, vector<16xi32>,
        %gather3A_1349 = tpu.vector_load_idx %arg6[%add3A_1340, %mul3A_1207] : memref<40x128xi32, #tpu.memory_space<vmem>>[vector<16xi32>, vector<16xi32>], vector<16xi32>,
        %eq3A_1350 = arith.constant 0 : i32
        %eq3A_1351 = vector.broadcast %eq3A_1350 : i32 to vector<16xi32>
        %eq3A_1352 = arith.cmpi eq, %get3A_1344, %eq3A_1351 : vector<16xi32>
        %select_n3A_1353 = arith.select %eq3A_1352, %gather3A_1349, %get3A_1344 : vector<16xi1>, vector<16xi32>
        %eq3A_1354 = arith.constant 0 : i32
        %eq3A_1355 = vector.broadcast %eq3A_1354 : i32 to vector<16xi32>
        %eq3A_1356 = arith.cmpi eq, %get3A_1348, %eq3A_1355 : vector<16xi32>
        %select_n3A_1357 = arith.select %eq3A_1356, %gather3A_1349, %get3A_1348 : vector<16xi1>, vector<16xi32>
        %add3A_1358 = arith.constant 100 : i32
        %add3A_1359 = vector.broadcast %add3A_1358 : i32 to vector<16xi32>
        %add3A_1360 = arith.addi %add3A_1359, %iota3A_1204 : vector<16xi32>
        tpu.vector_store_idx %arg8[%add3A_1360], %select_n3A_1353 : memref<800xi32, #tpu.memory_space<vmem>>[vector<16xi32>], vector<16xi32>,
        %add3A_1361 = arith.constant 104 : i32
        %add3A_1362 = vector.broadcast %add3A_1361 : i32 to vector<16xi32>
        %add3A_1363 = arith.addi %add3A_1362, %iota3A_1204 : vector<16xi32>
        tpu.vector_store_idx %arg8[%add3A_1363], %select_n3A_1357 : memref<800xi32, #tpu.memory_space<vmem>>[vector<16xi32>], vector<16xi32>,
        %add3A_1364 = arith.constant 6 : i32
        %add3A_1365 = vector.broadcast %add3A_1364 : i32 to vector<16xi32>
        %add3A_1366 = arith.addi %mul3A_1207, %add3A_1365 : vector<16xi32>
        %get3A_1367 = arith.constant 6 : i32
        %get3A_1368 = arith.index_cast %get3A_1367 : i32 to index
        %get3A_1369 = arith.constant 0 : index
        %get3A_1370 = tpu.vector_load %arg6[%get3A_1368, %get3A_1369] {strides = array<i32>} : memref<40x128xi32, #tpu.memory_space<vmem>>, vector<16xi32>,
        %get3A_1371 = arith.constant 6 : i32
        %get3A_1372 = arith.index_cast %get3A_1371 : i32 to index
        %get3A_1373 = arith.constant 4 : index
        %get3A_1374 = tpu.vector_load %arg6[%get3A_1372, %get3A_1373] {strides = array<i32>} : memref<40x128xi32, #tpu.memory_space<vmem>>, vector<16xi32>,
        %gather3A_1375 = tpu.vector_load_idx %arg6[%add3A_1366, %mul3A_1207] : memref<40x128xi32, #tpu.memory_space<vmem>>[vector<16xi32>, vector<16xi32>], vector<16xi32>,
        %eq3A_1376 = arith.constant 0 : i32
        %eq3A_1377 = vector.broadcast %eq3A_1376 : i32 to vector<16xi32>
        %eq3A_1378 = arith.cmpi eq, %get3A_1370, %eq3A_1377 : vector<16xi32>
        %select_n3A_1379 = arith.select %eq3A_1378, %gather3A_1375, %get3A_1370 : vector<16xi1>, vector<16xi32>
        %eq3A_1380 = arith.constant 0 : i32
        %eq3A_1381 = vector.broadcast %eq3A_1380 : i32 to vector<16xi32>
        %eq3A_1382 = arith.cmpi eq, %get3A_1374, %eq3A_1381 : vector<16xi32>
        %select_n3A_1383 = arith.select %eq3A_1382, %gather3A_1375, %get3A_1374 : vector<16xi1>, vector<16xi32>
        %add3A_1384 = arith.constant 120 : i32
        %add3A_1385 = vector.broadcast %add3A_1384 : i32 to vector<16xi32>
        %add3A_1386 = arith.addi %add3A_1385, %iota3A_1204 : vector<16xi32>
        tpu.vector_store_idx %arg8[%add3A_1386], %select_n3A_1379 : memref<800xi32, #tpu.memory_space<vmem>>[vector<16xi32>], vector<16xi32>,
        %add3A_1387 = arith.constant 124 : i32
        %add3A_1388 = vector.broadcast %add3A_1387 : i32 to vector<16xi32>
        %add3A_1389 = arith.addi %add3A_1388, %iota3A_1204 : vector<16xi32>
        tpu.vector_store_idx %arg8[%add3A_1389], %select_n3A_1383 : memref<800xi32, #tpu.memory_space<vmem>>[vector<16xi32>], vector<16xi32>,
        %add3A_1390 = arith.constant 7 : i32
        %add3A_1391 = vector.broadcast %add3A_1390 : i32 to vector<16xi32>
        %add3A_1392 = arith.addi %mul3A_1207, %add3A_1391 : vector<16xi32>
        %get3A_1393 = arith.constant 7 : i32
        %get3A_1394 = arith.index_cast %get3A_1393 : i32 to index
        %get3A_1395 = arith.constant 0 : index
        %get3A_1396 = tpu.vector_load %arg6[%get3A_1394, %get3A_1395] {strides = array<i32>} : memref<40x128xi32, #tpu.memory_space<vmem>>, vector<16xi32>,
        %get3A_1397 = arith.constant 7 : i32
        %get3A_1398 = arith.index_cast %get3A_1397 : i32 to index
        %get3A_1399 = arith.constant 4 : index
        %get3A_1400 = tpu.vector_load %arg6[%get3A_1398, %get3A_1399] {strides = array<i32>} : memref<40x128xi32, #tpu.memory_space<vmem>>, vector<16xi32>,
        %gather3A_1401 = tpu.vector_load_idx %arg6[%add3A_1392, %mul3A_1207] : memref<40x128xi32, #tpu.memory_space<vmem>>[vector<16xi32>, vector<16xi32>], vector<16xi32>,
        %eq3A_1402 = arith.constant 0 : i32
        %eq3A_1403 = vector.broadcast %eq3A_1402 : i32 to vector<16xi32>
        %eq3A_1404 = arith.cmpi eq, %get3A_1396, %eq3A_1403 : vector<16xi32>
        %select_n3A_1405 = arith.select %eq3A_1404, %gather3A_1401, %get3A_1396 : vector<16xi1>, vector<16xi32>
        %eq3A_1406 = arith.constant 0 : i32
        %eq3A_1407 = vector.broadcast %eq3A_1406 : i32 to vector<16xi32>
        %eq3A_1408 = arith.cmpi eq, %get3A_1400, %eq3A_1407 : vector<16xi32>
        %select_n3A_1409 = arith.select %eq3A_1408, %gather3A_1401, %get3A_1400 : vector<16xi1>, vector<16xi32>
        %add3A_1410 = arith.constant 140 : i32
        %add3A_1411 = vector.broadcast %add3A_1410 : i32 to vector<16xi32>
        %add3A_1412 = arith.addi %add3A_1411, %iota3A_1204 : vector<16xi32>
        tpu.vector_store_idx %arg8[%add3A_1412], %select_n3A_1405 : memref<800xi32, #tpu.memory_space<vmem>>[vector<16xi32>], vector<16xi32>,
        %add3A_1413 = arith.constant 144 : i32
        %add3A_1414 = vector.broadcast %add3A_1413 : i32 to vector<16xi32>
        %add3A_1415 = arith.addi %add3A_1414, %iota3A_1204 : vector<16xi32>
        tpu.vector_store_idx %arg8[%add3A_1415], %select_n3A_1409 : memref<800xi32, #tpu.memory_space<vmem>>[vector<16xi32>], vector<16xi32>,
        %add3A_1416 = arith.constant 8 : i32
        %add3A_1417 = vector.broadcast %add3A_1416 : i32 to vector<16xi32>
        %add3A_1418 = arith.addi %mul3A_1207, %add3A_1417 : vector<16xi32>
        %get3A_1419 = arith.constant 8 : i32
        %get3A_1420 = arith.index_cast %get3A_1419 : i32 to index
        %get3A_1421 = arith.constant 0 : index
        %get3A_1422 = tpu.vector_load %arg6[%get3A_1420, %get3A_1421] {strides = array<i32>} : memref<40x128xi32, #tpu.memory_space<vmem>>, vector<16xi32>,
        %get3A_1423 = arith.constant 8 : i32
        %get3A_1424 = arith.index_cast %get3A_1423 : i32 to index
        %get3A_1425 = arith.constant 4 : index
        %get3A_1426 = tpu.vector_load %arg6[%get3A_1424, %get3A_1425] {strides = array<i32>} : memref<40x128xi32, #tpu.memory_space<vmem>>, vector<16xi32>,
        %gather3A_1427 = tpu.vector_load_idx %arg6[%add3A_1418, %mul3A_1207] : memref<40x128xi32, #tpu.memory_space<vmem>>[vector<16xi32>, vector<16xi32>], vector<16xi32>,
        %eq3A_1428 = arith.constant 0 : i32
        %eq3A_1429 = vector.broadcast %eq3A_1428 : i32 to vector<16xi32>
        %eq3A_1430 = arith.cmpi eq, %get3A_1422, %eq3A_1429 : vector<16xi32>
        %select_n3A_1431 = arith.select %eq3A_1430, %gather3A_1427, %get3A_1422 : vector<16xi1>, vector<16xi32>
        %eq3A_1432 = arith.constant 0 : i32
        %eq3A_1433 = vector.broadcast %eq3A_1432 : i32 to vector<16xi32>
        %eq3A_1434 = arith.cmpi eq, %get3A_1426, %eq3A_1433 : vector<16xi32>
        %select_n3A_1435 = arith.select %eq3A_1434, %gather3A_1427, %get3A_1426 : vector<16xi1>, vector<16xi32>
        %add3A_1436 = arith.constant 160 : i32
        %add3A_1437 = vector.broadcast %add3A_1436 : i32 to vector<16xi32>
        %add3A_1438 = arith.addi %add3A_1437, %iota3A_1204 : vector<16xi32>
        tpu.vector_store_idx %arg8[%add3A_1438], %select_n3A_1431 : memref<800xi32, #tpu.memory_space<vmem>>[vector<16xi32>], vector<16xi32>,
        %add3A_1439 = arith.constant 164 : i32
        %add3A_1440 = vector.broadcast %add3A_1439 : i32 to vector<16xi32>
        %add3A_1441 = arith.addi %add3A_1440, %iota3A_1204 : vector<16xi32>
        tpu.vector_store_idx %arg8[%add3A_1441], %select_n3A_1435 : memref<800xi32, #tpu.memory_space<vmem>>[vector<16xi32>], vector<16xi32>,
        %add3A_1442 = arith.constant 9 : i32
        %add3A_1443 = vector.broadcast %add3A_1442 : i32 to vector<16xi32>
        %add3A_1444 = arith.addi %mul3A_1207, %add3A_1443 : vector<16xi32>
        %get3A_1445 = arith.constant 9 : i32
        %get3A_1446 = arith.index_cast %get3A_1445 : i32 to index
        %get3A_1447 = arith.constant 0 : index
        %get3A_1448 = tpu.vector_load %arg6[%get3A_1446, %get3A_1447] {strides = array<i32>} : memref<40x128xi32, #tpu.memory_space<vmem>>, vector<16xi32>,
        %get3A_1449 = arith.constant 9 : i32
        %get3A_1450 = arith.index_cast %get3A_1449 : i32 to index
        %get3A_1451 = arith.constant 4 : index
        %get3A_1452 = tpu.vector_load %arg6[%get3A_1450, %get3A_1451] {strides = array<i32>} : memref<40x128xi32, #tpu.memory_space<vmem>>, vector<16xi32>,
        %gather3A_1453 = tpu.vector_load_idx %arg6[%add3A_1444, %mul3A_1207] : memref<40x128xi32, #tpu.memory_space<vmem>>[vector<16xi32>, vector<16xi32>], vector<16xi32>,
        %eq3A_1454 = arith.constant 0 : i32
        %eq3A_1455 = vector.broadcast %eq3A_1454 : i32 to vector<16xi32>
        %eq3A_1456 = arith.cmpi eq, %get3A_1448, %eq3A_1455 : vector<16xi32>
        %select_n3A_1457 = arith.select %eq3A_1456, %gather3A_1453, %get3A_1448 : vector<16xi1>, vector<16xi32>
        %eq3A_1458 = arith.constant 0 : i32
        %eq3A_1459 = vector.broadcast %eq3A_1458 : i32 to vector<16xi32>
        %eq3A_1460 = arith.cmpi eq, %get3A_1452, %eq3A_1459 : vector<16xi32>
        %select_n3A_1461 = arith.select %eq3A_1460, %gather3A_1453, %get3A_1452 : vector<16xi1>, vector<16xi32>
        %add3A_1462 = arith.constant 180 : i32
        %add3A_1463 = vector.broadcast %add3A_1462 : i32 to vector<16xi32>
        %add3A_1464 = arith.addi %add3A_1463, %iota3A_1204 : vector<16xi32>
        tpu.vector_store_idx %arg8[%add3A_1464], %select_n3A_1457 : memref<800xi32, #tpu.memory_space<vmem>>[vector<16xi32>], vector<16xi32>,
        %add3A_1465 = arith.constant 184 : i32
        %add3A_1466 = vector.broadcast %add3A_1465 : i32 to vector<16xi32>
        %add3A_1467 = arith.addi %add3A_1466, %iota3A_1204 : vector<16xi32>
        tpu.vector_store_idx %arg8[%add3A_1467], %select_n3A_1461 : memref<800xi32, #tpu.memory_space<vmem>>[vector<16xi32>], vector<16xi32>,
        %add3A_1468 = arith.constant 10 : i32
        %add3A_1469 = vector.broadcast %add3A_1468 : i32 to vector<16xi32>
        %add3A_1470 = arith.addi %mul3A_1207, %add3A_1469 : vector<16xi32>
        %get3A_1471 = arith.constant 10 : i32
        %get3A_1472 = arith.index_cast %get3A_1471 : i32 to index
        %get3A_1473 = arith.constant 0 : index
        %get3A_1474 = tpu.vector_load %arg6[%get3A_1472, %get3A_1473] {strides = array<i32>} : memref<40x128xi32, #tpu.memory_space<vmem>>, vector<16xi32>,
        %get3A_1475 = arith.constant 10 : i32
        %get3A_1476 = arith.index_cast %get3A_1475 : i32 to index
        %get3A_1477 = arith.constant 4 : index
        %get3A_1478 = tpu.vector_load %arg6[%get3A_1476, %get3A_1477] {strides = array<i32>} : memref<40x128xi32, #tpu.memory_space<vmem>>, vector<16xi32>,
        %gather3A_1479 = tpu.vector_load_idx %arg6[%add3A_1470, %mul3A_1207] : memref<40x128xi32, #tpu.memory_space<vmem>>[vector<16xi32>, vector<16xi32>], vector<16xi32>,
        %eq3A_1480 = arith.constant 0 : i32
        %eq3A_1481 = vector.broadcast %eq3A_1480 : i32 to vector<16xi32>
        %eq3A_1482 = arith.cmpi eq, %get3A_1474, %eq3A_1481 : vector<16xi32>
        %select_n3A_1483 = arith.select %eq3A_1482, %gather3A_1479, %get3A_1474 : vector<16xi1>, vector<16xi32>
        %eq3A_1484 = arith.constant 0 : i32
        %eq3A_1485 = vector.broadcast %eq3A_1484 : i32 to vector<16xi32>
        %eq3A_1486 = arith.cmpi eq, %get3A_1478, %eq3A_1485 : vector<16xi32>
        %select_n3A_1487 = arith.select %eq3A_1486, %gather3A_1479, %get3A_1478 : vector<16xi1>, vector<16xi32>
        %add3A_1488 = arith.constant 200 : i32
        %add3A_1489 = vector.broadcast %add3A_1488 : i32 to vector<16xi32>
        %add3A_1490 = arith.addi %add3A_1489, %iota3A_1204 : vector<16xi32>
        tpu.vector_store_idx %arg8[%add3A_1490], %select_n3A_1483 : memref<800xi32, #tpu.memory_space<vmem>>[vector<16xi32>], vector<16xi32>,
        %add3A_1491 = arith.constant 204 : i32
        %add3A_1492 = vector.broadcast %add3A_1491 : i32 to vector<16xi32>
        %add3A_1493 = arith.addi %add3A_1492, %iota3A_1204 : vector<16xi32>
        tpu.vector_store_idx %arg8[%add3A_1493], %select_n3A_1487 : memref<800xi32, #tpu.memory_space<vmem>>[vector<16xi32>], vector<16xi32>,
        %add3A_1494 = arith.constant 11 : i32
        %add3A_1495 = vector.broadcast %add3A_1494 : i32 to vector<16xi32>
        %add3A_1496 = arith.addi %mul3A_1207, %add3A_1495 : vector<16xi32>
        %get3A_1497 = arith.constant 11 : i32
        %get3A_1498 = arith.index_cast %get3A_1497 : i32 to index
        %get3A_1499 = arith.constant 0 : index
        %get3A_1500 = tpu.vector_load %arg6[%get3A_1498, %get3A_1499] {strides = array<i32>} : memref<40x128xi32, #tpu.memory_space<vmem>>, vector<16xi32>,
        %get3A_1501 = arith.constant 11 : i32
        %get3A_1502 = arith.index_cast %get3A_1501 : i32 to index
        %get3A_1503 = arith.constant 4 : index
        %get3A_1504 = tpu.vector_load %arg6[%get3A_1502, %get3A_1503] {strides = array<i32>} : memref<40x128xi32, #tpu.memory_space<vmem>>, vector<16xi32>,
        %gather3A_1505 = tpu.vector_load_idx %arg6[%add3A_1496, %mul3A_1207] : memref<40x128xi32, #tpu.memory_space<vmem>>[vector<16xi32>, vector<16xi32>], vector<16xi32>,
        %eq3A_1506 = arith.constant 0 : i32
        %eq3A_1507 = vector.broadcast %eq3A_1506 : i32 to vector<16xi32>
        %eq3A_1508 = arith.cmpi eq, %get3A_1500, %eq3A_1507 : vector<16xi32>
        %select_n3A_1509 = arith.select %eq3A_1508, %gather3A_1505, %get3A_1500 : vector<16xi1>, vector<16xi32>
        %eq3A_1510 = arith.constant 0 : i32
        %eq3A_1511 = vector.broadcast %eq3A_1510 : i32 to vector<16xi32>
        %eq3A_1512 = arith.cmpi eq, %get3A_1504, %eq3A_1511 : vector<16xi32>
        %select_n3A_1513 = arith.select %eq3A_1512, %gather3A_1505, %get3A_1504 : vector<16xi1>, vector<16xi32>
        %add3A_1514 = arith.constant 220 : i32
        %add3A_1515 = vector.broadcast %add3A_1514 : i32 to vector<16xi32>
        %add3A_1516 = arith.addi %add3A_1515, %iota3A_1204 : vector<16xi32>
        tpu.vector_store_idx %arg8[%add3A_1516], %select_n3A_1509 : memref<800xi32, #tpu.memory_space<vmem>>[vector<16xi32>], vector<16xi32>,
        %add3A_1517 = arith.constant 224 : i32
        %add3A_1518 = vector.broadcast %add3A_1517 : i32 to vector<16xi32>
        %add3A_1519 = arith.addi %add3A_1518, %iota3A_1204 : vector<16xi32>
        tpu.vector_store_idx %arg8[%add3A_1519], %select_n3A_1513 : memref<800xi32, #tpu.memory_space<vmem>>[vector<16xi32>], vector<16xi32>,
        %add3A_1520 = arith.constant 12 : i32
        %add3A_1521 = vector.broadcast %add3A_1520 : i32 to vector<16xi32>
        %add3A_1522 = arith.addi %mul3A_1207, %add3A_1521 : vector<16xi32>
        %get3A_1523 = arith.constant 12 : i32
        %get3A_1524 = arith.index_cast %get3A_1523 : i32 to index
        %get3A_1525 = arith.constant 0 : index
        %get3A_1526 = tpu.vector_load %arg6[%get3A_1524, %get3A_1525] {strides = array<i32>} : memref<40x128xi32, #tpu.memory_space<vmem>>, vector<16xi32>,
        %get3A_1527 = arith.constant 12 : i32
        %get3A_1528 = arith.index_cast %get3A_1527 : i32 to index
        %get3A_1529 = arith.constant 4 : index
        %get3A_1530 = tpu.vector_load %arg6[%get3A_1528, %get3A_1529] {strides = array<i32>} : memref<40x128xi32, #tpu.memory_space<vmem>>, vector<16xi32>,
        %gather3A_1531 = tpu.vector_load_idx %arg6[%add3A_1522, %mul3A_1207] : memref<40x128xi32, #tpu.memory_space<vmem>>[vector<16xi32>, vector<16xi32>], vector<16xi32>,
        %eq3A_1532 = arith.constant 0 : i32
        %eq3A_1533 = vector.broadcast %eq3A_1532 : i32 to vector<16xi32>
        %eq3A_1534 = arith.cmpi eq, %get3A_1526, %eq3A_1533 : vector<16xi32>
        %select_n3A_1535 = arith.select %eq3A_1534, %gather3A_1531, %get3A_1526 : vector<16xi1>, vector<16xi32>
        %eq3A_1536 = arith.constant 0 : i32
        %eq3A_1537 = vector.broadcast %eq3A_1536 : i32 to vector<16xi32>
        %eq3A_1538 = arith.cmpi eq, %get3A_1530, %eq3A_1537 : vector<16xi32>
        %select_n3A_1539 = arith.select %eq3A_1538, %gather3A_1531, %get3A_1530 : vector<16xi1>, vector<16xi32>
        %add3A_1540 = arith.constant 240 : i32
        %add3A_1541 = vector.broadcast %add3A_1540 : i32 to vector<16xi32>
        %add3A_1542 = arith.addi %add3A_1541, %iota3A_1204 : vector<16xi32>
        tpu.vector_store_idx %arg8[%add3A_1542], %select_n3A_1535 : memref<800xi32, #tpu.memory_space<vmem>>[vector<16xi32>], vector<16xi32>,
        %add3A_1543 = arith.constant 244 : i32
        %add3A_1544 = vector.broadcast %add3A_1543 : i32 to vector<16xi32>
        %add3A_1545 = arith.addi %add3A_1544, %iota3A_1204 : vector<16xi32>
        tpu.vector_store_idx %arg8[%add3A_1545], %select_n3A_1539 : memref<800xi32, #tpu.memory_space<vmem>>[vector<16xi32>], vector<16xi32>,
        %add3A_1546 = arith.constant 13 : i32
        %add3A_1547 = vector.broadcast %add3A_1546 : i32 to vector<16xi32>
        %add3A_1548 = arith.addi %mul3A_1207, %add3A_1547 : vector<16xi32>
        %get3A_1549 = arith.constant 13 : i32
        %get3A_1550 = arith.index_cast %get3A_1549 : i32 to index
        %get3A_1551 = arith.constant 0 : index
        %get3A_1552 = tpu.vector_load %arg6[%get3A_1550, %get3A_1551] {strides = array<i32>} : memref<40x128xi32, #tpu.memory_space<vmem>>, vector<16xi32>,
        %get3A_1553 = arith.constant 13 : i32
        %get3A_1554 = arith.index_cast %get3A_1553 : i32 to index
        %get3A_1555 = arith.constant 4 : index
        %get3A_1556 = tpu.vector_load %arg6[%get3A_1554, %get3A_1555] {strides = array<i32>} : memref<40x128xi32, #tpu.memory_space<vmem>>, vector<16xi32>,
        %gather3A_1557 = tpu.vector_load_idx %arg6[%add3A_1548, %mul3A_1207] : memref<40x128xi32, #tpu.memory_space<vmem>>[vector<16xi32>, vector<16xi32>], vector<16xi32>,
        %eq3A_1558 = arith.constant 0 : i32
        %eq3A_1559 = vector.broadcast %eq3A_1558 : i32 to vector<16xi32>
        %eq3A_1560 = arith.cmpi eq, %get3A_1552, %eq3A_1559 : vector<16xi32>
        %select_n3A_1561 = arith.select %eq3A_1560, %gather3A_1557, %get3A_1552 : vector<16xi1>, vector<16xi32>
        %eq3A_1562 = arith.constant 0 : i32
        %eq3A_1563 = vector.broadcast %eq3A_1562 : i32 to vector<16xi32>
        %eq3A_1564 = arith.cmpi eq, %get3A_1556, %eq3A_1563 : vector<16xi32>
        %select_n3A_1565 = arith.select %eq3A_1564, %gather3A_1557, %get3A_1556 : vector<16xi1>, vector<16xi32>
        %add3A_1566 = arith.constant 260 : i32
        %add3A_1567 = vector.broadcast %add3A_1566 : i32 to vector<16xi32>
        %add3A_1568 = arith.addi %add3A_1567, %iota3A_1204 : vector<16xi32>
        tpu.vector_store_idx %arg8[%add3A_1568], %select_n3A_1561 : memref<800xi32, #tpu.memory_space<vmem>>[vector<16xi32>], vector<16xi32>,
        %add3A_1569 = arith.constant 264 : i32
        %add3A_1570 = vector.broadcast %add3A_1569 : i32 to vector<16xi32>
        %add3A_1571 = arith.addi %add3A_1570, %iota3A_1204 : vector<16xi32>
        tpu.vector_store_idx %arg8[%add3A_1571], %select_n3A_1565 : memref<800xi32, #tpu.memory_space<vmem>>[vector<16xi32>], vector<16xi32>,
        %add3A_1572 = arith.constant 14 : i32
        %add3A_1573 = vector.broadcast %add3A_1572 : i32 to vector<16xi32>
        %add3A_1574 = arith.addi %mul3A_1207, %add3A_1573 : vector<16xi32>
        %get3A_1575 = arith.constant 14 : i32
        %get3A_1576 = arith.index_cast %get3A_1575 : i32 to index
        %get3A_1577 = arith.constant 0 : index
        %get3A_1578 = tpu.vector_load %arg6[%get3A_1576, %get3A_1577] {strides = array<i32>} : memref<40x128xi32, #tpu.memory_space<vmem>>, vector<16xi32>,
        %get3A_1579 = arith.constant 14 : i32
        %get3A_1580 = arith.index_cast %get3A_1579 : i32 to index
        %get3A_1581 = arith.constant 4 : index
        %get3A_1582 = tpu.vector_load %arg6[%get3A_1580, %get3A_1581] {strides = array<i32>} : memref<40x128xi32, #tpu.memory_space<vmem>>, vector<16xi32>,
        %gather3A_1583 = tpu.vector_load_idx %arg6[%add3A_1574, %mul3A_1207] : memref<40x128xi32, #tpu.memory_space<vmem>>[vector<16xi32>, vector<16xi32>], vector<16xi32>,
        %eq3A_1584 = arith.constant 0 : i32
        %eq3A_1585 = vector.broadcast %eq3A_1584 : i32 to vector<16xi32>
        %eq3A_1586 = arith.cmpi eq, %get3A_1578, %eq3A_1585 : vector<16xi32>
        %select_n3A_1587 = arith.select %eq3A_1586, %gather3A_1583, %get3A_1578 : vector<16xi1>, vector<16xi32>
        %eq3A_1588 = arith.constant 0 : i32
        %eq3A_1589 = vector.broadcast %eq3A_1588 : i32 to vector<16xi32>
        %eq3A_1590 = arith.cmpi eq, %get3A_1582, %eq3A_1589 : vector<16xi32>
        %select_n3A_1591 = arith.select %eq3A_1590, %gather3A_1583, %get3A_1582 : vector<16xi1>, vector<16xi32>
        %add3A_1592 = arith.constant 280 : i32
        %add3A_1593 = vector.broadcast %add3A_1592 : i32 to vector<16xi32>
        %add3A_1594 = arith.addi %add3A_1593, %iota3A_1204 : vector<16xi32>
        tpu.vector_store_idx %arg8[%add3A_1594], %select_n3A_1587 : memref<800xi32, #tpu.memory_space<vmem>>[vector<16xi32>], vector<16xi32>,
        %add3A_1595 = arith.constant 284 : i32
        %add3A_1596 = vector.broadcast %add3A_1595 : i32 to vector<16xi32>
        %add3A_1597 = arith.addi %add3A_1596, %iota3A_1204 : vector<16xi32>
        tpu.vector_store_idx %arg8[%add3A_1597], %select_n3A_1591 : memref<800xi32, #tpu.memory_space<vmem>>[vector<16xi32>], vector<16xi32>,
        %add3A_1598 = arith.constant 15 : i32
        %add3A_1599 = vector.broadcast %add3A_1598 : i32 to vector<16xi32>
        %add3A_1600 = arith.addi %mul3A_1207, %add3A_1599 : vector<16xi32>
        %get3A_1601 = arith.constant 15 : i32
        %get3A_1602 = arith.index_cast %get3A_1601 : i32 to index
        %get3A_1603 = arith.constant 0 : index
        %get3A_1604 = tpu.vector_load %arg6[%get3A_1602, %get3A_1603] {strides = array<i32>} : memref<40x128xi32, #tpu.memory_space<vmem>>, vector<16xi32>,
        %get3A_1605 = arith.constant 15 : i32
        %get3A_1606 = arith.index_cast %get3A_1605 : i32 to index
        %get3A_1607 = arith.constant 4 : index
        %get3A_1608 = tpu.vector_load %arg6[%get3A_1606, %get3A_1607] {strides = array<i32>} : memref<40x128xi32, #tpu.memory_space<vmem>>, vector<16xi32>,
        %gather3A_1609 = tpu.vector_load_idx %arg6[%add3A_1600, %mul3A_1207] : memref<40x128xi32, #tpu.memory_space<vmem>>[vector<16xi32>, vector<16xi32>], vector<16xi32>,
        %eq3A_1610 = arith.constant 0 : i32
        %eq3A_1611 = vector.broadcast %eq3A_1610 : i32 to vector<16xi32>
        %eq3A_1612 = arith.cmpi eq, %get3A_1604, %eq3A_1611 : vector<16xi32>
        %select_n3A_1613 = arith.select %eq3A_1612, %gather3A_1609, %get3A_1604 : vector<16xi1>, vector<16xi32>
        %eq3A_1614 = arith.constant 0 : i32
        %eq3A_1615 = vector.broadcast %eq3A_1614 : i32 to vector<16xi32>
        %eq3A_1616 = arith.cmpi eq, %get3A_1608, %eq3A_1615 : vector<16xi32>
        %select_n3A_1617 = arith.select %eq3A_1616, %gather3A_1609, %get3A_1608 : vector<16xi1>, vector<16xi32>
        %add3A_1618 = arith.constant 300 : i32
        %add3A_1619 = vector.broadcast %add3A_1618 : i32 to vector<16xi32>
        %add3A_1620 = arith.addi %add3A_1619, %iota3A_1204 : vector<16xi32>
        tpu.vector_store_idx %arg8[%add3A_1620], %select_n3A_1613 : memref<800xi32, #tpu.memory_space<vmem>>[vector<16xi32>], vector<16xi32>,
        %add3A_1621 = arith.constant 304 : i32
        %add3A_1622 = vector.broadcast %add3A_1621 : i32 to vector<16xi32>
        %add3A_1623 = arith.addi %add3A_1622, %iota3A_1204 : vector<16xi32>
        tpu.vector_store_idx %arg8[%add3A_1623], %select_n3A_1617 : memref<800xi32, #tpu.memory_space<vmem>>[vector<16xi32>], vector<16xi32>,
        %add3A_1624 = arith.constant 16 : i32
        %add3A_1625 = vector.broadcast %add3A_1624 : i32 to vector<16xi32>
        %add3A_1626 = arith.addi %mul3A_1207, %add3A_1625 : vector<16xi32>
        %get3A_1627 = arith.constant 16 : i32
        %get3A_1628 = arith.index_cast %get3A_1627 : i32 to index
        %get3A_1629 = arith.constant 0 : index
        %get3A_1630 = tpu.vector_load %arg6[%get3A_1628, %get3A_1629] {strides = array<i32>} : memref<40x128xi32, #tpu.memory_space<vmem>>, vector<16xi32>,
        %get3A_1631 = arith.constant 16 : i32
        %get3A_1632 = arith.index_cast %get3A_1631 : i32 to index
        %get3A_1633 = arith.constant 4 : index
        %get3A_1634 = tpu.vector_load %arg6[%get3A_1632, %get3A_1633] {strides = array<i32>} : memref<40x128xi32, #tpu.memory_space<vmem>>, vector<16xi32>,
        %gather3A_1635 = tpu.vector_load_idx %arg6[%add3A_1626, %mul3A_1207] : memref<40x128xi32, #tpu.memory_space<vmem>>[vector<16xi32>, vector<16xi32>], vector<16xi32>,
        %eq3A_1636 = arith.constant 0 : i32
        %eq3A_1637 = vector.broadcast %eq3A_1636 : i32 to vector<16xi32>
        %eq3A_1638 = arith.cmpi eq, %get3A_1630, %eq3A_1637 : vector<16xi32>
        %select_n3A_1639 = arith.select %eq3A_1638, %gather3A_1635, %get3A_1630 : vector<16xi1>, vector<16xi32>
        %eq3A_1640 = arith.constant 0 : i32
        %eq3A_1641 = vector.broadcast %eq3A_1640 : i32 to vector<16xi32>
        %eq3A_1642 = arith.cmpi eq, %get3A_1634, %eq3A_1641 : vector<16xi32>
        %select_n3A_1643 = arith.select %eq3A_1642, %gather3A_1635, %get3A_1634 : vector<16xi1>, vector<16xi32>
        %add3A_1644 = arith.constant 320 : i32
        %add3A_1645 = vector.broadcast %add3A_1644 : i32 to vector<16xi32>
        %add3A_1646 = arith.addi %add3A_1645, %iota3A_1204 : vector<16xi32>
        tpu.vector_store_idx %arg8[%add3A_1646], %select_n3A_1639 : memref<800xi32, #tpu.memory_space<vmem>>[vector<16xi32>], vector<16xi32>,
        %add3A_1647 = arith.constant 324 : i32
        %add3A_1648 = vector.broadcast %add3A_1647 : i32 to vector<16xi32>
        %add3A_1649 = arith.addi %add3A_1648, %iota3A_1204 : vector<16xi32>
        tpu.vector_store_idx %arg8[%add3A_1649], %select_n3A_1643 : memref<800xi32, #tpu.memory_space<vmem>>[vector<16xi32>], vector<16xi32>,
        %add3A_1650 = arith.constant 17 : i32
        %add3A_1651 = vector.broadcast %add3A_1650 : i32 to vector<16xi32>
        %add3A_1652 = arith.addi %mul3A_1207, %add3A_1651 : vector<16xi32>
        %get3A_1653 = arith.constant 17 : i32
        %get3A_1654 = arith.index_cast %get3A_1653 : i32 to index
        %get3A_1655 = arith.constant 0 : index
        %get3A_1656 = tpu.vector_load %arg6[%get3A_1654, %get3A_1655] {strides = array<i32>} : memref<40x128xi32, #tpu.memory_space<vmem>>, vector<16xi32>,
        %get3A_1657 = arith.constant 17 : i32
        %get3A_1658 = arith.index_cast %get3A_1657 : i32 to index
        %get3A_1659 = arith.constant 4 : index
        %get3A_1660 = tpu.vector_load %arg6[%get3A_1658, %get3A_1659] {strides = array<i32>} : memref<40x128xi32, #tpu.memory_space<vmem>>, vector<16xi32>,
        %gather3A_1661 = tpu.vector_load_idx %arg6[%add3A_1652, %mul3A_1207] : memref<40x128xi32, #tpu.memory_space<vmem>>[vector<16xi32>, vector<16xi32>], vector<16xi32>,
        %eq3A_1662 = arith.constant 0 : i32
        %eq3A_1663 = vector.broadcast %eq3A_1662 : i32 to vector<16xi32>
        %eq3A_1664 = arith.cmpi eq, %get3A_1656, %eq3A_1663 : vector<16xi32>
        %select_n3A_1665 = arith.select %eq3A_1664, %gather3A_1661, %get3A_1656 : vector<16xi1>, vector<16xi32>
        %eq3A_1666 = arith.constant 0 : i32
        %eq3A_1667 = vector.broadcast %eq3A_1666 : i32 to vector<16xi32>
        %eq3A_1668 = arith.cmpi eq, %get3A_1660, %eq3A_1667 : vector<16xi32>
        %select_n3A_1669 = arith.select %eq3A_1668, %gather3A_1661, %get3A_1660 : vector<16xi1>, vector<16xi32>
        %add3A_1670 = arith.constant 340 : i32
        %add3A_1671 = vector.broadcast %add3A_1670 : i32 to vector<16xi32>
        %add3A_1672 = arith.addi %add3A_1671, %iota3A_1204 : vector<16xi32>
        tpu.vector_store_idx %arg8[%add3A_1672], %select_n3A_1665 : memref<800xi32, #tpu.memory_space<vmem>>[vector<16xi32>], vector<16xi32>,
        %add3A_1673 = arith.constant 344 : i32
        %add3A_1674 = vector.broadcast %add3A_1673 : i32 to vector<16xi32>
        %add3A_1675 = arith.addi %add3A_1674, %iota3A_1204 : vector<16xi32>
        tpu.vector_store_idx %arg8[%add3A_1675], %select_n3A_1669 : memref<800xi32, #tpu.memory_space<vmem>>[vector<16xi32>], vector<16xi32>,
        %add3A_1676 = arith.constant 18 : i32
        %add3A_1677 = vector.broadcast %add3A_1676 : i32 to vector<16xi32>
        %add3A_1678 = arith.addi %mul3A_1207, %add3A_1677 : vector<16xi32>
        %get3A_1679 = arith.constant 18 : i32
        %get3A_1680 = arith.index_cast %get3A_1679 : i32 to index
        %get3A_1681 = arith.constant 0 : index
        %get3A_1682 = tpu.vector_load %arg6[%get3A_1680, %get3A_1681] {strides = array<i32>} : memref<40x128xi32, #tpu.memory_space<vmem>>, vector<16xi32>,
        %get3A_1683 = arith.constant 18 : i32
        %get3A_1684 = arith.index_cast %get3A_1683 : i32 to index
        %get3A_1685 = arith.constant 4 : index
        %get3A_1686 = tpu.vector_load %arg6[%get3A_1684, %get3A_1685] {strides = array<i32>} : memref<40x128xi32, #tpu.memory_space<vmem>>, vector<16xi32>,
        %gather3A_1687 = tpu.vector_load_idx %arg6[%add3A_1678, %mul3A_1207] : memref<40x128xi32, #tpu.memory_space<vmem>>[vector<16xi32>, vector<16xi32>], vector<16xi32>,
        %eq3A_1688 = arith.constant 0 : i32
        %eq3A_1689 = vector.broadcast %eq3A_1688 : i32 to vector<16xi32>
        %eq3A_1690 = arith.cmpi eq, %get3A_1682, %eq3A_1689 : vector<16xi32>
        %select_n3A_1691 = arith.select %eq3A_1690, %gather3A_1687, %get3A_1682 : vector<16xi1>, vector<16xi32>
        %eq3A_1692 = arith.constant 0 : i32
        %eq3A_1693 = vector.broadcast %eq3A_1692 : i32 to vector<16xi32>
        %eq3A_1694 = arith.cmpi eq, %get3A_1686, %eq3A_1693 : vector<16xi32>
        %select_n3A_1695 = arith.select %eq3A_1694, %gather3A_1687, %get3A_1686 : vector<16xi1>, vector<16xi32>
        %add3A_1696 = arith.constant 360 : i32
        %add3A_1697 = vector.broadcast %add3A_1696 : i32 to vector<16xi32>
        %add3A_1698 = arith.addi %add3A_1697, %iota3A_1204 : vector<16xi32>
        tpu.vector_store_idx %arg8[%add3A_1698], %select_n3A_1691 : memref<800xi32, #tpu.memory_space<vmem>>[vector<16xi32>], vector<16xi32>,
        %add3A_1699 = arith.constant 364 : i32
        %add3A_1700 = vector.broadcast %add3A_1699 : i32 to vector<16xi32>
        %add3A_1701 = arith.addi %add3A_1700, %iota3A_1204 : vector<16xi32>
        tpu.vector_store_idx %arg8[%add3A_1701], %select_n3A_1695 : memref<800xi32, #tpu.memory_space<vmem>>[vector<16xi32>], vector<16xi32>,
        %add3A_1702 = arith.constant 19 : i32
        %add3A_1703 = vector.broadcast %add3A_1702 : i32 to vector<16xi32>
        %add3A_1704 = arith.addi %mul3A_1207, %add3A_1703 : vector<16xi32>
        %get3A_1705 = arith.constant 19 : i32
        %get3A_1706 = arith.index_cast %get3A_1705 : i32 to index
        %get3A_1707 = arith.constant 0 : index
        %get3A_1708 = tpu.vector_load %arg6[%get3A_1706, %get3A_1707] {strides = array<i32>} : memref<40x128xi32, #tpu.memory_space<vmem>>, vector<16xi32>,
        %get3A_1709 = arith.constant 19 : i32
        %get3A_1710 = arith.index_cast %get3A_1709 : i32 to index
        %get3A_1711 = arith.constant 4 : index
        %get3A_1712 = tpu.vector_load %arg6[%get3A_1710, %get3A_1711] {strides = array<i32>} : memref<40x128xi32, #tpu.memory_space<vmem>>, vector<16xi32>,
        %gather3A_1713 = tpu.vector_load_idx %arg6[%add3A_1704, %mul3A_1207] : memref<40x128xi32, #tpu.memory_space<vmem>>[vector<16xi32>, vector<16xi32>], vector<16xi32>,
        %eq3A_1714 = arith.constant 0 : i32
        %eq3A_1715 = vector.broadcast %eq3A_1714 : i32 to vector<16xi32>
        %eq3A_1716 = arith.cmpi eq, %get3A_1708, %eq3A_1715 : vector<16xi32>
        %select_n3A_1717 = arith.select %eq3A_1716, %gather3A_1713, %get3A_1708 : vector<16xi1>, vector<16xi32>
        %eq3A_1718 = arith.constant 0 : i32
        %eq3A_1719 = vector.broadcast %eq3A_1718 : i32 to vector<16xi32>
        %eq3A_1720 = arith.cmpi eq, %get3A_1712, %eq3A_1719 : vector<16xi32>
        %select_n3A_1721 = arith.select %eq3A_1720, %gather3A_1713, %get3A_1712 : vector<16xi1>, vector<16xi32>
        %add3A_1722 = arith.constant 380 : i32
        %add3A_1723 = vector.broadcast %add3A_1722 : i32 to vector<16xi32>
        %add3A_1724 = arith.addi %add3A_1723, %iota3A_1204 : vector<16xi32>
        tpu.vector_store_idx %arg8[%add3A_1724], %select_n3A_1717 : memref<800xi32, #tpu.memory_space<vmem>>[vector<16xi32>], vector<16xi32>,
        %add3A_1725 = arith.constant 384 : i32
        %add3A_1726 = vector.broadcast %add3A_1725 : i32 to vector<16xi32>
        %add3A_1727 = arith.addi %add3A_1726, %iota3A_1204 : vector<16xi32>
        tpu.vector_store_idx %arg8[%add3A_1727], %select_n3A_1721 : memref<800xi32, #tpu.memory_space<vmem>>[vector<16xi32>], vector<16xi32>,
        %add3A_1728 = arith.constant 20 : i32
        %add3A_1729 = vector.broadcast %add3A_1728 : i32 to vector<16xi32>
        %add3A_1730 = arith.addi %mul3A_1207, %add3A_1729 : vector<16xi32>
        %get3A_1731 = arith.constant 20 : i32
        %get3A_1732 = arith.index_cast %get3A_1731 : i32 to index
        %get3A_1733 = arith.constant 0 : index
        %get3A_1734 = tpu.vector_load %arg6[%get3A_1732, %get3A_1733] {strides = array<i32>} : memref<40x128xi32, #tpu.memory_space<vmem>>, vector<16xi32>,
        %get3A_1735 = arith.constant 20 : i32
        %get3A_1736 = arith.index_cast %get3A_1735 : i32 to index
        %get3A_1737 = arith.constant 4 : index
        %get3A_1738 = tpu.vector_load %arg6[%get3A_1736, %get3A_1737] {strides = array<i32>} : memref<40x128xi32, #tpu.memory_space<vmem>>, vector<16xi32>,
        %gather3A_1739 = tpu.vector_load_idx %arg6[%add3A_1730, %mul3A_1207] : memref<40x128xi32, #tpu.memory_space<vmem>>[vector<16xi32>, vector<16xi32>], vector<16xi32>,
        %eq3A_1740 = arith.constant 0 : i32
        %eq3A_1741 = vector.broadcast %eq3A_1740 : i32 to vector<16xi32>
        %eq3A_1742 = arith.cmpi eq, %get3A_1734, %eq3A_1741 : vector<16xi32>
        %select_n3A_1743 = arith.select %eq3A_1742, %gather3A_1739, %get3A_1734 : vector<16xi1>, vector<16xi32>
        %eq3A_1744 = arith.constant 0 : i32
        %eq3A_1745 = vector.broadcast %eq3A_1744 : i32 to vector<16xi32>
        %eq3A_1746 = arith.cmpi eq, %get3A_1738, %eq3A_1745 : vector<16xi32>
        %select_n3A_1747 = arith.select %eq3A_1746, %gather3A_1739, %get3A_1738 : vector<16xi1>, vector<16xi32>
        %add3A_1748 = arith.constant 400 : i32
        %add3A_1749 = vector.broadcast %add3A_1748 : i32 to vector<16xi32>
        %add3A_1750 = arith.addi %add3A_1749, %iota3A_1204 : vector<16xi32>
        tpu.vector_store_idx %arg8[%add3A_1750], %select_n3A_1743 : memref<800xi32, #tpu.memory_space<vmem>>[vector<16xi32>], vector<16xi32>,
        %add3A_1751 = arith.constant 404 : i32
        %add3A_1752 = vector.broadcast %add3A_1751 : i32 to vector<16xi32>
        %add3A_1753 = arith.addi %add3A_1752, %iota3A_1204 : vector<16xi32>
        tpu.vector_store_idx %arg8[%add3A_1753], %select_n3A_1747 : memref<800xi32, #tpu.memory_space<vmem>>[vector<16xi32>], vector<16xi32>,
        %add3A_1754 = arith.constant 21 : i32
        %add3A_1755 = vector.broadcast %add3A_1754 : i32 to vector<16xi32>
        %add3A_1756 = arith.addi %mul3A_1207, %add3A_1755 : vector<16xi32>
        %get3A_1757 = arith.constant 21 : i32
        %get3A_1758 = arith.index_cast %get3A_1757 : i32 to index
        %get3A_1759 = arith.constant 0 : index
        %get3A_1760 = tpu.vector_load %arg6[%get3A_1758, %get3A_1759] {strides = array<i32>} : memref<40x128xi32, #tpu.memory_space<vmem>>, vector<16xi32>,
        %get3A_1761 = arith.constant 21 : i32
        %get3A_1762 = arith.index_cast %get3A_1761 : i32 to index
        %get3A_1763 = arith.constant 4 : index
        %get3A_1764 = tpu.vector_load %arg6[%get3A_1762, %get3A_1763] {strides = array<i32>} : memref<40x128xi32, #tpu.memory_space<vmem>>, vector<16xi32>,
        %gather3A_1765 = tpu.vector_load_idx %arg6[%add3A_1756, %mul3A_1207] : memref<40x128xi32, #tpu.memory_space<vmem>>[vector<16xi32>, vector<16xi32>], vector<16xi32>,
        %eq3A_1766 = arith.constant 0 : i32
        %eq3A_1767 = vector.broadcast %eq3A_1766 : i32 to vector<16xi32>
        %eq3A_1768 = arith.cmpi eq, %get3A_1760, %eq3A_1767 : vector<16xi32>
        %select_n3A_1769 = arith.select %eq3A_1768, %gather3A_1765, %get3A_1760 : vector<16xi1>, vector<16xi32>
        %eq3A_1770 = arith.constant 0 : i32
        %eq3A_1771 = vector.broadcast %eq3A_1770 : i32 to vector<16xi32>
        %eq3A_1772 = arith.cmpi eq, %get3A_1764, %eq3A_1771 : vector<16xi32>
        %select_n3A_1773 = arith.select %eq3A_1772, %gather3A_1765, %get3A_1764 : vector<16xi1>, vector<16xi32>
        %add3A_1774 = arith.constant 420 : i32
        %add3A_1775 = vector.broadcast %add3A_1774 : i32 to vector<16xi32>
        %add3A_1776 = arith.addi %add3A_1775, %iota3A_1204 : vector<16xi32>
        tpu.vector_store_idx %arg8[%add3A_1776], %select_n3A_1769 : memref<800xi32, #tpu.memory_space<vmem>>[vector<16xi32>], vector<16xi32>,
        %add3A_1777 = arith.constant 424 : i32
        %add3A_1778 = vector.broadcast %add3A_1777 : i32 to vector<16xi32>
        %add3A_1779 = arith.addi %add3A_1778, %iota3A_1204 : vector<16xi32>
        tpu.vector_store_idx %arg8[%add3A_1779], %select_n3A_1773 : memref<800xi32, #tpu.memory_space<vmem>>[vector<16xi32>], vector<16xi32>,
        %add3A_1780 = arith.constant 22 : i32
        %add3A_1781 = vector.broadcast %add3A_1780 : i32 to vector<16xi32>
        %add3A_1782 = arith.addi %mul3A_1207, %add3A_1781 : vector<16xi32>
        %get3A_1783 = arith.constant 22 : i32
        %get3A_1784 = arith.index_cast %get3A_1783 : i32 to index
        %get3A_1785 = arith.constant 0 : index
        %get3A_1786 = tpu.vector_load %arg6[%get3A_1784, %get3A_1785] {strides = array<i32>} : memref<40x128xi32, #tpu.memory_space<vmem>>, vector<16xi32>,
        %get3A_1787 = arith.constant 22 : i32
        %get3A_1788 = arith.index_cast %get3A_1787 : i32 to index
        %get3A_1789 = arith.constant 4 : index
        %get3A_1790 = tpu.vector_load %arg6[%get3A_1788, %get3A_1789] {strides = array<i32>} : memref<40x128xi32, #tpu.memory_space<vmem>>, vector<16xi32>,
        %gather3A_1791 = tpu.vector_load_idx %arg6[%add3A_1782, %mul3A_1207] : memref<40x128xi32, #tpu.memory_space<vmem>>[vector<16xi32>, vector<16xi32>], vector<16xi32>,
        %eq3A_1792 = arith.constant 0 : i32
        %eq3A_1793 = vector.broadcast %eq3A_1792 : i32 to vector<16xi32>
        %eq3A_1794 = arith.cmpi eq, %get3A_1786, %eq3A_1793 : vector<16xi32>
        %select_n3A_1795 = arith.select %eq3A_1794, %gather3A_1791, %get3A_1786 : vector<16xi1>, vector<16xi32>
        %eq3A_1796 = arith.constant 0 : i32
        %eq3A_1797 = vector.broadcast %eq3A_1796 : i32 to vector<16xi32>
        %eq3A_1798 = arith.cmpi eq, %get3A_1790, %eq3A_1797 : vector<16xi32>
        %select_n3A_1799 = arith.select %eq3A_1798, %gather3A_1791, %get3A_1790 : vector<16xi1>, vector<16xi32>
        %add3A_1800 = arith.constant 440 : i32
        %add3A_1801 = vector.broadcast %add3A_1800 : i32 to vector<16xi32>
        %add3A_1802 = arith.addi %add3A_1801, %iota3A_1204 : vector<16xi32>
        tpu.vector_store_idx %arg8[%add3A_1802], %select_n3A_1795 : memref<800xi32, #tpu.memory_space<vmem>>[vector<16xi32>], vector<16xi32>,
        %add3A_1803 = arith.constant 444 : i32
        %add3A_1804 = vector.broadcast %add3A_1803 : i32 to vector<16xi32>
        %add3A_1805 = arith.addi %add3A_1804, %iota3A_1204 : vector<16xi32>
        tpu.vector_store_idx %arg8[%add3A_1805], %select_n3A_1799 : memref<800xi32, #tpu.memory_space<vmem>>[vector<16xi32>], vector<16xi32>,
        %add3A_1806 = arith.constant 23 : i32
        %add3A_1807 = vector.broadcast %add3A_1806 : i32 to vector<16xi32>
        %add3A_1808 = arith.addi %mul3A_1207, %add3A_1807 : vector<16xi32>
        %get3A_1809 = arith.constant 23 : i32
        %get3A_1810 = arith.index_cast %get3A_1809 : i32 to index
        %get3A_1811 = arith.constant 0 : index
        %get3A_1812 = tpu.vector_load %arg6[%get3A_1810, %get3A_1811] {strides = array<i32>} : memref<40x128xi32, #tpu.memory_space<vmem>>, vector<16xi32>,
        %get3A_1813 = arith.constant 23 : i32
        %get3A_1814 = arith.index_cast %get3A_1813 : i32 to index
        %get3A_1815 = arith.constant 4 : index
        %get3A_1816 = tpu.vector_load %arg6[%get3A_1814, %get3A_1815] {strides = array<i32>} : memref<40x128xi32, #tpu.memory_space<vmem>>, vector<16xi32>,
        %gather3A_1817 = tpu.vector_load_idx %arg6[%add3A_1808, %mul3A_1207] : memref<40x128xi32, #tpu.memory_space<vmem>>[vector<16xi32>, vector<16xi32>], vector<16xi32>,
        %eq3A_1818 = arith.constant 0 : i32
        %eq3A_1819 = vector.broadcast %eq3A_1818 : i32 to vector<16xi32>
        %eq3A_1820 = arith.cmpi eq, %get3A_1812, %eq3A_1819 : vector<16xi32>
        %select_n3A_1821 = arith.select %eq3A_1820, %gather3A_1817, %get3A_1812 : vector<16xi1>, vector<16xi32>
        %eq3A_1822 = arith.constant 0 : i32
        %eq3A_1823 = vector.broadcast %eq3A_1822 : i32 to vector<16xi32>
        %eq3A_1824 = arith.cmpi eq, %get3A_1816, %eq3A_1823 : vector<16xi32>
        %select_n3A_1825 = arith.select %eq3A_1824, %gather3A_1817, %get3A_1816 : vector<16xi1>, vector<16xi32>
        %add3A_1826 = arith.constant 460 : i32
        %add3A_1827 = vector.broadcast %add3A_1826 : i32 to vector<16xi32>
        %add3A_1828 = arith.addi %add3A_1827, %iota3A_1204 : vector<16xi32>
        tpu.vector_store_idx %arg8[%add3A_1828], %select_n3A_1821 : memref<800xi32, #tpu.memory_space<vmem>>[vector<16xi32>], vector<16xi32>,
        %add3A_1829 = arith.constant 464 : i32
        %add3A_1830 = vector.broadcast %add3A_1829 : i32 to vector<16xi32>
        %add3A_1831 = arith.addi %add3A_1830, %iota3A_1204 : vector<16xi32>
        tpu.vector_store_idx %arg8[%add3A_1831], %select_n3A_1825 : memref<800xi32, #tpu.memory_space<vmem>>[vector<16xi32>], vector<16xi32>,
        %add3A_1832 = arith.constant 24 : i32
        %add3A_1833 = vector.broadcast %add3A_1832 : i32 to vector<16xi32>
        %add3A_1834 = arith.addi %mul3A_1207, %add3A_1833 : vector<16xi32>
        %get3A_1835 = arith.constant 24 : i32
        %get3A_1836 = arith.index_cast %get3A_1835 : i32 to index
        %get3A_1837 = arith.constant 0 : index
        %get3A_1838 = tpu.vector_load %arg6[%get3A_1836, %get3A_1837] {strides = array<i32>} : memref<40x128xi32, #tpu.memory_space<vmem>>, vector<16xi32>,
        %get3A_1839 = arith.constant 24 : i32
        %get3A_1840 = arith.index_cast %get3A_1839 : i32 to index
        %get3A_1841 = arith.constant 4 : index
        %get3A_1842 = tpu.vector_load %arg6[%get3A_1840, %get3A_1841] {strides = array<i32>} : memref<40x128xi32, #tpu.memory_space<vmem>>, vector<16xi32>,
        %gather3A_1843 = tpu.vector_load_idx %arg6[%add3A_1834, %mul3A_1207] : memref<40x128xi32, #tpu.memory_space<vmem>>[vector<16xi32>, vector<16xi32>], vector<16xi32>,
        %eq3A_1844 = arith.constant 0 : i32
        %eq3A_1845 = vector.broadcast %eq3A_1844 : i32 to vector<16xi32>
        %eq3A_1846 = arith.cmpi eq, %get3A_1838, %eq3A_1845 : vector<16xi32>
        %select_n3A_1847 = arith.select %eq3A_1846, %gather3A_1843, %get3A_1838 : vector<16xi1>, vector<16xi32>
        %eq3A_1848 = arith.constant 0 : i32
        %eq3A_1849 = vector.broadcast %eq3A_1848 : i32 to vector<16xi32>
        %eq3A_1850 = arith.cmpi eq, %get3A_1842, %eq3A_1849 : vector<16xi32>
        %select_n3A_1851 = arith.select %eq3A_1850, %gather3A_1843, %get3A_1842 : vector<16xi1>, vector<16xi32>
        %add3A_1852 = arith.constant 480 : i32
        %add3A_1853 = vector.broadcast %add3A_1852 : i32 to vector<16xi32>
        %add3A_1854 = arith.addi %add3A_1853, %iota3A_1204 : vector<16xi32>
        tpu.vector_store_idx %arg8[%add3A_1854], %select_n3A_1847 : memref<800xi32, #tpu.memory_space<vmem>>[vector<16xi32>], vector<16xi32>,
        %add3A_1855 = arith.constant 484 : i32
        %add3A_1856 = vector.broadcast %add3A_1855 : i32 to vector<16xi32>
        %add3A_1857 = arith.addi %add3A_1856, %iota3A_1204 : vector<16xi32>
        tpu.vector_store_idx %arg8[%add3A_1857], %select_n3A_1851 : memref<800xi32, #tpu.memory_space<vmem>>[vector<16xi32>], vector<16xi32>,
        %add3A_1858 = arith.constant 25 : i32
        %add3A_1859 = vector.broadcast %add3A_1858 : i32 to vector<16xi32>
        %add3A_1860 = arith.addi %mul3A_1207, %add3A_1859 : vector<16xi32>
        %get3A_1861 = arith.constant 25 : i32
        %get3A_1862 = arith.index_cast %get3A_1861 : i32 to index
        %get3A_1863 = arith.constant 0 : index
        %get3A_1864 = tpu.vector_load %arg6[%get3A_1862, %get3A_1863] {strides = array<i32>} : memref<40x128xi32, #tpu.memory_space<vmem>>, vector<16xi32>,
        %get3A_1865 = arith.constant 25 : i32
        %get3A_1866 = arith.index_cast %get3A_1865 : i32 to index
        %get3A_1867 = arith.constant 4 : index
        %get3A_1868 = tpu.vector_load %arg6[%get3A_1866, %get3A_1867] {strides = array<i32>} : memref<40x128xi32, #tpu.memory_space<vmem>>, vector<16xi32>,
        %gather3A_1869 = tpu.vector_load_idx %arg6[%add3A_1860, %mul3A_1207] : memref<40x128xi32, #tpu.memory_space<vmem>>[vector<16xi32>, vector<16xi32>], vector<16xi32>,
        %eq3A_1870 = arith.constant 0 : i32
        %eq3A_1871 = vector.broadcast %eq3A_1870 : i32 to vector<16xi32>
        %eq3A_1872 = arith.cmpi eq, %get3A_1864, %eq3A_1871 : vector<16xi32>
        %select_n3A_1873 = arith.select %eq3A_1872, %gather3A_1869, %get3A_1864 : vector<16xi1>, vector<16xi32>
        %eq3A_1874 = arith.constant 0 : i32
        %eq3A_1875 = vector.broadcast %eq3A_1874 : i32 to vector<16xi32>
        %eq3A_1876 = arith.cmpi eq, %get3A_1868, %eq3A_1875 : vector<16xi32>
        %select_n3A_1877 = arith.select %eq3A_1876, %gather3A_1869, %get3A_1868 : vector<16xi1>, vector<16xi32>
        %add3A_1878 = arith.constant 500 : i32
        %add3A_1879 = vector.broadcast %add3A_1878 : i32 to vector<16xi32>
        %add3A_1880 = arith.addi %add3A_1879, %iota3A_1204 : vector<16xi32>
        tpu.vector_store_idx %arg8[%add3A_1880], %select_n3A_1873 : memref<800xi32, #tpu.memory_space<vmem>>[vector<16xi32>], vector<16xi32>,
        %add3A_1881 = arith.constant 504 : i32
        %add3A_1882 = vector.broadcast %add3A_1881 : i32 to vector<16xi32>
        %add3A_1883 = arith.addi %add3A_1882, %iota3A_1204 : vector<16xi32>
        tpu.vector_store_idx %arg8[%add3A_1883], %select_n3A_1877 : memref<800xi32, #tpu.memory_space<vmem>>[vector<16xi32>], vector<16xi32>,
        %add3A_1884 = arith.constant 26 : i32
        %add3A_1885 = vector.broadcast %add3A_1884 : i32 to vector<16xi32>
        %add3A_1886 = arith.addi %mul3A_1207, %add3A_1885 : vector<16xi32>
        %get3A_1887 = arith.constant 26 : i32
        %get3A_1888 = arith.index_cast %get3A_1887 : i32 to index
        %get3A_1889 = arith.constant 0 : index
        %get3A_1890 = tpu.vector_load %arg6[%get3A_1888, %get3A_1889] {strides = array<i32>} : memref<40x128xi32, #tpu.memory_space<vmem>>, vector<16xi32>,
        %get3A_1891 = arith.constant 26 : i32
        %get3A_1892 = arith.index_cast %get3A_1891 : i32 to index
        %get3A_1893 = arith.constant 4 : index
        %get3A_1894 = tpu.vector_load %arg6[%get3A_1892, %get3A_1893] {strides = array<i32>} : memref<40x128xi32, #tpu.memory_space<vmem>>, vector<16xi32>,
        %gather3A_1895 = tpu.vector_load_idx %arg6[%add3A_1886, %mul3A_1207] : memref<40x128xi32, #tpu.memory_space<vmem>>[vector<16xi32>, vector<16xi32>], vector<16xi32>,
        %eq3A_1896 = arith.constant 0 : i32
        %eq3A_1897 = vector.broadcast %eq3A_1896 : i32 to vector<16xi32>
        %eq3A_1898 = arith.cmpi eq, %get3A_1890, %eq3A_1897 : vector<16xi32>
        %select_n3A_1899 = arith.select %eq3A_1898, %gather3A_1895, %get3A_1890 : vector<16xi1>, vector<16xi32>
        %eq3A_1900 = arith.constant 0 : i32
        %eq3A_1901 = vector.broadcast %eq3A_1900 : i32 to vector<16xi32>
        %eq3A_1902 = arith.cmpi eq, %get3A_1894, %eq3A_1901 : vector<16xi32>
        %select_n3A_1903 = arith.select %eq3A_1902, %gather3A_1895, %get3A_1894 : vector<16xi1>, vector<16xi32>
        %add3A_1904 = arith.constant 520 : i32
        %add3A_1905 = vector.broadcast %add3A_1904 : i32 to vector<16xi32>
        %add3A_1906 = arith.addi %add3A_1905, %iota3A_1204 : vector<16xi32>
        tpu.vector_store_idx %arg8[%add3A_1906], %select_n3A_1899 : memref<800xi32, #tpu.memory_space<vmem>>[vector<16xi32>], vector<16xi32>,
        %add3A_1907 = arith.constant 524 : i32
        %add3A_1908 = vector.broadcast %add3A_1907 : i32 to vector<16xi32>
        %add3A_1909 = arith.addi %add3A_1908, %iota3A_1204 : vector<16xi32>
        tpu.vector_store_idx %arg8[%add3A_1909], %select_n3A_1903 : memref<800xi32, #tpu.memory_space<vmem>>[vector<16xi32>], vector<16xi32>,
        %add3A_1910 = arith.constant 27 : i32
        %add3A_1911 = vector.broadcast %add3A_1910 : i32 to vector<16xi32>
        %add3A_1912 = arith.addi %mul3A_1207, %add3A_1911 : vector<16xi32>
        %get3A_1913 = arith.constant 27 : i32
        %get3A_1914 = arith.index_cast %get3A_1913 : i32 to index
        %get3A_1915 = arith.constant 0 : index
        %get3A_1916 = tpu.vector_load %arg6[%get3A_1914, %get3A_1915] {strides = array<i32>} : memref<40x128xi32, #tpu.memory_space<vmem>>, vector<16xi32>,
        %get3A_1917 = arith.constant 27 : i32
        %get3A_1918 = arith.index_cast %get3A_1917 : i32 to index
        %get3A_1919 = arith.constant 4 : index
        %get3A_1920 = tpu.vector_load %arg6[%get3A_1918, %get3A_1919] {strides = array<i32>} : memref<40x128xi32, #tpu.memory_space<vmem>>, vector<16xi32>,
        %gather3A_1921 = tpu.vector_load_idx %arg6[%add3A_1912, %mul3A_1207] : memref<40x128xi32, #tpu.memory_space<vmem>>[vector<16xi32>, vector<16xi32>], vector<16xi32>,
        %eq3A_1922 = arith.constant 0 : i32
        %eq3A_1923 = vector.broadcast %eq3A_1922 : i32 to vector<16xi32>
        %eq3A_1924 = arith.cmpi eq, %get3A_1916, %eq3A_1923 : vector<16xi32>
        %select_n3A_1925 = arith.select %eq3A_1924, %gather3A_1921, %get3A_1916 : vector<16xi1>, vector<16xi32>
        %eq3A_1926 = arith.constant 0 : i32
        %eq3A_1927 = vector.broadcast %eq3A_1926 : i32 to vector<16xi32>
        %eq3A_1928 = arith.cmpi eq, %get3A_1920, %eq3A_1927 : vector<16xi32>
        %select_n3A_1929 = arith.select %eq3A_1928, %gather3A_1921, %get3A_1920 : vector<16xi1>, vector<16xi32>
        %add3A_1930 = arith.constant 540 : i32
        %add3A_1931 = vector.broadcast %add3A_1930 : i32 to vector<16xi32>
        %add3A_1932 = arith.addi %add3A_1931, %iota3A_1204 : vector<16xi32>
        tpu.vector_store_idx %arg8[%add3A_1932], %select_n3A_1925 : memref<800xi32, #tpu.memory_space<vmem>>[vector<16xi32>], vector<16xi32>,
        %add3A_1933 = arith.constant 544 : i32
        %add3A_1934 = vector.broadcast %add3A_1933 : i32 to vector<16xi32>
        %add3A_1935 = arith.addi %add3A_1934, %iota3A_1204 : vector<16xi32>
        tpu.vector_store_idx %arg8[%add3A_1935], %select_n3A_1929 : memref<800xi32, #tpu.memory_space<vmem>>[vector<16xi32>], vector<16xi32>,
        %add3A_1936 = arith.constant 28 : i32
        %add3A_1937 = vector.broadcast %add3A_1936 : i32 to vector<16xi32>
        %add3A_1938 = arith.addi %mul3A_1207, %add3A_1937 : vector<16xi32>
        %get3A_1939 = arith.constant 28 : i32
        %get3A_1940 = arith.index_cast %get3A_1939 : i32 to index
        %get3A_1941 = arith.constant 0 : index
        %get3A_1942 = tpu.vector_load %arg6[%get3A_1940, %get3A_1941] {strides = array<i32>} : memref<40x128xi32, #tpu.memory_space<vmem>>, vector<16xi32>,
        %get3A_1943 = arith.constant 28 : i32
        %get3A_1944 = arith.index_cast %get3A_1943 : i32 to index
        %get3A_1945 = arith.constant 4 : index
        %get3A_1946 = tpu.vector_load %arg6[%get3A_1944, %get3A_1945] {strides = array<i32>} : memref<40x128xi32, #tpu.memory_space<vmem>>, vector<16xi32>,
        %gather3A_1947 = tpu.vector_load_idx %arg6[%add3A_1938, %mul3A_1207] : memref<40x128xi32, #tpu.memory_space<vmem>>[vector<16xi32>, vector<16xi32>], vector<16xi32>,
        %eq3A_1948 = arith.constant 0 : i32
        %eq3A_1949 = vector.broadcast %eq3A_1948 : i32 to vector<16xi32>
        %eq3A_1950 = arith.cmpi eq, %get3A_1942, %eq3A_1949 : vector<16xi32>
        %select_n3A_1951 = arith.select %eq3A_1950, %gather3A_1947, %get3A_1942 : vector<16xi1>, vector<16xi32>
        %eq3A_1952 = arith.constant 0 : i32
        %eq3A_1953 = vector.broadcast %eq3A_1952 : i32 to vector<16xi32>
        %eq3A_1954 = arith.cmpi eq, %get3A_1946, %eq3A_1953 : vector<16xi32>
        %select_n3A_1955 = arith.select %eq3A_1954, %gather3A_1947, %get3A_1946 : vector<16xi1>, vector<16xi32>
        %add3A_1956 = arith.constant 560 : i32
        %add3A_1957 = vector.broadcast %add3A_1956 : i32 to vector<16xi32>
        %add3A_1958 = arith.addi %add3A_1957, %iota3A_1204 : vector<16xi32>
        tpu.vector_store_idx %arg8[%add3A_1958], %select_n3A_1951 : memref<800xi32, #tpu.memory_space<vmem>>[vector<16xi32>], vector<16xi32>,
        %add3A_1959 = arith.constant 564 : i32
        %add3A_1960 = vector.broadcast %add3A_1959 : i32 to vector<16xi32>
        %add3A_1961 = arith.addi %add3A_1960, %iota3A_1204 : vector<16xi32>
        tpu.vector_store_idx %arg8[%add3A_1961], %select_n3A_1955 : memref<800xi32, #tpu.memory_space<vmem>>[vector<16xi32>], vector<16xi32>,
        %add3A_1962 = arith.constant 29 : i32
        %add3A_1963 = vector.broadcast %add3A_1962 : i32 to vector<16xi32>
        %add3A_1964 = arith.addi %mul3A_1207, %add3A_1963 : vector<16xi32>
        %get3A_1965 = arith.constant 29 : i32
        %get3A_1966 = arith.index_cast %get3A_1965 : i32 to index
        %get3A_1967 = arith.constant 0 : index
        %get3A_1968 = tpu.vector_load %arg6[%get3A_1966, %get3A_1967] {strides = array<i32>} : memref<40x128xi32, #tpu.memory_space<vmem>>, vector<16xi32>,
        %get3A_1969 = arith.constant 29 : i32
        %get3A_1970 = arith.index_cast %get3A_1969 : i32 to index
        %get3A_1971 = arith.constant 4 : index
        %get3A_1972 = tpu.vector_load %arg6[%get3A_1970, %get3A_1971] {strides = array<i32>} : memref<40x128xi32, #tpu.memory_space<vmem>>, vector<16xi32>,
        %gather3A_1973 = tpu.vector_load_idx %arg6[%add3A_1964, %mul3A_1207] : memref<40x128xi32, #tpu.memory_space<vmem>>[vector<16xi32>, vector<16xi32>], vector<16xi32>,
        %eq3A_1974 = arith.constant 0 : i32
        %eq3A_1975 = vector.broadcast %eq3A_1974 : i32 to vector<16xi32>
        %eq3A_1976 = arith.cmpi eq, %get3A_1968, %eq3A_1975 : vector<16xi32>
        %select_n3A_1977 = arith.select %eq3A_1976, %gather3A_1973, %get3A_1968 : vector<16xi1>, vector<16xi32>
        %eq3A_1978 = arith.constant 0 : i32
        %eq3A_1979 = vector.broadcast %eq3A_1978 : i32 to vector<16xi32>
        %eq3A_1980 = arith.cmpi eq, %get3A_1972, %eq3A_1979 : vector<16xi32>
        %select_n3A_1981 = arith.select %eq3A_1980, %gather3A_1973, %get3A_1972 : vector<16xi1>, vector<16xi32>
        %add3A_1982 = arith.constant 580 : i32
        %add3A_1983 = vector.broadcast %add3A_1982 : i32 to vector<16xi32>
        %add3A_1984 = arith.addi %add3A_1983, %iota3A_1204 : vector<16xi32>
        tpu.vector_store_idx %arg8[%add3A_1984], %select_n3A_1977 : memref<800xi32, #tpu.memory_space<vmem>>[vector<16xi32>], vector<16xi32>,
        %add3A_1985 = arith.constant 584 : i32
        %add3A_1986 = vector.broadcast %add3A_1985 : i32 to vector<16xi32>
        %add3A_1987 = arith.addi %add3A_1986, %iota3A_1204 : vector<16xi32>
        tpu.vector_store_idx %arg8[%add3A_1987], %select_n3A_1981 : memref<800xi32, #tpu.memory_space<vmem>>[vector<16xi32>], vector<16xi32>,
        %add3A_1988 = arith.constant 30 : i32
        %add3A_1989 = vector.broadcast %add3A_1988 : i32 to vector<16xi32>
        %add3A_1990 = arith.addi %mul3A_1207, %add3A_1989 : vector<16xi32>
        %get3A_1991 = arith.constant 30 : i32
        %get3A_1992 = arith.index_cast %get3A_1991 : i32 to index
        %get3A_1993 = arith.constant 0 : index
        %get3A_1994 = tpu.vector_load %arg6[%get3A_1992, %get3A_1993] {strides = array<i32>} : memref<40x128xi32, #tpu.memory_space<vmem>>, vector<16xi32>,
        %get3A_1995 = arith.constant 30 : i32
        %get3A_1996 = arith.index_cast %get3A_1995 : i32 to index
        %get3A_1997 = arith.constant 4 : index
        %get3A_1998 = tpu.vector_load %arg6[%get3A_1996, %get3A_1997] {strides = array<i32>} : memref<40x128xi32, #tpu.memory_space<vmem>>, vector<16xi32>,
        %gather3A_1999 = tpu.vector_load_idx %arg6[%add3A_1990, %mul3A_1207] : memref<40x128xi32, #tpu.memory_space<vmem>>[vector<16xi32>, vector<16xi32>], vector<16xi32>,
        %eq3A_2000 = arith.constant 0 : i32
        %eq3A_2001 = vector.broadcast %eq3A_2000 : i32 to vector<16xi32>
        %eq3A_2002 = arith.cmpi eq, %get3A_1994, %eq3A_2001 : vector<16xi32>
        %select_n3A_2003 = arith.select %eq3A_2002, %gather3A_1999, %get3A_1994 : vector<16xi1>, vector<16xi32>
        %eq3A_2004 = arith.constant 0 : i32
        %eq3A_2005 = vector.broadcast %eq3A_2004 : i32 to vector<16xi32>
        %eq3A_2006 = arith.cmpi eq, %get3A_1998, %eq3A_2005 : vector<16xi32>
        %select_n3A_2007 = arith.select %eq3A_2006, %gather3A_1999, %get3A_1998 : vector<16xi1>, vector<16xi32>
        %add3A_2008 = arith.constant 600 : i32
        %add3A_2009 = vector.broadcast %add3A_2008 : i32 to vector<16xi32>
        %add3A_2010 = arith.addi %add3A_2009, %iota3A_1204 : vector<16xi32>
        tpu.vector_store_idx %arg8[%add3A_2010], %select_n3A_2003 : memref<800xi32, #tpu.memory_space<vmem>>[vector<16xi32>], vector<16xi32>,
        %add3A_2011 = arith.constant 604 : i32
        %add3A_2012 = vector.broadcast %add3A_2011 : i32 to vector<16xi32>
        %add3A_2013 = arith.addi %add3A_2012, %iota3A_1204 : vector<16xi32>
        tpu.vector_store_idx %arg8[%add3A_2013], %select_n3A_2007 : memref<800xi32, #tpu.memory_space<vmem>>[vector<16xi32>], vector<16xi32>,
        %add3A_2014 = arith.constant 31 : i32
        %add3A_2015 = vector.broadcast %add3A_2014 : i32 to vector<16xi32>
        %add3A_2016 = arith.addi %mul3A_1207, %add3A_2015 : vector<16xi32>
        %get3A_2017 = arith.constant 31 : i32
        %get3A_2018 = arith.index_cast %get3A_2017 : i32 to index
        %get3A_2019 = arith.constant 0 : index
        %get3A_2020 = tpu.vector_load %arg6[%get3A_2018, %get3A_2019] {strides = array<i32>} : memref<40x128xi32, #tpu.memory_space<vmem>>, vector<16xi32>,
        %get3A_2021 = arith.constant 31 : i32
        %get3A_2022 = arith.index_cast %get3A_2021 : i32 to index
        %get3A_2023 = arith.constant 4 : index
        %get3A_2024 = tpu.vector_load %arg6[%get3A_2022, %get3A_2023] {strides = array<i32>} : memref<40x128xi32, #tpu.memory_space<vmem>>, vector<16xi32>,
        %gather3A_2025 = tpu.vector_load_idx %arg6[%add3A_2016, %mul3A_1207] : memref<40x128xi32, #tpu.memory_space<vmem>>[vector<16xi32>, vector<16xi32>], vector<16xi32>,
        %eq3A_2026 = arith.constant 0 : i32
        %eq3A_2027 = vector.broadcast %eq3A_2026 : i32 to vector<16xi32>
        %eq3A_2028 = arith.cmpi eq, %get3A_2020, %eq3A_2027 : vector<16xi32>
        %select_n3A_2029 = arith.select %eq3A_2028, %gather3A_2025, %get3A_2020 : vector<16xi1>, vector<16xi32>
        %eq3A_2030 = arith.constant 0 : i32
        %eq3A_2031 = vector.broadcast %eq3A_2030 : i32 to vector<16xi32>
        %eq3A_2032 = arith.cmpi eq, %get3A_2024, %eq3A_2031 : vector<16xi32>
        %select_n3A_2033 = arith.select %eq3A_2032, %gather3A_2025, %get3A_2024 : vector<16xi1>, vector<16xi32>
        %add3A_2034 = arith.constant 620 : i32
        %add3A_2035 = vector.broadcast %add3A_2034 : i32 to vector<16xi32>
        %add3A_2036 = arith.addi %add3A_2035, %iota3A_1204 : vector<16xi32>
        tpu.vector_store_idx %arg8[%add3A_2036], %select_n3A_2029 : memref<800xi32, #tpu.memory_space<vmem>>[vector<16xi32>], vector<16xi32>,
        %add3A_2037 = arith.constant 624 : i32
        %add3A_2038 = vector.broadcast %add3A_2037 : i32 to vector<16xi32>
        %add3A_2039 = arith.addi %add3A_2038, %iota3A_1204 : vector<16xi32>
        tpu.vector_store_idx %arg8[%add3A_2039], %select_n3A_2033 : memref<800xi32, #tpu.memory_space<vmem>>[vector<16xi32>], vector<16xi32>,
        %add3A_2040 = arith.constant 32 : i32
        %add3A_2041 = vector.broadcast %add3A_2040 : i32 to vector<16xi32>
        %add3A_2042 = arith.addi %mul3A_1207, %add3A_2041 : vector<16xi32>
        %get3A_2043 = arith.constant 32 : i32
        %get3A_2044 = arith.index_cast %get3A_2043 : i32 to index
        %get3A_2045 = arith.constant 0 : index
        %get3A_2046 = tpu.vector_load %arg6[%get3A_2044, %get3A_2045] {strides = array<i32>} : memref<40x128xi32, #tpu.memory_space<vmem>>, vector<16xi32>,
        %get3A_2047 = arith.constant 32 : i32
        %get3A_2048 = arith.index_cast %get3A_2047 : i32 to index
        %get3A_2049 = arith.constant 4 : index
        %get3A_2050 = tpu.vector_load %arg6[%get3A_2048, %get3A_2049] {strides = array<i32>} : memref<40x128xi32, #tpu.memory_space<vmem>>, vector<16xi32>,
        %gather3A_2051 = tpu.vector_load_idx %arg6[%add3A_2042, %mul3A_1207] : memref<40x128xi32, #tpu.memory_space<vmem>>[vector<16xi32>, vector<16xi32>], vector<16xi32>,
        %eq3A_2052 = arith.constant 0 : i32
        %eq3A_2053 = vector.broadcast %eq3A_2052 : i32 to vector<16xi32>
        %eq3A_2054 = arith.cmpi eq, %get3A_2046, %eq3A_2053 : vector<16xi32>
        %select_n3A_2055 = arith.select %eq3A_2054, %gather3A_2051, %get3A_2046 : vector<16xi1>, vector<16xi32>
        %eq3A_2056 = arith.constant 0 : i32
        %eq3A_2057 = vector.broadcast %eq3A_2056 : i32 to vector<16xi32>
        %eq3A_2058 = arith.cmpi eq, %get3A_2050, %eq3A_2057 : vector<16xi32>
        %select_n3A_2059 = arith.select %eq3A_2058, %gather3A_2051, %get3A_2050 : vector<16xi1>, vector<16xi32>
        %add3A_2060 = arith.constant 640 : i32
        %add3A_2061 = vector.broadcast %add3A_2060 : i32 to vector<16xi32>
        %add3A_2062 = arith.addi %add3A_2061, %iota3A_1204 : vector<16xi32>
        tpu.vector_store_idx %arg8[%add3A_2062], %select_n3A_2055 : memref<800xi32, #tpu.memory_space<vmem>>[vector<16xi32>], vector<16xi32>,
        %add3A_2063 = arith.constant 644 : i32
        %add3A_2064 = vector.broadcast %add3A_2063 : i32 to vector<16xi32>
        %add3A_2065 = arith.addi %add3A_2064, %iota3A_1204 : vector<16xi32>
        tpu.vector_store_idx %arg8[%add3A_2065], %select_n3A_2059 : memref<800xi32, #tpu.memory_space<vmem>>[vector<16xi32>], vector<16xi32>,
        %add3A_2066 = arith.constant 33 : i32
        %add3A_2067 = vector.broadcast %add3A_2066 : i32 to vector<16xi32>
        %add3A_2068 = arith.addi %mul3A_1207, %add3A_2067 : vector<16xi32>
        %get3A_2069 = arith.constant 33 : i32
        %get3A_2070 = arith.index_cast %get3A_2069 : i32 to index
        %get3A_2071 = arith.constant 0 : index
        %get3A_2072 = tpu.vector_load %arg6[%get3A_2070, %get3A_2071] {strides = array<i32>} : memref<40x128xi32, #tpu.memory_space<vmem>>, vector<16xi32>,
        %get3A_2073 = arith.constant 33 : i32
        %get3A_2074 = arith.index_cast %get3A_2073 : i32 to index
        %get3A_2075 = arith.constant 4 : index
        %get3A_2076 = tpu.vector_load %arg6[%get3A_2074, %get3A_2075] {strides = array<i32>} : memref<40x128xi32, #tpu.memory_space<vmem>>, vector<16xi32>,
        %gather3A_2077 = tpu.vector_load_idx %arg6[%add3A_2068, %mul3A_1207] : memref<40x128xi32, #tpu.memory_space<vmem>>[vector<16xi32>, vector<16xi32>], vector<16xi32>,
        %eq3A_2078 = arith.constant 0 : i32
        %eq3A_2079 = vector.broadcast %eq3A_2078 : i32 to vector<16xi32>
        %eq3A_2080 = arith.cmpi eq, %get3A_2072, %eq3A_2079 : vector<16xi32>
        %select_n3A_2081 = arith.select %eq3A_2080, %gather3A_2077, %get3A_2072 : vector<16xi1>, vector<16xi32>
        %eq3A_2082 = arith.constant 0 : i32
        %eq3A_2083 = vector.broadcast %eq3A_2082 : i32 to vector<16xi32>
        %eq3A_2084 = arith.cmpi eq, %get3A_2076, %eq3A_2083 : vector<16xi32>
        %select_n3A_2085 = arith.select %eq3A_2084, %gather3A_2077, %get3A_2076 : vector<16xi1>, vector<16xi32>
        %add3A_2086 = arith.constant 660 : i32
        %add3A_2087 = vector.broadcast %add3A_2086 : i32 to vector<16xi32>
        %add3A_2088 = arith.addi %add3A_2087, %iota3A_1204 : vector<16xi32>
        tpu.vector_store_idx %arg8[%add3A_2088], %select_n3A_2081 : memref<800xi32, #tpu.memory_space<vmem>>[vector<16xi32>], vector<16xi32>,
        %add3A_2089 = arith.constant 664 : i32
        %add3A_2090 = vector.broadcast %add3A_2089 : i32 to vector<16xi32>
        %add3A_2091 = arith.addi %add3A_2090, %iota3A_1204 : vector<16xi32>
        tpu.vector_store_idx %arg8[%add3A_2091], %select_n3A_2085 : memref<800xi32, #tpu.memory_space<vmem>>[vector<16xi32>], vector<16xi32>,
        %add3A_2092 = arith.constant 34 : i32
        %add3A_2093 = vector.broadcast %add3A_2092 : i32 to vector<16xi32>
        %add3A_2094 = arith.addi %mul3A_1207, %add3A_2093 : vector<16xi32>
        %get3A_2095 = arith.constant 34 : i32
        %get3A_2096 = arith.index_cast %get3A_2095 : i32 to index
        %get3A_2097 = arith.constant 0 : index
        %get3A_2098 = tpu.vector_load %arg6[%get3A_2096, %get3A_2097] {strides = array<i32>} : memref<40x128xi32, #tpu.memory_space<vmem>>, vector<16xi32>,
        %get3A_2099 = arith.constant 34 : i32
        %get3A_2100 = arith.index_cast %get3A_2099 : i32 to index
        %get3A_2101 = arith.constant 4 : index
        %get3A_2102 = tpu.vector_load %arg6[%get3A_2100, %get3A_2101] {strides = array<i32>} : memref<40x128xi32, #tpu.memory_space<vmem>>, vector<16xi32>,
        %gather3A_2103 = tpu.vector_load_idx %arg6[%add3A_2094, %mul3A_1207] : memref<40x128xi32, #tpu.memory_space<vmem>>[vector<16xi32>, vector<16xi32>], vector<16xi32>,
        %eq3A_2104 = arith.constant 0 : i32
        %eq3A_2105 = vector.broadcast %eq3A_2104 : i32 to vector<16xi32>
        %eq3A_2106 = arith.cmpi eq, %get3A_2098, %eq3A_2105 : vector<16xi32>
        %select_n3A_2107 = arith.select %eq3A_2106, %gather3A_2103, %get3A_2098 : vector<16xi1>, vector<16xi32>
        %eq3A_2108 = arith.constant 0 : i32
        %eq3A_2109 = vector.broadcast %eq3A_2108 : i32 to vector<16xi32>
        %eq3A_2110 = arith.cmpi eq, %get3A_2102, %eq3A_2109 : vector<16xi32>
        %select_n3A_2111 = arith.select %eq3A_2110, %gather3A_2103, %get3A_2102 : vector<16xi1>, vector<16xi32>
        %add3A_2112 = arith.constant 680 : i32
        %add3A_2113 = vector.broadcast %add3A_2112 : i32 to vector<16xi32>
        %add3A_2114 = arith.addi %add3A_2113, %iota3A_1204 : vector<16xi32>
        tpu.vector_store_idx %arg8[%add3A_2114], %select_n3A_2107 : memref<800xi32, #tpu.memory_space<vmem>>[vector<16xi32>], vector<16xi32>,
        %add3A_2115 = arith.constant 684 : i32
        %add3A_2116 = vector.broadcast %add3A_2115 : i32 to vector<16xi32>
        %add3A_2117 = arith.addi %add3A_2116, %iota3A_1204 : vector<16xi32>
        tpu.vector_store_idx %arg8[%add3A_2117], %select_n3A_2111 : memref<800xi32, #tpu.memory_space<vmem>>[vector<16xi32>], vector<16xi32>,
        %add3A_2118 = arith.constant 35 : i32
        %add3A_2119 = vector.broadcast %add3A_2118 : i32 to vector<16xi32>
        %add3A_2120 = arith.addi %mul3A_1207, %add3A_2119 : vector<16xi32>
        %get3A_2121 = arith.constant 35 : i32
        %get3A_2122 = arith.index_cast %get3A_2121 : i32 to index
        %get3A_2123 = arith.constant 0 : index
        %get3A_2124 = tpu.vector_load %arg6[%get3A_2122, %get3A_2123] {strides = array<i32>} : memref<40x128xi32, #tpu.memory_space<vmem>>, vector<16xi32>,
        %get3A_2125 = arith.constant 35 : i32
        %get3A_2126 = arith.index_cast %get3A_2125 : i32 to index
        %get3A_2127 = arith.constant 4 : index
        %get3A_2128 = tpu.vector_load %arg6[%get3A_2126, %get3A_2127] {strides = array<i32>} : memref<40x128xi32, #tpu.memory_space<vmem>>, vector<16xi32>,
        %gather3A_2129 = tpu.vector_load_idx %arg6[%add3A_2120, %mul3A_1207] : memref<40x128xi32, #tpu.memory_space<vmem>>[vector<16xi32>, vector<16xi32>], vector<16xi32>,
        %eq3A_2130 = arith.constant 0 : i32
        %eq3A_2131 = vector.broadcast %eq3A_2130 : i32 to vector<16xi32>
        %eq3A_2132 = arith.cmpi eq, %get3A_2124, %eq3A_2131 : vector<16xi32>
        %select_n3A_2133 = arith.select %eq3A_2132, %gather3A_2129, %get3A_2124 : vector<16xi1>, vector<16xi32>
        %eq3A_2134 = arith.constant 0 : i32
        %eq3A_2135 = vector.broadcast %eq3A_2134 : i32 to vector<16xi32>
        %eq3A_2136 = arith.cmpi eq, %get3A_2128, %eq3A_2135 : vector<16xi32>
        %select_n3A_2137 = arith.select %eq3A_2136, %gather3A_2129, %get3A_2128 : vector<16xi1>, vector<16xi32>
        %add3A_2138 = arith.constant 700 : i32
        %add3A_2139 = vector.broadcast %add3A_2138 : i32 to vector<16xi32>
        %add3A_2140 = arith.addi %add3A_2139, %iota3A_1204 : vector<16xi32>
        tpu.vector_store_idx %arg8[%add3A_2140], %select_n3A_2133 : memref<800xi32, #tpu.memory_space<vmem>>[vector<16xi32>], vector<16xi32>,
        %add3A_2141 = arith.constant 704 : i32
        %add3A_2142 = vector.broadcast %add3A_2141 : i32 to vector<16xi32>
        %add3A_2143 = arith.addi %add3A_2142, %iota3A_1204 : vector<16xi32>
        tpu.vector_store_idx %arg8[%add3A_2143], %select_n3A_2137 : memref<800xi32, #tpu.memory_space<vmem>>[vector<16xi32>], vector<16xi32>,
        %add3A_2144 = arith.constant 36 : i32
        %add3A_2145 = vector.broadcast %add3A_2144 : i32 to vector<16xi32>
        %add3A_2146 = arith.addi %mul3A_1207, %add3A_2145 : vector<16xi32>
        %get3A_2147 = arith.constant 36 : i32
        %get3A_2148 = arith.index_cast %get3A_2147 : i32 to index
        %get3A_2149 = arith.constant 0 : index
        %get3A_2150 = tpu.vector_load %arg6[%get3A_2148, %get3A_2149] {strides = array<i32>} : memref<40x128xi32, #tpu.memory_space<vmem>>, vector<16xi32>,
        %get3A_2151 = arith.constant 36 : i32
        %get3A_2152 = arith.index_cast %get3A_2151 : i32 to index
        %get3A_2153 = arith.constant 4 : index
        %get3A_2154 = tpu.vector_load %arg6[%get3A_2152, %get3A_2153] {strides = array<i32>} : memref<40x128xi32, #tpu.memory_space<vmem>>, vector<16xi32>,
        %gather3A_2155 = tpu.vector_load_idx %arg6[%add3A_2146, %mul3A_1207] : memref<40x128xi32, #tpu.memory_space<vmem>>[vector<16xi32>, vector<16xi32>], vector<16xi32>,
        %eq3A_2156 = arith.constant 0 : i32
        %eq3A_2157 = vector.broadcast %eq3A_2156 : i32 to vector<16xi32>
        %eq3A_2158 = arith.cmpi eq, %get3A_2150, %eq3A_2157 : vector<16xi32>
        %select_n3A_2159 = arith.select %eq3A_2158, %gather3A_2155, %get3A_2150 : vector<16xi1>, vector<16xi32>
        %eq3A_2160 = arith.constant 0 : i32
        %eq3A_2161 = vector.broadcast %eq3A_2160 : i32 to vector<16xi32>
        %eq3A_2162 = arith.cmpi eq, %get3A_2154, %eq3A_2161 : vector<16xi32>
        %select_n3A_2163 = arith.select %eq3A_2162, %gather3A_2155, %get3A_2154 : vector<16xi1>, vector<16xi32>
        %add3A_2164 = arith.constant 720 : i32
        %add3A_2165 = vector.broadcast %add3A_2164 : i32 to vector<16xi32>
        %add3A_2166 = arith.addi %add3A_2165, %iota3A_1204 : vector<16xi32>
        tpu.vector_store_idx %arg8[%add3A_2166], %select_n3A_2159 : memref<800xi32, #tpu.memory_space<vmem>>[vector<16xi32>], vector<16xi32>,
        %add3A_2167 = arith.constant 724 : i32
        %add3A_2168 = vector.broadcast %add3A_2167 : i32 to vector<16xi32>
        %add3A_2169 = arith.addi %add3A_2168, %iota3A_1204 : vector<16xi32>
        tpu.vector_store_idx %arg8[%add3A_2169], %select_n3A_2163 : memref<800xi32, #tpu.memory_space<vmem>>[vector<16xi32>], vector<16xi32>,
        %add3A_2170 = arith.constant 37 : i32
        %add3A_2171 = vector.broadcast %add3A_2170 : i32 to vector<16xi32>
        %add3A_2172 = arith.addi %mul3A_1207, %add3A_2171 : vector<16xi32>
        %get3A_2173 = arith.constant 37 : i32
        %get3A_2174 = arith.index_cast %get3A_2173 : i32 to index
        %get3A_2175 = arith.constant 0 : index
        %get3A_2176 = tpu.vector_load %arg6[%get3A_2174, %get3A_2175] {strides = array<i32>} : memref<40x128xi32, #tpu.memory_space<vmem>>, vector<16xi32>,
        %get3A_2177 = arith.constant 37 : i32
        %get3A_2178 = arith.index_cast %get3A_2177 : i32 to index
        %get3A_2179 = arith.constant 4 : index
        %get3A_2180 = tpu.vector_load %arg6[%get3A_2178, %get3A_2179] {strides = array<i32>} : memref<40x128xi32, #tpu.memory_space<vmem>>, vector<16xi32>,
        %gather3A_2181 = tpu.vector_load_idx %arg6[%add3A_2172, %mul3A_1207] : memref<40x128xi32, #tpu.memory_space<vmem>>[vector<16xi32>, vector<16xi32>], vector<16xi32>,
        %eq3A_2182 = arith.constant 0 : i32
        %eq3A_2183 = vector.broadcast %eq3A_2182 : i32 to vector<16xi32>
        %eq3A_2184 = arith.cmpi eq, %get3A_2176, %eq3A_2183 : vector<16xi32>
        %select_n3A_2185 = arith.select %eq3A_2184, %gather3A_2181, %get3A_2176 : vector<16xi1>, vector<16xi32>
        %eq3A_2186 = arith.constant 0 : i32
        %eq3A_2187 = vector.broadcast %eq3A_2186 : i32 to vector<16xi32>
        %eq3A_2188 = arith.cmpi eq, %get3A_2180, %eq3A_2187 : vector<16xi32>
        %select_n3A_2189 = arith.select %eq3A_2188, %gather3A_2181, %get3A_2180 : vector<16xi1>, vector<16xi32>
        %add3A_2190 = arith.constant 740 : i32
        %add3A_2191 = vector.broadcast %add3A_2190 : i32 to vector<16xi32>
        %add3A_2192 = arith.addi %add3A_2191, %iota3A_1204 : vector<16xi32>
        tpu.vector_store_idx %arg8[%add3A_2192], %select_n3A_2185 : memref<800xi32, #tpu.memory_space<vmem>>[vector<16xi32>], vector<16xi32>,
        %add3A_2193 = arith.constant 744 : i32
        %add3A_2194 = vector.broadcast %add3A_2193 : i32 to vector<16xi32>
        %add3A_2195 = arith.addi %add3A_2194, %iota3A_1204 : vector<16xi32>
        tpu.vector_store_idx %arg8[%add3A_2195], %select_n3A_2189 : memref<800xi32, #tpu.memory_space<vmem>>[vector<16xi32>], vector<16xi32>,
        %add3A_2196 = arith.constant 38 : i32
        %add3A_2197 = vector.broadcast %add3A_2196 : i32 to vector<16xi32>
        %add3A_2198 = arith.addi %mul3A_1207, %add3A_2197 : vector<16xi32>
        %get3A_2199 = arith.constant 38 : i32
        %get3A_2200 = arith.index_cast %get3A_2199 : i32 to index
        %get3A_2201 = arith.constant 0 : index
        %get3A_2202 = tpu.vector_load %arg6[%get3A_2200, %get3A_2201] {strides = array<i32>} : memref<40x128xi32, #tpu.memory_space<vmem>>, vector<16xi32>,
        %get3A_2203 = arith.constant 38 : i32
        %get3A_2204 = arith.index_cast %get3A_2203 : i32 to index
        %get3A_2205 = arith.constant 4 : index
        %get3A_2206 = tpu.vector_load %arg6[%get3A_2204, %get3A_2205] {strides = array<i32>} : memref<40x128xi32, #tpu.memory_space<vmem>>, vector<16xi32>,
        %gather3A_2207 = tpu.vector_load_idx %arg6[%add3A_2198, %mul3A_1207] : memref<40x128xi32, #tpu.memory_space<vmem>>[vector<16xi32>, vector<16xi32>], vector<16xi32>,
        %eq3A_2208 = arith.constant 0 : i32
        %eq3A_2209 = vector.broadcast %eq3A_2208 : i32 to vector<16xi32>
        %eq3A_2210 = arith.cmpi eq, %get3A_2202, %eq3A_2209 : vector<16xi32>
        %select_n3A_2211 = arith.select %eq3A_2210, %gather3A_2207, %get3A_2202 : vector<16xi1>, vector<16xi32>
        %eq3A_2212 = arith.constant 0 : i32
        %eq3A_2213 = vector.broadcast %eq3A_2212 : i32 to vector<16xi32>
        %eq3A_2214 = arith.cmpi eq, %get3A_2206, %eq3A_2213 : vector<16xi32>
        %select_n3A_2215 = arith.select %eq3A_2214, %gather3A_2207, %get3A_2206 : vector<16xi1>, vector<16xi32>
        %add3A_2216 = arith.constant 760 : i32
        %add3A_2217 = vector.broadcast %add3A_2216 : i32 to vector<16xi32>
        %add3A_2218 = arith.addi %add3A_2217, %iota3A_1204 : vector<16xi32>
        tpu.vector_store_idx %arg8[%add3A_2218], %select_n3A_2211 : memref<800xi32, #tpu.memory_space<vmem>>[vector<16xi32>], vector<16xi32>,
        %add3A_2219 = arith.constant 764 : i32
        %add3A_2220 = vector.broadcast %add3A_2219 : i32 to vector<16xi32>
        %add3A_2221 = arith.addi %add3A_2220, %iota3A_1204 : vector<16xi32>
        tpu.vector_store_idx %arg8[%add3A_2221], %select_n3A_2215 : memref<800xi32, #tpu.memory_space<vmem>>[vector<16xi32>], vector<16xi32>,
        %add3A_2222 = arith.constant 39 : i32
        %add3A_2223 = vector.broadcast %add3A_2222 : i32 to vector<16xi32>
        %add3A_2224 = arith.addi %mul3A_1207, %add3A_2223 : vector<16xi32>
        %get3A_2225 = arith.constant 39 : i32
        %get3A_2226 = arith.index_cast %get3A_2225 : i32 to index
        %get3A_2227 = arith.constant 0 : index
        %get3A_2228 = tpu.vector_load %arg6[%get3A_2226, %get3A_2227] {strides = array<i32>} : memref<40x128xi32, #tpu.memory_space<vmem>>, vector<16xi32>,
        %get3A_2229 = arith.constant 39 : i32
        %get3A_2230 = arith.index_cast %get3A_2229 : i32 to index
        %get3A_2231 = arith.constant 4 : index
        %get3A_2232 = tpu.vector_load %arg6[%get3A_2230, %get3A_2231] {strides = array<i32>} : memref<40x128xi32, #tpu.memory_space<vmem>>, vector<16xi32>,
        %gather3A_2233 = tpu.vector_load_idx %arg6[%add3A_2224, %mul3A_1207] : memref<40x128xi32, #tpu.memory_space<vmem>>[vector<16xi32>, vector<16xi32>], vector<16xi32>,
        %eq3A_2234 = arith.constant 0 : i32
        %eq3A_2235 = vector.broadcast %eq3A_2234 : i32 to vector<16xi32>
        %eq3A_2236 = arith.cmpi eq, %get3A_2228, %eq3A_2235 : vector<16xi32>
        %select_n3A_2237 = arith.select %eq3A_2236, %gather3A_2233, %get3A_2228 : vector<16xi1>, vector<16xi32>
        %eq3A_2238 = arith.constant 0 : i32
        %eq3A_2239 = vector.broadcast %eq3A_2238 : i32 to vector<16xi32>
        %eq3A_2240 = arith.cmpi eq, %get3A_2232, %eq3A_2239 : vector<16xi32>
        %select_n3A_2241 = arith.select %eq3A_2240, %gather3A_2233, %get3A_2232 : vector<16xi1>, vector<16xi32>
        %add3A_2242 = arith.constant 780 : i32
        %add3A_2243 = vector.broadcast %add3A_2242 : i32 to vector<16xi32>
        %add3A_2244 = arith.addi %add3A_2243, %iota3A_1204 : vector<16xi32>
        tpu.vector_store_idx %arg8[%add3A_2244], %select_n3A_2237 : memref<800xi32, #tpu.memory_space<vmem>>[vector<16xi32>], vector<16xi32>,
        %add3A_2245 = arith.constant 784 : i32
        %add3A_2246 = vector.broadcast %add3A_2245 : i32 to vector<16xi32>
        %add3A_2247 = arith.addi %add3A_2246, %iota3A_1204 : vector<16xi32>
        tpu.vector_store_idx %arg8[%add3A_2247], %select_n3A_2241 : memref<800xi32, #tpu.memory_space<vmem>>[vector<16xi32>], vector<16xi32>,
        %dma_start3A_2248 = arith.constant 0 : i32
        %dma_start3A_2249 = arith.constant 0 : i32
        %dma_start3A_2250 = tpu.memref_slice %arg10[%dma_start3A_2248, %dma_start3A_2249] : memref<800x64xbf16, #tpu.memory_space<vmem>> -> memref<80x64xbf16, #tpu.memory_space<vmem>>
        %dma_start3A_2251 = arith.constant 0 : i32
        %dma_start3A_2252 = tpu.memref_slice %arg8[%dma_start3A_2251] : memref<800xi32, #tpu.memory_space<vmem>> -> memref<80xi32, #tpu.memory_space<vmem>>
        %dma_start3A_2253 = arith.constant 0 : i32
        %dma_start3A_2254 = arith.constant 0 : i32
        %dma_start3A_2255 = tpu.memref_slice %arg3[%dma_start3A_2253, %dma_start3A_2254] : memref<200000x64xbf16, #tpu.memory_space<hbm>> -> memref<200000x64xbf16, #tpu.memory_space<hbm>>
        tpu.enqueue_indirect_dma source(%dma_start3A_2255 : memref<200000x64xbf16, #tpu.memory_space<hbm>>) target(%dma_start3A_2250 : memref<80x64xbf16, #tpu.memory_space<vmem>>) offsets(%dma_start3A_2252 : memref<80xi32, #tpu.memory_space<vmem>>) semaphore(%arg16 : memref<!tpu.dma_semaphore, #tpu.memory_space<semaphore_mem>>)
        %dma_start3A_2256 = arith.constant 80 : i32
        %dma_start3A_2257 = arith.constant 0 : i32
        %dma_start3A_2258 = tpu.memref_slice %arg10[%dma_start3A_2256, %dma_start3A_2257] : memref<800x64xbf16, #tpu.memory_space<vmem>> -> memref<80x64xbf16, #tpu.memory_space<vmem>>
        %dma_start3A_2259 = arith.constant 80 : i32
        %dma_start3A_2260 = tpu.memref_slice %arg8[%dma_start3A_2259] : memref<800xi32, #tpu.memory_space<vmem>> -> memref<80xi32, #tpu.memory_space<vmem>>
        %dma_start3A_2261 = arith.constant 0 : i32
        %dma_start3A_2262 = arith.constant 0 : i32
        %dma_start3A_2263 = tpu.memref_slice %arg3[%dma_start3A_2261, %dma_start3A_2262] : memref<200000x64xbf16, #tpu.memory_space<hbm>> -> memref<200000x64xbf16, #tpu.memory_space<hbm>>
        tpu.enqueue_indirect_dma source(%dma_start3A_2263 : memref<200000x64xbf16, #tpu.memory_space<hbm>>) target(%dma_start3A_2258 : memref<80x64xbf16, #tpu.memory_space<vmem>>) offsets(%dma_start3A_2260 : memref<80xi32, #tpu.memory_space<vmem>>) semaphore(%arg16 : memref<!tpu.dma_semaphore, #tpu.memory_space<semaphore_mem>>)
        %dma_start3A_2264 = arith.constant 160 : i32
        %dma_start3A_2265 = arith.constant 0 : i32
        %dma_start3A_2266 = tpu.memref_slice %arg10[%dma_start3A_2264, %dma_start3A_2265] : memref<800x64xbf16, #tpu.memory_space<vmem>> -> memref<80x64xbf16, #tpu.memory_space<vmem>>
        %dma_start3A_2267 = arith.constant 160 : i32
        %dma_start3A_2268 = tpu.memref_slice %arg8[%dma_start3A_2267] : memref<800xi32, #tpu.memory_space<vmem>> -> memref<80xi32, #tpu.memory_space<vmem>>
        %dma_start3A_2269 = arith.constant 0 : i32
        %dma_start3A_2270 = arith.constant 0 : i32
        %dma_start3A_2271 = tpu.memref_slice %arg3[%dma_start3A_2269, %dma_start3A_2270] : memref<200000x64xbf16, #tpu.memory_space<hbm>> -> memref<200000x64xbf16, #tpu.memory_space<hbm>>
        tpu.enqueue_indirect_dma source(%dma_start3A_2271 : memref<200000x64xbf16, #tpu.memory_space<hbm>>) target(%dma_start3A_2266 : memref<80x64xbf16, #tpu.memory_space<vmem>>) offsets(%dma_start3A_2268 : memref<80xi32, #tpu.memory_space<vmem>>) semaphore(%arg16 : memref<!tpu.dma_semaphore, #tpu.memory_space<semaphore_mem>>)
        %dma_start3A_2272 = arith.constant 240 : i32
        %dma_start3A_2273 = arith.constant 0 : i32
        %dma_start3A_2274 = tpu.memref_slice %arg10[%dma_start3A_2272, %dma_start3A_2273] : memref<800x64xbf16, #tpu.memory_space<vmem>> -> memref<80x64xbf16, #tpu.memory_space<vmem>>
        %dma_start3A_2275 = arith.constant 240 : i32
        %dma_start3A_2276 = tpu.memref_slice %arg8[%dma_start3A_2275] : memref<800xi32, #tpu.memory_space<vmem>> -> memref<80xi32, #tpu.memory_space<vmem>>
        %dma_start3A_2277 = arith.constant 0 : i32
        %dma_start3A_2278 = arith.constant 0 : i32
        %dma_start3A_2279 = tpu.memref_slice %arg3[%dma_start3A_2277, %dma_start3A_2278] : memref<200000x64xbf16, #tpu.memory_space<hbm>> -> memref<200000x64xbf16, #tpu.memory_space<hbm>>
        tpu.enqueue_indirect_dma source(%dma_start3A_2279 : memref<200000x64xbf16, #tpu.memory_space<hbm>>) target(%dma_start3A_2274 : memref<80x64xbf16, #tpu.memory_space<vmem>>) offsets(%dma_start3A_2276 : memref<80xi32, #tpu.memory_space<vmem>>) semaphore(%arg16 : memref<!tpu.dma_semaphore, #tpu.memory_space<semaphore_mem>>)
        %dma_start3A_2280 = arith.constant 320 : i32
        %dma_start3A_2281 = arith.constant 0 : i32
        %dma_start3A_2282 = tpu.memref_slice %arg10[%dma_start3A_2280, %dma_start3A_2281] : memref<800x64xbf16, #tpu.memory_space<vmem>> -> memref<80x64xbf16, #tpu.memory_space<vmem>>
        %dma_start3A_2283 = arith.constant 320 : i32
        %dma_start3A_2284 = tpu.memref_slice %arg8[%dma_start3A_2283] : memref<800xi32, #tpu.memory_space<vmem>> -> memref<80xi32, #tpu.memory_space<vmem>>
        %dma_start3A_2285 = arith.constant 0 : i32
        %dma_start3A_2286 = arith.constant 0 : i32
        %dma_start3A_2287 = tpu.memref_slice %arg3[%dma_start3A_2285, %dma_start3A_2286] : memref<200000x64xbf16, #tpu.memory_space<hbm>> -> memref<200000x64xbf16, #tpu.memory_space<hbm>>
        tpu.enqueue_indirect_dma source(%dma_start3A_2287 : memref<200000x64xbf16, #tpu.memory_space<hbm>>) target(%dma_start3A_2282 : memref<80x64xbf16, #tpu.memory_space<vmem>>) offsets(%dma_start3A_2284 : memref<80xi32, #tpu.memory_space<vmem>>) semaphore(%arg16 : memref<!tpu.dma_semaphore, #tpu.memory_space<semaphore_mem>>)
        %dma_start3A_2288 = arith.constant 400 : i32
        %dma_start3A_2289 = arith.constant 0 : i32
        %dma_start3A_2290 = tpu.memref_slice %arg10[%dma_start3A_2288, %dma_start3A_2289] : memref<800x64xbf16, #tpu.memory_space<vmem>> -> memref<80x64xbf16, #tpu.memory_space<vmem>>
        %dma_start3A_2291 = arith.constant 400 : i32
        %dma_start3A_2292 = tpu.memref_slice %arg8[%dma_start3A_2291] : memref<800xi32, #tpu.memory_space<vmem>> -> memref<80xi32, #tpu.memory_space<vmem>>
        %dma_start3A_2293 = arith.constant 0 : i32
        %dma_start3A_2294 = arith.constant 0 : i32
        %dma_start3A_2295 = tpu.memref_slice %arg3[%dma_start3A_2293, %dma_start3A_2294] : memref<200000x64xbf16, #tpu.memory_space<hbm>> -> memref<200000x64xbf16, #tpu.memory_space<hbm>>
        tpu.enqueue_indirect_dma source(%dma_start3A_2295 : memref<200000x64xbf16, #tpu.memory_space<hbm>>) target(%dma_start3A_2290 : memref<80x64xbf16, #tpu.memory_space<vmem>>) offsets(%dma_start3A_2292 : memref<80xi32, #tpu.memory_space<vmem>>) semaphore(%arg16 : memref<!tpu.dma_semaphore, #tpu.memory_space<semaphore_mem>>)
        %dma_start3A_2296 = arith.constant 480 : i32
        %dma_start3A_2297 = arith.constant 0 : i32
        %dma_start3A_2298 = tpu.memref_slice %arg10[%dma_start3A_2296, %dma_start3A_2297] : memref<800x64xbf16, #tpu.memory_space<vmem>> -> memref<80x64xbf16, #tpu.memory_space<vmem>>
        %dma_start3A_2299 = arith.constant 480 : i32
        %dma_start3A_2300 = tpu.memref_slice %arg8[%dma_start3A_2299] : memref<800xi32, #tpu.memory_space<vmem>> -> memref<80xi32, #tpu.memory_space<vmem>>
        %dma_start3A_2301 = arith.constant 0 : i32
        %dma_start3A_2302 = arith.constant 0 : i32
        %dma_start3A_2303 = tpu.memref_slice %arg3[%dma_start3A_2301, %dma_start3A_2302] : memref<200000x64xbf16, #tpu.memory_space<hbm>> -> memref<200000x64xbf16, #tpu.memory_space<hbm>>
        tpu.enqueue_indirect_dma source(%dma_start3A_2303 : memref<200000x64xbf16, #tpu.memory_space<hbm>>) target(%dma_start3A_2298 : memref<80x64xbf16, #tpu.memory_space<vmem>>) offsets(%dma_start3A_2300 : memref<80xi32, #tpu.memory_space<vmem>>) semaphore(%arg16 : memref<!tpu.dma_semaphore, #tpu.memory_space<semaphore_mem>>)
        %dma_start3A_2304 = arith.constant 560 : i32
        %dma_start3A_2305 = arith.constant 0 : i32
        %dma_start3A_2306 = tpu.memref_slice %arg10[%dma_start3A_2304, %dma_start3A_2305] : memref<800x64xbf16, #tpu.memory_space<vmem>> -> memref<80x64xbf16, #tpu.memory_space<vmem>>
        %dma_start3A_2307 = arith.constant 560 : i32
        %dma_start3A_2308 = tpu.memref_slice %arg8[%dma_start3A_2307] : memref<800xi32, #tpu.memory_space<vmem>> -> memref<80xi32, #tpu.memory_space<vmem>>
        %dma_start3A_2309 = arith.constant 0 : i32
        %dma_start3A_2310 = arith.constant 0 : i32
        %dma_start3A_2311 = tpu.memref_slice %arg3[%dma_start3A_2309, %dma_start3A_2310] : memref<200000x64xbf16, #tpu.memory_space<hbm>> -> memref<200000x64xbf16, #tpu.memory_space<hbm>>
        tpu.enqueue_indirect_dma source(%dma_start3A_2311 : memref<200000x64xbf16, #tpu.memory_space<hbm>>) target(%dma_start3A_2306 : memref<80x64xbf16, #tpu.memory_space<vmem>>) offsets(%dma_start3A_2308 : memref<80xi32, #tpu.memory_space<vmem>>) semaphore(%arg16 : memref<!tpu.dma_semaphore, #tpu.memory_space<semaphore_mem>>)
        %dma_start3A_2312 = arith.constant 640 : i32
        %dma_start3A_2313 = arith.constant 0 : i32
        %dma_start3A_2314 = tpu.memref_slice %arg10[%dma_start3A_2312, %dma_start3A_2313] : memref<800x64xbf16, #tpu.memory_space<vmem>> -> memref<80x64xbf16, #tpu.memory_space<vmem>>
        %dma_start3A_2315 = arith.constant 640 : i32
        %dma_start3A_2316 = tpu.memref_slice %arg8[%dma_start3A_2315] : memref<800xi32, #tpu.memory_space<vmem>> -> memref<80xi32, #tpu.memory_space<vmem>>
        %dma_start3A_2317 = arith.constant 0 : i32
        %dma_start3A_2318 = arith.constant 0 : i32
        %dma_start3A_2319 = tpu.memref_slice %arg3[%dma_start3A_2317, %dma_start3A_2318] : memref<200000x64xbf16, #tpu.memory_space<hbm>> -> memref<200000x64xbf16, #tpu.memory_space<hbm>>
        tpu.enqueue_indirect_dma source(%dma_start3A_2319 : memref<200000x64xbf16, #tpu.memory_space<hbm>>) target(%dma_start3A_2314 : memref<80x64xbf16, #tpu.memory_space<vmem>>) offsets(%dma_start3A_2316 : memref<80xi32, #tpu.memory_space<vmem>>) semaphore(%arg16 : memref<!tpu.dma_semaphore, #tpu.memory_space<semaphore_mem>>)
        %dma_start3A_2320 = arith.constant 720 : i32
        %dma_start3A_2321 = arith.constant 0 : i32
        %dma_start3A_2322 = tpu.memref_slice %arg10[%dma_start3A_2320, %dma_start3A_2321] : memref<800x64xbf16, #tpu.memory_space<vmem>> -> memref<80x64xbf16, #tpu.memory_space<vmem>>
        %dma_start3A_2323 = arith.constant 720 : i32
        %dma_start3A_2324 = tpu.memref_slice %arg8[%dma_start3A_2323] : memref<800xi32, #tpu.memory_space<vmem>> -> memref<80xi32, #tpu.memory_space<vmem>>
        %dma_start3A_2325 = arith.constant 0 : i32
        %dma_start3A_2326 = arith.constant 0 : i32
        %dma_start3A_2327 = tpu.memref_slice %arg3[%dma_start3A_2325, %dma_start3A_2326] : memref<200000x64xbf16, #tpu.memory_space<hbm>> -> memref<200000x64xbf16, #tpu.memory_space<hbm>>
        tpu.enqueue_indirect_dma source(%dma_start3A_2327 : memref<200000x64xbf16, #tpu.memory_space<hbm>>) target(%dma_start3A_2322 : memref<80x64xbf16, #tpu.memory_space<vmem>>) offsets(%dma_start3A_2324 : memref<80xi32, #tpu.memory_space<vmem>>) semaphore(%arg16 : memref<!tpu.dma_semaphore, #tpu.memory_space<semaphore_mem>>)
        %add3A_2328 = arith.constant 64 : i32
        %add3A_2329 = arith.addi %add3A_1168, %add3A_2328 : i32
        %lt3A_2330 = arith.constant 1250 : i32
        %lt3A_2331 = arith.cmpi slt, %add3A_2329, %lt3A_2330 : i32
        %convert_element_type3A_2332 = arith.extui %lt3A_2331 : i1 to i32
        %cond3A_2333 = arith.constant 0 : i32
        %cond3A_2334 = arith.cmpi ne, %convert_element_type3A_2332, %cond3A_2333 : i32
        scf.if %cond3A_2334 {
          %add3A_2335 = arith.constant 64 : i32
          %add3A_2336 = arith.addi %add3A_1168, %add3A_2335 : i32
          %mul3A_2337 = arith.constant 40 : i32
          %mul3A_2338 = arith.muli %add3A_2336, %mul3A_2337 : i32
          %dma_start3A_2339 = arith.constant 0 : i32
          %dma_start3A_2340 = tpu.memref_slice %arg2[%mul3A_2338, %dma_start3A_2339] : memref<50000x128xi32, #tpu.memory_space<hbm>> -> memref<40x128xi32, #tpu.memory_space<hbm>>
          %dma_start3A_2341 = arith.constant 0 : i32
          %dma_start3A_2342 = tpu.memref_slice %arg2[%mul3A_2338, %dma_start3A_2341] : memref<50000x128xi32, #tpu.memory_space<hbm>> -> memref<40x128xi32, #tpu.memory_space<hbm>>
          tpu.enqueue_dma source(%dma_start3A_2342 : memref<40x128xi32, #tpu.memory_space<hbm>>) target(%arg6 : memref<40x128xi32, #tpu.memory_space<vmem>>) target_semaphore(%arg14 : memref<!tpu.dma_semaphore, #tpu.memory_space<semaphore_mem>>)
        } else {
        }
      } else {
      }
      %lt3A_1174 = arith.constant 1250 : i32
      %lt3A_1175 = arith.cmpi slt, %add3A_1166, %lt3A_1174 : i32
      %convert_element_type3A_1176 = arith.extui %lt3A_1175 : i1 to i32
      %cond3A_1177 = arith.constant 0 : i32
      %cond3A_1178 = arith.cmpi ne, %convert_element_type3A_1176, %cond3A_1177 : i32
      scf.if %cond3A_1178 {
        %dma_wait3A_1198 = arith.constant 0 : i32
        %dma_wait3A_1199 = arith.constant 0 : i32
        %dma_wait3A_1200 = tpu.memref_slice %arg9[%dma_wait3A_1198, %dma_wait3A_1199] : memref<800x64xbf16, #tpu.memory_space<vmem>> -> memref<80x64xbf16, #tpu.memory_space<vmem>>
        %dma_wait3A_1201 = arith.constant 0 : i32
        %dma_wait3A_1202 = tpu.memref_slice %arg7[%dma_wait3A_1201] : memref<800xi32, #tpu.memory_space<vmem>> -> memref<80xi32, #tpu.memory_space<vmem>>
        %dma_wait3A_1203 = arith.constant 0 : i32
        %dma_wait3A_1204 = arith.constant 0 : i32
        %dma_wait3A_1205 = tpu.memref_slice %arg3[%dma_wait3A_1203, %dma_wait3A_1204] : memref<200000x64xbf16, #tpu.memory_space<hbm>> -> memref<200000x64xbf16, #tpu.memory_space<hbm>>
        tpu.wait_indirect_dma semaphore(%arg15 : memref<!tpu.dma_semaphore, #tpu.memory_space<semaphore_mem>>) src(%dma_wait3A_1205 : memref<200000x64xbf16, #tpu.memory_space<hbm>>) dst(%dma_wait3A_1200 : memref<80x64xbf16, #tpu.memory_space<vmem>>)
        %dma_wait3A_1206 = arith.constant 80 : i32
        %dma_wait3A_1207 = arith.constant 0 : i32
        %dma_wait3A_1208 = tpu.memref_slice %arg9[%dma_wait3A_1206, %dma_wait3A_1207] : memref<800x64xbf16, #tpu.memory_space<vmem>> -> memref<80x64xbf16, #tpu.memory_space<vmem>>
        %dma_wait3A_1209 = arith.constant 80 : i32
        %dma_wait3A_1210 = tpu.memref_slice %arg7[%dma_wait3A_1209] : memref<800xi32, #tpu.memory_space<vmem>> -> memref<80xi32, #tpu.memory_space<vmem>>
        %dma_wait3A_1211 = arith.constant 0 : i32
        %dma_wait3A_1212 = arith.constant 0 : i32
        %dma_wait3A_1213 = tpu.memref_slice %arg3[%dma_wait3A_1211, %dma_wait3A_1212] : memref<200000x64xbf16, #tpu.memory_space<hbm>> -> memref<200000x64xbf16, #tpu.memory_space<hbm>>
        tpu.wait_indirect_dma semaphore(%arg15 : memref<!tpu.dma_semaphore, #tpu.memory_space<semaphore_mem>>) src(%dma_wait3A_1213 : memref<200000x64xbf16, #tpu.memory_space<hbm>>) dst(%dma_wait3A_1208 : memref<80x64xbf16, #tpu.memory_space<vmem>>)
        %dma_wait3A_1214 = arith.constant 160 : i32
        %dma_wait3A_1215 = arith.constant 0 : i32
        %dma_wait3A_1216 = tpu.memref_slice %arg9[%dma_wait3A_1214, %dma_wait3A_1215] : memref<800x64xbf16, #tpu.memory_space<vmem>> -> memref<80x64xbf16, #tpu.memory_space<vmem>>
        %dma_wait3A_1217 = arith.constant 160 : i32
        %dma_wait3A_1218 = tpu.memref_slice %arg7[%dma_wait3A_1217] : memref<800xi32, #tpu.memory_space<vmem>> -> memref<80xi32, #tpu.memory_space<vmem>>
        %dma_wait3A_1219 = arith.constant 0 : i32
        %dma_wait3A_1220 = arith.constant 0 : i32
        %dma_wait3A_1221 = tpu.memref_slice %arg3[%dma_wait3A_1219, %dma_wait3A_1220] : memref<200000x64xbf16, #tpu.memory_space<hbm>> -> memref<200000x64xbf16, #tpu.memory_space<hbm>>
        tpu.wait_indirect_dma semaphore(%arg15 : memref<!tpu.dma_semaphore, #tpu.memory_space<semaphore_mem>>) src(%dma_wait3A_1221 : memref<200000x64xbf16, #tpu.memory_space<hbm>>) dst(%dma_wait3A_1216 : memref<80x64xbf16, #tpu.memory_space<vmem>>)
        %dma_wait3A_1222 = arith.constant 240 : i32
        %dma_wait3A_1223 = arith.constant 0 : i32
        %dma_wait3A_1224 = tpu.memref_slice %arg9[%dma_wait3A_1222, %dma_wait3A_1223] : memref<800x64xbf16, #tpu.memory_space<vmem>> -> memref<80x64xbf16, #tpu.memory_space<vmem>>
        %dma_wait3A_1225 = arith.constant 240 : i32
        %dma_wait3A_1226 = tpu.memref_slice %arg7[%dma_wait3A_1225] : memref<800xi32, #tpu.memory_space<vmem>> -> memref<80xi32, #tpu.memory_space<vmem>>
        %dma_wait3A_1227 = arith.constant 0 : i32
        %dma_wait3A_1228 = arith.constant 0 : i32
        %dma_wait3A_1229 = tpu.memref_slice %arg3[%dma_wait3A_1227, %dma_wait3A_1228] : memref<200000x64xbf16, #tpu.memory_space<hbm>> -> memref<200000x64xbf16, #tpu.memory_space<hbm>>
        tpu.wait_indirect_dma semaphore(%arg15 : memref<!tpu.dma_semaphore, #tpu.memory_space<semaphore_mem>>) src(%dma_wait3A_1229 : memref<200000x64xbf16, #tpu.memory_space<hbm>>) dst(%dma_wait3A_1224 : memref<80x64xbf16, #tpu.memory_space<vmem>>)
        %dma_wait3A_1230 = arith.constant 320 : i32
        %dma_wait3A_1231 = arith.constant 0 : i32
        %dma_wait3A_1232 = tpu.memref_slice %arg9[%dma_wait3A_1230, %dma_wait3A_1231] : memref<800x64xbf16, #tpu.memory_space<vmem>> -> memref<80x64xbf16, #tpu.memory_space<vmem>>
        %dma_wait3A_1233 = arith.constant 320 : i32
        %dma_wait3A_1234 = tpu.memref_slice %arg7[%dma_wait3A_1233] : memref<800xi32, #tpu.memory_space<vmem>> -> memref<80xi32, #tpu.memory_space<vmem>>
        %dma_wait3A_1235 = arith.constant 0 : i32
        %dma_wait3A_1236 = arith.constant 0 : i32
        %dma_wait3A_1237 = tpu.memref_slice %arg3[%dma_wait3A_1235, %dma_wait3A_1236] : memref<200000x64xbf16, #tpu.memory_space<hbm>> -> memref<200000x64xbf16, #tpu.memory_space<hbm>>
        tpu.wait_indirect_dma semaphore(%arg15 : memref<!tpu.dma_semaphore, #tpu.memory_space<semaphore_mem>>) src(%dma_wait3A_1237 : memref<200000x64xbf16, #tpu.memory_space<hbm>>) dst(%dma_wait3A_1232 : memref<80x64xbf16, #tpu.memory_space<vmem>>)
        %dma_wait3A_1238 = arith.constant 400 : i32
        %dma_wait3A_1239 = arith.constant 0 : i32
        %dma_wait3A_1240 = tpu.memref_slice %arg9[%dma_wait3A_1238, %dma_wait3A_1239] : memref<800x64xbf16, #tpu.memory_space<vmem>> -> memref<80x64xbf16, #tpu.memory_space<vmem>>
        %dma_wait3A_1241 = arith.constant 400 : i32
        %dma_wait3A_1242 = tpu.memref_slice %arg7[%dma_wait3A_1241] : memref<800xi32, #tpu.memory_space<vmem>> -> memref<80xi32, #tpu.memory_space<vmem>>
        %dma_wait3A_1243 = arith.constant 0 : i32
        %dma_wait3A_1244 = arith.constant 0 : i32
        %dma_wait3A_1245 = tpu.memref_slice %arg3[%dma_wait3A_1243, %dma_wait3A_1244] : memref<200000x64xbf16, #tpu.memory_space<hbm>> -> memref<200000x64xbf16, #tpu.memory_space<hbm>>
        tpu.wait_indirect_dma semaphore(%arg15 : memref<!tpu.dma_semaphore, #tpu.memory_space<semaphore_mem>>) src(%dma_wait3A_1245 : memref<200000x64xbf16, #tpu.memory_space<hbm>>) dst(%dma_wait3A_1240 : memref<80x64xbf16, #tpu.memory_space<vmem>>)
        %dma_wait3A_1246 = arith.constant 480 : i32
        %dma_wait3A_1247 = arith.constant 0 : i32
        %dma_wait3A_1248 = tpu.memref_slice %arg9[%dma_wait3A_1246, %dma_wait3A_1247] : memref<800x64xbf16, #tpu.memory_space<vmem>> -> memref<80x64xbf16, #tpu.memory_space<vmem>>
        %dma_wait3A_1249 = arith.constant 480 : i32
        %dma_wait3A_1250 = tpu.memref_slice %arg7[%dma_wait3A_1249] : memref<800xi32, #tpu.memory_space<vmem>> -> memref<80xi32, #tpu.memory_space<vmem>>
        %dma_wait3A_1251 = arith.constant 0 : i32
        %dma_wait3A_1252 = arith.constant 0 : i32
        %dma_wait3A_1253 = tpu.memref_slice %arg3[%dma_wait3A_1251, %dma_wait3A_1252] : memref<200000x64xbf16, #tpu.memory_space<hbm>> -> memref<200000x64xbf16, #tpu.memory_space<hbm>>
        tpu.wait_indirect_dma semaphore(%arg15 : memref<!tpu.dma_semaphore, #tpu.memory_space<semaphore_mem>>) src(%dma_wait3A_1253 : memref<200000x64xbf16, #tpu.memory_space<hbm>>) dst(%dma_wait3A_1248 : memref<80x64xbf16, #tpu.memory_space<vmem>>)
        %dma_wait3A_1254 = arith.constant 560 : i32
        %dma_wait3A_1255 = arith.constant 0 : i32
        %dma_wait3A_1256 = tpu.memref_slice %arg9[%dma_wait3A_1254, %dma_wait3A_1255] : memref<800x64xbf16, #tpu.memory_space<vmem>> -> memref<80x64xbf16, #tpu.memory_space<vmem>>
        %dma_wait3A_1257 = arith.constant 560 : i32
        %dma_wait3A_1258 = tpu.memref_slice %arg7[%dma_wait3A_1257] : memref<800xi32, #tpu.memory_space<vmem>> -> memref<80xi32, #tpu.memory_space<vmem>>
        %dma_wait3A_1259 = arith.constant 0 : i32
        %dma_wait3A_1260 = arith.constant 0 : i32
        %dma_wait3A_1261 = tpu.memref_slice %arg3[%dma_wait3A_1259, %dma_wait3A_1260] : memref<200000x64xbf16, #tpu.memory_space<hbm>> -> memref<200000x64xbf16, #tpu.memory_space<hbm>>
        tpu.wait_indirect_dma semaphore(%arg15 : memref<!tpu.dma_semaphore, #tpu.memory_space<semaphore_mem>>) src(%dma_wait3A_1261 : memref<200000x64xbf16, #tpu.memory_space<hbm>>) dst(%dma_wait3A_1256 : memref<80x64xbf16, #tpu.memory_space<vmem>>)
        %dma_wait3A_1262 = arith.constant 640 : i32
        %dma_wait3A_1263 = arith.constant 0 : i32
        %dma_wait3A_1264 = tpu.memref_slice %arg9[%dma_wait3A_1262, %dma_wait3A_1263] : memref<800x64xbf16, #tpu.memory_space<vmem>> -> memref<80x64xbf16, #tpu.memory_space<vmem>>
        %dma_wait3A_1265 = arith.constant 640 : i32
        %dma_wait3A_1266 = tpu.memref_slice %arg7[%dma_wait3A_1265] : memref<800xi32, #tpu.memory_space<vmem>> -> memref<80xi32, #tpu.memory_space<vmem>>
        %dma_wait3A_1267 = arith.constant 0 : i32
        %dma_wait3A_1268 = arith.constant 0 : i32
        %dma_wait3A_1269 = tpu.memref_slice %arg3[%dma_wait3A_1267, %dma_wait3A_1268] : memref<200000x64xbf16, #tpu.memory_space<hbm>> -> memref<200000x64xbf16, #tpu.memory_space<hbm>>
        tpu.wait_indirect_dma semaphore(%arg15 : memref<!tpu.dma_semaphore, #tpu.memory_space<semaphore_mem>>) src(%dma_wait3A_1269 : memref<200000x64xbf16, #tpu.memory_space<hbm>>) dst(%dma_wait3A_1264 : memref<80x64xbf16, #tpu.memory_space<vmem>>)
        %dma_wait3A_1270 = arith.constant 720 : i32
        %dma_wait3A_1271 = arith.constant 0 : i32
        %dma_wait3A_1272 = tpu.memref_slice %arg9[%dma_wait3A_1270, %dma_wait3A_1271] : memref<800x64xbf16, #tpu.memory_space<vmem>> -> memref<80x64xbf16, #tpu.memory_space<vmem>>
        %dma_wait3A_1273 = arith.constant 720 : i32
        %dma_wait3A_1274 = tpu.memref_slice %arg7[%dma_wait3A_1273] : memref<800xi32, #tpu.memory_space<vmem>> -> memref<80xi32, #tpu.memory_space<vmem>>
        %dma_wait3A_1275 = arith.constant 0 : i32
        %dma_wait3A_1276 = arith.constant 0 : i32
        %dma_wait3A_1277 = tpu.memref_slice %arg3[%dma_wait3A_1275, %dma_wait3A_1276] : memref<200000x64xbf16, #tpu.memory_space<hbm>> -> memref<200000x64xbf16, #tpu.memory_space<hbm>>
        tpu.wait_indirect_dma semaphore(%arg15 : memref<!tpu.dma_semaphore, #tpu.memory_space<semaphore_mem>>) src(%dma_wait3A_1277 : memref<200000x64xbf16, #tpu.memory_space<hbm>>) dst(%dma_wait3A_1272 : memref<80x64xbf16, #tpu.memory_space<vmem>>)
        %ge3A = arith.constant 64 : i32
        %ge3A_1278 = arith.cmpi sge, %add3A_1166, %ge3A : i32
        %convert_element_type3A_1279 = arith.extui %ge3A_1278 : i1 to i32
        %cond3A_1280 = arith.constant 0 : i32
        %cond3A_1281 = arith.cmpi ne, %convert_element_type3A_1279, %cond3A_1280 : i32
        scf.if %cond3A_1281 {
          %mul3A_1304 = arith.constant 40 : i32
          %mul3A_1305 = arith.muli %add3A_1166, %mul3A_1304 : i32
          %dma_wait3A_1306 = arith.constant 0 : i32
          %dma_wait3A_1307 = tpu.memref_slice %arg4[%mul3A_1305, %dma_wait3A_1306] : memref<50000x64xf32, #tpu.memory_space<hbm>> -> memref<40x64xf32, #tpu.memory_space<hbm>>
          %dma_wait3A_1308 = arith.constant 0 : i32
          %dma_wait3A_1309 = tpu.memref_slice %arg4[%mul3A_1305, %dma_wait3A_1308] : memref<50000x64xf32, #tpu.memory_space<hbm>> -> memref<40x64xf32, #tpu.memory_space<hbm>>
          tpu.wait_dma2 semaphore(%arg17 : memref<!tpu.dma_semaphore, #tpu.memory_space<semaphore_mem>>) src(%arg11 : memref<40x64xf32, #tpu.memory_space<vmem>>) dst(%dma_wait3A_1309 : memref<40x64xf32, #tpu.memory_space<hbm>>)
        } else {
        }
        %iota3A_1282 = tpu.iota {dimensions = array<i32: 0>} : vector<16xi32>
        %mul3A_1283 = arith.constant 2 : i32
        %mul3A_1284 = vector.broadcast %mul3A_1283 : i32 to vector<16xi32>
        %mul3A_1285 = arith.muli %iota3A_1282, %mul3A_1284 : vector<16xi32>
        %mul3A_1286 = arith.constant 2 : i32
        %mul3A_1287 = vector.broadcast %mul3A_1286 : i32 to vector<16xi32>
        %mul3A_1288 = arith.muli %iota3A_1282, %mul3A_1287 : vector<16xi32>
        %add3A_1289 = arith.constant 1 : i32
        %add3A_1290 = vector.broadcast %add3A_1289 : i32 to vector<16xi32>
        %add3A_1291 = arith.addi %mul3A_1288, %add3A_1290 : vector<16xi32>
        %scan3A_1292 = arith.constant 0 : i32
        %scan3A_1293 = arith.constant 0 : i32
        %scan3A_1294 = arith.constant 40 : i32
        %scan3A_1295 = arith.addi %scan3A_1293, %scan3A_1294 : i32
        %scan3A_1296 = arith.constant 1 : i32
        scf.for %scan3A_1304 = %scan3A_1293 to %scan3A_1295 step %scan3A_1296  : i32 {
          %mul3A_1305 = arith.constant 20 : i32
          %mul3A_1306 = arith.muli %scan3A_1304, %mul3A_1305 : i32
          %broadcast_in_dim3A = arith.constant 0 : i32
          %broadcast_in_dim3A_1307 = vector.broadcast %broadcast_in_dim3A : i32 to vector<16xi32>
          %add3A_1308 = vector.broadcast %scan3A_1304 : i32 to vector<16xi32>
          %add3A_1309 = arith.addi %broadcast_in_dim3A_1307, %add3A_1308 : vector<16xi32>
          %get3A_1310 = arith.index_cast %mul3A_1306 : i32 to index
          %get3A_1311 = arith.constant 0 : index
          %get3A_1312 = tpu.vector_load %arg9[%get3A_1310, %get3A_1311] {strides = array<i32>} : memref<800x64xbf16, #tpu.memory_space<vmem>>, vector<32xbf16>,
          %add3A_1313 = arith.constant 10 : i32
          %add3A_1314 = arith.addi %mul3A_1306, %add3A_1313 : i32
          %get3A_1315 = arith.index_cast %add3A_1314 : i32 to index
          %get3A_1316 = arith.constant 0 : index
          %get3A_1317 = tpu.vector_load %arg9[%get3A_1315, %get3A_1316] {strides = array<i32>} : memref<800x64xbf16, #tpu.memory_space<vmem>>, vector<32xbf16>,
          %add3A_1318 = arith.constant 1 : i32
          %add3A_1319 = arith.addi %mul3A_1306, %add3A_1318 : i32
          %get3A_1320 = arith.index_cast %add3A_1319 : i32 to index
          %get3A_1321 = arith.constant 0 : index
          %get3A_1322 = tpu.vector_load %arg9[%get3A_1320, %get3A_1321] {strides = array<i32>} : memref<800x64xbf16, #tpu.memory_space<vmem>>, vector<32xbf16>,
          %add3A_1323 = arith.addf %get3A_1312, %get3A_1322 : vector<32xbf16>
          %add3A_1324 = arith.constant 10 : i32
          %add3A_1325 = arith.addi %mul3A_1306, %add3A_1324 : i32
          %add3A_1326 = arith.constant 1 : i32
          %add3A_1327 = arith.addi %add3A_1325, %add3A_1326 : i32
          %get3A_1328 = arith.index_cast %add3A_1327 : i32 to index
          %get3A_1329 = arith.constant 0 : index
          %get3A_1330 = tpu.vector_load %arg9[%get3A_1328, %get3A_1329] {strides = array<i32>} : memref<800x64xbf16, #tpu.memory_space<vmem>>, vector<32xbf16>,
          %add3A_1331 = arith.addf %get3A_1317, %get3A_1330 : vector<32xbf16>
          %add3A_1332 = arith.constant 2 : i32
          %add3A_1333 = arith.addi %mul3A_1306, %add3A_1332 : i32
          %get3A_1334 = arith.index_cast %add3A_1333 : i32 to index
          %get3A_1335 = arith.constant 0 : index
          %get3A_1336 = tpu.vector_load %arg9[%get3A_1334, %get3A_1335] {strides = array<i32>} : memref<800x64xbf16, #tpu.memory_space<vmem>>, vector<32xbf16>,
          %add3A_1337 = arith.addf %add3A_1323, %get3A_1336 : vector<32xbf16>
          %add3A_1338 = arith.constant 10 : i32
          %add3A_1339 = arith.addi %mul3A_1306, %add3A_1338 : i32
          %add3A_1340 = arith.constant 2 : i32
          %add3A_1341 = arith.addi %add3A_1339, %add3A_1340 : i32
          %get3A_1342 = arith.index_cast %add3A_1341 : i32 to index
          %get3A_1343 = arith.constant 0 : index
          %get3A_1344 = tpu.vector_load %arg9[%get3A_1342, %get3A_1343] {strides = array<i32>} : memref<800x64xbf16, #tpu.memory_space<vmem>>, vector<32xbf16>,
          %add3A_1345 = arith.addf %add3A_1331, %get3A_1344 : vector<32xbf16>
          %add3A_1346 = arith.constant 3 : i32
          %add3A_1347 = arith.addi %mul3A_1306, %add3A_1346 : i32
          %get3A_1348 = arith.index_cast %add3A_1347 : i32 to index
          %get3A_1349 = arith.constant 0 : index
          %get3A_1350 = tpu.vector_load %arg9[%get3A_1348, %get3A_1349] {strides = array<i32>} : memref<800x64xbf16, #tpu.memory_space<vmem>>, vector<32xbf16>,
          %add3A_1351 = arith.addf %add3A_1337, %get3A_1350 : vector<32xbf16>
          %add3A_1352 = arith.constant 10 : i32
          %add3A_1353 = arith.addi %mul3A_1306, %add3A_1352 : i32
          %add3A_1354 = arith.constant 3 : i32
          %add3A_1355 = arith.addi %add3A_1353, %add3A_1354 : i32
          %get3A_1356 = arith.index_cast %add3A_1355 : i32 to index
          %get3A_1357 = arith.constant 0 : index
          %get3A_1358 = tpu.vector_load %arg9[%get3A_1356, %get3A_1357] {strides = array<i32>} : memref<800x64xbf16, #tpu.memory_space<vmem>>, vector<32xbf16>,
          %add3A_1359 = arith.addf %add3A_1345, %get3A_1358 : vector<32xbf16>
          %add3A_1360 = arith.constant 4 : i32
          %add3A_1361 = arith.addi %mul3A_1306, %add3A_1360 : i32
          %get3A_1362 = arith.index_cast %add3A_1361 : i32 to index
          %get3A_1363 = arith.constant 0 : index
          %get3A_1364 = tpu.vector_load %arg9[%get3A_1362, %get3A_1363] {strides = array<i32>} : memref<800x64xbf16, #tpu.memory_space<vmem>>, vector<32xbf16>,
          %add3A_1365 = arith.addf %add3A_1351, %get3A_1364 : vector<32xbf16>
          %add3A_1366 = arith.constant 10 : i32
          %add3A_1367 = arith.addi %mul3A_1306, %add3A_1366 : i32
          %add3A_1368 = arith.constant 4 : i32
          %add3A_1369 = arith.addi %add3A_1367, %add3A_1368 : i32
          %get3A_1370 = arith.index_cast %add3A_1369 : i32 to index
          %get3A_1371 = arith.constant 0 : index
          %get3A_1372 = tpu.vector_load %arg9[%get3A_1370, %get3A_1371] {strides = array<i32>} : memref<800x64xbf16, #tpu.memory_space<vmem>>, vector<32xbf16>,
          %add3A_1373 = arith.addf %add3A_1359, %get3A_1372 : vector<32xbf16>
          %add3A_1374 = arith.constant 5 : i32
          %add3A_1375 = arith.addi %mul3A_1306, %add3A_1374 : i32
          %get3A_1376 = arith.index_cast %add3A_1375 : i32 to index
          %get3A_1377 = arith.constant 0 : index
          %get3A_1378 = tpu.vector_load %arg9[%get3A_1376, %get3A_1377] {strides = array<i32>} : memref<800x64xbf16, #tpu.memory_space<vmem>>, vector<32xbf16>,
          %add3A_1379 = arith.addf %add3A_1365, %get3A_1378 : vector<32xbf16>
          %add3A_1380 = arith.constant 10 : i32
          %add3A_1381 = arith.addi %mul3A_1306, %add3A_1380 : i32
          %add3A_1382 = arith.constant 5 : i32
          %add3A_1383 = arith.addi %add3A_1381, %add3A_1382 : i32
          %get3A_1384 = arith.index_cast %add3A_1383 : i32 to index
          %get3A_1385 = arith.constant 0 : index
          %get3A_1386 = tpu.vector_load %arg9[%get3A_1384, %get3A_1385] {strides = array<i32>} : memref<800x64xbf16, #tpu.memory_space<vmem>>, vector<32xbf16>,
          %add3A_1387 = arith.addf %add3A_1373, %get3A_1386 : vector<32xbf16>
          %add3A_1388 = arith.constant 6 : i32
          %add3A_1389 = arith.addi %mul3A_1306, %add3A_1388 : i32
          %get3A_1390 = arith.index_cast %add3A_1389 : i32 to index
          %get3A_1391 = arith.constant 0 : index
          %get3A_1392 = tpu.vector_load %arg9[%get3A_1390, %get3A_1391] {strides = array<i32>} : memref<800x64xbf16, #tpu.memory_space<vmem>>, vector<32xbf16>,
          %add3A_1393 = arith.addf %add3A_1379, %get3A_1392 : vector<32xbf16>
          %add3A_1394 = arith.constant 10 : i32
          %add3A_1395 = arith.addi %mul3A_1306, %add3A_1394 : i32
          %add3A_1396 = arith.constant 6 : i32
          %add3A_1397 = arith.addi %add3A_1395, %add3A_1396 : i32
          %get3A_1398 = arith.index_cast %add3A_1397 : i32 to index
          %get3A_1399 = arith.constant 0 : index
          %get3A_1400 = tpu.vector_load %arg9[%get3A_1398, %get3A_1399] {strides = array<i32>} : memref<800x64xbf16, #tpu.memory_space<vmem>>, vector<32xbf16>,
          %add3A_1401 = arith.addf %add3A_1387, %get3A_1400 : vector<32xbf16>
          %add3A_1402 = arith.constant 7 : i32
          %add3A_1403 = arith.addi %mul3A_1306, %add3A_1402 : i32
          %get3A_1404 = arith.index_cast %add3A_1403 : i32 to index
          %get3A_1405 = arith.constant 0 : index
          %get3A_1406 = tpu.vector_load %arg9[%get3A_1404, %get3A_1405] {strides = array<i32>} : memref<800x64xbf16, #tpu.memory_space<vmem>>, vector<32xbf16>,
          %add3A_1407 = arith.addf %add3A_1393, %get3A_1406 : vector<32xbf16>
          %add3A_1408 = arith.constant 10 : i32
          %add3A_1409 = arith.addi %mul3A_1306, %add3A_1408 : i32
          %add3A_1410 = arith.constant 7 : i32
          %add3A_1411 = arith.addi %add3A_1409, %add3A_1410 : i32
          %get3A_1412 = arith.index_cast %add3A_1411 : i32 to index
          %get3A_1413 = arith.constant 0 : index
          %get3A_1414 = tpu.vector_load %arg9[%get3A_1412, %get3A_1413] {strides = array<i32>} : memref<800x64xbf16, #tpu.memory_space<vmem>>, vector<32xbf16>,
          %add3A_1415 = arith.addf %add3A_1401, %get3A_1414 : vector<32xbf16>
          %add3A_1416 = arith.constant 8 : i32
          %add3A_1417 = arith.addi %mul3A_1306, %add3A_1416 : i32
          %get3A_1418 = arith.index_cast %add3A_1417 : i32 to index
          %get3A_1419 = arith.constant 0 : index
          %get3A_1420 = tpu.vector_load %arg9[%get3A_1418, %get3A_1419] {strides = array<i32>} : memref<800x64xbf16, #tpu.memory_space<vmem>>, vector<32xbf16>,
          %add3A_1421 = arith.addf %add3A_1407, %get3A_1420 : vector<32xbf16>
          %add3A_1422 = arith.constant 10 : i32
          %add3A_1423 = arith.addi %mul3A_1306, %add3A_1422 : i32
          %add3A_1424 = arith.constant 8 : i32
          %add3A_1425 = arith.addi %add3A_1423, %add3A_1424 : i32
          %get3A_1426 = arith.index_cast %add3A_1425 : i32 to index
          %get3A_1427 = arith.constant 0 : index
          %get3A_1428 = tpu.vector_load %arg9[%get3A_1426, %get3A_1427] {strides = array<i32>} : memref<800x64xbf16, #tpu.memory_space<vmem>>, vector<32xbf16>,
          %add3A_1429 = arith.addf %add3A_1415, %get3A_1428 : vector<32xbf16>
          %add3A_1430 = arith.constant 9 : i32
          %add3A_1431 = arith.addi %mul3A_1306, %add3A_1430 : i32
          %get3A_1432 = arith.index_cast %add3A_1431 : i32 to index
          %get3A_1433 = arith.constant 0 : index
          %get3A_1434 = tpu.vector_load %arg9[%get3A_1432, %get3A_1433] {strides = array<i32>} : memref<800x64xbf16, #tpu.memory_space<vmem>>, vector<32xbf16>,
          %add3A_1435 = arith.addf %add3A_1421, %get3A_1434 : vector<32xbf16>
          %add3A_1436 = arith.constant 10 : i32
          %add3A_1437 = arith.addi %mul3A_1306, %add3A_1436 : i32
          %add3A_1438 = arith.constant 9 : i32
          %add3A_1439 = arith.addi %add3A_1437, %add3A_1438 : i32
          %get3A_1440 = arith.index_cast %add3A_1439 : i32 to index
          %get3A_1441 = arith.constant 0 : index
          %get3A_1442 = tpu.vector_load %arg9[%get3A_1440, %get3A_1441] {strides = array<i32>} : memref<800x64xbf16, #tpu.memory_space<vmem>>, vector<32xbf16>,
          %add3A_1443 = arith.addf %add3A_1429, %get3A_1442 : vector<32xbf16>
          %add3A_1444 = arith.addf %add3A_1435, %add3A_1443 : vector<32xbf16>
          %unpack3A = tpu.unpack_subelements %add3A_1444, 0 {pack_format = #tpu.pack_format<interleaved>} : vector<32xbf16> -> vector<16xf32>
          %unpack3A_1445 = tpu.unpack_subelements %add3A_1444, 1 {pack_format = #tpu.pack_format<interleaved>} : vector<32xbf16> -> vector<16xf32>
          %add3A_1446 = arith.constant 0 : i32
          %add3A_1447 = vector.broadcast %add3A_1446 : i32 to vector<16xi32>
          %add3A_1448 = arith.addi %add3A_1447, %mul3A_1285 : vector<16xi32>
          %mul3A_1449 = arith.constant 5.000000e-02 : f32
          %mul3A_1450 = vector.broadcast %mul3A_1449 : f32 to vector<16xf32>
          %mul3A_1451 = arith.mulf %unpack3A, %mul3A_1450 : vector<16xf32>
          tpu.vector_store_idx %arg11[%add3A_1309, %add3A_1448], %mul3A_1451 : memref<40x64xf32, #tpu.memory_space<vmem>>[vector<16xi32>, vector<16xi32>], vector<16xf32>,
          %add3A_1452 = arith.constant 0 : i32
          %add3A_1453 = vector.broadcast %add3A_1452 : i32 to vector<16xi32>
          %add3A_1454 = arith.addi %add3A_1453, %add3A_1291 : vector<16xi32>
          %mul3A_1455 = arith.constant 5.000000e-02 : f32
          %mul3A_1456 = vector.broadcast %mul3A_1455 : f32 to vector<16xf32>
          %mul3A_1457 = arith.mulf %unpack3A_1445, %mul3A_1456 : vector<16xf32>
          tpu.vector_store_idx %arg11[%add3A_1309, %add3A_1454], %mul3A_1457 : memref<40x64xf32, #tpu.memory_space<vmem>>[vector<16xi32>, vector<16xi32>], vector<16xf32>,
          %get3A_1458 = arith.index_cast %mul3A_1306 : i32 to index
          %get3A_1459 = arith.constant 32 : index
          %get3A_1460 = tpu.vector_load %arg9[%get3A_1458, %get3A_1459] {strides = array<i32>} : memref<800x64xbf16, #tpu.memory_space<vmem>>, vector<32xbf16>,
          %add3A_1461 = arith.constant 10 : i32
          %add3A_1462 = arith.addi %mul3A_1306, %add3A_1461 : i32
          %get3A_1463 = arith.index_cast %add3A_1462 : i32 to index
          %get3A_1464 = arith.constant 32 : index
          %get3A_1465 = tpu.vector_load %arg9[%get3A_1463, %get3A_1464] {strides = array<i32>} : memref<800x64xbf16, #tpu.memory_space<vmem>>, vector<32xbf16>,
          %add3A_1466 = arith.constant 1 : i32
          %add3A_1467 = arith.addi %mul3A_1306, %add3A_1466 : i32
          %get3A_1468 = arith.index_cast %add3A_1467 : i32 to index
          %get3A_1469 = arith.constant 32 : index
          %get3A_1470 = tpu.vector_load %arg9[%get3A_1468, %get3A_1469] {strides = array<i32>} : memref<800x64xbf16, #tpu.memory_space<vmem>>, vector<32xbf16>,
          %add3A_1471 = arith.addf %get3A_1460, %get3A_1470 : vector<32xbf16>
          %add3A_1472 = arith.constant 10 : i32
          %add3A_1473 = arith.addi %mul3A_1306, %add3A_1472 : i32
          %add3A_1474 = arith.constant 1 : i32
          %add3A_1475 = arith.addi %add3A_1473, %add3A_1474 : i32
          %get3A_1476 = arith.index_cast %add3A_1475 : i32 to index
          %get3A_1477 = arith.constant 32 : index
          %get3A_1478 = tpu.vector_load %arg9[%get3A_1476, %get3A_1477] {strides = array<i32>} : memref<800x64xbf16, #tpu.memory_space<vmem>>, vector<32xbf16>,
          %add3A_1479 = arith.addf %get3A_1465, %get3A_1478 : vector<32xbf16>
          %add3A_1480 = arith.constant 2 : i32
          %add3A_1481 = arith.addi %mul3A_1306, %add3A_1480 : i32
          %get3A_1482 = arith.index_cast %add3A_1481 : i32 to index
          %get3A_1483 = arith.constant 32 : index
          %get3A_1484 = tpu.vector_load %arg9[%get3A_1482, %get3A_1483] {strides = array<i32>} : memref<800x64xbf16, #tpu.memory_space<vmem>>, vector<32xbf16>,
          %add3A_1485 = arith.addf %add3A_1471, %get3A_1484 : vector<32xbf16>
          %add3A_1486 = arith.constant 10 : i32
          %add3A_1487 = arith.addi %mul3A_1306, %add3A_1486 : i32
          %add3A_1488 = arith.constant 2 : i32
          %add3A_1489 = arith.addi %add3A_1487, %add3A_1488 : i32
          %get3A_1490 = arith.index_cast %add3A_1489 : i32 to index
          %get3A_1491 = arith.constant 32 : index
          %get3A_1492 = tpu.vector_load %arg9[%get3A_1490, %get3A_1491] {strides = array<i32>} : memref<800x64xbf16, #tpu.memory_space<vmem>>, vector<32xbf16>,
          %add3A_1493 = arith.addf %add3A_1479, %get3A_1492 : vector<32xbf16>
          %add3A_1494 = arith.constant 3 : i32
          %add3A_1495 = arith.addi %mul3A_1306, %add3A_1494 : i32
          %get3A_1496 = arith.index_cast %add3A_1495 : i32 to index
          %get3A_1497 = arith.constant 32 : index
          %get3A_1498 = tpu.vector_load %arg9[%get3A_1496, %get3A_1497] {strides = array<i32>} : memref<800x64xbf16, #tpu.memory_space<vmem>>, vector<32xbf16>,
          %add3A_1499 = arith.addf %add3A_1485, %get3A_1498 : vector<32xbf16>
          %add3A_1500 = arith.constant 10 : i32
          %add3A_1501 = arith.addi %mul3A_1306, %add3A_1500 : i32
          %add3A_1502 = arith.constant 3 : i32
          %add3A_1503 = arith.addi %add3A_1501, %add3A_1502 : i32
          %get3A_1504 = arith.index_cast %add3A_1503 : i32 to index
          %get3A_1505 = arith.constant 32 : index
          %get3A_1506 = tpu.vector_load %arg9[%get3A_1504, %get3A_1505] {strides = array<i32>} : memref<800x64xbf16, #tpu.memory_space<vmem>>, vector<32xbf16>,
          %add3A_1507 = arith.addf %add3A_1493, %get3A_1506 : vector<32xbf16>
          %add3A_1508 = arith.constant 4 : i32
          %add3A_1509 = arith.addi %mul3A_1306, %add3A_1508 : i32
          %get3A_1510 = arith.index_cast %add3A_1509 : i32 to index
          %get3A_1511 = arith.constant 32 : index
          %get3A_1512 = tpu.vector_load %arg9[%get3A_1510, %get3A_1511] {strides = array<i32>} : memref<800x64xbf16, #tpu.memory_space<vmem>>, vector<32xbf16>,
          %add3A_1513 = arith.addf %add3A_1499, %get3A_1512 : vector<32xbf16>
          %add3A_1514 = arith.constant 10 : i32
          %add3A_1515 = arith.addi %mul3A_1306, %add3A_1514 : i32
          %add3A_1516 = arith.constant 4 : i32
          %add3A_1517 = arith.addi %add3A_1515, %add3A_1516 : i32
          %get3A_1518 = arith.index_cast %add3A_1517 : i32 to index
          %get3A_1519 = arith.constant 32 : index
          %get3A_1520 = tpu.vector_load %arg9[%get3A_1518, %get3A_1519] {strides = array<i32>} : memref<800x64xbf16, #tpu.memory_space<vmem>>, vector<32xbf16>,
          %add3A_1521 = arith.addf %add3A_1507, %get3A_1520 : vector<32xbf16>
          %add3A_1522 = arith.constant 5 : i32
          %add3A_1523 = arith.addi %mul3A_1306, %add3A_1522 : i32
          %get3A_1524 = arith.index_cast %add3A_1523 : i32 to index
          %get3A_1525 = arith.constant 32 : index
          %get3A_1526 = tpu.vector_load %arg9[%get3A_1524, %get3A_1525] {strides = array<i32>} : memref<800x64xbf16, #tpu.memory_space<vmem>>, vector<32xbf16>,
          %add3A_1527 = arith.addf %add3A_1513, %get3A_1526 : vector<32xbf16>
          %add3A_1528 = arith.constant 10 : i32
          %add3A_1529 = arith.addi %mul3A_1306, %add3A_1528 : i32
          %add3A_1530 = arith.constant 5 : i32
          %add3A_1531 = arith.addi %add3A_1529, %add3A_1530 : i32
          %get3A_1532 = arith.index_cast %add3A_1531 : i32 to index
          %get3A_1533 = arith.constant 32 : index
          %get3A_1534 = tpu.vector_load %arg9[%get3A_1532, %get3A_1533] {strides = array<i32>} : memref<800x64xbf16, #tpu.memory_space<vmem>>, vector<32xbf16>,
          %add3A_1535 = arith.addf %add3A_1521, %get3A_1534 : vector<32xbf16>
          %add3A_1536 = arith.constant 6 : i32
          %add3A_1537 = arith.addi %mul3A_1306, %add3A_1536 : i32
          %get3A_1538 = arith.index_cast %add3A_1537 : i32 to index
          %get3A_1539 = arith.constant 32 : index
          %get3A_1540 = tpu.vector_load %arg9[%get3A_1538, %get3A_1539] {strides = array<i32>} : memref<800x64xbf16, #tpu.memory_space<vmem>>, vector<32xbf16>,
          %add3A_1541 = arith.addf %add3A_1527, %get3A_1540 : vector<32xbf16>
          %add3A_1542 = arith.constant 10 : i32
          %add3A_1543 = arith.addi %mul3A_1306, %add3A_1542 : i32
          %add3A_1544 = arith.constant 6 : i32
          %add3A_1545 = arith.addi %add3A_1543, %add3A_1544 : i32
          %get3A_1546 = arith.index_cast %add3A_1545 : i32 to index
          %get3A_1547 = arith.constant 32 : index
          %get3A_1548 = tpu.vector_load %arg9[%get3A_1546, %get3A_1547] {strides = array<i32>} : memref<800x64xbf16, #tpu.memory_space<vmem>>, vector<32xbf16>,
          %add3A_1549 = arith.addf %add3A_1535, %get3A_1548 : vector<32xbf16>
          %add3A_1550 = arith.constant 7 : i32
          %add3A_1551 = arith.addi %mul3A_1306, %add3A_1550 : i32
          %get3A_1552 = arith.index_cast %add3A_1551 : i32 to index
          %get3A_1553 = arith.constant 32 : index
          %get3A_1554 = tpu.vector_load %arg9[%get3A_1552, %get3A_1553] {strides = array<i32>} : memref<800x64xbf16, #tpu.memory_space<vmem>>, vector<32xbf16>,
          %add3A_1555 = arith.addf %add3A_1541, %get3A_1554 : vector<32xbf16>
          %add3A_1556 = arith.constant 10 : i32
          %add3A_1557 = arith.addi %mul3A_1306, %add3A_1556 : i32
          %add3A_1558 = arith.constant 7 : i32
          %add3A_1559 = arith.addi %add3A_1557, %add3A_1558 : i32
          %get3A_1560 = arith.index_cast %add3A_1559 : i32 to index
          %get3A_1561 = arith.constant 32 : index
          %get3A_1562 = tpu.vector_load %arg9[%get3A_1560, %get3A_1561] {strides = array<i32>} : memref<800x64xbf16, #tpu.memory_space<vmem>>, vector<32xbf16>,
          %add3A_1563 = arith.addf %add3A_1549, %get3A_1562 : vector<32xbf16>
          %add3A_1564 = arith.constant 8 : i32
          %add3A_1565 = arith.addi %mul3A_1306, %add3A_1564 : i32
          %get3A_1566 = arith.index_cast %add3A_1565 : i32 to index
          %get3A_1567 = arith.constant 32 : index
          %get3A_1568 = tpu.vector_load %arg9[%get3A_1566, %get3A_1567] {strides = array<i32>} : memref<800x64xbf16, #tpu.memory_space<vmem>>, vector<32xbf16>,
          %add3A_1569 = arith.addf %add3A_1555, %get3A_1568 : vector<32xbf16>
          %add3A_1570 = arith.constant 10 : i32
          %add3A_1571 = arith.addi %mul3A_1306, %add3A_1570 : i32
          %add3A_1572 = arith.constant 8 : i32
          %add3A_1573 = arith.addi %add3A_1571, %add3A_1572 : i32
          %get3A_1574 = arith.index_cast %add3A_1573 : i32 to index
          %get3A_1575 = arith.constant 32 : index
          %get3A_1576 = tpu.vector_load %arg9[%get3A_1574, %get3A_1575] {strides = array<i32>} : memref<800x64xbf16, #tpu.memory_space<vmem>>, vector<32xbf16>,
          %add3A_1577 = arith.addf %add3A_1563, %get3A_1576 : vector<32xbf16>
          %add3A_1578 = arith.constant 9 : i32
          %add3A_1579 = arith.addi %mul3A_1306, %add3A_1578 : i32
          %get3A_1580 = arith.index_cast %add3A_1579 : i32 to index
          %get3A_1581 = arith.constant 32 : index
          %get3A_1582 = tpu.vector_load %arg9[%get3A_1580, %get3A_1581] {strides = array<i32>} : memref<800x64xbf16, #tpu.memory_space<vmem>>, vector<32xbf16>,
          %add3A_1583 = arith.addf %add3A_1569, %get3A_1582 : vector<32xbf16>
          %add3A_1584 = arith.constant 10 : i32
          %add3A_1585 = arith.addi %mul3A_1306, %add3A_1584 : i32
          %add3A_1586 = arith.constant 9 : i32
          %add3A_1587 = arith.addi %add3A_1585, %add3A_1586 : i32
          %get3A_1588 = arith.index_cast %add3A_1587 : i32 to index
          %get3A_1589 = arith.constant 32 : index
          %get3A_1590 = tpu.vector_load %arg9[%get3A_1588, %get3A_1589] {strides = array<i32>} : memref<800x64xbf16, #tpu.memory_space<vmem>>, vector<32xbf16>,
          %add3A_1591 = arith.addf %add3A_1577, %get3A_1590 : vector<32xbf16>
          %add3A_1592 = arith.addf %add3A_1583, %add3A_1591 : vector<32xbf16>
          %unpack3A_1593 = tpu.unpack_subelements %add3A_1592, 0 {pack_format = #tpu.pack_format<interleaved>} : vector<32xbf16> -> vector<16xf32>
          %unpack3A_1594 = tpu.unpack_subelements %add3A_1592, 1 {pack_format = #tpu.pack_format<interleaved>} : vector<32xbf16> -> vector<16xf32>
          %add3A_1595 = arith.constant 32 : i32
          %add3A_1596 = vector.broadcast %add3A_1595 : i32 to vector<16xi32>
          %add3A_1597 = arith.addi %add3A_1596, %mul3A_1285 : vector<16xi32>
          %mul3A_1598 = arith.constant 5.000000e-02 : f32
          %mul3A_1599 = vector.broadcast %mul3A_1598 : f32 to vector<16xf32>
          %mul3A_1600 = arith.mulf %unpack3A_1593, %mul3A_1599 : vector<16xf32>
          tpu.vector_store_idx %arg11[%add3A_1309, %add3A_1597], %mul3A_1600 : memref<40x64xf32, #tpu.memory_space<vmem>>[vector<16xi32>, vector<16xi32>], vector<16xf32>,
          %add3A_1601 = arith.constant 32 : i32
          %add3A_1602 = vector.broadcast %add3A_1601 : i32 to vector<16xi32>
          %add3A_1603 = arith.addi %add3A_1602, %add3A_1291 : vector<16xi32>
          %mul3A_1604 = arith.constant 5.000000e-02 : f32
          %mul3A_1605 = vector.broadcast %mul3A_1604 : f32 to vector<16xf32>
          %mul3A_1606 = arith.mulf %unpack3A_1594, %mul3A_1605 : vector<16xf32>
          tpu.vector_store_idx %arg11[%add3A_1309, %add3A_1603], %mul3A_1606 : memref<40x64xf32, #tpu.memory_space<vmem>>[vector<16xi32>, vector<16xi32>], vector<16xf32>,
        }
        %scan3A_1297 = arith.constant 40 : i32
        %mul3A_1298 = arith.constant 40 : i32
        %mul3A_1299 = arith.muli %add3A_1166, %mul3A_1298 : i32
        %dma_start3A_1300 = arith.constant 0 : i32
        %dma_start3A_1301 = tpu.memref_slice %arg4[%mul3A_1299, %dma_start3A_1300] : memref<50000x64xf32, #tpu.memory_space<hbm>> -> memref<40x64xf32, #tpu.memory_space<hbm>>
        %dma_start3A_1302 = arith.constant 0 : i32
        %dma_start3A_1303 = tpu.memref_slice %arg4[%mul3A_1299, %dma_start3A_1302] : memref<50000x64xf32, #tpu.memory_space<hbm>> -> memref<40x64xf32, #tpu.memory_space<hbm>>
        tpu.enqueue_dma source(%arg11 : memref<40x64xf32, #tpu.memory_space<vmem>>) target(%dma_start3A_1303 : memref<40x64xf32, #tpu.memory_space<hbm>>) target_semaphore(%arg17 : memref<!tpu.dma_semaphore, #tpu.memory_space<semaphore_mem>>)
      } else {
      }
      %mul3A_1179 = arith.constant 2 : i32
      %mul3A_1180 = arith.muli %scan3A_1159, %mul3A_1179 : i32
      %add3A_1181 = arith.constant 1 : i32
      %add3A_1182 = arith.addi %mul3A_1180, %add3A_1181 : i32
      %mul3A_1183 = arith.constant 32 : i32
      %mul3A_1184 = arith.muli %add3A_1182, %mul3A_1183 : i32
      %add3A_1185 = arith.addi %add3A, %mul3A_1184 : i32
      %add3A_1186 = arith.constant 32 : i32
      %add3A_1187 = arith.addi %add3A_1185, %add3A_1186 : i32
      %lt3A_1188 = arith.constant 1250 : i32
      %lt3A_1189 = arith.cmpi slt, %add3A_1187, %lt3A_1188 : i32
      %convert_element_type3A_1190 = arith.extui %lt3A_1189 : i1 to i32
      %cond3A_1191 = arith.constant 0 : i32
      %cond3A_1192 = arith.cmpi ne, %convert_element_type3A_1190, %cond3A_1191 : i32
      scf.if %cond3A_1192 {
        %mul3A_1198 = arith.constant 40 : i32
        %mul3A_1199 = arith.muli %add3A_1187, %mul3A_1198 : i32
        %dma_wait3A_1200 = arith.constant 0 : i32
        %dma_wait3A_1201 = tpu.memref_slice %arg2[%mul3A_1199, %dma_wait3A_1200] : memref<50000x128xi32, #tpu.memory_space<hbm>> -> memref<40x128xi32, #tpu.memory_space<hbm>>
        %dma_wait3A_1202 = arith.constant 0 : i32
        %dma_wait3A_1203 = tpu.memref_slice %arg2[%mul3A_1199, %dma_wait3A_1202] : memref<50000x128xi32, #tpu.memory_space<hbm>> -> memref<40x128xi32, #tpu.memory_space<hbm>>
        tpu.wait_dma2 semaphore(%arg13 : memref<!tpu.dma_semaphore, #tpu.memory_space<semaphore_mem>>) src(%dma_wait3A_1203 : memref<40x128xi32, #tpu.memory_space<hbm>>) dst(%arg5 : memref<40x128xi32, #tpu.memory_space<vmem>>)
        %iota3A_1204 = tpu.iota {dimensions = array<i32: 0>} : vector<16xi32>
        %mul3A_1205 = arith.constant 0 : i32
        %mul3A_1206 = vector.broadcast %mul3A_1205 : i32 to vector<16xi32>
        %mul3A_1207 = arith.muli %iota3A_1204, %mul3A_1206 : vector<16xi32>
        %add3A_1208 = arith.constant 0 : i32
        %add3A_1209 = vector.broadcast %add3A_1208 : i32 to vector<16xi32>
        %add3A_1210 = arith.addi %mul3A_1207, %add3A_1209 : vector<16xi32>
        %get3A_1211 = arith.constant 0 : i32
        %get3A_1212 = arith.index_cast %get3A_1211 : i32 to index
        %get3A_1213 = arith.constant 0 : index
        %get3A_1214 = tpu.vector_load %arg5[%get3A_1212, %get3A_1213] {strides = array<i32>} : memref<40x128xi32, #tpu.memory_space<vmem>>, vector<16xi32>,
        %get3A_1215 = arith.constant 0 : i32
        %get3A_1216 = arith.index_cast %get3A_1215 : i32 to index
        %get3A_1217 = arith.constant 4 : index
        %get3A_1218 = tpu.vector_load %arg5[%get3A_1216, %get3A_1217] {strides = array<i32>} : memref<40x128xi32, #tpu.memory_space<vmem>>, vector<16xi32>,
        %gather3A_1219 = tpu.vector_load_idx %arg5[%add3A_1210, %mul3A_1207] : memref<40x128xi32, #tpu.memory_space<vmem>>[vector<16xi32>, vector<16xi32>], vector<16xi32>,
        %eq3A_1220 = arith.constant 0 : i32
        %eq3A_1221 = vector.broadcast %eq3A_1220 : i32 to vector<16xi32>
        %eq3A_1222 = arith.cmpi eq, %get3A_1214, %eq3A_1221 : vector<16xi32>
        %select_n3A_1223 = arith.select %eq3A_1222, %gather3A_1219, %get3A_1214 : vector<16xi1>, vector<16xi32>
        %eq3A_1224 = arith.constant 0 : i32
        %eq3A_1225 = vector.broadcast %eq3A_1224 : i32 to vector<16xi32>
        %eq3A_1226 = arith.cmpi eq, %get3A_1218, %eq3A_1225 : vector<16xi32>
        %select_n3A_1227 = arith.select %eq3A_1226, %gather3A_1219, %get3A_1218 : vector<16xi1>, vector<16xi32>
        %add3A_1228 = arith.constant 0 : i32
        %add3A_1229 = vector.broadcast %add3A_1228 : i32 to vector<16xi32>
        %add3A_1230 = arith.addi %add3A_1229, %iota3A_1204 : vector<16xi32>
        tpu.vector_store_idx %arg7[%add3A_1230], %select_n3A_1223 : memref<800xi32, #tpu.memory_space<vmem>>[vector<16xi32>], vector<16xi32>,
        %add3A_1231 = arith.constant 4 : i32
        %add3A_1232 = vector.broadcast %add3A_1231 : i32 to vector<16xi32>
        %add3A_1233 = arith.addi %add3A_1232, %iota3A_1204 : vector<16xi32>
        tpu.vector_store_idx %arg7[%add3A_1233], %select_n3A_1227 : memref<800xi32, #tpu.memory_space<vmem>>[vector<16xi32>], vector<16xi32>,
        %add3A_1234 = arith.constant 1 : i32
        %add3A_1235 = vector.broadcast %add3A_1234 : i32 to vector<16xi32>
        %add3A_1236 = arith.addi %mul3A_1207, %add3A_1235 : vector<16xi32>
        %get3A_1237 = arith.constant 1 : i32
        %get3A_1238 = arith.index_cast %get3A_1237 : i32 to index
        %get3A_1239 = arith.constant 0 : index
        %get3A_1240 = tpu.vector_load %arg5[%get3A_1238, %get3A_1239] {strides = array<i32>} : memref<40x128xi32, #tpu.memory_space<vmem>>, vector<16xi32>,
        %get3A_1241 = arith.constant 1 : i32
        %get3A_1242 = arith.index_cast %get3A_1241 : i32 to index
        %get3A_1243 = arith.constant 4 : index
        %get3A_1244 = tpu.vector_load %arg5[%get3A_1242, %get3A_1243] {strides = array<i32>} : memref<40x128xi32, #tpu.memory_space<vmem>>, vector<16xi32>,
        %gather3A_1245 = tpu.vector_load_idx %arg5[%add3A_1236, %mul3A_1207] : memref<40x128xi32, #tpu.memory_space<vmem>>[vector<16xi32>, vector<16xi32>], vector<16xi32>,
        %eq3A_1246 = arith.constant 0 : i32
        %eq3A_1247 = vector.broadcast %eq3A_1246 : i32 to vector<16xi32>
        %eq3A_1248 = arith.cmpi eq, %get3A_1240, %eq3A_1247 : vector<16xi32>
        %select_n3A_1249 = arith.select %eq3A_1248, %gather3A_1245, %get3A_1240 : vector<16xi1>, vector<16xi32>
        %eq3A_1250 = arith.constant 0 : i32
        %eq3A_1251 = vector.broadcast %eq3A_1250 : i32 to vector<16xi32>
        %eq3A_1252 = arith.cmpi eq, %get3A_1244, %eq3A_1251 : vector<16xi32>
        %select_n3A_1253 = arith.select %eq3A_1252, %gather3A_1245, %get3A_1244 : vector<16xi1>, vector<16xi32>
        %add3A_1254 = arith.constant 20 : i32
        %add3A_1255 = vector.broadcast %add3A_1254 : i32 to vector<16xi32>
        %add3A_1256 = arith.addi %add3A_1255, %iota3A_1204 : vector<16xi32>
        tpu.vector_store_idx %arg7[%add3A_1256], %select_n3A_1249 : memref<800xi32, #tpu.memory_space<vmem>>[vector<16xi32>], vector<16xi32>,
        %add3A_1257 = arith.constant 24 : i32
        %add3A_1258 = vector.broadcast %add3A_1257 : i32 to vector<16xi32>
        %add3A_1259 = arith.addi %add3A_1258, %iota3A_1204 : vector<16xi32>
        tpu.vector_store_idx %arg7[%add3A_1259], %select_n3A_1253 : memref<800xi32, #tpu.memory_space<vmem>>[vector<16xi32>], vector<16xi32>,
        %add3A_1260 = arith.constant 2 : i32
        %add3A_1261 = vector.broadcast %add3A_1260 : i32 to vector<16xi32>
        %add3A_1262 = arith.addi %mul3A_1207, %add3A_1261 : vector<16xi32>
        %get3A_1263 = arith.constant 2 : i32
        %get3A_1264 = arith.index_cast %get3A_1263 : i32 to index
        %get3A_1265 = arith.constant 0 : index
        %get3A_1266 = tpu.vector_load %arg5[%get3A_1264, %get3A_1265] {strides = array<i32>} : memref<40x128xi32, #tpu.memory_space<vmem>>, vector<16xi32>,
        %get3A_1267 = arith.constant 2 : i32
        %get3A_1268 = arith.index_cast %get3A_1267 : i32 to index
        %get3A_1269 = arith.constant 4 : index
        %get3A_1270 = tpu.vector_load %arg5[%get3A_1268, %get3A_1269] {strides = array<i32>} : memref<40x128xi32, #tpu.memory_space<vmem>>, vector<16xi32>,
        %gather3A_1271 = tpu.vector_load_idx %arg5[%add3A_1262, %mul3A_1207] : memref<40x128xi32, #tpu.memory_space<vmem>>[vector<16xi32>, vector<16xi32>], vector<16xi32>,
        %eq3A_1272 = arith.constant 0 : i32
        %eq3A_1273 = vector.broadcast %eq3A_1272 : i32 to vector<16xi32>
        %eq3A_1274 = arith.cmpi eq, %get3A_1266, %eq3A_1273 : vector<16xi32>
        %select_n3A_1275 = arith.select %eq3A_1274, %gather3A_1271, %get3A_1266 : vector<16xi1>, vector<16xi32>
        %eq3A_1276 = arith.constant 0 : i32
        %eq3A_1277 = vector.broadcast %eq3A_1276 : i32 to vector<16xi32>
        %eq3A_1278 = arith.cmpi eq, %get3A_1270, %eq3A_1277 : vector<16xi32>
        %select_n3A_1279 = arith.select %eq3A_1278, %gather3A_1271, %get3A_1270 : vector<16xi1>, vector<16xi32>
        %add3A_1280 = arith.constant 40 : i32
        %add3A_1281 = vector.broadcast %add3A_1280 : i32 to vector<16xi32>
        %add3A_1282 = arith.addi %add3A_1281, %iota3A_1204 : vector<16xi32>
        tpu.vector_store_idx %arg7[%add3A_1282], %select_n3A_1275 : memref<800xi32, #tpu.memory_space<vmem>>[vector<16xi32>], vector<16xi32>,
        %add3A_1283 = arith.constant 44 : i32
        %add3A_1284 = vector.broadcast %add3A_1283 : i32 to vector<16xi32>
        %add3A_1285 = arith.addi %add3A_1284, %iota3A_1204 : vector<16xi32>
        tpu.vector_store_idx %arg7[%add3A_1285], %select_n3A_1279 : memref<800xi32, #tpu.memory_space<vmem>>[vector<16xi32>], vector<16xi32>,
        %add3A_1286 = arith.constant 3 : i32
        %add3A_1287 = vector.broadcast %add3A_1286 : i32 to vector<16xi32>
        %add3A_1288 = arith.addi %mul3A_1207, %add3A_1287 : vector<16xi32>
        %get3A_1289 = arith.constant 3 : i32
        %get3A_1290 = arith.index_cast %get3A_1289 : i32 to index
        %get3A_1291 = arith.constant 0 : index
        %get3A_1292 = tpu.vector_load %arg5[%get3A_1290, %get3A_1291] {strides = array<i32>} : memref<40x128xi32, #tpu.memory_space<vmem>>, vector<16xi32>,
        %get3A_1293 = arith.constant 3 : i32
        %get3A_1294 = arith.index_cast %get3A_1293 : i32 to index
        %get3A_1295 = arith.constant 4 : index
        %get3A_1296 = tpu.vector_load %arg5[%get3A_1294, %get3A_1295] {strides = array<i32>} : memref<40x128xi32, #tpu.memory_space<vmem>>, vector<16xi32>,
        %gather3A_1297 = tpu.vector_load_idx %arg5[%add3A_1288, %mul3A_1207] : memref<40x128xi32, #tpu.memory_space<vmem>>[vector<16xi32>, vector<16xi32>], vector<16xi32>,
        %eq3A_1298 = arith.constant 0 : i32
        %eq3A_1299 = vector.broadcast %eq3A_1298 : i32 to vector<16xi32>
        %eq3A_1300 = arith.cmpi eq, %get3A_1292, %eq3A_1299 : vector<16xi32>
        %select_n3A_1301 = arith.select %eq3A_1300, %gather3A_1297, %get3A_1292 : vector<16xi1>, vector<16xi32>
        %eq3A_1302 = arith.constant 0 : i32
        %eq3A_1303 = vector.broadcast %eq3A_1302 : i32 to vector<16xi32>
        %eq3A_1304 = arith.cmpi eq, %get3A_1296, %eq3A_1303 : vector<16xi32>
        %select_n3A_1305 = arith.select %eq3A_1304, %gather3A_1297, %get3A_1296 : vector<16xi1>, vector<16xi32>
        %add3A_1306 = arith.constant 60 : i32
        %add3A_1307 = vector.broadcast %add3A_1306 : i32 to vector<16xi32>
        %add3A_1308 = arith.addi %add3A_1307, %iota3A_1204 : vector<16xi32>
        tpu.vector_store_idx %arg7[%add3A_1308], %select_n3A_1301 : memref<800xi32, #tpu.memory_space<vmem>>[vector<16xi32>], vector<16xi32>,
        %add3A_1309 = arith.constant 64 : i32
        %add3A_1310 = vector.broadcast %add3A_1309 : i32 to vector<16xi32>
        %add3A_1311 = arith.addi %add3A_1310, %iota3A_1204 : vector<16xi32>
        tpu.vector_store_idx %arg7[%add3A_1311], %select_n3A_1305 : memref<800xi32, #tpu.memory_space<vmem>>[vector<16xi32>], vector<16xi32>,
        %add3A_1312 = arith.constant 4 : i32
        %add3A_1313 = vector.broadcast %add3A_1312 : i32 to vector<16xi32>
        %add3A_1314 = arith.addi %mul3A_1207, %add3A_1313 : vector<16xi32>
        %get3A_1315 = arith.constant 4 : i32
        %get3A_1316 = arith.index_cast %get3A_1315 : i32 to index
        %get3A_1317 = arith.constant 0 : index
        %get3A_1318 = tpu.vector_load %arg5[%get3A_1316, %get3A_1317] {strides = array<i32>} : memref<40x128xi32, #tpu.memory_space<vmem>>, vector<16xi32>,
        %get3A_1319 = arith.constant 4 : i32
        %get3A_1320 = arith.index_cast %get3A_1319 : i32 to index
        %get3A_1321 = arith.constant 4 : index
        %get3A_1322 = tpu.vector_load %arg5[%get3A_1320, %get3A_1321] {strides = array<i32>} : memref<40x128xi32, #tpu.memory_space<vmem>>, vector<16xi32>,
        %gather3A_1323 = tpu.vector_load_idx %arg5[%add3A_1314, %mul3A_1207] : memref<40x128xi32, #tpu.memory_space<vmem>>[vector<16xi32>, vector<16xi32>], vector<16xi32>,
        %eq3A_1324 = arith.constant 0 : i32
        %eq3A_1325 = vector.broadcast %eq3A_1324 : i32 to vector<16xi32>
        %eq3A_1326 = arith.cmpi eq, %get3A_1318, %eq3A_1325 : vector<16xi32>
        %select_n3A_1327 = arith.select %eq3A_1326, %gather3A_1323, %get3A_1318 : vector<16xi1>, vector<16xi32>
        %eq3A_1328 = arith.constant 0 : i32
        %eq3A_1329 = vector.broadcast %eq3A_1328 : i32 to vector<16xi32>
        %eq3A_1330 = arith.cmpi eq, %get3A_1322, %eq3A_1329 : vector<16xi32>
        %select_n3A_1331 = arith.select %eq3A_1330, %gather3A_1323, %get3A_1322 : vector<16xi1>, vector<16xi32>
        %add3A_1332 = arith.constant 80 : i32
        %add3A_1333 = vector.broadcast %add3A_1332 : i32 to vector<16xi32>
        %add3A_1334 = arith.addi %add3A_1333, %iota3A_1204 : vector<16xi32>
        tpu.vector_store_idx %arg7[%add3A_1334], %select_n3A_1327 : memref<800xi32, #tpu.memory_space<vmem>>[vector<16xi32>], vector<16xi32>,
        %add3A_1335 = arith.constant 84 : i32
        %add3A_1336 = vector.broadcast %add3A_1335 : i32 to vector<16xi32>
        %add3A_1337 = arith.addi %add3A_1336, %iota3A_1204 : vector<16xi32>
        tpu.vector_store_idx %arg7[%add3A_1337], %select_n3A_1331 : memref<800xi32, #tpu.memory_space<vmem>>[vector<16xi32>], vector<16xi32>,
        %add3A_1338 = arith.constant 5 : i32
        %add3A_1339 = vector.broadcast %add3A_1338 : i32 to vector<16xi32>
        %add3A_1340 = arith.addi %mul3A_1207, %add3A_1339 : vector<16xi32>
        %get3A_1341 = arith.constant 5 : i32
        %get3A_1342 = arith.index_cast %get3A_1341 : i32 to index
        %get3A_1343 = arith.constant 0 : index
        %get3A_1344 = tpu.vector_load %arg5[%get3A_1342, %get3A_1343] {strides = array<i32>} : memref<40x128xi32, #tpu.memory_space<vmem>>, vector<16xi32>,
        %get3A_1345 = arith.constant 5 : i32
        %get3A_1346 = arith.index_cast %get3A_1345 : i32 to index
        %get3A_1347 = arith.constant 4 : index
        %get3A_1348 = tpu.vector_load %arg5[%get3A_1346, %get3A_1347] {strides = array<i32>} : memref<40x128xi32, #tpu.memory_space<vmem>>, vector<16xi32>,
        %gather3A_1349 = tpu.vector_load_idx %arg5[%add3A_1340, %mul3A_1207] : memref<40x128xi32, #tpu.memory_space<vmem>>[vector<16xi32>, vector<16xi32>], vector<16xi32>,
        %eq3A_1350 = arith.constant 0 : i32
        %eq3A_1351 = vector.broadcast %eq3A_1350 : i32 to vector<16xi32>
        %eq3A_1352 = arith.cmpi eq, %get3A_1344, %eq3A_1351 : vector<16xi32>
        %select_n3A_1353 = arith.select %eq3A_1352, %gather3A_1349, %get3A_1344 : vector<16xi1>, vector<16xi32>
        %eq3A_1354 = arith.constant 0 : i32
        %eq3A_1355 = vector.broadcast %eq3A_1354 : i32 to vector<16xi32>
        %eq3A_1356 = arith.cmpi eq, %get3A_1348, %eq3A_1355 : vector<16xi32>
        %select_n3A_1357 = arith.select %eq3A_1356, %gather3A_1349, %get3A_1348 : vector<16xi1>, vector<16xi32>
        %add3A_1358 = arith.constant 100 : i32
        %add3A_1359 = vector.broadcast %add3A_1358 : i32 to vector<16xi32>
        %add3A_1360 = arith.addi %add3A_1359, %iota3A_1204 : vector<16xi32>
        tpu.vector_store_idx %arg7[%add3A_1360], %select_n3A_1353 : memref<800xi32, #tpu.memory_space<vmem>>[vector<16xi32>], vector<16xi32>,
        %add3A_1361 = arith.constant 104 : i32
        %add3A_1362 = vector.broadcast %add3A_1361 : i32 to vector<16xi32>
        %add3A_1363 = arith.addi %add3A_1362, %iota3A_1204 : vector<16xi32>
        tpu.vector_store_idx %arg7[%add3A_1363], %select_n3A_1357 : memref<800xi32, #tpu.memory_space<vmem>>[vector<16xi32>], vector<16xi32>,
        %add3A_1364 = arith.constant 6 : i32
        %add3A_1365 = vector.broadcast %add3A_1364 : i32 to vector<16xi32>
        %add3A_1366 = arith.addi %mul3A_1207, %add3A_1365 : vector<16xi32>
        %get3A_1367 = arith.constant 6 : i32
        %get3A_1368 = arith.index_cast %get3A_1367 : i32 to index
        %get3A_1369 = arith.constant 0 : index
        %get3A_1370 = tpu.vector_load %arg5[%get3A_1368, %get3A_1369] {strides = array<i32>} : memref<40x128xi32, #tpu.memory_space<vmem>>, vector<16xi32>,
        %get3A_1371 = arith.constant 6 : i32
        %get3A_1372 = arith.index_cast %get3A_1371 : i32 to index
        %get3A_1373 = arith.constant 4 : index
        %get3A_1374 = tpu.vector_load %arg5[%get3A_1372, %get3A_1373] {strides = array<i32>} : memref<40x128xi32, #tpu.memory_space<vmem>>, vector<16xi32>,
        %gather3A_1375 = tpu.vector_load_idx %arg5[%add3A_1366, %mul3A_1207] : memref<40x128xi32, #tpu.memory_space<vmem>>[vector<16xi32>, vector<16xi32>], vector<16xi32>,
        %eq3A_1376 = arith.constant 0 : i32
        %eq3A_1377 = vector.broadcast %eq3A_1376 : i32 to vector<16xi32>
        %eq3A_1378 = arith.cmpi eq, %get3A_1370, %eq3A_1377 : vector<16xi32>
        %select_n3A_1379 = arith.select %eq3A_1378, %gather3A_1375, %get3A_1370 : vector<16xi1>, vector<16xi32>
        %eq3A_1380 = arith.constant 0 : i32
        %eq3A_1381 = vector.broadcast %eq3A_1380 : i32 to vector<16xi32>
        %eq3A_1382 = arith.cmpi eq, %get3A_1374, %eq3A_1381 : vector<16xi32>
        %select_n3A_1383 = arith.select %eq3A_1382, %gather3A_1375, %get3A_1374 : vector<16xi1>, vector<16xi32>
        %add3A_1384 = arith.constant 120 : i32
        %add3A_1385 = vector.broadcast %add3A_1384 : i32 to vector<16xi32>
        %add3A_1386 = arith.addi %add3A_1385, %iota3A_1204 : vector<16xi32>
        tpu.vector_store_idx %arg7[%add3A_1386], %select_n3A_1379 : memref<800xi32, #tpu.memory_space<vmem>>[vector<16xi32>], vector<16xi32>,
        %add3A_1387 = arith.constant 124 : i32
        %add3A_1388 = vector.broadcast %add3A_1387 : i32 to vector<16xi32>
        %add3A_1389 = arith.addi %add3A_1388, %iota3A_1204 : vector<16xi32>
        tpu.vector_store_idx %arg7[%add3A_1389], %select_n3A_1383 : memref<800xi32, #tpu.memory_space<vmem>>[vector<16xi32>], vector<16xi32>,
        %add3A_1390 = arith.constant 7 : i32
        %add3A_1391 = vector.broadcast %add3A_1390 : i32 to vector<16xi32>
        %add3A_1392 = arith.addi %mul3A_1207, %add3A_1391 : vector<16xi32>
        %get3A_1393 = arith.constant 7 : i32
        %get3A_1394 = arith.index_cast %get3A_1393 : i32 to index
        %get3A_1395 = arith.constant 0 : index
        %get3A_1396 = tpu.vector_load %arg5[%get3A_1394, %get3A_1395] {strides = array<i32>} : memref<40x128xi32, #tpu.memory_space<vmem>>, vector<16xi32>,
        %get3A_1397 = arith.constant 7 : i32
        %get3A_1398 = arith.index_cast %get3A_1397 : i32 to index
        %get3A_1399 = arith.constant 4 : index
        %get3A_1400 = tpu.vector_load %arg5[%get3A_1398, %get3A_1399] {strides = array<i32>} : memref<40x128xi32, #tpu.memory_space<vmem>>, vector<16xi32>,
        %gather3A_1401 = tpu.vector_load_idx %arg5[%add3A_1392, %mul3A_1207] : memref<40x128xi32, #tpu.memory_space<vmem>>[vector<16xi32>, vector<16xi32>], vector<16xi32>,
        %eq3A_1402 = arith.constant 0 : i32
        %eq3A_1403 = vector.broadcast %eq3A_1402 : i32 to vector<16xi32>
        %eq3A_1404 = arith.cmpi eq, %get3A_1396, %eq3A_1403 : vector<16xi32>
        %select_n3A_1405 = arith.select %eq3A_1404, %gather3A_1401, %get3A_1396 : vector<16xi1>, vector<16xi32>
        %eq3A_1406 = arith.constant 0 : i32
        %eq3A_1407 = vector.broadcast %eq3A_1406 : i32 to vector<16xi32>
        %eq3A_1408 = arith.cmpi eq, %get3A_1400, %eq3A_1407 : vector<16xi32>
        %select_n3A_1409 = arith.select %eq3A_1408, %gather3A_1401, %get3A_1400 : vector<16xi1>, vector<16xi32>
        %add3A_1410 = arith.constant 140 : i32
        %add3A_1411 = vector.broadcast %add3A_1410 : i32 to vector<16xi32>
        %add3A_1412 = arith.addi %add3A_1411, %iota3A_1204 : vector<16xi32>
        tpu.vector_store_idx %arg7[%add3A_1412], %select_n3A_1405 : memref<800xi32, #tpu.memory_space<vmem>>[vector<16xi32>], vector<16xi32>,
        %add3A_1413 = arith.constant 144 : i32
        %add3A_1414 = vector.broadcast %add3A_1413 : i32 to vector<16xi32>
        %add3A_1415 = arith.addi %add3A_1414, %iota3A_1204 : vector<16xi32>
        tpu.vector_store_idx %arg7[%add3A_1415], %select_n3A_1409 : memref<800xi32, #tpu.memory_space<vmem>>[vector<16xi32>], vector<16xi32>,
        %add3A_1416 = arith.constant 8 : i32
        %add3A_1417 = vector.broadcast %add3A_1416 : i32 to vector<16xi32>
        %add3A_1418 = arith.addi %mul3A_1207, %add3A_1417 : vector<16xi32>
        %get3A_1419 = arith.constant 8 : i32
        %get3A_1420 = arith.index_cast %get3A_1419 : i32 to index
        %get3A_1421 = arith.constant 0 : index
        %get3A_1422 = tpu.vector_load %arg5[%get3A_1420, %get3A_1421] {strides = array<i32>} : memref<40x128xi32, #tpu.memory_space<vmem>>, vector<16xi32>,
        %get3A_1423 = arith.constant 8 : i32
        %get3A_1424 = arith.index_cast %get3A_1423 : i32 to index
        %get3A_1425 = arith.constant 4 : index
        %get3A_1426 = tpu.vector_load %arg5[%get3A_1424, %get3A_1425] {strides = array<i32>} : memref<40x128xi32, #tpu.memory_space<vmem>>, vector<16xi32>,
        %gather3A_1427 = tpu.vector_load_idx %arg5[%add3A_1418, %mul3A_1207] : memref<40x128xi32, #tpu.memory_space<vmem>>[vector<16xi32>, vector<16xi32>], vector<16xi32>,
        %eq3A_1428 = arith.constant 0 : i32
        %eq3A_1429 = vector.broadcast %eq3A_1428 : i32 to vector<16xi32>
        %eq3A_1430 = arith.cmpi eq, %get3A_1422, %eq3A_1429 : vector<16xi32>
        %select_n3A_1431 = arith.select %eq3A_1430, %gather3A_1427, %get3A_1422 : vector<16xi1>, vector<16xi32>
        %eq3A_1432 = arith.constant 0 : i32
        %eq3A_1433 = vector.broadcast %eq3A_1432 : i32 to vector<16xi32>
        %eq3A_1434 = arith.cmpi eq, %get3A_1426, %eq3A_1433 : vector<16xi32>
        %select_n3A_1435 = arith.select %eq3A_1434, %gather3A_1427, %get3A_1426 : vector<16xi1>, vector<16xi32>
        %add3A_1436 = arith.constant 160 : i32
        %add3A_1437 = vector.broadcast %add3A_1436 : i32 to vector<16xi32>
        %add3A_1438 = arith.addi %add3A_1437, %iota3A_1204 : vector<16xi32>
        tpu.vector_store_idx %arg7[%add3A_1438], %select_n3A_1431 : memref<800xi32, #tpu.memory_space<vmem>>[vector<16xi32>], vector<16xi32>,
        %add3A_1439 = arith.constant 164 : i32
        %add3A_1440 = vector.broadcast %add3A_1439 : i32 to vector<16xi32>
        %add3A_1441 = arith.addi %add3A_1440, %iota3A_1204 : vector<16xi32>
        tpu.vector_store_idx %arg7[%add3A_1441], %select_n3A_1435 : memref<800xi32, #tpu.memory_space<vmem>>[vector<16xi32>], vector<16xi32>,
        %add3A_1442 = arith.constant 9 : i32
        %add3A_1443 = vector.broadcast %add3A_1442 : i32 to vector<16xi32>
        %add3A_1444 = arith.addi %mul3A_1207, %add3A_1443 : vector<16xi32>
        %get3A_1445 = arith.constant 9 : i32
        %get3A_1446 = arith.index_cast %get3A_1445 : i32 to index
        %get3A_1447 = arith.constant 0 : index
        %get3A_1448 = tpu.vector_load %arg5[%get3A_1446, %get3A_1447] {strides = array<i32>} : memref<40x128xi32, #tpu.memory_space<vmem>>, vector<16xi32>,
        %get3A_1449 = arith.constant 9 : i32
        %get3A_1450 = arith.index_cast %get3A_1449 : i32 to index
        %get3A_1451 = arith.constant 4 : index
        %get3A_1452 = tpu.vector_load %arg5[%get3A_1450, %get3A_1451] {strides = array<i32>} : memref<40x128xi32, #tpu.memory_space<vmem>>, vector<16xi32>,
        %gather3A_1453 = tpu.vector_load_idx %arg5[%add3A_1444, %mul3A_1207] : memref<40x128xi32, #tpu.memory_space<vmem>>[vector<16xi32>, vector<16xi32>], vector<16xi32>,
        %eq3A_1454 = arith.constant 0 : i32
        %eq3A_1455 = vector.broadcast %eq3A_1454 : i32 to vector<16xi32>
        %eq3A_1456 = arith.cmpi eq, %get3A_1448, %eq3A_1455 : vector<16xi32>
        %select_n3A_1457 = arith.select %eq3A_1456, %gather3A_1453, %get3A_1448 : vector<16xi1>, vector<16xi32>
        %eq3A_1458 = arith.constant 0 : i32
        %eq3A_1459 = vector.broadcast %eq3A_1458 : i32 to vector<16xi32>
        %eq3A_1460 = arith.cmpi eq, %get3A_1452, %eq3A_1459 : vector<16xi32>
        %select_n3A_1461 = arith.select %eq3A_1460, %gather3A_1453, %get3A_1452 : vector<16xi1>, vector<16xi32>
        %add3A_1462 = arith.constant 180 : i32
        %add3A_1463 = vector.broadcast %add3A_1462 : i32 to vector<16xi32>
        %add3A_1464 = arith.addi %add3A_1463, %iota3A_1204 : vector<16xi32>
        tpu.vector_store_idx %arg7[%add3A_1464], %select_n3A_1457 : memref<800xi32, #tpu.memory_space<vmem>>[vector<16xi32>], vector<16xi32>,
        %add3A_1465 = arith.constant 184 : i32
        %add3A_1466 = vector.broadcast %add3A_1465 : i32 to vector<16xi32>
        %add3A_1467 = arith.addi %add3A_1466, %iota3A_1204 : vector<16xi32>
        tpu.vector_store_idx %arg7[%add3A_1467], %select_n3A_1461 : memref<800xi32, #tpu.memory_space<vmem>>[vector<16xi32>], vector<16xi32>,
        %add3A_1468 = arith.constant 10 : i32
        %add3A_1469 = vector.broadcast %add3A_1468 : i32 to vector<16xi32>
        %add3A_1470 = arith.addi %mul3A_1207, %add3A_1469 : vector<16xi32>
        %get3A_1471 = arith.constant 10 : i32
        %get3A_1472 = arith.index_cast %get3A_1471 : i32 to index
        %get3A_1473 = arith.constant 0 : index
        %get3A_1474 = tpu.vector_load %arg5[%get3A_1472, %get3A_1473] {strides = array<i32>} : memref<40x128xi32, #tpu.memory_space<vmem>>, vector<16xi32>,
        %get3A_1475 = arith.constant 10 : i32
        %get3A_1476 = arith.index_cast %get3A_1475 : i32 to index
        %get3A_1477 = arith.constant 4 : index
        %get3A_1478 = tpu.vector_load %arg5[%get3A_1476, %get3A_1477] {strides = array<i32>} : memref<40x128xi32, #tpu.memory_space<vmem>>, vector<16xi32>,
        %gather3A_1479 = tpu.vector_load_idx %arg5[%add3A_1470, %mul3A_1207] : memref<40x128xi32, #tpu.memory_space<vmem>>[vector<16xi32>, vector<16xi32>], vector<16xi32>,
        %eq3A_1480 = arith.constant 0 : i32
        %eq3A_1481 = vector.broadcast %eq3A_1480 : i32 to vector<16xi32>
        %eq3A_1482 = arith.cmpi eq, %get3A_1474, %eq3A_1481 : vector<16xi32>
        %select_n3A_1483 = arith.select %eq3A_1482, %gather3A_1479, %get3A_1474 : vector<16xi1>, vector<16xi32>
        %eq3A_1484 = arith.constant 0 : i32
        %eq3A_1485 = vector.broadcast %eq3A_1484 : i32 to vector<16xi32>
        %eq3A_1486 = arith.cmpi eq, %get3A_1478, %eq3A_1485 : vector<16xi32>
        %select_n3A_1487 = arith.select %eq3A_1486, %gather3A_1479, %get3A_1478 : vector<16xi1>, vector<16xi32>
        %add3A_1488 = arith.constant 200 : i32
        %add3A_1489 = vector.broadcast %add3A_1488 : i32 to vector<16xi32>
        %add3A_1490 = arith.addi %add3A_1489, %iota3A_1204 : vector<16xi32>
        tpu.vector_store_idx %arg7[%add3A_1490], %select_n3A_1483 : memref<800xi32, #tpu.memory_space<vmem>>[vector<16xi32>], vector<16xi32>,
        %add3A_1491 = arith.constant 204 : i32
        %add3A_1492 = vector.broadcast %add3A_1491 : i32 to vector<16xi32>
        %add3A_1493 = arith.addi %add3A_1492, %iota3A_1204 : vector<16xi32>
        tpu.vector_store_idx %arg7[%add3A_1493], %select_n3A_1487 : memref<800xi32, #tpu.memory_space<vmem>>[vector<16xi32>], vector<16xi32>,
        %add3A_1494 = arith.constant 11 : i32
        %add3A_1495 = vector.broadcast %add3A_1494 : i32 to vector<16xi32>
        %add3A_1496 = arith.addi %mul3A_1207, %add3A_1495 : vector<16xi32>
        %get3A_1497 = arith.constant 11 : i32
        %get3A_1498 = arith.index_cast %get3A_1497 : i32 to index
        %get3A_1499 = arith.constant 0 : index
        %get3A_1500 = tpu.vector_load %arg5[%get3A_1498, %get3A_1499] {strides = array<i32>} : memref<40x128xi32, #tpu.memory_space<vmem>>, vector<16xi32>,
        %get3A_1501 = arith.constant 11 : i32
        %get3A_1502 = arith.index_cast %get3A_1501 : i32 to index
        %get3A_1503 = arith.constant 4 : index
        %get3A_1504 = tpu.vector_load %arg5[%get3A_1502, %get3A_1503] {strides = array<i32>} : memref<40x128xi32, #tpu.memory_space<vmem>>, vector<16xi32>,
        %gather3A_1505 = tpu.vector_load_idx %arg5[%add3A_1496, %mul3A_1207] : memref<40x128xi32, #tpu.memory_space<vmem>>[vector<16xi32>, vector<16xi32>], vector<16xi32>,
        %eq3A_1506 = arith.constant 0 : i32
        %eq3A_1507 = vector.broadcast %eq3A_1506 : i32 to vector<16xi32>
        %eq3A_1508 = arith.cmpi eq, %get3A_1500, %eq3A_1507 : vector<16xi32>
        %select_n3A_1509 = arith.select %eq3A_1508, %gather3A_1505, %get3A_1500 : vector<16xi1>, vector<16xi32>
        %eq3A_1510 = arith.constant 0 : i32
        %eq3A_1511 = vector.broadcast %eq3A_1510 : i32 to vector<16xi32>
        %eq3A_1512 = arith.cmpi eq, %get3A_1504, %eq3A_1511 : vector<16xi32>
        %select_n3A_1513 = arith.select %eq3A_1512, %gather3A_1505, %get3A_1504 : vector<16xi1>, vector<16xi32>
        %add3A_1514 = arith.constant 220 : i32
        %add3A_1515 = vector.broadcast %add3A_1514 : i32 to vector<16xi32>
        %add3A_1516 = arith.addi %add3A_1515, %iota3A_1204 : vector<16xi32>
        tpu.vector_store_idx %arg7[%add3A_1516], %select_n3A_1509 : memref<800xi32, #tpu.memory_space<vmem>>[vector<16xi32>], vector<16xi32>,
        %add3A_1517 = arith.constant 224 : i32
        %add3A_1518 = vector.broadcast %add3A_1517 : i32 to vector<16xi32>
        %add3A_1519 = arith.addi %add3A_1518, %iota3A_1204 : vector<16xi32>
        tpu.vector_store_idx %arg7[%add3A_1519], %select_n3A_1513 : memref<800xi32, #tpu.memory_space<vmem>>[vector<16xi32>], vector<16xi32>,
        %add3A_1520 = arith.constant 12 : i32
        %add3A_1521 = vector.broadcast %add3A_1520 : i32 to vector<16xi32>
        %add3A_1522 = arith.addi %mul3A_1207, %add3A_1521 : vector<16xi32>
        %get3A_1523 = arith.constant 12 : i32
        %get3A_1524 = arith.index_cast %get3A_1523 : i32 to index
        %get3A_1525 = arith.constant 0 : index
        %get3A_1526 = tpu.vector_load %arg5[%get3A_1524, %get3A_1525] {strides = array<i32>} : memref<40x128xi32, #tpu.memory_space<vmem>>, vector<16xi32>,
        %get3A_1527 = arith.constant 12 : i32
        %get3A_1528 = arith.index_cast %get3A_1527 : i32 to index
        %get3A_1529 = arith.constant 4 : index
        %get3A_1530 = tpu.vector_load %arg5[%get3A_1528, %get3A_1529] {strides = array<i32>} : memref<40x128xi32, #tpu.memory_space<vmem>>, vector<16xi32>,
        %gather3A_1531 = tpu.vector_load_idx %arg5[%add3A_1522, %mul3A_1207] : memref<40x128xi32, #tpu.memory_space<vmem>>[vector<16xi32>, vector<16xi32>], vector<16xi32>,
        %eq3A_1532 = arith.constant 0 : i32
        %eq3A_1533 = vector.broadcast %eq3A_1532 : i32 to vector<16xi32>
        %eq3A_1534 = arith.cmpi eq, %get3A_1526, %eq3A_1533 : vector<16xi32>
        %select_n3A_1535 = arith.select %eq3A_1534, %gather3A_1531, %get3A_1526 : vector<16xi1>, vector<16xi32>
        %eq3A_1536 = arith.constant 0 : i32
        %eq3A_1537 = vector.broadcast %eq3A_1536 : i32 to vector<16xi32>
        %eq3A_1538 = arith.cmpi eq, %get3A_1530, %eq3A_1537 : vector<16xi32>
        %select_n3A_1539 = arith.select %eq3A_1538, %gather3A_1531, %get3A_1530 : vector<16xi1>, vector<16xi32>
        %add3A_1540 = arith.constant 240 : i32
        %add3A_1541 = vector.broadcast %add3A_1540 : i32 to vector<16xi32>
        %add3A_1542 = arith.addi %add3A_1541, %iota3A_1204 : vector<16xi32>
        tpu.vector_store_idx %arg7[%add3A_1542], %select_n3A_1535 : memref<800xi32, #tpu.memory_space<vmem>>[vector<16xi32>], vector<16xi32>,
        %add3A_1543 = arith.constant 244 : i32
        %add3A_1544 = vector.broadcast %add3A_1543 : i32 to vector<16xi32>
        %add3A_1545 = arith.addi %add3A_1544, %iota3A_1204 : vector<16xi32>
        tpu.vector_store_idx %arg7[%add3A_1545], %select_n3A_1539 : memref<800xi32, #tpu.memory_space<vmem>>[vector<16xi32>], vector<16xi32>,
        %add3A_1546 = arith.constant 13 : i32
        %add3A_1547 = vector.broadcast %add3A_1546 : i32 to vector<16xi32>
        %add3A_1548 = arith.addi %mul3A_1207, %add3A_1547 : vector<16xi32>
        %get3A_1549 = arith.constant 13 : i32
        %get3A_1550 = arith.index_cast %get3A_1549 : i32 to index
        %get3A_1551 = arith.constant 0 : index
        %get3A_1552 = tpu.vector_load %arg5[%get3A_1550, %get3A_1551] {strides = array<i32>} : memref<40x128xi32, #tpu.memory_space<vmem>>, vector<16xi32>,
        %get3A_1553 = arith.constant 13 : i32
        %get3A_1554 = arith.index_cast %get3A_1553 : i32 to index
        %get3A_1555 = arith.constant 4 : index
        %get3A_1556 = tpu.vector_load %arg5[%get3A_1554, %get3A_1555] {strides = array<i32>} : memref<40x128xi32, #tpu.memory_space<vmem>>, vector<16xi32>,
        %gather3A_1557 = tpu.vector_load_idx %arg5[%add3A_1548, %mul3A_1207] : memref<40x128xi32, #tpu.memory_space<vmem>>[vector<16xi32>, vector<16xi32>], vector<16xi32>,
        %eq3A_1558 = arith.constant 0 : i32
        %eq3A_1559 = vector.broadcast %eq3A_1558 : i32 to vector<16xi32>
        %eq3A_1560 = arith.cmpi eq, %get3A_1552, %eq3A_1559 : vector<16xi32>
        %select_n3A_1561 = arith.select %eq3A_1560, %gather3A_1557, %get3A_1552 : vector<16xi1>, vector<16xi32>
        %eq3A_1562 = arith.constant 0 : i32
        %eq3A_1563 = vector.broadcast %eq3A_1562 : i32 to vector<16xi32>
        %eq3A_1564 = arith.cmpi eq, %get3A_1556, %eq3A_1563 : vector<16xi32>
        %select_n3A_1565 = arith.select %eq3A_1564, %gather3A_1557, %get3A_1556 : vector<16xi1>, vector<16xi32>
        %add3A_1566 = arith.constant 260 : i32
        %add3A_1567 = vector.broadcast %add3A_1566 : i32 to vector<16xi32>
        %add3A_1568 = arith.addi %add3A_1567, %iota3A_1204 : vector<16xi32>
        tpu.vector_store_idx %arg7[%add3A_1568], %select_n3A_1561 : memref<800xi32, #tpu.memory_space<vmem>>[vector<16xi32>], vector<16xi32>,
        %add3A_1569 = arith.constant 264 : i32
        %add3A_1570 = vector.broadcast %add3A_1569 : i32 to vector<16xi32>
        %add3A_1571 = arith.addi %add3A_1570, %iota3A_1204 : vector<16xi32>
        tpu.vector_store_idx %arg7[%add3A_1571], %select_n3A_1565 : memref<800xi32, #tpu.memory_space<vmem>>[vector<16xi32>], vector<16xi32>,
        %add3A_1572 = arith.constant 14 : i32
        %add3A_1573 = vector.broadcast %add3A_1572 : i32 to vector<16xi32>
        %add3A_1574 = arith.addi %mul3A_1207, %add3A_1573 : vector<16xi32>
        %get3A_1575 = arith.constant 14 : i32
        %get3A_1576 = arith.index_cast %get3A_1575 : i32 to index
        %get3A_1577 = arith.constant 0 : index
        %get3A_1578 = tpu.vector_load %arg5[%get3A_1576, %get3A_1577] {strides = array<i32>} : memref<40x128xi32, #tpu.memory_space<vmem>>, vector<16xi32>,
        %get3A_1579 = arith.constant 14 : i32
        %get3A_1580 = arith.index_cast %get3A_1579 : i32 to index
        %get3A_1581 = arith.constant 4 : index
        %get3A_1582 = tpu.vector_load %arg5[%get3A_1580, %get3A_1581] {strides = array<i32>} : memref<40x128xi32, #tpu.memory_space<vmem>>, vector<16xi32>,
        %gather3A_1583 = tpu.vector_load_idx %arg5[%add3A_1574, %mul3A_1207] : memref<40x128xi32, #tpu.memory_space<vmem>>[vector<16xi32>, vector<16xi32>], vector<16xi32>,
        %eq3A_1584 = arith.constant 0 : i32
        %eq3A_1585 = vector.broadcast %eq3A_1584 : i32 to vector<16xi32>
        %eq3A_1586 = arith.cmpi eq, %get3A_1578, %eq3A_1585 : vector<16xi32>
        %select_n3A_1587 = arith.select %eq3A_1586, %gather3A_1583, %get3A_1578 : vector<16xi1>, vector<16xi32>
        %eq3A_1588 = arith.constant 0 : i32
        %eq3A_1589 = vector.broadcast %eq3A_1588 : i32 to vector<16xi32>
        %eq3A_1590 = arith.cmpi eq, %get3A_1582, %eq3A_1589 : vector<16xi32>
        %select_n3A_1591 = arith.select %eq3A_1590, %gather3A_1583, %get3A_1582 : vector<16xi1>, vector<16xi32>
        %add3A_1592 = arith.constant 280 : i32
        %add3A_1593 = vector.broadcast %add3A_1592 : i32 to vector<16xi32>
        %add3A_1594 = arith.addi %add3A_1593, %iota3A_1204 : vector<16xi32>
        tpu.vector_store_idx %arg7[%add3A_1594], %select_n3A_1587 : memref<800xi32, #tpu.memory_space<vmem>>[vector<16xi32>], vector<16xi32>,
        %add3A_1595 = arith.constant 284 : i32
        %add3A_1596 = vector.broadcast %add3A_1595 : i32 to vector<16xi32>
        %add3A_1597 = arith.addi %add3A_1596, %iota3A_1204 : vector<16xi32>
        tpu.vector_store_idx %arg7[%add3A_1597], %select_n3A_1591 : memref<800xi32, #tpu.memory_space<vmem>>[vector<16xi32>], vector<16xi32>,
        %add3A_1598 = arith.constant 15 : i32
        %add3A_1599 = vector.broadcast %add3A_1598 : i32 to vector<16xi32>
        %add3A_1600 = arith.addi %mul3A_1207, %add3A_1599 : vector<16xi32>
        %get3A_1601 = arith.constant 15 : i32
        %get3A_1602 = arith.index_cast %get3A_1601 : i32 to index
        %get3A_1603 = arith.constant 0 : index
        %get3A_1604 = tpu.vector_load %arg5[%get3A_1602, %get3A_1603] {strides = array<i32>} : memref<40x128xi32, #tpu.memory_space<vmem>>, vector<16xi32>,
        %get3A_1605 = arith.constant 15 : i32
        %get3A_1606 = arith.index_cast %get3A_1605 : i32 to index
        %get3A_1607 = arith.constant 4 : index
        %get3A_1608 = tpu.vector_load %arg5[%get3A_1606, %get3A_1607] {strides = array<i32>} : memref<40x128xi32, #tpu.memory_space<vmem>>, vector<16xi32>,
        %gather3A_1609 = tpu.vector_load_idx %arg5[%add3A_1600, %mul3A_1207] : memref<40x128xi32, #tpu.memory_space<vmem>>[vector<16xi32>, vector<16xi32>], vector<16xi32>,
        %eq3A_1610 = arith.constant 0 : i32
        %eq3A_1611 = vector.broadcast %eq3A_1610 : i32 to vector<16xi32>
        %eq3A_1612 = arith.cmpi eq, %get3A_1604, %eq3A_1611 : vector<16xi32>
        %select_n3A_1613 = arith.select %eq3A_1612, %gather3A_1609, %get3A_1604 : vector<16xi1>, vector<16xi32>
        %eq3A_1614 = arith.constant 0 : i32
        %eq3A_1615 = vector.broadcast %eq3A_1614 : i32 to vector<16xi32>
        %eq3A_1616 = arith.cmpi eq, %get3A_1608, %eq3A_1615 : vector<16xi32>
        %select_n3A_1617 = arith.select %eq3A_1616, %gather3A_1609, %get3A_1608 : vector<16xi1>, vector<16xi32>
        %add3A_1618 = arith.constant 300 : i32
        %add3A_1619 = vector.broadcast %add3A_1618 : i32 to vector<16xi32>
        %add3A_1620 = arith.addi %add3A_1619, %iota3A_1204 : vector<16xi32>
        tpu.vector_store_idx %arg7[%add3A_1620], %select_n3A_1613 : memref<800xi32, #tpu.memory_space<vmem>>[vector<16xi32>], vector<16xi32>,
        %add3A_1621 = arith.constant 304 : i32
        %add3A_1622 = vector.broadcast %add3A_1621 : i32 to vector<16xi32>
        %add3A_1623 = arith.addi %add3A_1622, %iota3A_1204 : vector<16xi32>
        tpu.vector_store_idx %arg7[%add3A_1623], %select_n3A_1617 : memref<800xi32, #tpu.memory_space<vmem>>[vector<16xi32>], vector<16xi32>,
        %add3A_1624 = arith.constant 16 : i32
        %add3A_1625 = vector.broadcast %add3A_1624 : i32 to vector<16xi32>
        %add3A_1626 = arith.addi %mul3A_1207, %add3A_1625 : vector<16xi32>
        %get3A_1627 = arith.constant 16 : i32
        %get3A_1628 = arith.index_cast %get3A_1627 : i32 to index
        %get3A_1629 = arith.constant 0 : index
        %get3A_1630 = tpu.vector_load %arg5[%get3A_1628, %get3A_1629] {strides = array<i32>} : memref<40x128xi32, #tpu.memory_space<vmem>>, vector<16xi32>,
        %get3A_1631 = arith.constant 16 : i32
        %get3A_1632 = arith.index_cast %get3A_1631 : i32 to index
        %get3A_1633 = arith.constant 4 : index
        %get3A_1634 = tpu.vector_load %arg5[%get3A_1632, %get3A_1633] {strides = array<i32>} : memref<40x128xi32, #tpu.memory_space<vmem>>, vector<16xi32>,
        %gather3A_1635 = tpu.vector_load_idx %arg5[%add3A_1626, %mul3A_1207] : memref<40x128xi32, #tpu.memory_space<vmem>>[vector<16xi32>, vector<16xi32>], vector<16xi32>,
        %eq3A_1636 = arith.constant 0 : i32
        %eq3A_1637 = vector.broadcast %eq3A_1636 : i32 to vector<16xi32>
        %eq3A_1638 = arith.cmpi eq, %get3A_1630, %eq3A_1637 : vector<16xi32>
        %select_n3A_1639 = arith.select %eq3A_1638, %gather3A_1635, %get3A_1630 : vector<16xi1>, vector<16xi32>
        %eq3A_1640 = arith.constant 0 : i32
        %eq3A_1641 = vector.broadcast %eq3A_1640 : i32 to vector<16xi32>
        %eq3A_1642 = arith.cmpi eq, %get3A_1634, %eq3A_1641 : vector<16xi32>
        %select_n3A_1643 = arith.select %eq3A_1642, %gather3A_1635, %get3A_1634 : vector<16xi1>, vector<16xi32>
        %add3A_1644 = arith.constant 320 : i32
        %add3A_1645 = vector.broadcast %add3A_1644 : i32 to vector<16xi32>
        %add3A_1646 = arith.addi %add3A_1645, %iota3A_1204 : vector<16xi32>
        tpu.vector_store_idx %arg7[%add3A_1646], %select_n3A_1639 : memref<800xi32, #tpu.memory_space<vmem>>[vector<16xi32>], vector<16xi32>,
        %add3A_1647 = arith.constant 324 : i32
        %add3A_1648 = vector.broadcast %add3A_1647 : i32 to vector<16xi32>
        %add3A_1649 = arith.addi %add3A_1648, %iota3A_1204 : vector<16xi32>
        tpu.vector_store_idx %arg7[%add3A_1649], %select_n3A_1643 : memref<800xi32, #tpu.memory_space<vmem>>[vector<16xi32>], vector<16xi32>,
        %add3A_1650 = arith.constant 17 : i32
        %add3A_1651 = vector.broadcast %add3A_1650 : i32 to vector<16xi32>
        %add3A_1652 = arith.addi %mul3A_1207, %add3A_1651 : vector<16xi32>
        %get3A_1653 = arith.constant 17 : i32
        %get3A_1654 = arith.index_cast %get3A_1653 : i32 to index
        %get3A_1655 = arith.constant 0 : index
        %get3A_1656 = tpu.vector_load %arg5[%get3A_1654, %get3A_1655] {strides = array<i32>} : memref<40x128xi32, #tpu.memory_space<vmem>>, vector<16xi32>,
        %get3A_1657 = arith.constant 17 : i32
        %get3A_1658 = arith.index_cast %get3A_1657 : i32 to index
        %get3A_1659 = arith.constant 4 : index
        %get3A_1660 = tpu.vector_load %arg5[%get3A_1658, %get3A_1659] {strides = array<i32>} : memref<40x128xi32, #tpu.memory_space<vmem>>, vector<16xi32>,
        %gather3A_1661 = tpu.vector_load_idx %arg5[%add3A_1652, %mul3A_1207] : memref<40x128xi32, #tpu.memory_space<vmem>>[vector<16xi32>, vector<16xi32>], vector<16xi32>,
        %eq3A_1662 = arith.constant 0 : i32
        %eq3A_1663 = vector.broadcast %eq3A_1662 : i32 to vector<16xi32>
        %eq3A_1664 = arith.cmpi eq, %get3A_1656, %eq3A_1663 : vector<16xi32>
        %select_n3A_1665 = arith.select %eq3A_1664, %gather3A_1661, %get3A_1656 : vector<16xi1>, vector<16xi32>
        %eq3A_1666 = arith.constant 0 : i32
        %eq3A_1667 = vector.broadcast %eq3A_1666 : i32 to vector<16xi32>
        %eq3A_1668 = arith.cmpi eq, %get3A_1660, %eq3A_1667 : vector<16xi32>
        %select_n3A_1669 = arith.select %eq3A_1668, %gather3A_1661, %get3A_1660 : vector<16xi1>, vector<16xi32>
        %add3A_1670 = arith.constant 340 : i32
        %add3A_1671 = vector.broadcast %add3A_1670 : i32 to vector<16xi32>
        %add3A_1672 = arith.addi %add3A_1671, %iota3A_1204 : vector<16xi32>
        tpu.vector_store_idx %arg7[%add3A_1672], %select_n3A_1665 : memref<800xi32, #tpu.memory_space<vmem>>[vector<16xi32>], vector<16xi32>,
        %add3A_1673 = arith.constant 344 : i32
        %add3A_1674 = vector.broadcast %add3A_1673 : i32 to vector<16xi32>
        %add3A_1675 = arith.addi %add3A_1674, %iota3A_1204 : vector<16xi32>
        tpu.vector_store_idx %arg7[%add3A_1675], %select_n3A_1669 : memref<800xi32, #tpu.memory_space<vmem>>[vector<16xi32>], vector<16xi32>,
        %add3A_1676 = arith.constant 18 : i32
        %add3A_1677 = vector.broadcast %add3A_1676 : i32 to vector<16xi32>
        %add3A_1678 = arith.addi %mul3A_1207, %add3A_1677 : vector<16xi32>
        %get3A_1679 = arith.constant 18 : i32
        %get3A_1680 = arith.index_cast %get3A_1679 : i32 to index
        %get3A_1681 = arith.constant 0 : index
        %get3A_1682 = tpu.vector_load %arg5[%get3A_1680, %get3A_1681] {strides = array<i32>} : memref<40x128xi32, #tpu.memory_space<vmem>>, vector<16xi32>,
        %get3A_1683 = arith.constant 18 : i32
        %get3A_1684 = arith.index_cast %get3A_1683 : i32 to index
        %get3A_1685 = arith.constant 4 : index
        %get3A_1686 = tpu.vector_load %arg5[%get3A_1684, %get3A_1685] {strides = array<i32>} : memref<40x128xi32, #tpu.memory_space<vmem>>, vector<16xi32>,
        %gather3A_1687 = tpu.vector_load_idx %arg5[%add3A_1678, %mul3A_1207] : memref<40x128xi32, #tpu.memory_space<vmem>>[vector<16xi32>, vector<16xi32>], vector<16xi32>,
        %eq3A_1688 = arith.constant 0 : i32
        %eq3A_1689 = vector.broadcast %eq3A_1688 : i32 to vector<16xi32>
        %eq3A_1690 = arith.cmpi eq, %get3A_1682, %eq3A_1689 : vector<16xi32>
        %select_n3A_1691 = arith.select %eq3A_1690, %gather3A_1687, %get3A_1682 : vector<16xi1>, vector<16xi32>
        %eq3A_1692 = arith.constant 0 : i32
        %eq3A_1693 = vector.broadcast %eq3A_1692 : i32 to vector<16xi32>
        %eq3A_1694 = arith.cmpi eq, %get3A_1686, %eq3A_1693 : vector<16xi32>
        %select_n3A_1695 = arith.select %eq3A_1694, %gather3A_1687, %get3A_1686 : vector<16xi1>, vector<16xi32>
        %add3A_1696 = arith.constant 360 : i32
        %add3A_1697 = vector.broadcast %add3A_1696 : i32 to vector<16xi32>
        %add3A_1698 = arith.addi %add3A_1697, %iota3A_1204 : vector<16xi32>
        tpu.vector_store_idx %arg7[%add3A_1698], %select_n3A_1691 : memref<800xi32, #tpu.memory_space<vmem>>[vector<16xi32>], vector<16xi32>,
        %add3A_1699 = arith.constant 364 : i32
        %add3A_1700 = vector.broadcast %add3A_1699 : i32 to vector<16xi32>
        %add3A_1701 = arith.addi %add3A_1700, %iota3A_1204 : vector<16xi32>
        tpu.vector_store_idx %arg7[%add3A_1701], %select_n3A_1695 : memref<800xi32, #tpu.memory_space<vmem>>[vector<16xi32>], vector<16xi32>,
        %add3A_1702 = arith.constant 19 : i32
        %add3A_1703 = vector.broadcast %add3A_1702 : i32 to vector<16xi32>
        %add3A_1704 = arith.addi %mul3A_1207, %add3A_1703 : vector<16xi32>
        %get3A_1705 = arith.constant 19 : i32
        %get3A_1706 = arith.index_cast %get3A_1705 : i32 to index
        %get3A_1707 = arith.constant 0 : index
        %get3A_1708 = tpu.vector_load %arg5[%get3A_1706, %get3A_1707] {strides = array<i32>} : memref<40x128xi32, #tpu.memory_space<vmem>>, vector<16xi32>,
        %get3A_1709 = arith.constant 19 : i32
        %get3A_1710 = arith.index_cast %get3A_1709 : i32 to index
        %get3A_1711 = arith.constant 4 : index
        %get3A_1712 = tpu.vector_load %arg5[%get3A_1710, %get3A_1711] {strides = array<i32>} : memref<40x128xi32, #tpu.memory_space<vmem>>, vector<16xi32>,
        %gather3A_1713 = tpu.vector_load_idx %arg5[%add3A_1704, %mul3A_1207] : memref<40x128xi32, #tpu.memory_space<vmem>>[vector<16xi32>, vector<16xi32>], vector<16xi32>,
        %eq3A_1714 = arith.constant 0 : i32
        %eq3A_1715 = vector.broadcast %eq3A_1714 : i32 to vector<16xi32>
        %eq3A_1716 = arith.cmpi eq, %get3A_1708, %eq3A_1715 : vector<16xi32>
        %select_n3A_1717 = arith.select %eq3A_1716, %gather3A_1713, %get3A_1708 : vector<16xi1>, vector<16xi32>
        %eq3A_1718 = arith.constant 0 : i32
        %eq3A_1719 = vector.broadcast %eq3A_1718 : i32 to vector<16xi32>
        %eq3A_1720 = arith.cmpi eq, %get3A_1712, %eq3A_1719 : vector<16xi32>
        %select_n3A_1721 = arith.select %eq3A_1720, %gather3A_1713, %get3A_1712 : vector<16xi1>, vector<16xi32>
        %add3A_1722 = arith.constant 380 : i32
        %add3A_1723 = vector.broadcast %add3A_1722 : i32 to vector<16xi32>
        %add3A_1724 = arith.addi %add3A_1723, %iota3A_1204 : vector<16xi32>
        tpu.vector_store_idx %arg7[%add3A_1724], %select_n3A_1717 : memref<800xi32, #tpu.memory_space<vmem>>[vector<16xi32>], vector<16xi32>,
        %add3A_1725 = arith.constant 384 : i32
        %add3A_1726 = vector.broadcast %add3A_1725 : i32 to vector<16xi32>
        %add3A_1727 = arith.addi %add3A_1726, %iota3A_1204 : vector<16xi32>
        tpu.vector_store_idx %arg7[%add3A_1727], %select_n3A_1721 : memref<800xi32, #tpu.memory_space<vmem>>[vector<16xi32>], vector<16xi32>,
        %add3A_1728 = arith.constant 20 : i32
        %add3A_1729 = vector.broadcast %add3A_1728 : i32 to vector<16xi32>
        %add3A_1730 = arith.addi %mul3A_1207, %add3A_1729 : vector<16xi32>
        %get3A_1731 = arith.constant 20 : i32
        %get3A_1732 = arith.index_cast %get3A_1731 : i32 to index
        %get3A_1733 = arith.constant 0 : index
        %get3A_1734 = tpu.vector_load %arg5[%get3A_1732, %get3A_1733] {strides = array<i32>} : memref<40x128xi32, #tpu.memory_space<vmem>>, vector<16xi32>,
        %get3A_1735 = arith.constant 20 : i32
        %get3A_1736 = arith.index_cast %get3A_1735 : i32 to index
        %get3A_1737 = arith.constant 4 : index
        %get3A_1738 = tpu.vector_load %arg5[%get3A_1736, %get3A_1737] {strides = array<i32>} : memref<40x128xi32, #tpu.memory_space<vmem>>, vector<16xi32>,
        %gather3A_1739 = tpu.vector_load_idx %arg5[%add3A_1730, %mul3A_1207] : memref<40x128xi32, #tpu.memory_space<vmem>>[vector<16xi32>, vector<16xi32>], vector<16xi32>,
        %eq3A_1740 = arith.constant 0 : i32
        %eq3A_1741 = vector.broadcast %eq3A_1740 : i32 to vector<16xi32>
        %eq3A_1742 = arith.cmpi eq, %get3A_1734, %eq3A_1741 : vector<16xi32>
        %select_n3A_1743 = arith.select %eq3A_1742, %gather3A_1739, %get3A_1734 : vector<16xi1>, vector<16xi32>
        %eq3A_1744 = arith.constant 0 : i32
        %eq3A_1745 = vector.broadcast %eq3A_1744 : i32 to vector<16xi32>
        %eq3A_1746 = arith.cmpi eq, %get3A_1738, %eq3A_1745 : vector<16xi32>
        %select_n3A_1747 = arith.select %eq3A_1746, %gather3A_1739, %get3A_1738 : vector<16xi1>, vector<16xi32>
        %add3A_1748 = arith.constant 400 : i32
        %add3A_1749 = vector.broadcast %add3A_1748 : i32 to vector<16xi32>
        %add3A_1750 = arith.addi %add3A_1749, %iota3A_1204 : vector<16xi32>
        tpu.vector_store_idx %arg7[%add3A_1750], %select_n3A_1743 : memref<800xi32, #tpu.memory_space<vmem>>[vector<16xi32>], vector<16xi32>,
        %add3A_1751 = arith.constant 404 : i32
        %add3A_1752 = vector.broadcast %add3A_1751 : i32 to vector<16xi32>
        %add3A_1753 = arith.addi %add3A_1752, %iota3A_1204 : vector<16xi32>
        tpu.vector_store_idx %arg7[%add3A_1753], %select_n3A_1747 : memref<800xi32, #tpu.memory_space<vmem>>[vector<16xi32>], vector<16xi32>,
        %add3A_1754 = arith.constant 21 : i32
        %add3A_1755 = vector.broadcast %add3A_1754 : i32 to vector<16xi32>
        %add3A_1756 = arith.addi %mul3A_1207, %add3A_1755 : vector<16xi32>
        %get3A_1757 = arith.constant 21 : i32
        %get3A_1758 = arith.index_cast %get3A_1757 : i32 to index
        %get3A_1759 = arith.constant 0 : index
        %get3A_1760 = tpu.vector_load %arg5[%get3A_1758, %get3A_1759] {strides = array<i32>} : memref<40x128xi32, #tpu.memory_space<vmem>>, vector<16xi32>,
        %get3A_1761 = arith.constant 21 : i32
        %get3A_1762 = arith.index_cast %get3A_1761 : i32 to index
        %get3A_1763 = arith.constant 4 : index
        %get3A_1764 = tpu.vector_load %arg5[%get3A_1762, %get3A_1763] {strides = array<i32>} : memref<40x128xi32, #tpu.memory_space<vmem>>, vector<16xi32>,
        %gather3A_1765 = tpu.vector_load_idx %arg5[%add3A_1756, %mul3A_1207] : memref<40x128xi32, #tpu.memory_space<vmem>>[vector<16xi32>, vector<16xi32>], vector<16xi32>,
        %eq3A_1766 = arith.constant 0 : i32
        %eq3A_1767 = vector.broadcast %eq3A_1766 : i32 to vector<16xi32>
        %eq3A_1768 = arith.cmpi eq, %get3A_1760, %eq3A_1767 : vector<16xi32>
        %select_n3A_1769 = arith.select %eq3A_1768, %gather3A_1765, %get3A_1760 : vector<16xi1>, vector<16xi32>
        %eq3A_1770 = arith.constant 0 : i32
        %eq3A_1771 = vector.broadcast %eq3A_1770 : i32 to vector<16xi32>
        %eq3A_1772 = arith.cmpi eq, %get3A_1764, %eq3A_1771 : vector<16xi32>
        %select_n3A_1773 = arith.select %eq3A_1772, %gather3A_1765, %get3A_1764 : vector<16xi1>, vector<16xi32>
        %add3A_1774 = arith.constant 420 : i32
        %add3A_1775 = vector.broadcast %add3A_1774 : i32 to vector<16xi32>
        %add3A_1776 = arith.addi %add3A_1775, %iota3A_1204 : vector<16xi32>
        tpu.vector_store_idx %arg7[%add3A_1776], %select_n3A_1769 : memref<800xi32, #tpu.memory_space<vmem>>[vector<16xi32>], vector<16xi32>,
        %add3A_1777 = arith.constant 424 : i32
        %add3A_1778 = vector.broadcast %add3A_1777 : i32 to vector<16xi32>
        %add3A_1779 = arith.addi %add3A_1778, %iota3A_1204 : vector<16xi32>
        tpu.vector_store_idx %arg7[%add3A_1779], %select_n3A_1773 : memref<800xi32, #tpu.memory_space<vmem>>[vector<16xi32>], vector<16xi32>,
        %add3A_1780 = arith.constant 22 : i32
        %add3A_1781 = vector.broadcast %add3A_1780 : i32 to vector<16xi32>
        %add3A_1782 = arith.addi %mul3A_1207, %add3A_1781 : vector<16xi32>
        %get3A_1783 = arith.constant 22 : i32
        %get3A_1784 = arith.index_cast %get3A_1783 : i32 to index
        %get3A_1785 = arith.constant 0 : index
        %get3A_1786 = tpu.vector_load %arg5[%get3A_1784, %get3A_1785] {strides = array<i32>} : memref<40x128xi32, #tpu.memory_space<vmem>>, vector<16xi32>,
        %get3A_1787 = arith.constant 22 : i32
        %get3A_1788 = arith.index_cast %get3A_1787 : i32 to index
        %get3A_1789 = arith.constant 4 : index
        %get3A_1790 = tpu.vector_load %arg5[%get3A_1788, %get3A_1789] {strides = array<i32>} : memref<40x128xi32, #tpu.memory_space<vmem>>, vector<16xi32>,
        %gather3A_1791 = tpu.vector_load_idx %arg5[%add3A_1782, %mul3A_1207] : memref<40x128xi32, #tpu.memory_space<vmem>>[vector<16xi32>, vector<16xi32>], vector<16xi32>,
        %eq3A_1792 = arith.constant 0 : i32
        %eq3A_1793 = vector.broadcast %eq3A_1792 : i32 to vector<16xi32>
        %eq3A_1794 = arith.cmpi eq, %get3A_1786, %eq3A_1793 : vector<16xi32>
        %select_n3A_1795 = arith.select %eq3A_1794, %gather3A_1791, %get3A_1786 : vector<16xi1>, vector<16xi32>
        %eq3A_1796 = arith.constant 0 : i32
        %eq3A_1797 = vector.broadcast %eq3A_1796 : i32 to vector<16xi32>
        %eq3A_1798 = arith.cmpi eq, %get3A_1790, %eq3A_1797 : vector<16xi32>
        %select_n3A_1799 = arith.select %eq3A_1798, %gather3A_1791, %get3A_1790 : vector<16xi1>, vector<16xi32>
        %add3A_1800 = arith.constant 440 : i32
        %add3A_1801 = vector.broadcast %add3A_1800 : i32 to vector<16xi32>
        %add3A_1802 = arith.addi %add3A_1801, %iota3A_1204 : vector<16xi32>
        tpu.vector_store_idx %arg7[%add3A_1802], %select_n3A_1795 : memref<800xi32, #tpu.memory_space<vmem>>[vector<16xi32>], vector<16xi32>,
        %add3A_1803 = arith.constant 444 : i32
        %add3A_1804 = vector.broadcast %add3A_1803 : i32 to vector<16xi32>
        %add3A_1805 = arith.addi %add3A_1804, %iota3A_1204 : vector<16xi32>
        tpu.vector_store_idx %arg7[%add3A_1805], %select_n3A_1799 : memref<800xi32, #tpu.memory_space<vmem>>[vector<16xi32>], vector<16xi32>,
        %add3A_1806 = arith.constant 23 : i32
        %add3A_1807 = vector.broadcast %add3A_1806 : i32 to vector<16xi32>
        %add3A_1808 = arith.addi %mul3A_1207, %add3A_1807 : vector<16xi32>
        %get3A_1809 = arith.constant 23 : i32
        %get3A_1810 = arith.index_cast %get3A_1809 : i32 to index
        %get3A_1811 = arith.constant 0 : index
        %get3A_1812 = tpu.vector_load %arg5[%get3A_1810, %get3A_1811] {strides = array<i32>} : memref<40x128xi32, #tpu.memory_space<vmem>>, vector<16xi32>,
        %get3A_1813 = arith.constant 23 : i32
        %get3A_1814 = arith.index_cast %get3A_1813 : i32 to index
        %get3A_1815 = arith.constant 4 : index
        %get3A_1816 = tpu.vector_load %arg5[%get3A_1814, %get3A_1815] {strides = array<i32>} : memref<40x128xi32, #tpu.memory_space<vmem>>, vector<16xi32>,
        %gather3A_1817 = tpu.vector_load_idx %arg5[%add3A_1808, %mul3A_1207] : memref<40x128xi32, #tpu.memory_space<vmem>>[vector<16xi32>, vector<16xi32>], vector<16xi32>,
        %eq3A_1818 = arith.constant 0 : i32
        %eq3A_1819 = vector.broadcast %eq3A_1818 : i32 to vector<16xi32>
        %eq3A_1820 = arith.cmpi eq, %get3A_1812, %eq3A_1819 : vector<16xi32>
        %select_n3A_1821 = arith.select %eq3A_1820, %gather3A_1817, %get3A_1812 : vector<16xi1>, vector<16xi32>
        %eq3A_1822 = arith.constant 0 : i32
        %eq3A_1823 = vector.broadcast %eq3A_1822 : i32 to vector<16xi32>
        %eq3A_1824 = arith.cmpi eq, %get3A_1816, %eq3A_1823 : vector<16xi32>
        %select_n3A_1825 = arith.select %eq3A_1824, %gather3A_1817, %get3A_1816 : vector<16xi1>, vector<16xi32>
        %add3A_1826 = arith.constant 460 : i32
        %add3A_1827 = vector.broadcast %add3A_1826 : i32 to vector<16xi32>
        %add3A_1828 = arith.addi %add3A_1827, %iota3A_1204 : vector<16xi32>
        tpu.vector_store_idx %arg7[%add3A_1828], %select_n3A_1821 : memref<800xi32, #tpu.memory_space<vmem>>[vector<16xi32>], vector<16xi32>,
        %add3A_1829 = arith.constant 464 : i32
        %add3A_1830 = vector.broadcast %add3A_1829 : i32 to vector<16xi32>
        %add3A_1831 = arith.addi %add3A_1830, %iota3A_1204 : vector<16xi32>
        tpu.vector_store_idx %arg7[%add3A_1831], %select_n3A_1825 : memref<800xi32, #tpu.memory_space<vmem>>[vector<16xi32>], vector<16xi32>,
        %add3A_1832 = arith.constant 24 : i32
        %add3A_1833 = vector.broadcast %add3A_1832 : i32 to vector<16xi32>
        %add3A_1834 = arith.addi %mul3A_1207, %add3A_1833 : vector<16xi32>
        %get3A_1835 = arith.constant 24 : i32
        %get3A_1836 = arith.index_cast %get3A_1835 : i32 to index
        %get3A_1837 = arith.constant 0 : index
        %get3A_1838 = tpu.vector_load %arg5[%get3A_1836, %get3A_1837] {strides = array<i32>} : memref<40x128xi32, #tpu.memory_space<vmem>>, vector<16xi32>,
        %get3A_1839 = arith.constant 24 : i32
        %get3A_1840 = arith.index_cast %get3A_1839 : i32 to index
        %get3A_1841 = arith.constant 4 : index
        %get3A_1842 = tpu.vector_load %arg5[%get3A_1840, %get3A_1841] {strides = array<i32>} : memref<40x128xi32, #tpu.memory_space<vmem>>, vector<16xi32>,
        %gather3A_1843 = tpu.vector_load_idx %arg5[%add3A_1834, %mul3A_1207] : memref<40x128xi32, #tpu.memory_space<vmem>>[vector<16xi32>, vector<16xi32>], vector<16xi32>,
        %eq3A_1844 = arith.constant 0 : i32
        %eq3A_1845 = vector.broadcast %eq3A_1844 : i32 to vector<16xi32>
        %eq3A_1846 = arith.cmpi eq, %get3A_1838, %eq3A_1845 : vector<16xi32>
        %select_n3A_1847 = arith.select %eq3A_1846, %gather3A_1843, %get3A_1838 : vector<16xi1>, vector<16xi32>
        %eq3A_1848 = arith.constant 0 : i32
        %eq3A_1849 = vector.broadcast %eq3A_1848 : i32 to vector<16xi32>
        %eq3A_1850 = arith.cmpi eq, %get3A_1842, %eq3A_1849 : vector<16xi32>
        %select_n3A_1851 = arith.select %eq3A_1850, %gather3A_1843, %get3A_1842 : vector<16xi1>, vector<16xi32>
        %add3A_1852 = arith.constant 480 : i32
        %add3A_1853 = vector.broadcast %add3A_1852 : i32 to vector<16xi32>
        %add3A_1854 = arith.addi %add3A_1853, %iota3A_1204 : vector<16xi32>
        tpu.vector_store_idx %arg7[%add3A_1854], %select_n3A_1847 : memref<800xi32, #tpu.memory_space<vmem>>[vector<16xi32>], vector<16xi32>,
        %add3A_1855 = arith.constant 484 : i32
        %add3A_1856 = vector.broadcast %add3A_1855 : i32 to vector<16xi32>
        %add3A_1857 = arith.addi %add3A_1856, %iota3A_1204 : vector<16xi32>
        tpu.vector_store_idx %arg7[%add3A_1857], %select_n3A_1851 : memref<800xi32, #tpu.memory_space<vmem>>[vector<16xi32>], vector<16xi32>,
        %add3A_1858 = arith.constant 25 : i32
        %add3A_1859 = vector.broadcast %add3A_1858 : i32 to vector<16xi32>
        %add3A_1860 = arith.addi %mul3A_1207, %add3A_1859 : vector<16xi32>
        %get3A_1861 = arith.constant 25 : i32
        %get3A_1862 = arith.index_cast %get3A_1861 : i32 to index
        %get3A_1863 = arith.constant 0 : index
        %get3A_1864 = tpu.vector_load %arg5[%get3A_1862, %get3A_1863] {strides = array<i32>} : memref<40x128xi32, #tpu.memory_space<vmem>>, vector<16xi32>,
        %get3A_1865 = arith.constant 25 : i32
        %get3A_1866 = arith.index_cast %get3A_1865 : i32 to index
        %get3A_1867 = arith.constant 4 : index
        %get3A_1868 = tpu.vector_load %arg5[%get3A_1866, %get3A_1867] {strides = array<i32>} : memref<40x128xi32, #tpu.memory_space<vmem>>, vector<16xi32>,
        %gather3A_1869 = tpu.vector_load_idx %arg5[%add3A_1860, %mul3A_1207] : memref<40x128xi32, #tpu.memory_space<vmem>>[vector<16xi32>, vector<16xi32>], vector<16xi32>,
        %eq3A_1870 = arith.constant 0 : i32
        %eq3A_1871 = vector.broadcast %eq3A_1870 : i32 to vector<16xi32>
        %eq3A_1872 = arith.cmpi eq, %get3A_1864, %eq3A_1871 : vector<16xi32>
        %select_n3A_1873 = arith.select %eq3A_1872, %gather3A_1869, %get3A_1864 : vector<16xi1>, vector<16xi32>
        %eq3A_1874 = arith.constant 0 : i32
        %eq3A_1875 = vector.broadcast %eq3A_1874 : i32 to vector<16xi32>
        %eq3A_1876 = arith.cmpi eq, %get3A_1868, %eq3A_1875 : vector<16xi32>
        %select_n3A_1877 = arith.select %eq3A_1876, %gather3A_1869, %get3A_1868 : vector<16xi1>, vector<16xi32>
        %add3A_1878 = arith.constant 500 : i32
        %add3A_1879 = vector.broadcast %add3A_1878 : i32 to vector<16xi32>
        %add3A_1880 = arith.addi %add3A_1879, %iota3A_1204 : vector<16xi32>
        tpu.vector_store_idx %arg7[%add3A_1880], %select_n3A_1873 : memref<800xi32, #tpu.memory_space<vmem>>[vector<16xi32>], vector<16xi32>,
        %add3A_1881 = arith.constant 504 : i32
        %add3A_1882 = vector.broadcast %add3A_1881 : i32 to vector<16xi32>
        %add3A_1883 = arith.addi %add3A_1882, %iota3A_1204 : vector<16xi32>
        tpu.vector_store_idx %arg7[%add3A_1883], %select_n3A_1877 : memref<800xi32, #tpu.memory_space<vmem>>[vector<16xi32>], vector<16xi32>,
        %add3A_1884 = arith.constant 26 : i32
        %add3A_1885 = vector.broadcast %add3A_1884 : i32 to vector<16xi32>
        %add3A_1886 = arith.addi %mul3A_1207, %add3A_1885 : vector<16xi32>
        %get3A_1887 = arith.constant 26 : i32
        %get3A_1888 = arith.index_cast %get3A_1887 : i32 to index
        %get3A_1889 = arith.constant 0 : index
        %get3A_1890 = tpu.vector_load %arg5[%get3A_1888, %get3A_1889] {strides = array<i32>} : memref<40x128xi32, #tpu.memory_space<vmem>>, vector<16xi32>,
        %get3A_1891 = arith.constant 26 : i32
        %get3A_1892 = arith.index_cast %get3A_1891 : i32 to index
        %get3A_1893 = arith.constant 4 : index
        %get3A_1894 = tpu.vector_load %arg5[%get3A_1892, %get3A_1893] {strides = array<i32>} : memref<40x128xi32, #tpu.memory_space<vmem>>, vector<16xi32>,
        %gather3A_1895 = tpu.vector_load_idx %arg5[%add3A_1886, %mul3A_1207] : memref<40x128xi32, #tpu.memory_space<vmem>>[vector<16xi32>, vector<16xi32>], vector<16xi32>,
        %eq3A_1896 = arith.constant 0 : i32
        %eq3A_1897 = vector.broadcast %eq3A_1896 : i32 to vector<16xi32>
        %eq3A_1898 = arith.cmpi eq, %get3A_1890, %eq3A_1897 : vector<16xi32>
        %select_n3A_1899 = arith.select %eq3A_1898, %gather3A_1895, %get3A_1890 : vector<16xi1>, vector<16xi32>
        %eq3A_1900 = arith.constant 0 : i32
        %eq3A_1901 = vector.broadcast %eq3A_1900 : i32 to vector<16xi32>
        %eq3A_1902 = arith.cmpi eq, %get3A_1894, %eq3A_1901 : vector<16xi32>
        %select_n3A_1903 = arith.select %eq3A_1902, %gather3A_1895, %get3A_1894 : vector<16xi1>, vector<16xi32>
        %add3A_1904 = arith.constant 520 : i32
        %add3A_1905 = vector.broadcast %add3A_1904 : i32 to vector<16xi32>
        %add3A_1906 = arith.addi %add3A_1905, %iota3A_1204 : vector<16xi32>
        tpu.vector_store_idx %arg7[%add3A_1906], %select_n3A_1899 : memref<800xi32, #tpu.memory_space<vmem>>[vector<16xi32>], vector<16xi32>,
        %add3A_1907 = arith.constant 524 : i32
        %add3A_1908 = vector.broadcast %add3A_1907 : i32 to vector<16xi32>
        %add3A_1909 = arith.addi %add3A_1908, %iota3A_1204 : vector<16xi32>
        tpu.vector_store_idx %arg7[%add3A_1909], %select_n3A_1903 : memref<800xi32, #tpu.memory_space<vmem>>[vector<16xi32>], vector<16xi32>,
        %add3A_1910 = arith.constant 27 : i32
        %add3A_1911 = vector.broadcast %add3A_1910 : i32 to vector<16xi32>
        %add3A_1912 = arith.addi %mul3A_1207, %add3A_1911 : vector<16xi32>
        %get3A_1913 = arith.constant 27 : i32
        %get3A_1914 = arith.index_cast %get3A_1913 : i32 to index
        %get3A_1915 = arith.constant 0 : index
        %get3A_1916 = tpu.vector_load %arg5[%get3A_1914, %get3A_1915] {strides = array<i32>} : memref<40x128xi32, #tpu.memory_space<vmem>>, vector<16xi32>,
        %get3A_1917 = arith.constant 27 : i32
        %get3A_1918 = arith.index_cast %get3A_1917 : i32 to index
        %get3A_1919 = arith.constant 4 : index
        %get3A_1920 = tpu.vector_load %arg5[%get3A_1918, %get3A_1919] {strides = array<i32>} : memref<40x128xi32, #tpu.memory_space<vmem>>, vector<16xi32>,
        %gather3A_1921 = tpu.vector_load_idx %arg5[%add3A_1912, %mul3A_1207] : memref<40x128xi32, #tpu.memory_space<vmem>>[vector<16xi32>, vector<16xi32>], vector<16xi32>,
        %eq3A_1922 = arith.constant 0 : i32
        %eq3A_1923 = vector.broadcast %eq3A_1922 : i32 to vector<16xi32>
        %eq3A_1924 = arith.cmpi eq, %get3A_1916, %eq3A_1923 : vector<16xi32>
        %select_n3A_1925 = arith.select %eq3A_1924, %gather3A_1921, %get3A_1916 : vector<16xi1>, vector<16xi32>
        %eq3A_1926 = arith.constant 0 : i32
        %eq3A_1927 = vector.broadcast %eq3A_1926 : i32 to vector<16xi32>
        %eq3A_1928 = arith.cmpi eq, %get3A_1920, %eq3A_1927 : vector<16xi32>
        %select_n3A_1929 = arith.select %eq3A_1928, %gather3A_1921, %get3A_1920 : vector<16xi1>, vector<16xi32>
        %add3A_1930 = arith.constant 540 : i32
        %add3A_1931 = vector.broadcast %add3A_1930 : i32 to vector<16xi32>
        %add3A_1932 = arith.addi %add3A_1931, %iota3A_1204 : vector<16xi32>
        tpu.vector_store_idx %arg7[%add3A_1932], %select_n3A_1925 : memref<800xi32, #tpu.memory_space<vmem>>[vector<16xi32>], vector<16xi32>,
        %add3A_1933 = arith.constant 544 : i32
        %add3A_1934 = vector.broadcast %add3A_1933 : i32 to vector<16xi32>
        %add3A_1935 = arith.addi %add3A_1934, %iota3A_1204 : vector<16xi32>
        tpu.vector_store_idx %arg7[%add3A_1935], %select_n3A_1929 : memref<800xi32, #tpu.memory_space<vmem>>[vector<16xi32>], vector<16xi32>,
        %add3A_1936 = arith.constant 28 : i32
        %add3A_1937 = vector.broadcast %add3A_1936 : i32 to vector<16xi32>
        %add3A_1938 = arith.addi %mul3A_1207, %add3A_1937 : vector<16xi32>
        %get3A_1939 = arith.constant 28 : i32
        %get3A_1940 = arith.index_cast %get3A_1939 : i32 to index
        %get3A_1941 = arith.constant 0 : index
        %get3A_1942 = tpu.vector_load %arg5[%get3A_1940, %get3A_1941] {strides = array<i32>} : memref<40x128xi32, #tpu.memory_space<vmem>>, vector<16xi32>,
        %get3A_1943 = arith.constant 28 : i32
        %get3A_1944 = arith.index_cast %get3A_1943 : i32 to index
        %get3A_1945 = arith.constant 4 : index
        %get3A_1946 = tpu.vector_load %arg5[%get3A_1944, %get3A_1945] {strides = array<i32>} : memref<40x128xi32, #tpu.memory_space<vmem>>, vector<16xi32>,
        %gather3A_1947 = tpu.vector_load_idx %arg5[%add3A_1938, %mul3A_1207] : memref<40x128xi32, #tpu.memory_space<vmem>>[vector<16xi32>, vector<16xi32>], vector<16xi32>,
        %eq3A_1948 = arith.constant 0 : i32
        %eq3A_1949 = vector.broadcast %eq3A_1948 : i32 to vector<16xi32>
        %eq3A_1950 = arith.cmpi eq, %get3A_1942, %eq3A_1949 : vector<16xi32>
        %select_n3A_1951 = arith.select %eq3A_1950, %gather3A_1947, %get3A_1942 : vector<16xi1>, vector<16xi32>
        %eq3A_1952 = arith.constant 0 : i32
        %eq3A_1953 = vector.broadcast %eq3A_1952 : i32 to vector<16xi32>
        %eq3A_1954 = arith.cmpi eq, %get3A_1946, %eq3A_1953 : vector<16xi32>
        %select_n3A_1955 = arith.select %eq3A_1954, %gather3A_1947, %get3A_1946 : vector<16xi1>, vector<16xi32>
        %add3A_1956 = arith.constant 560 : i32
        %add3A_1957 = vector.broadcast %add3A_1956 : i32 to vector<16xi32>
        %add3A_1958 = arith.addi %add3A_1957, %iota3A_1204 : vector<16xi32>
        tpu.vector_store_idx %arg7[%add3A_1958], %select_n3A_1951 : memref<800xi32, #tpu.memory_space<vmem>>[vector<16xi32>], vector<16xi32>,
        %add3A_1959 = arith.constant 564 : i32
        %add3A_1960 = vector.broadcast %add3A_1959 : i32 to vector<16xi32>
        %add3A_1961 = arith.addi %add3A_1960, %iota3A_1204 : vector<16xi32>
        tpu.vector_store_idx %arg7[%add3A_1961], %select_n3A_1955 : memref<800xi32, #tpu.memory_space<vmem>>[vector<16xi32>], vector<16xi32>,
        %add3A_1962 = arith.constant 29 : i32
        %add3A_1963 = vector.broadcast %add3A_1962 : i32 to vector<16xi32>
        %add3A_1964 = arith.addi %mul3A_1207, %add3A_1963 : vector<16xi32>
        %get3A_1965 = arith.constant 29 : i32
        %get3A_1966 = arith.index_cast %get3A_1965 : i32 to index
        %get3A_1967 = arith.constant 0 : index
        %get3A_1968 = tpu.vector_load %arg5[%get3A_1966, %get3A_1967] {strides = array<i32>} : memref<40x128xi32, #tpu.memory_space<vmem>>, vector<16xi32>,
        %get3A_1969 = arith.constant 29 : i32
        %get3A_1970 = arith.index_cast %get3A_1969 : i32 to index
        %get3A_1971 = arith.constant 4 : index
        %get3A_1972 = tpu.vector_load %arg5[%get3A_1970, %get3A_1971] {strides = array<i32>} : memref<40x128xi32, #tpu.memory_space<vmem>>, vector<16xi32>,
        %gather3A_1973 = tpu.vector_load_idx %arg5[%add3A_1964, %mul3A_1207] : memref<40x128xi32, #tpu.memory_space<vmem>>[vector<16xi32>, vector<16xi32>], vector<16xi32>,
        %eq3A_1974 = arith.constant 0 : i32
        %eq3A_1975 = vector.broadcast %eq3A_1974 : i32 to vector<16xi32>
        %eq3A_1976 = arith.cmpi eq, %get3A_1968, %eq3A_1975 : vector<16xi32>
        %select_n3A_1977 = arith.select %eq3A_1976, %gather3A_1973, %get3A_1968 : vector<16xi1>, vector<16xi32>
        %eq3A_1978 = arith.constant 0 : i32
        %eq3A_1979 = vector.broadcast %eq3A_1978 : i32 to vector<16xi32>
        %eq3A_1980 = arith.cmpi eq, %get3A_1972, %eq3A_1979 : vector<16xi32>
        %select_n3A_1981 = arith.select %eq3A_1980, %gather3A_1973, %get3A_1972 : vector<16xi1>, vector<16xi32>
        %add3A_1982 = arith.constant 580 : i32
        %add3A_1983 = vector.broadcast %add3A_1982 : i32 to vector<16xi32>
        %add3A_1984 = arith.addi %add3A_1983, %iota3A_1204 : vector<16xi32>
        tpu.vector_store_idx %arg7[%add3A_1984], %select_n3A_1977 : memref<800xi32, #tpu.memory_space<vmem>>[vector<16xi32>], vector<16xi32>,
        %add3A_1985 = arith.constant 584 : i32
        %add3A_1986 = vector.broadcast %add3A_1985 : i32 to vector<16xi32>
        %add3A_1987 = arith.addi %add3A_1986, %iota3A_1204 : vector<16xi32>
        tpu.vector_store_idx %arg7[%add3A_1987], %select_n3A_1981 : memref<800xi32, #tpu.memory_space<vmem>>[vector<16xi32>], vector<16xi32>,
        %add3A_1988 = arith.constant 30 : i32
        %add3A_1989 = vector.broadcast %add3A_1988 : i32 to vector<16xi32>
        %add3A_1990 = arith.addi %mul3A_1207, %add3A_1989 : vector<16xi32>
        %get3A_1991 = arith.constant 30 : i32
        %get3A_1992 = arith.index_cast %get3A_1991 : i32 to index
        %get3A_1993 = arith.constant 0 : index
        %get3A_1994 = tpu.vector_load %arg5[%get3A_1992, %get3A_1993] {strides = array<i32>} : memref<40x128xi32, #tpu.memory_space<vmem>>, vector<16xi32>,
        %get3A_1995 = arith.constant 30 : i32
        %get3A_1996 = arith.index_cast %get3A_1995 : i32 to index
        %get3A_1997 = arith.constant 4 : index
        %get3A_1998 = tpu.vector_load %arg5[%get3A_1996, %get3A_1997] {strides = array<i32>} : memref<40x128xi32, #tpu.memory_space<vmem>>, vector<16xi32>,
        %gather3A_1999 = tpu.vector_load_idx %arg5[%add3A_1990, %mul3A_1207] : memref<40x128xi32, #tpu.memory_space<vmem>>[vector<16xi32>, vector<16xi32>], vector<16xi32>,
        %eq3A_2000 = arith.constant 0 : i32
        %eq3A_2001 = vector.broadcast %eq3A_2000 : i32 to vector<16xi32>
        %eq3A_2002 = arith.cmpi eq, %get3A_1994, %eq3A_2001 : vector<16xi32>
        %select_n3A_2003 = arith.select %eq3A_2002, %gather3A_1999, %get3A_1994 : vector<16xi1>, vector<16xi32>
        %eq3A_2004 = arith.constant 0 : i32
        %eq3A_2005 = vector.broadcast %eq3A_2004 : i32 to vector<16xi32>
        %eq3A_2006 = arith.cmpi eq, %get3A_1998, %eq3A_2005 : vector<16xi32>
        %select_n3A_2007 = arith.select %eq3A_2006, %gather3A_1999, %get3A_1998 : vector<16xi1>, vector<16xi32>
        %add3A_2008 = arith.constant 600 : i32
        %add3A_2009 = vector.broadcast %add3A_2008 : i32 to vector<16xi32>
        %add3A_2010 = arith.addi %add3A_2009, %iota3A_1204 : vector<16xi32>
        tpu.vector_store_idx %arg7[%add3A_2010], %select_n3A_2003 : memref<800xi32, #tpu.memory_space<vmem>>[vector<16xi32>], vector<16xi32>,
        %add3A_2011 = arith.constant 604 : i32
        %add3A_2012 = vector.broadcast %add3A_2011 : i32 to vector<16xi32>
        %add3A_2013 = arith.addi %add3A_2012, %iota3A_1204 : vector<16xi32>
        tpu.vector_store_idx %arg7[%add3A_2013], %select_n3A_2007 : memref<800xi32, #tpu.memory_space<vmem>>[vector<16xi32>], vector<16xi32>,
        %add3A_2014 = arith.constant 31 : i32
        %add3A_2015 = vector.broadcast %add3A_2014 : i32 to vector<16xi32>
        %add3A_2016 = arith.addi %mul3A_1207, %add3A_2015 : vector<16xi32>
        %get3A_2017 = arith.constant 31 : i32
        %get3A_2018 = arith.index_cast %get3A_2017 : i32 to index
        %get3A_2019 = arith.constant 0 : index
        %get3A_2020 = tpu.vector_load %arg5[%get3A_2018, %get3A_2019] {strides = array<i32>} : memref<40x128xi32, #tpu.memory_space<vmem>>, vector<16xi32>,
        %get3A_2021 = arith.constant 31 : i32
        %get3A_2022 = arith.index_cast %get3A_2021 : i32 to index
        %get3A_2023 = arith.constant 4 : index
        %get3A_2024 = tpu.vector_load %arg5[%get3A_2022, %get3A_2023] {strides = array<i32>} : memref<40x128xi32, #tpu.memory_space<vmem>>, vector<16xi32>,
        %gather3A_2025 = tpu.vector_load_idx %arg5[%add3A_2016, %mul3A_1207] : memref<40x128xi32, #tpu.memory_space<vmem>>[vector<16xi32>, vector<16xi32>], vector<16xi32>,
        %eq3A_2026 = arith.constant 0 : i32
        %eq3A_2027 = vector.broadcast %eq3A_2026 : i32 to vector<16xi32>
        %eq3A_2028 = arith.cmpi eq, %get3A_2020, %eq3A_2027 : vector<16xi32>
        %select_n3A_2029 = arith.select %eq3A_2028, %gather3A_2025, %get3A_2020 : vector<16xi1>, vector<16xi32>
        %eq3A_2030 = arith.constant 0 : i32
        %eq3A_2031 = vector.broadcast %eq3A_2030 : i32 to vector<16xi32>
        %eq3A_2032 = arith.cmpi eq, %get3A_2024, %eq3A_2031 : vector<16xi32>
        %select_n3A_2033 = arith.select %eq3A_2032, %gather3A_2025, %get3A_2024 : vector<16xi1>, vector<16xi32>
        %add3A_2034 = arith.constant 620 : i32
        %add3A_2035 = vector.broadcast %add3A_2034 : i32 to vector<16xi32>
        %add3A_2036 = arith.addi %add3A_2035, %iota3A_1204 : vector<16xi32>
        tpu.vector_store_idx %arg7[%add3A_2036], %select_n3A_2029 : memref<800xi32, #tpu.memory_space<vmem>>[vector<16xi32>], vector<16xi32>,
        %add3A_2037 = arith.constant 624 : i32
        %add3A_2038 = vector.broadcast %add3A_2037 : i32 to vector<16xi32>
        %add3A_2039 = arith.addi %add3A_2038, %iota3A_1204 : vector<16xi32>
        tpu.vector_store_idx %arg7[%add3A_2039], %select_n3A_2033 : memref<800xi32, #tpu.memory_space<vmem>>[vector<16xi32>], vector<16xi32>,
        %add3A_2040 = arith.constant 32 : i32
        %add3A_2041 = vector.broadcast %add3A_2040 : i32 to vector<16xi32>
        %add3A_2042 = arith.addi %mul3A_1207, %add3A_2041 : vector<16xi32>
        %get3A_2043 = arith.constant 32 : i32
        %get3A_2044 = arith.index_cast %get3A_2043 : i32 to index
        %get3A_2045 = arith.constant 0 : index
        %get3A_2046 = tpu.vector_load %arg5[%get3A_2044, %get3A_2045] {strides = array<i32>} : memref<40x128xi32, #tpu.memory_space<vmem>>, vector<16xi32>,
        %get3A_2047 = arith.constant 32 : i32
        %get3A_2048 = arith.index_cast %get3A_2047 : i32 to index
        %get3A_2049 = arith.constant 4 : index
        %get3A_2050 = tpu.vector_load %arg5[%get3A_2048, %get3A_2049] {strides = array<i32>} : memref<40x128xi32, #tpu.memory_space<vmem>>, vector<16xi32>,
        %gather3A_2051 = tpu.vector_load_idx %arg5[%add3A_2042, %mul3A_1207] : memref<40x128xi32, #tpu.memory_space<vmem>>[vector<16xi32>, vector<16xi32>], vector<16xi32>,
        %eq3A_2052 = arith.constant 0 : i32
        %eq3A_2053 = vector.broadcast %eq3A_2052 : i32 to vector<16xi32>
        %eq3A_2054 = arith.cmpi eq, %get3A_2046, %eq3A_2053 : vector<16xi32>
        %select_n3A_2055 = arith.select %eq3A_2054, %gather3A_2051, %get3A_2046 : vector<16xi1>, vector<16xi32>
        %eq3A_2056 = arith.constant 0 : i32
        %eq3A_2057 = vector.broadcast %eq3A_2056 : i32 to vector<16xi32>
        %eq3A_2058 = arith.cmpi eq, %get3A_2050, %eq3A_2057 : vector<16xi32>
        %select_n3A_2059 = arith.select %eq3A_2058, %gather3A_2051, %get3A_2050 : vector<16xi1>, vector<16xi32>
        %add3A_2060 = arith.constant 640 : i32
        %add3A_2061 = vector.broadcast %add3A_2060 : i32 to vector<16xi32>
        %add3A_2062 = arith.addi %add3A_2061, %iota3A_1204 : vector<16xi32>
        tpu.vector_store_idx %arg7[%add3A_2062], %select_n3A_2055 : memref<800xi32, #tpu.memory_space<vmem>>[vector<16xi32>], vector<16xi32>,
        %add3A_2063 = arith.constant 644 : i32
        %add3A_2064 = vector.broadcast %add3A_2063 : i32 to vector<16xi32>
        %add3A_2065 = arith.addi %add3A_2064, %iota3A_1204 : vector<16xi32>
        tpu.vector_store_idx %arg7[%add3A_2065], %select_n3A_2059 : memref<800xi32, #tpu.memory_space<vmem>>[vector<16xi32>], vector<16xi32>,
        %add3A_2066 = arith.constant 33 : i32
        %add3A_2067 = vector.broadcast %add3A_2066 : i32 to vector<16xi32>
        %add3A_2068 = arith.addi %mul3A_1207, %add3A_2067 : vector<16xi32>
        %get3A_2069 = arith.constant 33 : i32
        %get3A_2070 = arith.index_cast %get3A_2069 : i32 to index
        %get3A_2071 = arith.constant 0 : index
        %get3A_2072 = tpu.vector_load %arg5[%get3A_2070, %get3A_2071] {strides = array<i32>} : memref<40x128xi32, #tpu.memory_space<vmem>>, vector<16xi32>,
        %get3A_2073 = arith.constant 33 : i32
        %get3A_2074 = arith.index_cast %get3A_2073 : i32 to index
        %get3A_2075 = arith.constant 4 : index
        %get3A_2076 = tpu.vector_load %arg5[%get3A_2074, %get3A_2075] {strides = array<i32>} : memref<40x128xi32, #tpu.memory_space<vmem>>, vector<16xi32>,
        %gather3A_2077 = tpu.vector_load_idx %arg5[%add3A_2068, %mul3A_1207] : memref<40x128xi32, #tpu.memory_space<vmem>>[vector<16xi32>, vector<16xi32>], vector<16xi32>,
        %eq3A_2078 = arith.constant 0 : i32
        %eq3A_2079 = vector.broadcast %eq3A_2078 : i32 to vector<16xi32>
        %eq3A_2080 = arith.cmpi eq, %get3A_2072, %eq3A_2079 : vector<16xi32>
        %select_n3A_2081 = arith.select %eq3A_2080, %gather3A_2077, %get3A_2072 : vector<16xi1>, vector<16xi32>
        %eq3A_2082 = arith.constant 0 : i32
        %eq3A_2083 = vector.broadcast %eq3A_2082 : i32 to vector<16xi32>
        %eq3A_2084 = arith.cmpi eq, %get3A_2076, %eq3A_2083 : vector<16xi32>
        %select_n3A_2085 = arith.select %eq3A_2084, %gather3A_2077, %get3A_2076 : vector<16xi1>, vector<16xi32>
        %add3A_2086 = arith.constant 660 : i32
        %add3A_2087 = vector.broadcast %add3A_2086 : i32 to vector<16xi32>
        %add3A_2088 = arith.addi %add3A_2087, %iota3A_1204 : vector<16xi32>
        tpu.vector_store_idx %arg7[%add3A_2088], %select_n3A_2081 : memref<800xi32, #tpu.memory_space<vmem>>[vector<16xi32>], vector<16xi32>,
        %add3A_2089 = arith.constant 664 : i32
        %add3A_2090 = vector.broadcast %add3A_2089 : i32 to vector<16xi32>
        %add3A_2091 = arith.addi %add3A_2090, %iota3A_1204 : vector<16xi32>
        tpu.vector_store_idx %arg7[%add3A_2091], %select_n3A_2085 : memref<800xi32, #tpu.memory_space<vmem>>[vector<16xi32>], vector<16xi32>,
        %add3A_2092 = arith.constant 34 : i32
        %add3A_2093 = vector.broadcast %add3A_2092 : i32 to vector<16xi32>
        %add3A_2094 = arith.addi %mul3A_1207, %add3A_2093 : vector<16xi32>
        %get3A_2095 = arith.constant 34 : i32
        %get3A_2096 = arith.index_cast %get3A_2095 : i32 to index
        %get3A_2097 = arith.constant 0 : index
        %get3A_2098 = tpu.vector_load %arg5[%get3A_2096, %get3A_2097] {strides = array<i32>} : memref<40x128xi32, #tpu.memory_space<vmem>>, vector<16xi32>,
        %get3A_2099 = arith.constant 34 : i32
        %get3A_2100 = arith.index_cast %get3A_2099 : i32 to index
        %get3A_2101 = arith.constant 4 : index
        %get3A_2102 = tpu.vector_load %arg5[%get3A_2100, %get3A_2101] {strides = array<i32>} : memref<40x128xi32, #tpu.memory_space<vmem>>, vector<16xi32>,
        %gather3A_2103 = tpu.vector_load_idx %arg5[%add3A_2094, %mul3A_1207] : memref<40x128xi32, #tpu.memory_space<vmem>>[vector<16xi32>, vector<16xi32>], vector<16xi32>,
        %eq3A_2104 = arith.constant 0 : i32
        %eq3A_2105 = vector.broadcast %eq3A_2104 : i32 to vector<16xi32>
        %eq3A_2106 = arith.cmpi eq, %get3A_2098, %eq3A_2105 : vector<16xi32>
        %select_n3A_2107 = arith.select %eq3A_2106, %gather3A_2103, %get3A_2098 : vector<16xi1>, vector<16xi32>
        %eq3A_2108 = arith.constant 0 : i32
        %eq3A_2109 = vector.broadcast %eq3A_2108 : i32 to vector<16xi32>
        %eq3A_2110 = arith.cmpi eq, %get3A_2102, %eq3A_2109 : vector<16xi32>
        %select_n3A_2111 = arith.select %eq3A_2110, %gather3A_2103, %get3A_2102 : vector<16xi1>, vector<16xi32>
        %add3A_2112 = arith.constant 680 : i32
        %add3A_2113 = vector.broadcast %add3A_2112 : i32 to vector<16xi32>
        %add3A_2114 = arith.addi %add3A_2113, %iota3A_1204 : vector<16xi32>
        tpu.vector_store_idx %arg7[%add3A_2114], %select_n3A_2107 : memref<800xi32, #tpu.memory_space<vmem>>[vector<16xi32>], vector<16xi32>,
        %add3A_2115 = arith.constant 684 : i32
        %add3A_2116 = vector.broadcast %add3A_2115 : i32 to vector<16xi32>
        %add3A_2117 = arith.addi %add3A_2116, %iota3A_1204 : vector<16xi32>
        tpu.vector_store_idx %arg7[%add3A_2117], %select_n3A_2111 : memref<800xi32, #tpu.memory_space<vmem>>[vector<16xi32>], vector<16xi32>,
        %add3A_2118 = arith.constant 35 : i32
        %add3A_2119 = vector.broadcast %add3A_2118 : i32 to vector<16xi32>
        %add3A_2120 = arith.addi %mul3A_1207, %add3A_2119 : vector<16xi32>
        %get3A_2121 = arith.constant 35 : i32
        %get3A_2122 = arith.index_cast %get3A_2121 : i32 to index
        %get3A_2123 = arith.constant 0 : index
        %get3A_2124 = tpu.vector_load %arg5[%get3A_2122, %get3A_2123] {strides = array<i32>} : memref<40x128xi32, #tpu.memory_space<vmem>>, vector<16xi32>,
        %get3A_2125 = arith.constant 35 : i32
        %get3A_2126 = arith.index_cast %get3A_2125 : i32 to index
        %get3A_2127 = arith.constant 4 : index
        %get3A_2128 = tpu.vector_load %arg5[%get3A_2126, %get3A_2127] {strides = array<i32>} : memref<40x128xi32, #tpu.memory_space<vmem>>, vector<16xi32>,
        %gather3A_2129 = tpu.vector_load_idx %arg5[%add3A_2120, %mul3A_1207] : memref<40x128xi32, #tpu.memory_space<vmem>>[vector<16xi32>, vector<16xi32>], vector<16xi32>,
        %eq3A_2130 = arith.constant 0 : i32
        %eq3A_2131 = vector.broadcast %eq3A_2130 : i32 to vector<16xi32>
        %eq3A_2132 = arith.cmpi eq, %get3A_2124, %eq3A_2131 : vector<16xi32>
        %select_n3A_2133 = arith.select %eq3A_2132, %gather3A_2129, %get3A_2124 : vector<16xi1>, vector<16xi32>
        %eq3A_2134 = arith.constant 0 : i32
        %eq3A_2135 = vector.broadcast %eq3A_2134 : i32 to vector<16xi32>
        %eq3A_2136 = arith.cmpi eq, %get3A_2128, %eq3A_2135 : vector<16xi32>
        %select_n3A_2137 = arith.select %eq3A_2136, %gather3A_2129, %get3A_2128 : vector<16xi1>, vector<16xi32>
        %add3A_2138 = arith.constant 700 : i32
        %add3A_2139 = vector.broadcast %add3A_2138 : i32 to vector<16xi32>
        %add3A_2140 = arith.addi %add3A_2139, %iota3A_1204 : vector<16xi32>
        tpu.vector_store_idx %arg7[%add3A_2140], %select_n3A_2133 : memref<800xi32, #tpu.memory_space<vmem>>[vector<16xi32>], vector<16xi32>,
        %add3A_2141 = arith.constant 704 : i32
        %add3A_2142 = vector.broadcast %add3A_2141 : i32 to vector<16xi32>
        %add3A_2143 = arith.addi %add3A_2142, %iota3A_1204 : vector<16xi32>
        tpu.vector_store_idx %arg7[%add3A_2143], %select_n3A_2137 : memref<800xi32, #tpu.memory_space<vmem>>[vector<16xi32>], vector<16xi32>,
        %add3A_2144 = arith.constant 36 : i32
        %add3A_2145 = vector.broadcast %add3A_2144 : i32 to vector<16xi32>
        %add3A_2146 = arith.addi %mul3A_1207, %add3A_2145 : vector<16xi32>
        %get3A_2147 = arith.constant 36 : i32
        %get3A_2148 = arith.index_cast %get3A_2147 : i32 to index
        %get3A_2149 = arith.constant 0 : index
        %get3A_2150 = tpu.vector_load %arg5[%get3A_2148, %get3A_2149] {strides = array<i32>} : memref<40x128xi32, #tpu.memory_space<vmem>>, vector<16xi32>,
        %get3A_2151 = arith.constant 36 : i32
        %get3A_2152 = arith.index_cast %get3A_2151 : i32 to index
        %get3A_2153 = arith.constant 4 : index
        %get3A_2154 = tpu.vector_load %arg5[%get3A_2152, %get3A_2153] {strides = array<i32>} : memref<40x128xi32, #tpu.memory_space<vmem>>, vector<16xi32>,
        %gather3A_2155 = tpu.vector_load_idx %arg5[%add3A_2146, %mul3A_1207] : memref<40x128xi32, #tpu.memory_space<vmem>>[vector<16xi32>, vector<16xi32>], vector<16xi32>,
        %eq3A_2156 = arith.constant 0 : i32
        %eq3A_2157 = vector.broadcast %eq3A_2156 : i32 to vector<16xi32>
        %eq3A_2158 = arith.cmpi eq, %get3A_2150, %eq3A_2157 : vector<16xi32>
        %select_n3A_2159 = arith.select %eq3A_2158, %gather3A_2155, %get3A_2150 : vector<16xi1>, vector<16xi32>
        %eq3A_2160 = arith.constant 0 : i32
        %eq3A_2161 = vector.broadcast %eq3A_2160 : i32 to vector<16xi32>
        %eq3A_2162 = arith.cmpi eq, %get3A_2154, %eq3A_2161 : vector<16xi32>
        %select_n3A_2163 = arith.select %eq3A_2162, %gather3A_2155, %get3A_2154 : vector<16xi1>, vector<16xi32>
        %add3A_2164 = arith.constant 720 : i32
        %add3A_2165 = vector.broadcast %add3A_2164 : i32 to vector<16xi32>
        %add3A_2166 = arith.addi %add3A_2165, %iota3A_1204 : vector<16xi32>
        tpu.vector_store_idx %arg7[%add3A_2166], %select_n3A_2159 : memref<800xi32, #tpu.memory_space<vmem>>[vector<16xi32>], vector<16xi32>,
        %add3A_2167 = arith.constant 724 : i32
        %add3A_2168 = vector.broadcast %add3A_2167 : i32 to vector<16xi32>
        %add3A_2169 = arith.addi %add3A_2168, %iota3A_1204 : vector<16xi32>
        tpu.vector_store_idx %arg7[%add3A_2169], %select_n3A_2163 : memref<800xi32, #tpu.memory_space<vmem>>[vector<16xi32>], vector<16xi32>,
        %add3A_2170 = arith.constant 37 : i32
        %add3A_2171 = vector.broadcast %add3A_2170 : i32 to vector<16xi32>
        %add3A_2172 = arith.addi %mul3A_1207, %add3A_2171 : vector<16xi32>
        %get3A_2173 = arith.constant 37 : i32
        %get3A_2174 = arith.index_cast %get3A_2173 : i32 to index
        %get3A_2175 = arith.constant 0 : index
        %get3A_2176 = tpu.vector_load %arg5[%get3A_2174, %get3A_2175] {strides = array<i32>} : memref<40x128xi32, #tpu.memory_space<vmem>>, vector<16xi32>,
        %get3A_2177 = arith.constant 37 : i32
        %get3A_2178 = arith.index_cast %get3A_2177 : i32 to index
        %get3A_2179 = arith.constant 4 : index
        %get3A_2180 = tpu.vector_load %arg5[%get3A_2178, %get3A_2179] {strides = array<i32>} : memref<40x128xi32, #tpu.memory_space<vmem>>, vector<16xi32>,
        %gather3A_2181 = tpu.vector_load_idx %arg5[%add3A_2172, %mul3A_1207] : memref<40x128xi32, #tpu.memory_space<vmem>>[vector<16xi32>, vector<16xi32>], vector<16xi32>,
        %eq3A_2182 = arith.constant 0 : i32
        %eq3A_2183 = vector.broadcast %eq3A_2182 : i32 to vector<16xi32>
        %eq3A_2184 = arith.cmpi eq, %get3A_2176, %eq3A_2183 : vector<16xi32>
        %select_n3A_2185 = arith.select %eq3A_2184, %gather3A_2181, %get3A_2176 : vector<16xi1>, vector<16xi32>
        %eq3A_2186 = arith.constant 0 : i32
        %eq3A_2187 = vector.broadcast %eq3A_2186 : i32 to vector<16xi32>
        %eq3A_2188 = arith.cmpi eq, %get3A_2180, %eq3A_2187 : vector<16xi32>
        %select_n3A_2189 = arith.select %eq3A_2188, %gather3A_2181, %get3A_2180 : vector<16xi1>, vector<16xi32>
        %add3A_2190 = arith.constant 740 : i32
        %add3A_2191 = vector.broadcast %add3A_2190 : i32 to vector<16xi32>
        %add3A_2192 = arith.addi %add3A_2191, %iota3A_1204 : vector<16xi32>
        tpu.vector_store_idx %arg7[%add3A_2192], %select_n3A_2185 : memref<800xi32, #tpu.memory_space<vmem>>[vector<16xi32>], vector<16xi32>,
        %add3A_2193 = arith.constant 744 : i32
        %add3A_2194 = vector.broadcast %add3A_2193 : i32 to vector<16xi32>
        %add3A_2195 = arith.addi %add3A_2194, %iota3A_1204 : vector<16xi32>
        tpu.vector_store_idx %arg7[%add3A_2195], %select_n3A_2189 : memref<800xi32, #tpu.memory_space<vmem>>[vector<16xi32>], vector<16xi32>,
        %add3A_2196 = arith.constant 38 : i32
        %add3A_2197 = vector.broadcast %add3A_2196 : i32 to vector<16xi32>
        %add3A_2198 = arith.addi %mul3A_1207, %add3A_2197 : vector<16xi32>
        %get3A_2199 = arith.constant 38 : i32
        %get3A_2200 = arith.index_cast %get3A_2199 : i32 to index
        %get3A_2201 = arith.constant 0 : index
        %get3A_2202 = tpu.vector_load %arg5[%get3A_2200, %get3A_2201] {strides = array<i32>} : memref<40x128xi32, #tpu.memory_space<vmem>>, vector<16xi32>,
        %get3A_2203 = arith.constant 38 : i32
        %get3A_2204 = arith.index_cast %get3A_2203 : i32 to index
        %get3A_2205 = arith.constant 4 : index
        %get3A_2206 = tpu.vector_load %arg5[%get3A_2204, %get3A_2205] {strides = array<i32>} : memref<40x128xi32, #tpu.memory_space<vmem>>, vector<16xi32>,
        %gather3A_2207 = tpu.vector_load_idx %arg5[%add3A_2198, %mul3A_1207] : memref<40x128xi32, #tpu.memory_space<vmem>>[vector<16xi32>, vector<16xi32>], vector<16xi32>,
        %eq3A_2208 = arith.constant 0 : i32
        %eq3A_2209 = vector.broadcast %eq3A_2208 : i32 to vector<16xi32>
        %eq3A_2210 = arith.cmpi eq, %get3A_2202, %eq3A_2209 : vector<16xi32>
        %select_n3A_2211 = arith.select %eq3A_2210, %gather3A_2207, %get3A_2202 : vector<16xi1>, vector<16xi32>
        %eq3A_2212 = arith.constant 0 : i32
        %eq3A_2213 = vector.broadcast %eq3A_2212 : i32 to vector<16xi32>
        %eq3A_2214 = arith.cmpi eq, %get3A_2206, %eq3A_2213 : vector<16xi32>
        %select_n3A_2215 = arith.select %eq3A_2214, %gather3A_2207, %get3A_2206 : vector<16xi1>, vector<16xi32>
        %add3A_2216 = arith.constant 760 : i32
        %add3A_2217 = vector.broadcast %add3A_2216 : i32 to vector<16xi32>
        %add3A_2218 = arith.addi %add3A_2217, %iota3A_1204 : vector<16xi32>
        tpu.vector_store_idx %arg7[%add3A_2218], %select_n3A_2211 : memref<800xi32, #tpu.memory_space<vmem>>[vector<16xi32>], vector<16xi32>,
        %add3A_2219 = arith.constant 764 : i32
        %add3A_2220 = vector.broadcast %add3A_2219 : i32 to vector<16xi32>
        %add3A_2221 = arith.addi %add3A_2220, %iota3A_1204 : vector<16xi32>
        tpu.vector_store_idx %arg7[%add3A_2221], %select_n3A_2215 : memref<800xi32, #tpu.memory_space<vmem>>[vector<16xi32>], vector<16xi32>,
        %add3A_2222 = arith.constant 39 : i32
        %add3A_2223 = vector.broadcast %add3A_2222 : i32 to vector<16xi32>
        %add3A_2224 = arith.addi %mul3A_1207, %add3A_2223 : vector<16xi32>
        %get3A_2225 = arith.constant 39 : i32
        %get3A_2226 = arith.index_cast %get3A_2225 : i32 to index
        %get3A_2227 = arith.constant 0 : index
        %get3A_2228 = tpu.vector_load %arg5[%get3A_2226, %get3A_2227] {strides = array<i32>} : memref<40x128xi32, #tpu.memory_space<vmem>>, vector<16xi32>,
        %get3A_2229 = arith.constant 39 : i32
        %get3A_2230 = arith.index_cast %get3A_2229 : i32 to index
        %get3A_2231 = arith.constant 4 : index
        %get3A_2232 = tpu.vector_load %arg5[%get3A_2230, %get3A_2231] {strides = array<i32>} : memref<40x128xi32, #tpu.memory_space<vmem>>, vector<16xi32>,
        %gather3A_2233 = tpu.vector_load_idx %arg5[%add3A_2224, %mul3A_1207] : memref<40x128xi32, #tpu.memory_space<vmem>>[vector<16xi32>, vector<16xi32>], vector<16xi32>,
        %eq3A_2234 = arith.constant 0 : i32
        %eq3A_2235 = vector.broadcast %eq3A_2234 : i32 to vector<16xi32>
        %eq3A_2236 = arith.cmpi eq, %get3A_2228, %eq3A_2235 : vector<16xi32>
        %select_n3A_2237 = arith.select %eq3A_2236, %gather3A_2233, %get3A_2228 : vector<16xi1>, vector<16xi32>
        %eq3A_2238 = arith.constant 0 : i32
        %eq3A_2239 = vector.broadcast %eq3A_2238 : i32 to vector<16xi32>
        %eq3A_2240 = arith.cmpi eq, %get3A_2232, %eq3A_2239 : vector<16xi32>
        %select_n3A_2241 = arith.select %eq3A_2240, %gather3A_2233, %get3A_2232 : vector<16xi1>, vector<16xi32>
        %add3A_2242 = arith.constant 780 : i32
        %add3A_2243 = vector.broadcast %add3A_2242 : i32 to vector<16xi32>
        %add3A_2244 = arith.addi %add3A_2243, %iota3A_1204 : vector<16xi32>
        tpu.vector_store_idx %arg7[%add3A_2244], %select_n3A_2237 : memref<800xi32, #tpu.memory_space<vmem>>[vector<16xi32>], vector<16xi32>,
        %add3A_2245 = arith.constant 784 : i32
        %add3A_2246 = vector.broadcast %add3A_2245 : i32 to vector<16xi32>
        %add3A_2247 = arith.addi %add3A_2246, %iota3A_1204 : vector<16xi32>
        tpu.vector_store_idx %arg7[%add3A_2247], %select_n3A_2241 : memref<800xi32, #tpu.memory_space<vmem>>[vector<16xi32>], vector<16xi32>,
        %dma_start3A_2248 = arith.constant 0 : i32
        %dma_start3A_2249 = arith.constant 0 : i32
        %dma_start3A_2250 = tpu.memref_slice %arg9[%dma_start3A_2248, %dma_start3A_2249] : memref<800x64xbf16, #tpu.memory_space<vmem>> -> memref<80x64xbf16, #tpu.memory_space<vmem>>
        %dma_start3A_2251 = arith.constant 0 : i32
        %dma_start3A_2252 = tpu.memref_slice %arg7[%dma_start3A_2251] : memref<800xi32, #tpu.memory_space<vmem>> -> memref<80xi32, #tpu.memory_space<vmem>>
        %dma_start3A_2253 = arith.constant 0 : i32
        %dma_start3A_2254 = arith.constant 0 : i32
        %dma_start3A_2255 = tpu.memref_slice %arg3[%dma_start3A_2253, %dma_start3A_2254] : memref<200000x64xbf16, #tpu.memory_space<hbm>> -> memref<200000x64xbf16, #tpu.memory_space<hbm>>
        tpu.enqueue_indirect_dma source(%dma_start3A_2255 : memref<200000x64xbf16, #tpu.memory_space<hbm>>) target(%dma_start3A_2250 : memref<80x64xbf16, #tpu.memory_space<vmem>>) offsets(%dma_start3A_2252 : memref<80xi32, #tpu.memory_space<vmem>>) semaphore(%arg15 : memref<!tpu.dma_semaphore, #tpu.memory_space<semaphore_mem>>)
        %dma_start3A_2256 = arith.constant 80 : i32
        %dma_start3A_2257 = arith.constant 0 : i32
        %dma_start3A_2258 = tpu.memref_slice %arg9[%dma_start3A_2256, %dma_start3A_2257] : memref<800x64xbf16, #tpu.memory_space<vmem>> -> memref<80x64xbf16, #tpu.memory_space<vmem>>
        %dma_start3A_2259 = arith.constant 80 : i32
        %dma_start3A_2260 = tpu.memref_slice %arg7[%dma_start3A_2259] : memref<800xi32, #tpu.memory_space<vmem>> -> memref<80xi32, #tpu.memory_space<vmem>>
        %dma_start3A_2261 = arith.constant 0 : i32
        %dma_start3A_2262 = arith.constant 0 : i32
        %dma_start3A_2263 = tpu.memref_slice %arg3[%dma_start3A_2261, %dma_start3A_2262] : memref<200000x64xbf16, #tpu.memory_space<hbm>> -> memref<200000x64xbf16, #tpu.memory_space<hbm>>
        tpu.enqueue_indirect_dma source(%dma_start3A_2263 : memref<200000x64xbf16, #tpu.memory_space<hbm>>) target(%dma_start3A_2258 : memref<80x64xbf16, #tpu.memory_space<vmem>>) offsets(%dma_start3A_2260 : memref<80xi32, #tpu.memory_space<vmem>>) semaphore(%arg15 : memref<!tpu.dma_semaphore, #tpu.memory_space<semaphore_mem>>)
        %dma_start3A_2264 = arith.constant 160 : i32
        %dma_start3A_2265 = arith.constant 0 : i32
        %dma_start3A_2266 = tpu.memref_slice %arg9[%dma_start3A_2264, %dma_start3A_2265] : memref<800x64xbf16, #tpu.memory_space<vmem>> -> memref<80x64xbf16, #tpu.memory_space<vmem>>
        %dma_start3A_2267 = arith.constant 160 : i32
        %dma_start3A_2268 = tpu.memref_slice %arg7[%dma_start3A_2267] : memref<800xi32, #tpu.memory_space<vmem>> -> memref<80xi32, #tpu.memory_space<vmem>>
        %dma_start3A_2269 = arith.constant 0 : i32
        %dma_start3A_2270 = arith.constant 0 : i32
        %dma_start3A_2271 = tpu.memref_slice %arg3[%dma_start3A_2269, %dma_start3A_2270] : memref<200000x64xbf16, #tpu.memory_space<hbm>> -> memref<200000x64xbf16, #tpu.memory_space<hbm>>
        tpu.enqueue_indirect_dma source(%dma_start3A_2271 : memref<200000x64xbf16, #tpu.memory_space<hbm>>) target(%dma_start3A_2266 : memref<80x64xbf16, #tpu.memory_space<vmem>>) offsets(%dma_start3A_2268 : memref<80xi32, #tpu.memory_space<vmem>>) semaphore(%arg15 : memref<!tpu.dma_semaphore, #tpu.memory_space<semaphore_mem>>)
        %dma_start3A_2272 = arith.constant 240 : i32
        %dma_start3A_2273 = arith.constant 0 : i32
        %dma_start3A_2274 = tpu.memref_slice %arg9[%dma_start3A_2272, %dma_start3A_2273] : memref<800x64xbf16, #tpu.memory_space<vmem>> -> memref<80x64xbf16, #tpu.memory_space<vmem>>
        %dma_start3A_2275 = arith.constant 240 : i32
        %dma_start3A_2276 = tpu.memref_slice %arg7[%dma_start3A_2275] : memref<800xi32, #tpu.memory_space<vmem>> -> memref<80xi32, #tpu.memory_space<vmem>>
        %dma_start3A_2277 = arith.constant 0 : i32
        %dma_start3A_2278 = arith.constant 0 : i32
        %dma_start3A_2279 = tpu.memref_slice %arg3[%dma_start3A_2277, %dma_start3A_2278] : memref<200000x64xbf16, #tpu.memory_space<hbm>> -> memref<200000x64xbf16, #tpu.memory_space<hbm>>
        tpu.enqueue_indirect_dma source(%dma_start3A_2279 : memref<200000x64xbf16, #tpu.memory_space<hbm>>) target(%dma_start3A_2274 : memref<80x64xbf16, #tpu.memory_space<vmem>>) offsets(%dma_start3A_2276 : memref<80xi32, #tpu.memory_space<vmem>>) semaphore(%arg15 : memref<!tpu.dma_semaphore, #tpu.memory_space<semaphore_mem>>)
        %dma_start3A_2280 = arith.constant 320 : i32
        %dma_start3A_2281 = arith.constant 0 : i32
        %dma_start3A_2282 = tpu.memref_slice %arg9[%dma_start3A_2280, %dma_start3A_2281] : memref<800x64xbf16, #tpu.memory_space<vmem>> -> memref<80x64xbf16, #tpu.memory_space<vmem>>
        %dma_start3A_2283 = arith.constant 320 : i32
        %dma_start3A_2284 = tpu.memref_slice %arg7[%dma_start3A_2283] : memref<800xi32, #tpu.memory_space<vmem>> -> memref<80xi32, #tpu.memory_space<vmem>>
        %dma_start3A_2285 = arith.constant 0 : i32
        %dma_start3A_2286 = arith.constant 0 : i32
        %dma_start3A_2287 = tpu.memref_slice %arg3[%dma_start3A_2285, %dma_start3A_2286] : memref<200000x64xbf16, #tpu.memory_space<hbm>> -> memref<200000x64xbf16, #tpu.memory_space<hbm>>
        tpu.enqueue_indirect_dma source(%dma_start3A_2287 : memref<200000x64xbf16, #tpu.memory_space<hbm>>) target(%dma_start3A_2282 : memref<80x64xbf16, #tpu.memory_space<vmem>>) offsets(%dma_start3A_2284 : memref<80xi32, #tpu.memory_space<vmem>>) semaphore(%arg15 : memref<!tpu.dma_semaphore, #tpu.memory_space<semaphore_mem>>)
        %dma_start3A_2288 = arith.constant 400 : i32
        %dma_start3A_2289 = arith.constant 0 : i32
        %dma_start3A_2290 = tpu.memref_slice %arg9[%dma_start3A_2288, %dma_start3A_2289] : memref<800x64xbf16, #tpu.memory_space<vmem>> -> memref<80x64xbf16, #tpu.memory_space<vmem>>
        %dma_start3A_2291 = arith.constant 400 : i32
        %dma_start3A_2292 = tpu.memref_slice %arg7[%dma_start3A_2291] : memref<800xi32, #tpu.memory_space<vmem>> -> memref<80xi32, #tpu.memory_space<vmem>>
        %dma_start3A_2293 = arith.constant 0 : i32
        %dma_start3A_2294 = arith.constant 0 : i32
        %dma_start3A_2295 = tpu.memref_slice %arg3[%dma_start3A_2293, %dma_start3A_2294] : memref<200000x64xbf16, #tpu.memory_space<hbm>> -> memref<200000x64xbf16, #tpu.memory_space<hbm>>
        tpu.enqueue_indirect_dma source(%dma_start3A_2295 : memref<200000x64xbf16, #tpu.memory_space<hbm>>) target(%dma_start3A_2290 : memref<80x64xbf16, #tpu.memory_space<vmem>>) offsets(%dma_start3A_2292 : memref<80xi32, #tpu.memory_space<vmem>>) semaphore(%arg15 : memref<!tpu.dma_semaphore, #tpu.memory_space<semaphore_mem>>)
        %dma_start3A_2296 = arith.constant 480 : i32
        %dma_start3A_2297 = arith.constant 0 : i32
        %dma_start3A_2298 = tpu.memref_slice %arg9[%dma_start3A_2296, %dma_start3A_2297] : memref<800x64xbf16, #tpu.memory_space<vmem>> -> memref<80x64xbf16, #tpu.memory_space<vmem>>
        %dma_start3A_2299 = arith.constant 480 : i32
        %dma_start3A_2300 = tpu.memref_slice %arg7[%dma_start3A_2299] : memref<800xi32, #tpu.memory_space<vmem>> -> memref<80xi32, #tpu.memory_space<vmem>>
        %dma_start3A_2301 = arith.constant 0 : i32
        %dma_start3A_2302 = arith.constant 0 : i32
        %dma_start3A_2303 = tpu.memref_slice %arg3[%dma_start3A_2301, %dma_start3A_2302] : memref<200000x64xbf16, #tpu.memory_space<hbm>> -> memref<200000x64xbf16, #tpu.memory_space<hbm>>
        tpu.enqueue_indirect_dma source(%dma_start3A_2303 : memref<200000x64xbf16, #tpu.memory_space<hbm>>) target(%dma_start3A_2298 : memref<80x64xbf16, #tpu.memory_space<vmem>>) offsets(%dma_start3A_2300 : memref<80xi32, #tpu.memory_space<vmem>>) semaphore(%arg15 : memref<!tpu.dma_semaphore, #tpu.memory_space<semaphore_mem>>)
        %dma_start3A_2304 = arith.constant 560 : i32
        %dma_start3A_2305 = arith.constant 0 : i32
        %dma_start3A_2306 = tpu.memref_slice %arg9[%dma_start3A_2304, %dma_start3A_2305] : memref<800x64xbf16, #tpu.memory_space<vmem>> -> memref<80x64xbf16, #tpu.memory_space<vmem>>
        %dma_start3A_2307 = arith.constant 560 : i32
        %dma_start3A_2308 = tpu.memref_slice %arg7[%dma_start3A_2307] : memref<800xi32, #tpu.memory_space<vmem>> -> memref<80xi32, #tpu.memory_space<vmem>>
        %dma_start3A_2309 = arith.constant 0 : i32
        %dma_start3A_2310 = arith.constant 0 : i32
        %dma_start3A_2311 = tpu.memref_slice %arg3[%dma_start3A_2309, %dma_start3A_2310] : memref<200000x64xbf16, #tpu.memory_space<hbm>> -> memref<200000x64xbf16, #tpu.memory_space<hbm>>
        tpu.enqueue_indirect_dma source(%dma_start3A_2311 : memref<200000x64xbf16, #tpu.memory_space<hbm>>) target(%dma_start3A_2306 : memref<80x64xbf16, #tpu.memory_space<vmem>>) offsets(%dma_start3A_2308 : memref<80xi32, #tpu.memory_space<vmem>>) semaphore(%arg15 : memref<!tpu.dma_semaphore, #tpu.memory_space<semaphore_mem>>)
        %dma_start3A_2312 = arith.constant 640 : i32
        %dma_start3A_2313 = arith.constant 0 : i32
        %dma_start3A_2314 = tpu.memref_slice %arg9[%dma_start3A_2312, %dma_start3A_2313] : memref<800x64xbf16, #tpu.memory_space<vmem>> -> memref<80x64xbf16, #tpu.memory_space<vmem>>
        %dma_start3A_2315 = arith.constant 640 : i32
        %dma_start3A_2316 = tpu.memref_slice %arg7[%dma_start3A_2315] : memref<800xi32, #tpu.memory_space<vmem>> -> memref<80xi32, #tpu.memory_space<vmem>>
        %dma_start3A_2317 = arith.constant 0 : i32
        %dma_start3A_2318 = arith.constant 0 : i32
        %dma_start3A_2319 = tpu.memref_slice %arg3[%dma_start3A_2317, %dma_start3A_2318] : memref<200000x64xbf16, #tpu.memory_space<hbm>> -> memref<200000x64xbf16, #tpu.memory_space<hbm>>
        tpu.enqueue_indirect_dma source(%dma_start3A_2319 : memref<200000x64xbf16, #tpu.memory_space<hbm>>) target(%dma_start3A_2314 : memref<80x64xbf16, #tpu.memory_space<vmem>>) offsets(%dma_start3A_2316 : memref<80xi32, #tpu.memory_space<vmem>>) semaphore(%arg15 : memref<!tpu.dma_semaphore, #tpu.memory_space<semaphore_mem>>)
        %dma_start3A_2320 = arith.constant 720 : i32
        %dma_start3A_2321 = arith.constant 0 : i32
        %dma_start3A_2322 = tpu.memref_slice %arg9[%dma_start3A_2320, %dma_start3A_2321] : memref<800x64xbf16, #tpu.memory_space<vmem>> -> memref<80x64xbf16, #tpu.memory_space<vmem>>
        %dma_start3A_2323 = arith.constant 720 : i32
        %dma_start3A_2324 = tpu.memref_slice %arg7[%dma_start3A_2323] : memref<800xi32, #tpu.memory_space<vmem>> -> memref<80xi32, #tpu.memory_space<vmem>>
        %dma_start3A_2325 = arith.constant 0 : i32
        %dma_start3A_2326 = arith.constant 0 : i32
        %dma_start3A_2327 = tpu.memref_slice %arg3[%dma_start3A_2325, %dma_start3A_2326] : memref<200000x64xbf16, #tpu.memory_space<hbm>> -> memref<200000x64xbf16, #tpu.memory_space<hbm>>
        tpu.enqueue_indirect_dma source(%dma_start3A_2327 : memref<200000x64xbf16, #tpu.memory_space<hbm>>) target(%dma_start3A_2322 : memref<80x64xbf16, #tpu.memory_space<vmem>>) offsets(%dma_start3A_2324 : memref<80xi32, #tpu.memory_space<vmem>>) semaphore(%arg15 : memref<!tpu.dma_semaphore, #tpu.memory_space<semaphore_mem>>)
        %add3A_2328 = arith.constant 64 : i32
        %add3A_2329 = arith.addi %add3A_1187, %add3A_2328 : i32
        %lt3A_2330 = arith.constant 1250 : i32
        %lt3A_2331 = arith.cmpi slt, %add3A_2329, %lt3A_2330 : i32
        %convert_element_type3A_2332 = arith.extui %lt3A_2331 : i1 to i32
        %cond3A_2333 = arith.constant 0 : i32
        %cond3A_2334 = arith.cmpi ne, %convert_element_type3A_2332, %cond3A_2333 : i32
        scf.if %cond3A_2334 {
          %add3A_2335 = arith.constant 64 : i32
          %add3A_2336 = arith.addi %add3A_1187, %add3A_2335 : i32
          %mul3A_2337 = arith.constant 40 : i32
          %mul3A_2338 = arith.muli %add3A_2336, %mul3A_2337 : i32
          %dma_start3A_2339 = arith.constant 0 : i32
          %dma_start3A_2340 = tpu.memref_slice %arg2[%mul3A_2338, %dma_start3A_2339] : memref<50000x128xi32, #tpu.memory_space<hbm>> -> memref<40x128xi32, #tpu.memory_space<hbm>>
          %dma_start3A_2341 = arith.constant 0 : i32
          %dma_start3A_2342 = tpu.memref_slice %arg2[%mul3A_2338, %dma_start3A_2341] : memref<50000x128xi32, #tpu.memory_space<hbm>> -> memref<40x128xi32, #tpu.memory_space<hbm>>
          tpu.enqueue_dma source(%dma_start3A_2342 : memref<40x128xi32, #tpu.memory_space<hbm>>) target(%arg5 : memref<40x128xi32, #tpu.memory_space<vmem>>) target_semaphore(%arg13 : memref<!tpu.dma_semaphore, #tpu.memory_space<semaphore_mem>>)
        } else {
        }
      } else {
      }
      %lt3A_1193 = arith.constant 1250 : i32
      %lt3A_1194 = arith.cmpi slt, %add3A_1185, %lt3A_1193 : i32
      %convert_element_type3A_1195 = arith.extui %lt3A_1194 : i1 to i32
      %cond3A_1196 = arith.constant 0 : i32
      %cond3A_1197 = arith.cmpi ne, %convert_element_type3A_1195, %cond3A_1196 : i32
      scf.if %cond3A_1197 {
        %dma_wait3A_1198 = arith.constant 0 : i32
        %dma_wait3A_1199 = arith.constant 0 : i32
        %dma_wait3A_1200 = tpu.memref_slice %arg10[%dma_wait3A_1198, %dma_wait3A_1199] : memref<800x64xbf16, #tpu.memory_space<vmem>> -> memref<80x64xbf16, #tpu.memory_space<vmem>>
        %dma_wait3A_1201 = arith.constant 0 : i32
        %dma_wait3A_1202 = tpu.memref_slice %arg8[%dma_wait3A_1201] : memref<800xi32, #tpu.memory_space<vmem>> -> memref<80xi32, #tpu.memory_space<vmem>>
        %dma_wait3A_1203 = arith.constant 0 : i32
        %dma_wait3A_1204 = arith.constant 0 : i32
        %dma_wait3A_1205 = tpu.memref_slice %arg3[%dma_wait3A_1203, %dma_wait3A_1204] : memref<200000x64xbf16, #tpu.memory_space<hbm>> -> memref<200000x64xbf16, #tpu.memory_space<hbm>>
        tpu.wait_indirect_dma semaphore(%arg16 : memref<!tpu.dma_semaphore, #tpu.memory_space<semaphore_mem>>) src(%dma_wait3A_1205 : memref<200000x64xbf16, #tpu.memory_space<hbm>>) dst(%dma_wait3A_1200 : memref<80x64xbf16, #tpu.memory_space<vmem>>)
        %dma_wait3A_1206 = arith.constant 80 : i32
        %dma_wait3A_1207 = arith.constant 0 : i32
        %dma_wait3A_1208 = tpu.memref_slice %arg10[%dma_wait3A_1206, %dma_wait3A_1207] : memref<800x64xbf16, #tpu.memory_space<vmem>> -> memref<80x64xbf16, #tpu.memory_space<vmem>>
        %dma_wait3A_1209 = arith.constant 80 : i32
        %dma_wait3A_1210 = tpu.memref_slice %arg8[%dma_wait3A_1209] : memref<800xi32, #tpu.memory_space<vmem>> -> memref<80xi32, #tpu.memory_space<vmem>>
        %dma_wait3A_1211 = arith.constant 0 : i32
        %dma_wait3A_1212 = arith.constant 0 : i32
        %dma_wait3A_1213 = tpu.memref_slice %arg3[%dma_wait3A_1211, %dma_wait3A_1212] : memref<200000x64xbf16, #tpu.memory_space<hbm>> -> memref<200000x64xbf16, #tpu.memory_space<hbm>>
        tpu.wait_indirect_dma semaphore(%arg16 : memref<!tpu.dma_semaphore, #tpu.memory_space<semaphore_mem>>) src(%dma_wait3A_1213 : memref<200000x64xbf16, #tpu.memory_space<hbm>>) dst(%dma_wait3A_1208 : memref<80x64xbf16, #tpu.memory_space<vmem>>)
        %dma_wait3A_1214 = arith.constant 160 : i32
        %dma_wait3A_1215 = arith.constant 0 : i32
        %dma_wait3A_1216 = tpu.memref_slice %arg10[%dma_wait3A_1214, %dma_wait3A_1215] : memref<800x64xbf16, #tpu.memory_space<vmem>> -> memref<80x64xbf16, #tpu.memory_space<vmem>>
        %dma_wait3A_1217 = arith.constant 160 : i32
        %dma_wait3A_1218 = tpu.memref_slice %arg8[%dma_wait3A_1217] : memref<800xi32, #tpu.memory_space<vmem>> -> memref<80xi32, #tpu.memory_space<vmem>>
        %dma_wait3A_1219 = arith.constant 0 : i32
        %dma_wait3A_1220 = arith.constant 0 : i32
        %dma_wait3A_1221 = tpu.memref_slice %arg3[%dma_wait3A_1219, %dma_wait3A_1220] : memref<200000x64xbf16, #tpu.memory_space<hbm>> -> memref<200000x64xbf16, #tpu.memory_space<hbm>>
        tpu.wait_indirect_dma semaphore(%arg16 : memref<!tpu.dma_semaphore, #tpu.memory_space<semaphore_mem>>) src(%dma_wait3A_1221 : memref<200000x64xbf16, #tpu.memory_space<hbm>>) dst(%dma_wait3A_1216 : memref<80x64xbf16, #tpu.memory_space<vmem>>)
        %dma_wait3A_1222 = arith.constant 240 : i32
        %dma_wait3A_1223 = arith.constant 0 : i32
        %dma_wait3A_1224 = tpu.memref_slice %arg10[%dma_wait3A_1222, %dma_wait3A_1223] : memref<800x64xbf16, #tpu.memory_space<vmem>> -> memref<80x64xbf16, #tpu.memory_space<vmem>>
        %dma_wait3A_1225 = arith.constant 240 : i32
        %dma_wait3A_1226 = tpu.memref_slice %arg8[%dma_wait3A_1225] : memref<800xi32, #tpu.memory_space<vmem>> -> memref<80xi32, #tpu.memory_space<vmem>>
        %dma_wait3A_1227 = arith.constant 0 : i32
        %dma_wait3A_1228 = arith.constant 0 : i32
        %dma_wait3A_1229 = tpu.memref_slice %arg3[%dma_wait3A_1227, %dma_wait3A_1228] : memref<200000x64xbf16, #tpu.memory_space<hbm>> -> memref<200000x64xbf16, #tpu.memory_space<hbm>>
        tpu.wait_indirect_dma semaphore(%arg16 : memref<!tpu.dma_semaphore, #tpu.memory_space<semaphore_mem>>) src(%dma_wait3A_1229 : memref<200000x64xbf16, #tpu.memory_space<hbm>>) dst(%dma_wait3A_1224 : memref<80x64xbf16, #tpu.memory_space<vmem>>)
        %dma_wait3A_1230 = arith.constant 320 : i32
        %dma_wait3A_1231 = arith.constant 0 : i32
        %dma_wait3A_1232 = tpu.memref_slice %arg10[%dma_wait3A_1230, %dma_wait3A_1231] : memref<800x64xbf16, #tpu.memory_space<vmem>> -> memref<80x64xbf16, #tpu.memory_space<vmem>>
        %dma_wait3A_1233 = arith.constant 320 : i32
        %dma_wait3A_1234 = tpu.memref_slice %arg8[%dma_wait3A_1233] : memref<800xi32, #tpu.memory_space<vmem>> -> memref<80xi32, #tpu.memory_space<vmem>>
        %dma_wait3A_1235 = arith.constant 0 : i32
        %dma_wait3A_1236 = arith.constant 0 : i32
        %dma_wait3A_1237 = tpu.memref_slice %arg3[%dma_wait3A_1235, %dma_wait3A_1236] : memref<200000x64xbf16, #tpu.memory_space<hbm>> -> memref<200000x64xbf16, #tpu.memory_space<hbm>>
        tpu.wait_indirect_dma semaphore(%arg16 : memref<!tpu.dma_semaphore, #tpu.memory_space<semaphore_mem>>) src(%dma_wait3A_1237 : memref<200000x64xbf16, #tpu.memory_space<hbm>>) dst(%dma_wait3A_1232 : memref<80x64xbf16, #tpu.memory_space<vmem>>)
        %dma_wait3A_1238 = arith.constant 400 : i32
        %dma_wait3A_1239 = arith.constant 0 : i32
        %dma_wait3A_1240 = tpu.memref_slice %arg10[%dma_wait3A_1238, %dma_wait3A_1239] : memref<800x64xbf16, #tpu.memory_space<vmem>> -> memref<80x64xbf16, #tpu.memory_space<vmem>>
        %dma_wait3A_1241 = arith.constant 400 : i32
        %dma_wait3A_1242 = tpu.memref_slice %arg8[%dma_wait3A_1241] : memref<800xi32, #tpu.memory_space<vmem>> -> memref<80xi32, #tpu.memory_space<vmem>>
        %dma_wait3A_1243 = arith.constant 0 : i32
        %dma_wait3A_1244 = arith.constant 0 : i32
        %dma_wait3A_1245 = tpu.memref_slice %arg3[%dma_wait3A_1243, %dma_wait3A_1244] : memref<200000x64xbf16, #tpu.memory_space<hbm>> -> memref<200000x64xbf16, #tpu.memory_space<hbm>>
        tpu.wait_indirect_dma semaphore(%arg16 : memref<!tpu.dma_semaphore, #tpu.memory_space<semaphore_mem>>) src(%dma_wait3A_1245 : memref<200000x64xbf16, #tpu.memory_space<hbm>>) dst(%dma_wait3A_1240 : memref<80x64xbf16, #tpu.memory_space<vmem>>)
        %dma_wait3A_1246 = arith.constant 480 : i32
        %dma_wait3A_1247 = arith.constant 0 : i32
        %dma_wait3A_1248 = tpu.memref_slice %arg10[%dma_wait3A_1246, %dma_wait3A_1247] : memref<800x64xbf16, #tpu.memory_space<vmem>> -> memref<80x64xbf16, #tpu.memory_space<vmem>>
        %dma_wait3A_1249 = arith.constant 480 : i32
        %dma_wait3A_1250 = tpu.memref_slice %arg8[%dma_wait3A_1249] : memref<800xi32, #tpu.memory_space<vmem>> -> memref<80xi32, #tpu.memory_space<vmem>>
        %dma_wait3A_1251 = arith.constant 0 : i32
        %dma_wait3A_1252 = arith.constant 0 : i32
        %dma_wait3A_1253 = tpu.memref_slice %arg3[%dma_wait3A_1251, %dma_wait3A_1252] : memref<200000x64xbf16, #tpu.memory_space<hbm>> -> memref<200000x64xbf16, #tpu.memory_space<hbm>>
        tpu.wait_indirect_dma semaphore(%arg16 : memref<!tpu.dma_semaphore, #tpu.memory_space<semaphore_mem>>) src(%dma_wait3A_1253 : memref<200000x64xbf16, #tpu.memory_space<hbm>>) dst(%dma_wait3A_1248 : memref<80x64xbf16, #tpu.memory_space<vmem>>)
        %dma_wait3A_1254 = arith.constant 560 : i32
        %dma_wait3A_1255 = arith.constant 0 : i32
        %dma_wait3A_1256 = tpu.memref_slice %arg10[%dma_wait3A_1254, %dma_wait3A_1255] : memref<800x64xbf16, #tpu.memory_space<vmem>> -> memref<80x64xbf16, #tpu.memory_space<vmem>>
        %dma_wait3A_1257 = arith.constant 560 : i32
        %dma_wait3A_1258 = tpu.memref_slice %arg8[%dma_wait3A_1257] : memref<800xi32, #tpu.memory_space<vmem>> -> memref<80xi32, #tpu.memory_space<vmem>>
        %dma_wait3A_1259 = arith.constant 0 : i32
        %dma_wait3A_1260 = arith.constant 0 : i32
        %dma_wait3A_1261 = tpu.memref_slice %arg3[%dma_wait3A_1259, %dma_wait3A_1260] : memref<200000x64xbf16, #tpu.memory_space<hbm>> -> memref<200000x64xbf16, #tpu.memory_space<hbm>>
        tpu.wait_indirect_dma semaphore(%arg16 : memref<!tpu.dma_semaphore, #tpu.memory_space<semaphore_mem>>) src(%dma_wait3A_1261 : memref<200000x64xbf16, #tpu.memory_space<hbm>>) dst(%dma_wait3A_1256 : memref<80x64xbf16, #tpu.memory_space<vmem>>)
        %dma_wait3A_1262 = arith.constant 640 : i32
        %dma_wait3A_1263 = arith.constant 0 : i32
        %dma_wait3A_1264 = tpu.memref_slice %arg10[%dma_wait3A_1262, %dma_wait3A_1263] : memref<800x64xbf16, #tpu.memory_space<vmem>> -> memref<80x64xbf16, #tpu.memory_space<vmem>>
        %dma_wait3A_1265 = arith.constant 640 : i32
        %dma_wait3A_1266 = tpu.memref_slice %arg8[%dma_wait3A_1265] : memref<800xi32, #tpu.memory_space<vmem>> -> memref<80xi32, #tpu.memory_space<vmem>>
        %dma_wait3A_1267 = arith.constant 0 : i32
        %dma_wait3A_1268 = arith.constant 0 : i32
        %dma_wait3A_1269 = tpu.memref_slice %arg3[%dma_wait3A_1267, %dma_wait3A_1268] : memref<200000x64xbf16, #tpu.memory_space<hbm>> -> memref<200000x64xbf16, #tpu.memory_space<hbm>>
        tpu.wait_indirect_dma semaphore(%arg16 : memref<!tpu.dma_semaphore, #tpu.memory_space<semaphore_mem>>) src(%dma_wait3A_1269 : memref<200000x64xbf16, #tpu.memory_space<hbm>>) dst(%dma_wait3A_1264 : memref<80x64xbf16, #tpu.memory_space<vmem>>)
        %dma_wait3A_1270 = arith.constant 720 : i32
        %dma_wait3A_1271 = arith.constant 0 : i32
        %dma_wait3A_1272 = tpu.memref_slice %arg10[%dma_wait3A_1270, %dma_wait3A_1271] : memref<800x64xbf16, #tpu.memory_space<vmem>> -> memref<80x64xbf16, #tpu.memory_space<vmem>>
        %dma_wait3A_1273 = arith.constant 720 : i32
        %dma_wait3A_1274 = tpu.memref_slice %arg8[%dma_wait3A_1273] : memref<800xi32, #tpu.memory_space<vmem>> -> memref<80xi32, #tpu.memory_space<vmem>>
        %dma_wait3A_1275 = arith.constant 0 : i32
        %dma_wait3A_1276 = arith.constant 0 : i32
        %dma_wait3A_1277 = tpu.memref_slice %arg3[%dma_wait3A_1275, %dma_wait3A_1276] : memref<200000x64xbf16, #tpu.memory_space<hbm>> -> memref<200000x64xbf16, #tpu.memory_space<hbm>>
        tpu.wait_indirect_dma semaphore(%arg16 : memref<!tpu.dma_semaphore, #tpu.memory_space<semaphore_mem>>) src(%dma_wait3A_1277 : memref<200000x64xbf16, #tpu.memory_space<hbm>>) dst(%dma_wait3A_1272 : memref<80x64xbf16, #tpu.memory_space<vmem>>)
        %ge3A = arith.constant 64 : i32
        %ge3A_1278 = arith.cmpi sge, %add3A_1185, %ge3A : i32
        %convert_element_type3A_1279 = arith.extui %ge3A_1278 : i1 to i32
        %cond3A_1280 = arith.constant 0 : i32
        %cond3A_1281 = arith.cmpi ne, %convert_element_type3A_1279, %cond3A_1280 : i32
        scf.if %cond3A_1281 {
          %mul3A_1304 = arith.constant 40 : i32
          %mul3A_1305 = arith.muli %add3A_1185, %mul3A_1304 : i32
          %dma_wait3A_1306 = arith.constant 0 : i32
          %dma_wait3A_1307 = tpu.memref_slice %arg4[%mul3A_1305, %dma_wait3A_1306] : memref<50000x64xf32, #tpu.memory_space<hbm>> -> memref<40x64xf32, #tpu.memory_space<hbm>>
          %dma_wait3A_1308 = arith.constant 0 : i32
          %dma_wait3A_1309 = tpu.memref_slice %arg4[%mul3A_1305, %dma_wait3A_1308] : memref<50000x64xf32, #tpu.memory_space<hbm>> -> memref<40x64xf32, #tpu.memory_space<hbm>>
          tpu.wait_dma2 semaphore(%arg18 : memref<!tpu.dma_semaphore, #tpu.memory_space<semaphore_mem>>) src(%arg12 : memref<40x64xf32, #tpu.memory_space<vmem>>) dst(%dma_wait3A_1309 : memref<40x64xf32, #tpu.memory_space<hbm>>)
        } else {
        }
        %iota3A_1282 = tpu.iota {dimensions = array<i32: 0>} : vector<16xi32>
        %mul3A_1283 = arith.constant 2 : i32
        %mul3A_1284 = vector.broadcast %mul3A_1283 : i32 to vector<16xi32>
        %mul3A_1285 = arith.muli %iota3A_1282, %mul3A_1284 : vector<16xi32>
        %mul3A_1286 = arith.constant 2 : i32
        %mul3A_1287 = vector.broadcast %mul3A_1286 : i32 to vector<16xi32>
        %mul3A_1288 = arith.muli %iota3A_1282, %mul3A_1287 : vector<16xi32>
        %add3A_1289 = arith.constant 1 : i32
        %add3A_1290 = vector.broadcast %add3A_1289 : i32 to vector<16xi32>
        %add3A_1291 = arith.addi %mul3A_1288, %add3A_1290 : vector<16xi32>
        %scan3A_1292 = arith.constant 0 : i32
        %scan3A_1293 = arith.constant 0 : i32
        %scan3A_1294 = arith.constant 40 : i32
        %scan3A_1295 = arith.addi %scan3A_1293, %scan3A_1294 : i32
        %scan3A_1296 = arith.constant 1 : i32
        scf.for %scan3A_1304 = %scan3A_1293 to %scan3A_1295 step %scan3A_1296  : i32 {
          %mul3A_1305 = arith.constant 20 : i32
          %mul3A_1306 = arith.muli %scan3A_1304, %mul3A_1305 : i32
          %broadcast_in_dim3A = arith.constant 0 : i32
          %broadcast_in_dim3A_1307 = vector.broadcast %broadcast_in_dim3A : i32 to vector<16xi32>
          %add3A_1308 = vector.broadcast %scan3A_1304 : i32 to vector<16xi32>
          %add3A_1309 = arith.addi %broadcast_in_dim3A_1307, %add3A_1308 : vector<16xi32>
          %get3A_1310 = arith.index_cast %mul3A_1306 : i32 to index
          %get3A_1311 = arith.constant 0 : index
          %get3A_1312 = tpu.vector_load %arg10[%get3A_1310, %get3A_1311] {strides = array<i32>} : memref<800x64xbf16, #tpu.memory_space<vmem>>, vector<32xbf16>,
          %add3A_1313 = arith.constant 10 : i32
          %add3A_1314 = arith.addi %mul3A_1306, %add3A_1313 : i32
          %get3A_1315 = arith.index_cast %add3A_1314 : i32 to index
          %get3A_1316 = arith.constant 0 : index
          %get3A_1317 = tpu.vector_load %arg10[%get3A_1315, %get3A_1316] {strides = array<i32>} : memref<800x64xbf16, #tpu.memory_space<vmem>>, vector<32xbf16>,
          %add3A_1318 = arith.constant 1 : i32
          %add3A_1319 = arith.addi %mul3A_1306, %add3A_1318 : i32
          %get3A_1320 = arith.index_cast %add3A_1319 : i32 to index
          %get3A_1321 = arith.constant 0 : index
          %get3A_1322 = tpu.vector_load %arg10[%get3A_1320, %get3A_1321] {strides = array<i32>} : memref<800x64xbf16, #tpu.memory_space<vmem>>, vector<32xbf16>,
          %add3A_1323 = arith.addf %get3A_1312, %get3A_1322 : vector<32xbf16>
          %add3A_1324 = arith.constant 10 : i32
          %add3A_1325 = arith.addi %mul3A_1306, %add3A_1324 : i32
          %add3A_1326 = arith.constant 1 : i32
          %add3A_1327 = arith.addi %add3A_1325, %add3A_1326 : i32
          %get3A_1328 = arith.index_cast %add3A_1327 : i32 to index
          %get3A_1329 = arith.constant 0 : index
          %get3A_1330 = tpu.vector_load %arg10[%get3A_1328, %get3A_1329] {strides = array<i32>} : memref<800x64xbf16, #tpu.memory_space<vmem>>, vector<32xbf16>,
          %add3A_1331 = arith.addf %get3A_1317, %get3A_1330 : vector<32xbf16>
          %add3A_1332 = arith.constant 2 : i32
          %add3A_1333 = arith.addi %mul3A_1306, %add3A_1332 : i32
          %get3A_1334 = arith.index_cast %add3A_1333 : i32 to index
          %get3A_1335 = arith.constant 0 : index
          %get3A_1336 = tpu.vector_load %arg10[%get3A_1334, %get3A_1335] {strides = array<i32>} : memref<800x64xbf16, #tpu.memory_space<vmem>>, vector<32xbf16>,
          %add3A_1337 = arith.addf %add3A_1323, %get3A_1336 : vector<32xbf16>
          %add3A_1338 = arith.constant 10 : i32
          %add3A_1339 = arith.addi %mul3A_1306, %add3A_1338 : i32
          %add3A_1340 = arith.constant 2 : i32
          %add3A_1341 = arith.addi %add3A_1339, %add3A_1340 : i32
          %get3A_1342 = arith.index_cast %add3A_1341 : i32 to index
          %get3A_1343 = arith.constant 0 : index
          %get3A_1344 = tpu.vector_load %arg10[%get3A_1342, %get3A_1343] {strides = array<i32>} : memref<800x64xbf16, #tpu.memory_space<vmem>>, vector<32xbf16>,
          %add3A_1345 = arith.addf %add3A_1331, %get3A_1344 : vector<32xbf16>
          %add3A_1346 = arith.constant 3 : i32
          %add3A_1347 = arith.addi %mul3A_1306, %add3A_1346 : i32
          %get3A_1348 = arith.index_cast %add3A_1347 : i32 to index
          %get3A_1349 = arith.constant 0 : index
          %get3A_1350 = tpu.vector_load %arg10[%get3A_1348, %get3A_1349] {strides = array<i32>} : memref<800x64xbf16, #tpu.memory_space<vmem>>, vector<32xbf16>,
          %add3A_1351 = arith.addf %add3A_1337, %get3A_1350 : vector<32xbf16>
          %add3A_1352 = arith.constant 10 : i32
          %add3A_1353 = arith.addi %mul3A_1306, %add3A_1352 : i32
          %add3A_1354 = arith.constant 3 : i32
          %add3A_1355 = arith.addi %add3A_1353, %add3A_1354 : i32
          %get3A_1356 = arith.index_cast %add3A_1355 : i32 to index
          %get3A_1357 = arith.constant 0 : index
          %get3A_1358 = tpu.vector_load %arg10[%get3A_1356, %get3A_1357] {strides = array<i32>} : memref<800x64xbf16, #tpu.memory_space<vmem>>, vector<32xbf16>,
          %add3A_1359 = arith.addf %add3A_1345, %get3A_1358 : vector<32xbf16>
          %add3A_1360 = arith.constant 4 : i32
          %add3A_1361 = arith.addi %mul3A_1306, %add3A_1360 : i32
          %get3A_1362 = arith.index_cast %add3A_1361 : i32 to index
          %get3A_1363 = arith.constant 0 : index
          %get3A_1364 = tpu.vector_load %arg10[%get3A_1362, %get3A_1363] {strides = array<i32>} : memref<800x64xbf16, #tpu.memory_space<vmem>>, vector<32xbf16>,
          %add3A_1365 = arith.addf %add3A_1351, %get3A_1364 : vector<32xbf16>
          %add3A_1366 = arith.constant 10 : i32
          %add3A_1367 = arith.addi %mul3A_1306, %add3A_1366 : i32
          %add3A_1368 = arith.constant 4 : i32
          %add3A_1369 = arith.addi %add3A_1367, %add3A_1368 : i32
          %get3A_1370 = arith.index_cast %add3A_1369 : i32 to index
          %get3A_1371 = arith.constant 0 : index
          %get3A_1372 = tpu.vector_load %arg10[%get3A_1370, %get3A_1371] {strides = array<i32>} : memref<800x64xbf16, #tpu.memory_space<vmem>>, vector<32xbf16>,
          %add3A_1373 = arith.addf %add3A_1359, %get3A_1372 : vector<32xbf16>
          %add3A_1374 = arith.constant 5 : i32
          %add3A_1375 = arith.addi %mul3A_1306, %add3A_1374 : i32
          %get3A_1376 = arith.index_cast %add3A_1375 : i32 to index
          %get3A_1377 = arith.constant 0 : index
          %get3A_1378 = tpu.vector_load %arg10[%get3A_1376, %get3A_1377] {strides = array<i32>} : memref<800x64xbf16, #tpu.memory_space<vmem>>, vector<32xbf16>,
          %add3A_1379 = arith.addf %add3A_1365, %get3A_1378 : vector<32xbf16>
          %add3A_1380 = arith.constant 10 : i32
          %add3A_1381 = arith.addi %mul3A_1306, %add3A_1380 : i32
          %add3A_1382 = arith.constant 5 : i32
          %add3A_1383 = arith.addi %add3A_1381, %add3A_1382 : i32
          %get3A_1384 = arith.index_cast %add3A_1383 : i32 to index
          %get3A_1385 = arith.constant 0 : index
          %get3A_1386 = tpu.vector_load %arg10[%get3A_1384, %get3A_1385] {strides = array<i32>} : memref<800x64xbf16, #tpu.memory_space<vmem>>, vector<32xbf16>,
          %add3A_1387 = arith.addf %add3A_1373, %get3A_1386 : vector<32xbf16>
          %add3A_1388 = arith.constant 6 : i32
          %add3A_1389 = arith.addi %mul3A_1306, %add3A_1388 : i32
          %get3A_1390 = arith.index_cast %add3A_1389 : i32 to index
          %get3A_1391 = arith.constant 0 : index
          %get3A_1392 = tpu.vector_load %arg10[%get3A_1390, %get3A_1391] {strides = array<i32>} : memref<800x64xbf16, #tpu.memory_space<vmem>>, vector<32xbf16>,
          %add3A_1393 = arith.addf %add3A_1379, %get3A_1392 : vector<32xbf16>
          %add3A_1394 = arith.constant 10 : i32
          %add3A_1395 = arith.addi %mul3A_1306, %add3A_1394 : i32
          %add3A_1396 = arith.constant 6 : i32
          %add3A_1397 = arith.addi %add3A_1395, %add3A_1396 : i32
          %get3A_1398 = arith.index_cast %add3A_1397 : i32 to index
          %get3A_1399 = arith.constant 0 : index
          %get3A_1400 = tpu.vector_load %arg10[%get3A_1398, %get3A_1399] {strides = array<i32>} : memref<800x64xbf16, #tpu.memory_space<vmem>>, vector<32xbf16>,
          %add3A_1401 = arith.addf %add3A_1387, %get3A_1400 : vector<32xbf16>
          %add3A_1402 = arith.constant 7 : i32
          %add3A_1403 = arith.addi %mul3A_1306, %add3A_1402 : i32
          %get3A_1404 = arith.index_cast %add3A_1403 : i32 to index
          %get3A_1405 = arith.constant 0 : index
          %get3A_1406 = tpu.vector_load %arg10[%get3A_1404, %get3A_1405] {strides = array<i32>} : memref<800x64xbf16, #tpu.memory_space<vmem>>, vector<32xbf16>,
          %add3A_1407 = arith.addf %add3A_1393, %get3A_1406 : vector<32xbf16>
          %add3A_1408 = arith.constant 10 : i32
          %add3A_1409 = arith.addi %mul3A_1306, %add3A_1408 : i32
          %add3A_1410 = arith.constant 7 : i32
          %add3A_1411 = arith.addi %add3A_1409, %add3A_1410 : i32
          %get3A_1412 = arith.index_cast %add3A_1411 : i32 to index
          %get3A_1413 = arith.constant 0 : index
          %get3A_1414 = tpu.vector_load %arg10[%get3A_1412, %get3A_1413] {strides = array<i32>} : memref<800x64xbf16, #tpu.memory_space<vmem>>, vector<32xbf16>,
          %add3A_1415 = arith.addf %add3A_1401, %get3A_1414 : vector<32xbf16>
          %add3A_1416 = arith.constant 8 : i32
          %add3A_1417 = arith.addi %mul3A_1306, %add3A_1416 : i32
          %get3A_1418 = arith.index_cast %add3A_1417 : i32 to index
          %get3A_1419 = arith.constant 0 : index
          %get3A_1420 = tpu.vector_load %arg10[%get3A_1418, %get3A_1419] {strides = array<i32>} : memref<800x64xbf16, #tpu.memory_space<vmem>>, vector<32xbf16>,
          %add3A_1421 = arith.addf %add3A_1407, %get3A_1420 : vector<32xbf16>
          %add3A_1422 = arith.constant 10 : i32
          %add3A_1423 = arith.addi %mul3A_1306, %add3A_1422 : i32
          %add3A_1424 = arith.constant 8 : i32
          %add3A_1425 = arith.addi %add3A_1423, %add3A_1424 : i32
          %get3A_1426 = arith.index_cast %add3A_1425 : i32 to index
          %get3A_1427 = arith.constant 0 : index
          %get3A_1428 = tpu.vector_load %arg10[%get3A_1426, %get3A_1427] {strides = array<i32>} : memref<800x64xbf16, #tpu.memory_space<vmem>>, vector<32xbf16>,
          %add3A_1429 = arith.addf %add3A_1415, %get3A_1428 : vector<32xbf16>
          %add3A_1430 = arith.constant 9 : i32
          %add3A_1431 = arith.addi %mul3A_1306, %add3A_1430 : i32
          %get3A_1432 = arith.index_cast %add3A_1431 : i32 to index
          %get3A_1433 = arith.constant 0 : index
          %get3A_1434 = tpu.vector_load %arg10[%get3A_1432, %get3A_1433] {strides = array<i32>} : memref<800x64xbf16, #tpu.memory_space<vmem>>, vector<32xbf16>,
          %add3A_1435 = arith.addf %add3A_1421, %get3A_1434 : vector<32xbf16>
          %add3A_1436 = arith.constant 10 : i32
          %add3A_1437 = arith.addi %mul3A_1306, %add3A_1436 : i32
          %add3A_1438 = arith.constant 9 : i32
          %add3A_1439 = arith.addi %add3A_1437, %add3A_1438 : i32
          %get3A_1440 = arith.index_cast %add3A_1439 : i32 to index
          %get3A_1441 = arith.constant 0 : index
          %get3A_1442 = tpu.vector_load %arg10[%get3A_1440, %get3A_1441] {strides = array<i32>} : memref<800x64xbf16, #tpu.memory_space<vmem>>, vector<32xbf16>,
          %add3A_1443 = arith.addf %add3A_1429, %get3A_1442 : vector<32xbf16>
          %add3A_1444 = arith.addf %add3A_1435, %add3A_1443 : vector<32xbf16>
          %unpack3A = tpu.unpack_subelements %add3A_1444, 0 {pack_format = #tpu.pack_format<interleaved>} : vector<32xbf16> -> vector<16xf32>
          %unpack3A_1445 = tpu.unpack_subelements %add3A_1444, 1 {pack_format = #tpu.pack_format<interleaved>} : vector<32xbf16> -> vector<16xf32>
          %add3A_1446 = arith.constant 0 : i32
          %add3A_1447 = vector.broadcast %add3A_1446 : i32 to vector<16xi32>
          %add3A_1448 = arith.addi %add3A_1447, %mul3A_1285 : vector<16xi32>
          %mul3A_1449 = arith.constant 5.000000e-02 : f32
          %mul3A_1450 = vector.broadcast %mul3A_1449 : f32 to vector<16xf32>
          %mul3A_1451 = arith.mulf %unpack3A, %mul3A_1450 : vector<16xf32>
          tpu.vector_store_idx %arg12[%add3A_1309, %add3A_1448], %mul3A_1451 : memref<40x64xf32, #tpu.memory_space<vmem>>[vector<16xi32>, vector<16xi32>], vector<16xf32>,
          %add3A_1452 = arith.constant 0 : i32
          %add3A_1453 = vector.broadcast %add3A_1452 : i32 to vector<16xi32>
          %add3A_1454 = arith.addi %add3A_1453, %add3A_1291 : vector<16xi32>
          %mul3A_1455 = arith.constant 5.000000e-02 : f32
          %mul3A_1456 = vector.broadcast %mul3A_1455 : f32 to vector<16xf32>
          %mul3A_1457 = arith.mulf %unpack3A_1445, %mul3A_1456 : vector<16xf32>
          tpu.vector_store_idx %arg12[%add3A_1309, %add3A_1454], %mul3A_1457 : memref<40x64xf32, #tpu.memory_space<vmem>>[vector<16xi32>, vector<16xi32>], vector<16xf32>,
          %get3A_1458 = arith.index_cast %mul3A_1306 : i32 to index
          %get3A_1459 = arith.constant 32 : index
          %get3A_1460 = tpu.vector_load %arg10[%get3A_1458, %get3A_1459] {strides = array<i32>} : memref<800x64xbf16, #tpu.memory_space<vmem>>, vector<32xbf16>,
          %add3A_1461 = arith.constant 10 : i32
          %add3A_1462 = arith.addi %mul3A_1306, %add3A_1461 : i32
          %get3A_1463 = arith.index_cast %add3A_1462 : i32 to index
          %get3A_1464 = arith.constant 32 : index
          %get3A_1465 = tpu.vector_load %arg10[%get3A_1463, %get3A_1464] {strides = array<i32>} : memref<800x64xbf16, #tpu.memory_space<vmem>>, vector<32xbf16>,
          %add3A_1466 = arith.constant 1 : i32
          %add3A_1467 = arith.addi %mul3A_1306, %add3A_1466 : i32
          %get3A_1468 = arith.index_cast %add3A_1467 : i32 to index
          %get3A_1469 = arith.constant 32 : index
          %get3A_1470 = tpu.vector_load %arg10[%get3A_1468, %get3A_1469] {strides = array<i32>} : memref<800x64xbf16, #tpu.memory_space<vmem>>, vector<32xbf16>,
          %add3A_1471 = arith.addf %get3A_1460, %get3A_1470 : vector<32xbf16>
          %add3A_1472 = arith.constant 10 : i32
          %add3A_1473 = arith.addi %mul3A_1306, %add3A_1472 : i32
          %add3A_1474 = arith.constant 1 : i32
          %add3A_1475 = arith.addi %add3A_1473, %add3A_1474 : i32
          %get3A_1476 = arith.index_cast %add3A_1475 : i32 to index
          %get3A_1477 = arith.constant 32 : index
          %get3A_1478 = tpu.vector_load %arg10[%get3A_1476, %get3A_1477] {strides = array<i32>} : memref<800x64xbf16, #tpu.memory_space<vmem>>, vector<32xbf16>,
          %add3A_1479 = arith.addf %get3A_1465, %get3A_1478 : vector<32xbf16>
          %add3A_1480 = arith.constant 2 : i32
          %add3A_1481 = arith.addi %mul3A_1306, %add3A_1480 : i32
          %get3A_1482 = arith.index_cast %add3A_1481 : i32 to index
          %get3A_1483 = arith.constant 32 : index
          %get3A_1484 = tpu.vector_load %arg10[%get3A_1482, %get3A_1483] {strides = array<i32>} : memref<800x64xbf16, #tpu.memory_space<vmem>>, vector<32xbf16>,
          %add3A_1485 = arith.addf %add3A_1471, %get3A_1484 : vector<32xbf16>
          %add3A_1486 = arith.constant 10 : i32
          %add3A_1487 = arith.addi %mul3A_1306, %add3A_1486 : i32
          %add3A_1488 = arith.constant 2 : i32
          %add3A_1489 = arith.addi %add3A_1487, %add3A_1488 : i32
          %get3A_1490 = arith.index_cast %add3A_1489 : i32 to index
          %get3A_1491 = arith.constant 32 : index
          %get3A_1492 = tpu.vector_load %arg10[%get3A_1490, %get3A_1491] {strides = array<i32>} : memref<800x64xbf16, #tpu.memory_space<vmem>>, vector<32xbf16>,
          %add3A_1493 = arith.addf %add3A_1479, %get3A_1492 : vector<32xbf16>
          %add3A_1494 = arith.constant 3 : i32
          %add3A_1495 = arith.addi %mul3A_1306, %add3A_1494 : i32
          %get3A_1496 = arith.index_cast %add3A_1495 : i32 to index
          %get3A_1497 = arith.constant 32 : index
          %get3A_1498 = tpu.vector_load %arg10[%get3A_1496, %get3A_1497] {strides = array<i32>} : memref<800x64xbf16, #tpu.memory_space<vmem>>, vector<32xbf16>,
          %add3A_1499 = arith.addf %add3A_1485, %get3A_1498 : vector<32xbf16>
          %add3A_1500 = arith.constant 10 : i32
          %add3A_1501 = arith.addi %mul3A_1306, %add3A_1500 : i32
          %add3A_1502 = arith.constant 3 : i32
          %add3A_1503 = arith.addi %add3A_1501, %add3A_1502 : i32
          %get3A_1504 = arith.index_cast %add3A_1503 : i32 to index
          %get3A_1505 = arith.constant 32 : index
          %get3A_1506 = tpu.vector_load %arg10[%get3A_1504, %get3A_1505] {strides = array<i32>} : memref<800x64xbf16, #tpu.memory_space<vmem>>, vector<32xbf16>,
          %add3A_1507 = arith.addf %add3A_1493, %get3A_1506 : vector<32xbf16>
          %add3A_1508 = arith.constant 4 : i32
          %add3A_1509 = arith.addi %mul3A_1306, %add3A_1508 : i32
          %get3A_1510 = arith.index_cast %add3A_1509 : i32 to index
          %get3A_1511 = arith.constant 32 : index
          %get3A_1512 = tpu.vector_load %arg10[%get3A_1510, %get3A_1511] {strides = array<i32>} : memref<800x64xbf16, #tpu.memory_space<vmem>>, vector<32xbf16>,
          %add3A_1513 = arith.addf %add3A_1499, %get3A_1512 : vector<32xbf16>
          %add3A_1514 = arith.constant 10 : i32
          %add3A_1515 = arith.addi %mul3A_1306, %add3A_1514 : i32
          %add3A_1516 = arith.constant 4 : i32
          %add3A_1517 = arith.addi %add3A_1515, %add3A_1516 : i32
          %get3A_1518 = arith.index_cast %add3A_1517 : i32 to index
          %get3A_1519 = arith.constant 32 : index
          %get3A_1520 = tpu.vector_load %arg10[%get3A_1518, %get3A_1519] {strides = array<i32>} : memref<800x64xbf16, #tpu.memory_space<vmem>>, vector<32xbf16>,
          %add3A_1521 = arith.addf %add3A_1507, %get3A_1520 : vector<32xbf16>
          %add3A_1522 = arith.constant 5 : i32
          %add3A_1523 = arith.addi %mul3A_1306, %add3A_1522 : i32
          %get3A_1524 = arith.index_cast %add3A_1523 : i32 to index
          %get3A_1525 = arith.constant 32 : index
          %get3A_1526 = tpu.vector_load %arg10[%get3A_1524, %get3A_1525] {strides = array<i32>} : memref<800x64xbf16, #tpu.memory_space<vmem>>, vector<32xbf16>,
          %add3A_1527 = arith.addf %add3A_1513, %get3A_1526 : vector<32xbf16>
          %add3A_1528 = arith.constant 10 : i32
          %add3A_1529 = arith.addi %mul3A_1306, %add3A_1528 : i32
          %add3A_1530 = arith.constant 5 : i32
          %add3A_1531 = arith.addi %add3A_1529, %add3A_1530 : i32
          %get3A_1532 = arith.index_cast %add3A_1531 : i32 to index
          %get3A_1533 = arith.constant 32 : index
          %get3A_1534 = tpu.vector_load %arg10[%get3A_1532, %get3A_1533] {strides = array<i32>} : memref<800x64xbf16, #tpu.memory_space<vmem>>, vector<32xbf16>,
          %add3A_1535 = arith.addf %add3A_1521, %get3A_1534 : vector<32xbf16>
          %add3A_1536 = arith.constant 6 : i32
          %add3A_1537 = arith.addi %mul3A_1306, %add3A_1536 : i32
          %get3A_1538 = arith.index_cast %add3A_1537 : i32 to index
          %get3A_1539 = arith.constant 32 : index
          %get3A_1540 = tpu.vector_load %arg10[%get3A_1538, %get3A_1539] {strides = array<i32>} : memref<800x64xbf16, #tpu.memory_space<vmem>>, vector<32xbf16>,
          %add3A_1541 = arith.addf %add3A_1527, %get3A_1540 : vector<32xbf16>
          %add3A_1542 = arith.constant 10 : i32
          %add3A_1543 = arith.addi %mul3A_1306, %add3A_1542 : i32
          %add3A_1544 = arith.constant 6 : i32
          %add3A_1545 = arith.addi %add3A_1543, %add3A_1544 : i32
          %get3A_1546 = arith.index_cast %add3A_1545 : i32 to index
          %get3A_1547 = arith.constant 32 : index
          %get3A_1548 = tpu.vector_load %arg10[%get3A_1546, %get3A_1547] {strides = array<i32>} : memref<800x64xbf16, #tpu.memory_space<vmem>>, vector<32xbf16>,
          %add3A_1549 = arith.addf %add3A_1535, %get3A_1548 : vector<32xbf16>
          %add3A_1550 = arith.constant 7 : i32
          %add3A_1551 = arith.addi %mul3A_1306, %add3A_1550 : i32
          %get3A_1552 = arith.index_cast %add3A_1551 : i32 to index
          %get3A_1553 = arith.constant 32 : index
          %get3A_1554 = tpu.vector_load %arg10[%get3A_1552, %get3A_1553] {strides = array<i32>} : memref<800x64xbf16, #tpu.memory_space<vmem>>, vector<32xbf16>,
          %add3A_1555 = arith.addf %add3A_1541, %get3A_1554 : vector<32xbf16>
          %add3A_1556 = arith.constant 10 : i32
          %add3A_1557 = arith.addi %mul3A_1306, %add3A_1556 : i32
          %add3A_1558 = arith.constant 7 : i32
          %add3A_1559 = arith.addi %add3A_1557, %add3A_1558 : i32
          %get3A_1560 = arith.index_cast %add3A_1559 : i32 to index
          %get3A_1561 = arith.constant 32 : index
          %get3A_1562 = tpu.vector_load %arg10[%get3A_1560, %get3A_1561] {strides = array<i32>} : memref<800x64xbf16, #tpu.memory_space<vmem>>, vector<32xbf16>,
          %add3A_1563 = arith.addf %add3A_1549, %get3A_1562 : vector<32xbf16>
          %add3A_1564 = arith.constant 8 : i32
          %add3A_1565 = arith.addi %mul3A_1306, %add3A_1564 : i32
          %get3A_1566 = arith.index_cast %add3A_1565 : i32 to index
          %get3A_1567 = arith.constant 32 : index
          %get3A_1568 = tpu.vector_load %arg10[%get3A_1566, %get3A_1567] {strides = array<i32>} : memref<800x64xbf16, #tpu.memory_space<vmem>>, vector<32xbf16>,
          %add3A_1569 = arith.addf %add3A_1555, %get3A_1568 : vector<32xbf16>
          %add3A_1570 = arith.constant 10 : i32
          %add3A_1571 = arith.addi %mul3A_1306, %add3A_1570 : i32
          %add3A_1572 = arith.constant 8 : i32
          %add3A_1573 = arith.addi %add3A_1571, %add3A_1572 : i32
          %get3A_1574 = arith.index_cast %add3A_1573 : i32 to index
          %get3A_1575 = arith.constant 32 : index
          %get3A_1576 = tpu.vector_load %arg10[%get3A_1574, %get3A_1575] {strides = array<i32>} : memref<800x64xbf16, #tpu.memory_space<vmem>>, vector<32xbf16>,
          %add3A_1577 = arith.addf %add3A_1563, %get3A_1576 : vector<32xbf16>
          %add3A_1578 = arith.constant 9 : i32
          %add3A_1579 = arith.addi %mul3A_1306, %add3A_1578 : i32
          %get3A_1580 = arith.index_cast %add3A_1579 : i32 to index
          %get3A_1581 = arith.constant 32 : index
          %get3A_1582 = tpu.vector_load %arg10[%get3A_1580, %get3A_1581] {strides = array<i32>} : memref<800x64xbf16, #tpu.memory_space<vmem>>, vector<32xbf16>,
          %add3A_1583 = arith.addf %add3A_1569, %get3A_1582 : vector<32xbf16>
          %add3A_1584 = arith.constant 10 : i32
          %add3A_1585 = arith.addi %mul3A_1306, %add3A_1584 : i32
          %add3A_1586 = arith.constant 9 : i32
          %add3A_1587 = arith.addi %add3A_1585, %add3A_1586 : i32
          %get3A_1588 = arith.index_cast %add3A_1587 : i32 to index
          %get3A_1589 = arith.constant 32 : index
          %get3A_1590 = tpu.vector_load %arg10[%get3A_1588, %get3A_1589] {strides = array<i32>} : memref<800x64xbf16, #tpu.memory_space<vmem>>, vector<32xbf16>,
          %add3A_1591 = arith.addf %add3A_1577, %get3A_1590 : vector<32xbf16>
          %add3A_1592 = arith.addf %add3A_1583, %add3A_1591 : vector<32xbf16>
          %unpack3A_1593 = tpu.unpack_subelements %add3A_1592, 0 {pack_format = #tpu.pack_format<interleaved>} : vector<32xbf16> -> vector<16xf32>
          %unpack3A_1594 = tpu.unpack_subelements %add3A_1592, 1 {pack_format = #tpu.pack_format<interleaved>} : vector<32xbf16> -> vector<16xf32>
          %add3A_1595 = arith.constant 32 : i32
          %add3A_1596 = vector.broadcast %add3A_1595 : i32 to vector<16xi32>
          %add3A_1597 = arith.addi %add3A_1596, %mul3A_1285 : vector<16xi32>
          %mul3A_1598 = arith.constant 5.000000e-02 : f32
          %mul3A_1599 = vector.broadcast %mul3A_1598 : f32 to vector<16xf32>
          %mul3A_1600 = arith.mulf %unpack3A_1593, %mul3A_1599 : vector<16xf32>
          tpu.vector_store_idx %arg12[%add3A_1309, %add3A_1597], %mul3A_1600 : memref<40x64xf32, #tpu.memory_space<vmem>>[vector<16xi32>, vector<16xi32>], vector<16xf32>,
          %add3A_1601 = arith.constant 32 : i32
          %add3A_1602 = vector.broadcast %add3A_1601 : i32 to vector<16xi32>
          %add3A_1603 = arith.addi %add3A_1602, %add3A_1291 : vector<16xi32>
          %mul3A_1604 = arith.constant 5.000000e-02 : f32
          %mul3A_1605 = vector.broadcast %mul3A_1604 : f32 to vector<16xf32>
          %mul3A_1606 = arith.mulf %unpack3A_1594, %mul3A_1605 : vector<16xf32>
          tpu.vector_store_idx %arg12[%add3A_1309, %add3A_1603], %mul3A_1606 : memref<40x64xf32, #tpu.memory_space<vmem>>[vector<16xi32>, vector<16xi32>], vector<16xf32>,
        }
        %scan3A_1297 = arith.constant 40 : i32
        %mul3A_1298 = arith.constant 40 : i32
        %mul3A_1299 = arith.muli %add3A_1185, %mul3A_1298 : i32
        %dma_start3A_1300 = arith.constant 0 : i32
        %dma_start3A_1301 = tpu.memref_slice %arg4[%mul3A_1299, %dma_start3A_1300] : memref<50000x64xf32, #tpu.memory_space<hbm>> -> memref<40x64xf32, #tpu.memory_space<hbm>>
        %dma_start3A_1302 = arith.constant 0 : i32
        %dma_start3A_1303 = tpu.memref_slice %arg4[%mul3A_1299, %dma_start3A_1302] : memref<50000x64xf32, #tpu.memory_space<hbm>> -> memref<40x64xf32, #tpu.memory_space<hbm>>
        tpu.enqueue_dma source(%arg12 : memref<40x64xf32, #tpu.memory_space<vmem>>) target(%dma_start3A_1303 : memref<40x64xf32, #tpu.memory_space<hbm>>) target_semaphore(%arg18 : memref<!tpu.dma_semaphore, #tpu.memory_space<semaphore_mem>>)
      } else {
      }
    }
    %scan3A_1146 = arith.constant 20 : i32
    %dma_wait3A_1147 = arith.constant 0 : i32
    %dma_wait3A_1148 = arith.constant 0 : i32
    %dma_wait3A_1149 = tpu.memref_slice %arg4[%dma_wait3A_1147, %dma_wait3A_1148] : memref<50000x64xf32, #tpu.memory_space<hbm>> -> memref<40x64xf32, #tpu.memory_space<hbm>>
    %dma_wait3A_1150 = arith.constant 0 : i32
    %dma_wait3A_1151 = arith.constant 0 : i32
    %dma_wait3A_1152 = tpu.memref_slice %arg4[%dma_wait3A_1150, %dma_wait3A_1151] : memref<50000x64xf32, #tpu.memory_space<hbm>> -> memref<40x64xf32, #tpu.memory_space<hbm>>
    tpu.wait_dma2 semaphore(%arg17 : memref<!tpu.dma_semaphore, #tpu.memory_space<semaphore_mem>>) src(%arg11 : memref<40x64xf32, #tpu.memory_space<vmem>>) dst(%dma_wait3A_1152 : memref<40x64xf32, #tpu.memory_space<hbm>>)
    %dma_wait3A_1153 = arith.constant 0 : i32
    %dma_wait3A_1154 = arith.constant 0 : i32
    %dma_wait3A_1155 = tpu.memref_slice %arg4[%dma_wait3A_1153, %dma_wait3A_1154] : memref<50000x64xf32, #tpu.memory_space<hbm>> -> memref<40x64xf32, #tpu.memory_space<hbm>>
    %dma_wait3A_1156 = arith.constant 0 : i32
    %dma_wait3A_1157 = arith.constant 0 : i32
    %dma_wait3A_1158 = tpu.memref_slice %arg4[%dma_wait3A_1156, %dma_wait3A_1157] : memref<50000x64xf32, #tpu.memory_space<hbm>> -> memref<40x64xf32, #tpu.memory_space<hbm>>
    tpu.wait_dma2 semaphore(%arg18 : memref<!tpu.dma_semaphore, #tpu.memory_space<semaphore_mem>>) src(%arg12 : memref<40x64xf32, #tpu.memory_space<vmem>>) dst(%dma_wait3A_1158 : memref<40x64xf32, #tpu.memory_space<hbm>>)
    return
  }
}

</mosaic_0001>

<sc_bundles>
// kernel: kernel.3.cloned.1.call-start
scs
__scs_entry_jumppad:
0x0: {  	(pc) =	sbr.rel $0x88, $3  }
0x1: {  	(tag) =	ssettag $0x0;
	lr =	simm.s32 $0x1  }
0x2: {  	[smem:$0x3F9F] =	sst lr;
	_ =	strace $0xD0000000  }
0x3: {  	_ = 	snop  }
0x4: {  	_ = 	snop  }
0x5: {  	_ = 	snop  }
0x6: {  	_ = 	snop  }
0x7: {  	_ = 	snop  }
__scs_overlays_trampoline_lowered:
0x8: {  	[smem:$0x3FAE] =	sst s0  }
0x9: {  	[smem:$0x3FAF] =	sst s1  }
0xa: {  	[smem:$0x3FB0] =	sst s2  }
0xb: {  	[smem:$0x3FB1] =	sst s3  }
0xc: {  	[smem:$0x3FB2] =	sst s4  }
0xd: {  	[smem:$0x3FB3] =	sst s5  }
0xe: {  	[smem:$0x3FB4] =	sst s6  }
0xf: {  	[smem:$0x3FB5] =	sst s7  }
0x10: {  	[smem:$0x3FB6] =	sst s8  }
0x11: {  	[smem:$0x3FB7] =	sst s9;
	s0 =	simm.s32 @!p0 $0x0  }
0x12: {  	s1 =	sld [smem:$0x3F9D];
	s0 =	simm.s32 @p0 $0x1  }
0x13: {  	[smem:$0x3FB8] =	sst s0;
	s0 =	simm.s32 @!p1 $0x0  }
0x14: {  	s2 =	sld [smem:$0x3F9C];
	s0 =	simm.s32 @p1 $0x1  }
0x15: {  	[smem:$0x3FB9] =	sst s0;
	s0 =	simm.s32 @!p2 $0x0  }
0x16: {  	s3 =	sld [smem:$0x3FDB];
	s0 =	simm.s32 @p2 $0x1  }
0x17: {  	s4 =	simm.s32 $0x1BF5;
	[smem:$0x3FBB] =	sst s0  }
0x18: {  	s0 =	sld [smem:$0x3F9E];
	_ =	swait.ge [sflag:s4], $0x0  }
0x19: {  	s7 =	sld [smem:$0x3F9F]  }
0x1a: {  	s8 =	sadd.s32 $0xFFFFE003, lr  }
0x1b: {  	s9 =	sadd.s32 $0xFFFFFEF7, lr;
	s5 =	simm.s32 $0xFFFFFFFF;
	p2 =	slt.u32 s8, $0xFFFFF086  }
0x1c: {  	p1 =	slt.u32 s9, $0xF7A;
	s5 =	simm.s32 @!p2 $0x0  }
0x1d: {  	s5 =	simm.s32 @p1 $0x1;
	p0 =	seq.s32 s7, s2  }
0x1e: {  	s7 =	smul.u32 @!p0 $0xF7A, s2;
	p2 =	seq.s32 @!p0 s5, $0x0  }
0x1f: {  	s9 =	smul.u32 $0xF7A, s1;
	s8 =	simm.s32 @!p0 $0x1BF5;
	p2 =	por !p2, p0  }
0x20: {  	[sflag:s8] =	ssyncset.s32 @!p0 $0xFFFFF086;
	s6 =	sadd.s32 @!p0 s3, s7;
	s7 =	simm.s32 @!p0 $0x108  }
0x21: {  	s3 =	sadd.s32 s3, s9;
	s6 =	sadd.s32 @!p0 $0x88, s6;
	s7 =	simm.s32 @p2 $0x1082  }
0x22: {  	[simem:s7], [sflag:s8] =	dma.local @!p0 [hbm:s6], $0xF7A  }
0x23: {  	s9 =	sor.u32 $0xD0000000, s2;
	s6 =	simm.s32 $0x108;
	_ =	swait.ge @!p0 [sflag:s8], $0x0  }
0x24: {  	s3 =	sadd.s32 $0x88, s3;
	s6 =	simm.s32 @!p1 $0x1082;
	[sflag:s4] =	ssyncset.s32 $0xFFFFF086  }
0x25: {  	[simem:s6], [sflag:s4] =	dma.local [hbm:s3], $0xF7A  }
0x26: {  	[smem:$0x3F9F] =	sst s1;
	(tag) =	ssettag s2;
	_ =	strace s9  }
0x27: {  	s1 =	sld [smem:$0x3FAF]  }
0x28: {  	s2 =	sld [smem:$0x3FB0]  }
0x29: {  	s4 =	sld [smem:$0x3FB2]  }
0x2a: {  	p0 =	seq.s32 s5, $0x0;
	s5 =	sld [smem:$0x3FB3]  }
0x2b: {  	s6 =	sld [smem:$0x3FB4]  }
0x2c: {  	s7 =	sld [smem:$0x3FB5]  }
0x2d: {  	s3 =	simm.s32 $0x108;
	s8 =	sld [smem:$0x3FB6]  }
0x2e: {  	s3 =	simm.s32 @!p0 $0x1082;
	s9 =	sld [smem:$0x3FB7]  }
0x2f: {  	lr =	sadd.s32 s0, s3;
	s0 =	sld [smem:$0x3FAE]  }
0x30: {  	s3 =	sld [smem:$0x3FB1]  }
0x31: {  	[smem:$0x3FBA] =	sst s10  }
0x32: {  	s10 =	sld [smem:$0x3FB8];
	_ =	sdelay $0x3  }
0x33: {  	p0 =	seq.s32 s10, $0x1;
	s10 =	sld [smem:$0x3FBA];
	_ =	sdelay $0x3  }
0x34: {  	[smem:$0x3FBA] =	sst s10  }
0x35: {  	s10 =	sld [smem:$0x3FB9];
	_ =	sdelay $0x3  }
0x36: {  	p1 =	seq.s32 s10, $0x1;
	s10 =	sld [smem:$0x3FBA];
	_ =	sdelay $0x3  }
0x37: {  	[smem:$0x3FBA] =	sst s10  }
0x38: {  	s10 =	sld [smem:$0x3FBB]  }
0x39: {  	_ = 	snop;
	(pc) =	sbr.ind lr, $3  }
0x3a: {  	_ = 	snop  }
0x3b: {  	_ = 	snop  }
0x3c: {  	p2 =	seq.s32 s10, $0x1;
	s10 =	sld [smem:$0x3FBA]  }
0x3d: {  	_ =	shalt  }
0x3e: {  	_ =	shalt  }
0x3f: {  	_ =	shalt  }
0x40: {  	_ =	shalt  }
0x41: {  	_ =	shalt  }
0x42: {  	_ =	shalt  }
0x43: {  	_ =	shalt  }
0x44: {  	_ =	shalt  }
0x45: {  	_ =	shalt  }
0x46: {  	_ =	shalt  }
0x47: {  	_ =	shalt  }
0x48: {  	_ =	shalt  }
0x49: {  	_ =	shalt  }
0x4a: {  	_ =	shalt  }
0x4b: {  	_ =	shalt  }
0x4c: {  	_ =	shalt  }
0x4d: {  	_ =	shalt  }
0x4e: {  	_ =	shalt  }
0x4f: {  	_ =	shalt  }
0x50: {  	_ =	shalt  }
0x51: {  	_ =	shalt  }
0x52: {  	_ =	shalt  }
0x53: {  	_ =	shalt  }
0x54: {  	_ =	shalt  }
0x55: {  	_ =	shalt  }
0x56: {  	_ =	shalt  }
0x57: {  	_ =	shalt  }
0x58: {  	_ =	shalt  }
0x59: {  	_ =	shalt  }
0x5a: {  	_ =	shalt  }
0x5b: {  	_ =	shalt  }
0x5c: {  	_ =	shalt  }
0x5d: {  	_ =	shalt  }
0x5e: {  	_ =	shalt  }
0x5f: {  	_ =	shalt  }
0x60: {  	_ =	shalt  }
0x61: {  	_ =	shalt  }
0x62: {  	_ =	shalt  }
0x63: {  	_ =	shalt  }
0x64: {  	_ =	shalt  }
0x65: {  	_ =	shalt  }
0x66: {  	_ =	shalt  }
0x67: {  	_ =	shalt  }
0x68: {  	_ =	shalt  }
0x69: {  	_ =	shalt  }
0x6a: {  	_ =	shalt  }
0x6b: {  	_ =	shalt  }
0x6c: {  	_ =	shalt  }
0x6d: {  	_ =	shalt  }
0x6e: {  	_ =	shalt  }
0x6f: {  	_ =	shalt  }
0x70: {  	_ =	shalt  }
0x71: {  	_ =	shalt  }
0x72: {  	_ =	shalt  }
0x73: {  	_ =	shalt  }
0x74: {  	_ =	shalt  }
0x75: {  	_ =	shalt  }
0x76: {  	_ =	shalt  }
0x77: {  	_ =	shalt  }
0x78: {  	_ =	shalt  }
0x79: {  	_ =	shalt  }
0x7a: {  	_ =	shalt  }
0x7b: {  	_ =	shalt  }
0x7c: {  	_ =	shalt  }
0x7d: {  	_ =	shalt  }
0x7e: {  	_ =	shalt  }
0x7f: {  	_ =	shalt  }
0x80: {  	_ =	shalt  }
0x81: {  	_ =	shalt  }
0x82: {  	_ =	shalt  }
0x83: {  	_ =	shalt  }
0x84: {  	_ =	shalt  }
0x85: {  	_ =	shalt  }
0x86: {  	_ =	shalt  }
0x87: {  	_ =	shalt  }
.Lfunc_end0:
.L_simem_size_0:
called_computation_lowered:
.L_overlay_start_0:
0x88: {  	s2 =	sld [smem:$0x3FD9]  }
0x89: {  	s3 =	sld [smem:$0x3FFE];
	_ =	sdelay $0x1  }
0x8a: {  	s1 =	srdreg.scid  }
0x8b: {  	s0 =	sand.u32 $0x1, s1  }
0x8c: {  	s17 =	sshll.u32 s0, $0xA;
	s2 =	sadd.s32 s3, s2  }
0x8d: {  	s2 =	sadd.s32 s2, s17  }
0x8e: {  	[smem:$0x3FC6] =	sst s2  }
0x8f: {  	_ = 	snop  }
0x90: {  	s2 =	sld [smem:$0x3FD0];
	(tm) =	ssettm $0x1  }
0x91: {  	s18 =	sld [smem:$0x3FFB];
	_ =	sdelay $0x3  }
0x92: {  	_ =	strace s18  }
0x93: {  	s3 =	sld [smem:$0x3FFC];
	_ =	sdelay $0x3  }
0x94: {  	_ =	strace s3  }
0x95: {  	s3 =	sld [smem:$0x3FFD];
	_ =	sdelay $0x3  }
0x96: {  	_ =	strace s3  }
0x97: {  	_ =	strace $0x8FFFFFFF  }
0x98: {  	s19 =	sld [smem:$0x3FDB];
	_ =	sdelay $0x1  }
0x99: {  	s4 =	simm.s32 $_scs_section_size  }
0x9a: {  	s5 =	simm.s32 $_size__tile_overlayer_lowered;
	s6 =	simm.s32 $_tile_overlayer_lowered  }
0x9b: {  	s22 =	simm.s32 $0x1BFF;
	s21 =	sshll.u32 s6, $0x1;
	s3 =	sadd.s32 s4, s19  }
0x9c: {  	s7 =	simm.s32 $0x0;
	s20 =	sshll.u32 s5, $0x1;
	s5 =	sadd.s32 s21, s3  }
0x9d: {  	[timem:s7], [sflag:s22] =	dma.local [hbm:s5], s20  }
0x9e: {  	_ =	swait.ge [sflag:s22], s20  }
0x9f: {  	s4 =	ssub.s32 $0x0, s20;
	[sflag:s22] =	ssyncset.done $0x0  }
0xa0: {  	[sflag:s22] =	ssyncadd.s32 s4;
	_ =	sdelay $0x1  }
0xa1: {  	s23 =	simm.s32 $0x1B8B  }
0xa2: {  	_ =	swait.ge [sflag:s23], $0x1  }
0xa3: {  	[sflag:s23] =	ssyncset.done $0x0  }
0xa4: {  	s25 =	simm.s32 $0x1B8E;
	s24 =	sld [smem:$0x3FFE];
	[sflag:s23] =	ssyncadd.s32 $0xFFFFFFFF  }
0xa5: {  	s26 =	simm.s32 $execute0_lowered;
	[smem:$0x3FD2] =	sst s25  }
0xa6: {  	s5 =	sshll.u32 s26, $0x1;
	_ =	strace $0x80000046;
	[dreg:$0x1] =	wrdreg $0xFFFFFFFF  }
0xa7: {  	s28 =	simm.s32 $_size_execute0_lowered;
	s3 =	sadd.s32 s3, s5;
	[dreg:$0x0] =	wrdreg $0x0  }
0xa8: {  	s5 =	sshll.u32 s28, $0x1;
	[dreg:$0x2] =	wrdreg s3  }
0xa9: {  	[dreg:$0x3] =	wrdreg s5  }
0xaa: {  	[dreg:$0x4] =	wrdreg $0xC0  }
0xab: {  	_ =	task [dreg:s7], $0x5FFFF  }
0xac: {  	[dreg:$0x1] =	wrdreg $0xFFFFFFFF  }
0xad: {  	[dreg:$0x0] =	wrdreg $0x60  }
0xae: {  	[dreg:$0x2] =	wrdreg s24  }
0xaf: {  	[dreg:$0x3] =	wrdreg s2  }
0xb0: {  	[dreg:$0x4] =	wrdreg $0x9  }
0xb1: {  	_ =	task.clear_ibuf [dreg:s7], $0x5FFFF;
	_ =	strace $0x90000046  }
0xb2: {  	s29 =	simm.s32 $0x9;
	_ =	strace $0x80000048  }
0xb3: {  	_ =	swait.ge [sflag:s29], $0x1  }
0xb4: {  	[sflag:s29] =	ssyncadd.s32 $0xFFFFFFFF  }
0xb5: {  	_ =	strace $0x90000048  }
0xb6: {  	_ =	sfence  }
0xb7: {  	s30 =	sld [smem:$0x0];
	_ =	sdelay $0x2  }
0xb8: {  	s31 =	sshll.u32 s1, $0xD;
	s1 =	sshrl.u32 s1, $0x2  }
0xb9: {  	s3 =	sand.u32 $0x4000, s31;
	s1 =	sadd.s32 s1, s30  }
0xba: {  	s0 =	sor.u32 s3, s0;
	s1 =	sshll.u32 s1, $0x11  }
0xbb: {  	s0 =	sor.u32 s1, s0  }
0xbc: {  	s0 =	sadd.s32 $0x8F2B, s0  }
0xbd: {  	[sflag:s0] =	ssyncadd.remote.s32 $0x1  }
0xbe: {  	_ =	sfence.sel $0xFFFF  }
0xbf: {  	[dreg:$0x0] =	wrdreg $0xFFFFFFFF;
	(pc) =	sbr.abs _section_cstart, $3  }
0xc0: {  	[dreg:$0x1] =	wrdreg $0xFFFFFFFF  }
0xc1: {  	_ =	task.clear_ibuf [dreg:s7], $0x2FFFF;
	_ =	strace $0x9FFFFFFF  }
0xc2: {  	(tm) =	ssettm $0x7FFFFFFF  }
0xc3: {  	_ =	shalt  }
tec
execute0_lowered:
.L_overlay_start_1:
0x0: {  	(tag) =	ssettag $0x1  }
0x1: {  	v0 =	vlaneseq.u32  }
0x2: {  	v1 =	vadd.s32 $0x4, v0  }
0x3: {  	[tilespmem:$0x1FE30] =	vst v1;
	v1 =	vadd.s32 $0x14, v0  }
0x4: {  	[tilespmem:$0x1FE40] =	vst v1;
	v1 =	vadd.s32 $0x18, v0  }
0x5: {  	[tilespmem:$0x1FE50] =	vst v1;
	v1 =	vadd.s32 $0x28, v0  }
0x6: {  	[tilespmem:$0x1FE60] =	vst v1;
	v1 =	vadd.s32 $0x2C, v0  }
0x7: {  	[tilespmem:$0x1FE70] =	vst v1;
	v1 =	vadd.s32 $0x3C, v0  }
0x8: {  	[tilespmem:$0x1FE80] =	vst v1;
	v1 =	vor.u32 $0x40, v0  }
0x9: {  	[tilespmem:$0x1FE90] =	vst v1;
	v1 =	vor.u32 $0x50, v0  }
0xa: {  	[tilespmem:$0x1FEA0] =	vst v1;
	v1 =	vadd.s32 $0x54, v0  }
0xb: {  	s0 =	rddreg [dreg:$0x0];
	s3 =	simm.s32 $0x0;
	[tilespmem:$0x1FEB0] =	vst v1;
	v1 =	vadd.s32 $0x64, v0  }
0xc: {  	[smem:$0x7FF] =	sst s3;
	[tilespmem:$0x1FEC0] =	vst v1;
	v1 =	vadd.s32 $0x68, v0  }
0xd: {  	s1 =	rddreg [dreg:$0x1];
	_ =	strace $0x80000047;
	[tilespmem:$0x1FED0] =	vst v1;
	v1 =	vadd.s32 $0x78, v0  }
0xe: {  	[tilespmem:$0x1FEE0] =	vst v1;
	v1 =	vadd.s32 $0x7C, v0  }
0xf: {  	[tilespmem:$0x1FEF0] =	vst v1;
	v1 =	vadd.s32 $0x8C, v0  }
0x10: {  	[tilespmem:$0x1FF00] =	vst v1;
	v1 =	vor.u32 $0x90, v0  }
0x11: {  	s2 =	srdreg.scid;
	s4 =	stileid.u32;
	[tilespmem:$0x1FF10] =	vst v1;
	v1 =	vor.u32 $0xA0, v0  }
0x12: {  	s11 =	simm.s32 $0x1400;
	s12 =	simm.s32 $0x1;
	s13 =	simm.s32 $0x2800;
	[tilespmem:$0x1FF20] =	vst v1;
	v1 =	vadd.s32 $0xA4, v0  }
0x13: {  	s14 =	simm.s32 $0x50;
	s28 =	simm.s32 $0x6A40;
	s29 =	simm.s32 $0x2A30;
	[tilespmem:$0x1FF30] =	vst v1;
	v1 =	vadd.s32 $0xB4, v0  }
0x14: {  	s30 =	simm.s32 $0x7440;
	s31 =	simm.s32 $0x2A80;
	s9 =	simm.s32 $0x2B20;
	[tilespmem:$0x1FF40] =	vst v1;
	v1 =	vadd.s32 $0xB8, v0  }
0x15: {  	s10 =	simm.s32 $0x3;
	s2 =	sand.u32 $0x1, s2;
	s4 =	sshll.u32 s4, $0x1;
	[tilespmem:$0x1FF50] =	vst v1;
	v1 =	vadd.s32 $0xC8, v0  }
0x16: {  	s15 =	simm.s32 $0xF640;
	s16 =	simm.s32 $0x4;
	s4 =	sor.u32 s2, s4;
	[tilespmem:$0x1FF60] =	vst v1;
	v1 =	vadd.s32 $0xCC, v0  }
0x17: {  	s17 =	simm.s32 $0x10040;
	s20 =	simm.s32 $0x0;
	s7 =	smul.u32 $0x1400, s4;
	[tilespmem:$0x1FF70] =	vst v1;
	v1 =	vadd.s32 $0xDC, v0  }
0x18: {  	s5 =	sadd.s32 $0xC00, s0;
	s2 =	ssub.s32 $0x2, s2;
	s8 =	smul.u32 $0x280, s4;
	[tilespmem:$0x1FF80] =	vst v1;
	v1 =	vor.u32 $0xE0, v0  }
0x19: {  	s6 =	sadd.s32 $0xC4200, s0;
	v45 =	vadd.s32 $0x12C, v0;
	s24 =	sshrl.u32 s2, $0x1;
	s7 =	sshrl.u32 s7, $0x3;
	[tilespmem:$0x1FF90] =	vst v1;
	v1 =	vor.u32 $0xF0, v0  }
0x1a: {  	v46 =	vor.u32 $0x130, v0;
	v48 =	vor.u32 $0x140, v0;
	s0 =	ssub.s32 s2, s24;
	s25 =	sadd.s32 s5, s8;
	s26 =	sadd.s32 s5, s7;
	[tilespmem:$0x1FFA0] =	vst v1;
	v1 =	vadd.s32 $0xF4, v0  }
.Ltmp0:
0x1b: {  	v49 =	vadd.s32 $0x144, v0;
	v51 =	vadd.s32 $0x154, v0;
	s7 =	sadd.s32 $0x5000, s26;
	[dreg:$0x3] =	wrdreg s25;
	[tilespmem:$0x1FFB0] =	vst v1;
	v1 =	vadd.s32 $0x104, v0;
	(pc) =	sbr.rel .LBB2_1-.Ltmp0, $4  }
0x1c: {  	v52 =	vadd.s32 $0x158, v0;
	v54 =	vadd.s32 $0x168, v0;
	s24 =	simm.s32 $0x2990;
	s2 =	sadd.s32 $0xA000, s26;
	[dreg:$0x4] =	wrdreg s7;
	[tilespmem:$0x1FFC0] =	vst v1;
	v1 =	vadd.s32 $0x108, v0  }
0x1d: {  	v55 =	vadd.s32 $0x16C, v0;
	v57 =	vadd.s32 $0x17C, v0;
	s0 =	smax.u32 s0, $0x1;
	s8 =	simm.s32 $0x2;
	[dreg:$0x5] =	wrdreg s2;
	[tilespmem:$0x1FFD0] =	vst v1;
	v1 =	vadd.s32 $0x118, v0  }
0x1e: {  	v58 =	vor.u32 $0x180, v0;
	v60 =	vor.u32 $0x190, v0;
	s26 =	simm.s32 $0x29E0;
	[dreg:$0x6] =	wrdreg s0;
	s25 =	simm.s32 $0x6040;
	[tilespmem:$0x1FFE0] =	vst v1;
	v1 =	vadd.s32 $0x11C, v0  }
0x1f: {  	v61 =	vadd.s32 $0x194, v0;
	v63 =	vadd.s32 $0x1A4, v0;
	s0 =	simm.s32 $0x7E40;
	s2 =	simm.s32 $0x2AD0;
	s7 =	simm.s32 $0x8840;
	[tilespmem:$0x1FFF0] =	vst v1  }
.LBB2_13:
0x20: {  	s18 =	simm.s32 $0x5  }
0x21: {  	_ =	swait.ge [sflag:s18], $0xA00  }
0x22: {  	[sflag:s18] =	ssyncset.done $0x0  }
0x23: {  	s19 =	simm.s32 $0x6;
	[sflag:s18] =	ssyncadd.s32 $0xFFFFF600  }
0x24: {  	_ =	swait.ge [sflag:s19], $0xA00  }
0x25: {  	s20 =	rddreg [dreg:$0x7]  }
0x26: {  	s23 =	rddreg [dreg:$0x6];
	s20 =	sadd.s32 $0x1, s20  }
0x27: {  	p0 =	sne.s32 s20, s23  }
.Ltmp1:
0x28: {  	_ = 	snop;
	(pc) =	sbr.rel @!p0 .LBB2_14-.Ltmp1, $3  }
0x29: {  	_ =	sdelay $0x1  }
0x2a: {  	[sflag:s19] =	ssyncset.done $0x0  }
0x2b: {  	[sflag:s19] =	ssyncadd.s32 $0xFFFFF600  }
.LBB2_1:
0x2c: {  	[dreg:$0x7] =	wrdreg s20  }
0x2d: {  	s18 =	rddreg [dreg:$0x3]  }
0x2e: {  	[tilespmem:s3], [sflag:$0x1] =	stream.linear.gather [hbm4b:s18+s3], $0x1400, $0x38;
	[tilespmem:$0x10A40] =	vst v63  }
0x2f: {  	s19 =	rddreg [dreg:$0x4]  }
0x30: {  	[tilespmem:s11], [sflag:$0x2] =	stream.linear.gather [hbm4b:s19+s3], $0x1400, $0x38;
	[tilespmem:$0x10A40] =	vst v63  }
0x31: {  	_ =	swait.ge [sflag:s12], $0x1400  }
0x32: {  	[sflag:s12] =	ssyncset.done $0x0  }
0x33: {  	[sflag:s12] =	ssyncadd.s32 $0xFFFFEC00  }
0x34: {  	v1 =	vld [tilespmem:$0x0]  }
0x35: {  	v3 =	vld.msk [tilespmem:s3+$0x0], $0xffff;
	_ =	sdelay $0x3  }
0x36: {  	vm0 =	veq.s32 v1, $0x0  }
0x37: {  	v2 =	vld [tilespmem:$0x4];
	v1 =	vsel vm0, v3, v1  }
0x38: {  	[tilespmem:v0+s13+$0x0] =	vst.idx.msk $0xffff, v1;
	v1 =	vld [tilespmem:$0x1FE30];
	_ =	sdelay $0x4  }
0x39: {  	vm9 =	veq.s32 v2, $0x0  }
0x3a: {  	v2 =	vsel vm9, v3, v2;
	v3 =	vimm.s32 $0x80;
	_ =	sdelay $0x1  }
0x3b: {  	[tilespmem:v1+s13+$0x0] =	vst.idx.msk $0xffff, v2  }
0x3c: {  	v1 =	vld [tilespmem:$0x80]  }
0x3d: {  	v2 =	vld [tilespmem:$0x84]  }
0x3e: {  	v3 =	vld.idx.msk [tilespmem:v3+s3+$0x0], $0xffff;
	_ =	sdelay $0x3  }
0x3f: {  	vm10 =	veq.s32 v1, $0x0;
	vm11 =	veq.s32 v2, $0x0  }
0x40: {  	v1 =	vsel vm10, v3, v1;
	v2 =	vsel vm11, v3, v2;
	v3 =	vld [tilespmem:$0x1FE40];
	_ =	sdelay $0x7  }
0x41: {  	[tilespmem:v3+s13+$0x0] =	vst.idx.msk $0xffff, v1;
	v1 =	vld [tilespmem:$0x1FE50];
	_ =	sdelay $0x5  }
0x42: {  	v3 =	vimm.s32 $0x100;
	_ =	sdelay $0x1  }
0x43: {  	[tilespmem:v1+s13+$0x0] =	vst.idx.msk $0xffff, v2  }
0x44: {  	v1 =	vld [tilespmem:$0x100]  }
0x45: {  	v2 =	vld [tilespmem:$0x104]  }
0x46: {  	v3 =	vld.idx.msk [tilespmem:v3+s3+$0x0], $0xffff;
	_ =	sdelay $0x3  }
0x47: {  	vm12 =	veq.s32 v1, $0x0;
	vm13 =	veq.s32 v2, $0x0  }
0x48: {  	v1 =	vsel vm12, v3, v1;
	v2 =	vsel vm13, v3, v2;
	v3 =	vld [tilespmem:$0x1FE60];
	_ =	sdelay $0x7  }
0x49: {  	[tilespmem:v3+s13+$0x0] =	vst.idx.msk $0xffff, v1;
	v1 =	vld [tilespmem:$0x1FE70];
	_ =	sdelay $0x5  }
0x4a: {  	v3 =	vimm.s32 $0x180;
	_ =	sdelay $0x1  }
0x4b: {  	[tilespmem:v1+s13+$0x0] =	vst.idx.msk $0xffff, v2  }
0x4c: {  	v1 =	vld [tilespmem:$0x180]  }
0x4d: {  	v2 =	vld [tilespmem:$0x184]  }
0x4e: {  	v3 =	vld.idx.msk [tilespmem:v3+s3+$0x0], $0xffff;
	_ =	sdelay $0x3  }
0x4f: {  	vm14 =	veq.s32 v1, $0x0;
	vm15 =	veq.s32 v2, $0x0  }
0x50: {  	v1 =	vsel vm14, v3, v1;
	v2 =	vsel vm15, v3, v2;
	v3 =	vld [tilespmem:$0x1FE80];
	_ =	sdelay $0x7  }
0x51: {  	[tilespmem:v3+s13+$0x0] =	vst.idx.msk $0xffff, v1;
	v1 =	vld [tilespmem:$0x1FE90];
	_ =	sdelay $0x5  }
0x52: {  	v3 =	vimm.s32 $0x200;
	_ =	sdelay $0x1  }
0x53: {  	[tilespmem:v1+s13+$0x0] =	vst.idx.msk $0xffff, v2  }
0x54: {  	v1 =	vld [tilespmem:$0x200]  }
0x55: {  	v2 =	vld [tilespmem:$0x204]  }
0x56: {  	v3 =	vld.idx.msk [tilespmem:v3+s3+$0x0], $0xffff;
	_ =	sdelay $0x3  }
0x57: {  	vm4 =	veq.s32 v1, $0x0;
	vm5 =	veq.s32 v2, $0x0  }
0x58: {  	v1 =	vsel vm4, v3, v1;
	v2 =	vsel vm5, v3, v2;
	v3 =	vld [tilespmem:$0x1FEA0];
	_ =	sdelay $0x7  }
0x59: {  	[tilespmem:v3+s13+$0x0] =	vst.idx.msk $0xffff, v1;
	v1 =	vld [tilespmem:$0x1FEB0];
	_ =	sdelay $0x5  }
0x5a: {  	v3 =	vimm.s32 $0x280;
	_ =	sdelay $0x1  }
0x5b: {  	[tilespmem:v1+s13+$0x0] =	vst.idx.msk $0xffff, v2  }
0x5c: {  	v1 =	vld [tilespmem:$0x280]  }
0x5d: {  	v2 =	vld [tilespmem:$0x284]  }
0x5e: {  	v3 =	vld.idx.msk [tilespmem:v3+s3+$0x0], $0xffff;
	_ =	sdelay $0x3  }
0x5f: {  	vm6 =	veq.s32 v1, $0x0;
	vm7 =	veq.s32 v2, $0x0  }
0x60: {  	v1 =	vsel vm6, v3, v1;
	v2 =	vsel vm7, v3, v2;
	v3 =	vld [tilespmem:$0x1FEC0];
	_ =	sdelay $0x7  }
0x61: {  	[tilespmem:v3+s13+$0x0] =	vst.idx.msk $0xffff, v1;
	v1 =	vld [tilespmem:$0x1FED0];
	_ =	sdelay $0x5  }
0x62: {  	v3 =	vimm.s32 $0x300;
	_ =	sdelay $0x1  }
0x63: {  	[tilespmem:v1+s13+$0x0] =	vst.idx.msk $0xffff, v2  }
0x64: {  	v1 =	vld [tilespmem:$0x300]  }
0x65: {  	v2 =	vld [tilespmem:$0x304]  }
0x66: {  	v3 =	vld.idx.msk [tilespmem:v3+s3+$0x0], $0xffff;
	_ =	sdelay $0x3  }
0x67: {  	vm8 =	veq.s32 v1, $0x0;
	vm9 =	veq.s32 v2, $0x0  }
0x68: {  	v1 =	vsel vm8, v3, v1;
	v2 =	vsel vm9, v3, v2;
	v3 =	vld [tilespmem:$0x1FEE0];
	_ =	sdelay $0x7  }
0x69: {  	[tilespmem:v3+s13+$0x0] =	vst.idx.msk $0xffff, v1;
	v1 =	vld [tilespmem:$0x1FEF0];
	_ =	sdelay $0x5  }
0x6a: {  	v3 =	vimm.s32 $0x380;
	_ =	sdelay $0x1  }
0x6b: {  	[tilespmem:v1+s13+$0x0] =	vst.idx.msk $0xffff, v2  }
0x6c: {  	v1 =	vld [tilespmem:$0x380]  }
0x6d: {  	v2 =	vld [tilespmem:$0x384]  }
0x6e: {  	v3 =	vld.idx.msk [tilespmem:v3+s3+$0x0], $0xffff;
	_ =	sdelay $0x3  }
0x6f: {  	vm10 =	veq.s32 v1, $0x0;
	vm11 =	veq.s32 v2, $0x0  }
0x70: {  	v1 =	vsel vm10, v3, v1;
	v2 =	vsel vm11, v3, v2;
	v3 =	vld [tilespmem:$0x1FF00];
	_ =	sdelay $0x7  }
0x71: {  	[tilespmem:v3+s13+$0x0] =	vst.idx.msk $0xffff, v1;
	v1 =	vld [tilespmem:$0x1FF10];
	_ =	sdelay $0x5  }
0x72: {  	v3 =	vimm.s32 $0x400;
	_ =	sdelay $0x1  }
0x73: {  	[tilespmem:v1+s13+$0x0] =	vst.idx.msk $0xffff, v2  }
0x74: {  	v1 =	vld [tilespmem:$0x400]  }
0x75: {  	v2 =	vld [tilespmem:$0x404]  }
0x76: {  	v3 =	vld.idx.msk [tilespmem:v3+s3+$0x0], $0xffff;
	_ =	sdelay $0x3  }
0x77: {  	vm12 =	veq.s32 v1, $0x0;
	vm13 =	veq.s32 v2, $0x0  }
0x78: {  	v1 =	vsel vm12, v3, v1;
	v2 =	vsel vm13, v3, v2;
	v3 =	vld [tilespmem:$0x1FF20];
	_ =	sdelay $0x7  }
0x79: {  	[tilespmem:v3+s13+$0x0] =	vst.idx.msk $0xffff, v1;
	v1 =	vld [tilespmem:$0x1FF30];
	_ =	sdelay $0x5  }
0x7a: {  	v3 =	vimm.s32 $0x480;
	_ =	sdelay $0x1  }
0x7b: {  	[tilespmem:v1+s13+$0x0] =	vst.idx.msk $0xffff, v2  }
0x7c: {  	v1 =	vld [tilespmem:$0x480]  }
0x7d: {  	v2 =	vld [tilespmem:$0x484]  }
0x7e: {  	v3 =	vld.idx.msk [tilespmem:v3+s3+$0x0], $0xffff;
	_ =	sdelay $0x3  }
0x7f: {  	vm14 =	veq.s32 v1, $0x0;
	vm15 =	veq.s32 v2, $0x0  }
0x80: {  	v1 =	vsel vm14, v3, v1;
	v2 =	vsel vm15, v3, v2;
	v3 =	vld [tilespmem:$0x1FF40];
	_ =	sdelay $0x7  }
0x81: {  	[tilespmem:v3+s13+$0x0] =	vst.idx.msk $0xffff, v1;
	v1 =	vld [tilespmem:$0x1FF50];
	_ =	sdelay $0x5  }
0x82: {  	v3 =	vimm.s32 $0x500;
	_ =	sdelay $0x1  }
0x83: {  	[tilespmem:v1+s13+$0x0] =	vst.idx.msk $0xffff, v2  }
0x84: {  	v1 =	vld [tilespmem:$0x500]  }
0x85: {  	v2 =	vld [tilespmem:$0x504]  }
0x86: {  	v3 =	vld.idx.msk [tilespmem:v3+s3+$0x0], $0xffff;
	_ =	sdelay $0x3  }
0x87: {  	vm4 =	veq.s32 v1, $0x0;
	vm5 =	veq.s32 v2, $0x0  }
0x88: {  	v1 =	vsel vm4, v3, v1;
	v2 =	vsel vm5, v3, v2;
	v3 =	vld [tilespmem:$0x1FF60];
	_ =	sdelay $0x7  }
0x89: {  	[tilespmem:v3+s13+$0x0] =	vst.idx.msk $0xffff, v1;
	v1 =	vld [tilespmem:$0x1FF70];
	_ =	sdelay $0x5  }
0x8a: {  	v3 =	vimm.s32 $0x580;
	_ =	sdelay $0x1  }
0x8b: {  	[tilespmem:v1+s13+$0x0] =	vst.idx.msk $0xffff, v2  }
0x8c: {  	v1 =	vld [tilespmem:$0x580]  }
0x8d: {  	v2 =	vld [tilespmem:$0x584]  }
0x8e: {  	v3 =	vld.idx.msk [tilespmem:v3+s3+$0x0], $0xffff;
	_ =	sdelay $0x3  }
0x8f: {  	vm6 =	veq.s32 v1, $0x0;
	vm7 =	veq.s32 v2, $0x0  }
0x90: {  	v1 =	vsel vm6, v3, v1;
	v2 =	vsel vm7, v3, v2;
	v3 =	vld [tilespmem:$0x1FF80];
	_ =	sdelay $0x7  }
0x91: {  	[tilespmem:v3+s13+$0x0] =	vst.idx.msk $0xffff, v1;
	v1 =	vld [tilespmem:$0x1FF90];
	_ =	sdelay $0x5  }
0x92: {  	v3 =	vimm.s32 $0x600;
	_ =	sdelay $0x1  }
0x93: {  	[tilespmem:v1+s13+$0x0] =	vst.idx.msk $0xffff, v2  }
0x94: {  	v1 =	vld [tilespmem:$0x600]  }
0x95: {  	v2 =	vld [tilespmem:$0x604]  }
0x96: {  	v3 =	vld.idx.msk [tilespmem:v3+s3+$0x0], $0xffff;
	_ =	sdelay $0x3  }
0x97: {  	vm8 =	veq.s32 v1, $0x0;
	vm9 =	veq.s32 v2, $0x0  }
0x98: {  	v1 =	vsel vm8, v3, v1;
	v2 =	vsel vm9, v3, v2;
	v3 =	vld [tilespmem:$0x1FFA0];
	_ =	sdelay $0x7  }
0x99: {  	[tilespmem:v3+s13+$0x0] =	vst.idx.msk $0xffff, v1;
	v1 =	vld [tilespmem:$0x1FFB0];
	_ =	sdelay $0x5  }
0x9a: {  	v3 =	vimm.s32 $0x680;
	_ =	sdelay $0x1  }
0x9b: {  	[tilespmem:v1+s13+$0x0] =	vst.idx.msk $0xffff, v2  }
0x9c: {  	v1 =	vld [tilespmem:$0x680]  }
0x9d: {  	v2 =	vld [tilespmem:$0x684]  }
0x9e: {  	v3 =	vld.idx.msk [tilespmem:v3+s3+$0x0], $0xffff;
	_ =	sdelay $0x3  }
0x9f: {  	vm10 =	veq.s32 v1, $0x0;
	vm11 =	veq.s32 v2, $0x0  }
0xa0: {  	v1 =	vsel vm10, v3, v1;
	v2 =	vsel vm11, v3, v2;
	v3 =	vld [tilespmem:$0x1FFC0];
	_ =	sdelay $0x7  }
0xa1: {  	[tilespmem:v3+s13+$0x0] =	vst.idx.msk $0xffff, v1;
	v1 =	vld [tilespmem:$0x1FFD0];
	_ =	sdelay $0x5  }
0xa2: {  	v3 =	vimm.s32 $0x700;
	_ =	sdelay $0x1  }
0xa3: {  	[tilespmem:v1+s13+$0x0] =	vst.idx.msk $0xffff, v2  }
0xa4: {  	v1 =	vld [tilespmem:$0x700]  }
0xa5: {  	v2 =	vld [tilespmem:$0x704]  }
0xa6: {  	v3 =	vld.idx.msk [tilespmem:v3+s3+$0x0], $0xffff;
	_ =	sdelay $0x3  }
0xa7: {  	vm12 =	veq.s32 v1, $0x0;
	vm13 =	veq.s32 v2, $0x0  }
0xa8: {  	v1 =	vsel vm12, v3, v1;
	v2 =	vsel vm13, v3, v2;
	v3 =	vld [tilespmem:$0x1FFE0];
	_ =	sdelay $0x7  }
0xa9: {  	[tilespmem:v3+s13+$0x0] =	vst.idx.msk $0xffff, v1;
	v1 =	vld [tilespmem:$0x1FFF0];
	_ =	sdelay $0x5  }
0xaa: {  	v3 =	vimm.s32 $0x780;
	_ =	sdelay $0x1  }
0xab: {  	[tilespmem:v1+s13+$0x0] =	vst.idx.msk $0xffff, v2  }
0xac: {  	v1 =	vld [tilespmem:$0x780]  }
0xad: {  	v2 =	vld [tilespmem:$0x784]  }
0xae: {  	v3 =	vld.idx.msk [tilespmem:v3+s3+$0x0], $0xffff;
	_ =	sdelay $0x3  }
0xaf: {  	vm14 =	veq.s32 v1, $0x0;
	vm15 =	veq.s32 v2, $0x0  }
0xb0: {  	v1 =	vsel vm14, v3, v1;
	v2 =	vsel vm15, v3, v2;
	v3 =	vimm.s32 $0x800  }
0xb1: {  	[tilespmem:v45+s13+$0x0] =	vst.idx.msk $0xffff, v1  }
0xb2: {  	[tilespmem:v46+s13+$0x0] =	vst.idx.msk $0xffff, v2  }
0xb3: {  	v1 =	vld [tilespmem:$0x800]  }
0xb4: {  	v2 =	vld [tilespmem:$0x804]  }
0xb5: {  	v3 =	vld.idx.msk [tilespmem:v3+s3+$0x0], $0xffff;
	_ =	sdelay $0x3  }
0xb6: {  	vm4 =	veq.s32 v1, $0x0;
	vm5 =	veq.s32 v2, $0x0  }
0xb7: {  	v1 =	vsel vm4, v3, v1;
	v2 =	vsel vm5, v3, v2;
	v3 =	vimm.s32 $0x880  }
0xb8: {  	[tilespmem:v48+s13+$0x0] =	vst.idx.msk $0xffff, v1  }
0xb9: {  	[tilespmem:v49+s13+$0x0] =	vst.idx.msk $0xffff, v2  }
0xba: {  	v1 =	vld [tilespmem:$0x880]  }
0xbb: {  	v2 =	vld [tilespmem:$0x884]  }
0xbc: {  	v3 =	vld.idx.msk [tilespmem:v3+s3+$0x0], $0xffff;
	_ =	sdelay $0x3  }
0xbd: {  	vm6 =	veq.s32 v1, $0x0;
	vm7 =	veq.s32 v2, $0x0  }
0xbe: {  	v1 =	vsel vm6, v3, v1;
	v2 =	vsel vm7, v3, v2;
	v3 =	vimm.s32 $0x900  }
0xbf: {  	[tilespmem:v51+s13+$0x0] =	vst.idx.msk $0xffff, v1  }
0xc0: {  	[tilespmem:v52+s13+$0x0] =	vst.idx.msk $0xffff, v2  }
0xc1: {  	v1 =	vld [tilespmem:$0x900]  }
0xc2: {  	v2 =	vld [tilespmem:$0x904]  }
0xc3: {  	v3 =	vld.idx.msk [tilespmem:v3+s3+$0x0], $0xffff;
	_ =	sdelay $0x3  }
0xc4: {  	vm8 =	veq.s32 v1, $0x0;
	vm9 =	veq.s32 v2, $0x0  }
0xc5: {  	v1 =	vsel vm8, v3, v1;
	v2 =	vsel vm9, v3, v2;
	v3 =	vimm.s32 $0x980  }
0xc6: {  	[tilespmem:v54+s13+$0x0] =	vst.idx.msk $0xffff, v1  }
0xc7: {  	[tilespmem:v55+s13+$0x0] =	vst.idx.msk $0xffff, v2  }
0xc8: {  	v1 =	vld [tilespmem:$0x980]  }
0xc9: {  	v2 =	vld [tilespmem:$0x984]  }
0xca: {  	v3 =	vld.idx.msk [tilespmem:v3+s3+$0x0], $0xffff;
	_ =	sdelay $0x3  }
0xcb: {  	vm10 =	veq.s32 v1, $0x0;
	vm11 =	veq.s32 v2, $0x0  }
0xcc: {  	v1 =	vsel vm10, v3, v1;
	v2 =	vsel vm11, v3, v2;
	v3 =	vimm.s32 $0xA00  }
0xcd: {  	[tilespmem:v57+s13+$0x0] =	vst.idx.msk $0xffff, v1  }
0xce: {  	[tilespmem:v58+s13+$0x0] =	vst.idx.msk $0xffff, v2  }
0xcf: {  	v1 =	vld [tilespmem:$0xA00]  }
0xd0: {  	v2 =	vld [tilespmem:$0xA04]  }
0xd1: {  	v3 =	vld.idx.msk [tilespmem:v3+s3+$0x0], $0xffff;
	_ =	sdelay $0x3  }
0xd2: {  	vm12 =	veq.s32 v1, $0x0;
	vm13 =	veq.s32 v2, $0x0  }
0xd3: {  	v1 =	vsel vm12, v3, v1;
	v2 =	vsel vm13, v3, v2;
	v3 =	vimm.s32 $0xA80  }
0xd4: {  	[tilespmem:v60+s13+$0x0] =	vst.idx.msk $0xffff, v1  }
0xd5: {  	[tilespmem:v61+s13+$0x0] =	vst.idx.msk $0xffff, v2  }
0xd6: {  	v1 =	vld [tilespmem:$0xA80]  }
0xd7: {  	v2 =	vld [tilespmem:$0xA84]  }
0xd8: {  	v3 =	vld.idx.msk [tilespmem:v3+s3+$0x0], $0xffff;
	_ =	sdelay $0x1  }
0xd9: {  	v56 =	vadd.s32 $0x1A8, v0;
	_ =	sdelay $0x1  }
0xda: {  	vm14 =	veq.s32 v1, $0x0;
	vm15 =	veq.s32 v2, $0x0  }
0xdb: {  	v1 =	vsel vm14, v3, v1;
	v2 =	vsel vm15, v3, v2;
	v3 =	vimm.s32 $0xB00  }
0xdc: {  	[tilespmem:v63+s13+$0x0] =	vst.idx.msk $0xffff, v1  }
0xdd: {  	[tilespmem:v56+s13+$0x0] =	vst.idx.msk $0xffff, v2  }
0xde: {  	v1 =	vld [tilespmem:$0xB00]  }
0xdf: {  	v2 =	vld [tilespmem:$0xB04]  }
0xe0: {  	v3 =	vld.idx.msk [tilespmem:v3+s3+$0x0], $0xffff  }
0xe1: {  	v59 =	vadd.s32 $0x1B8, v0  }
0xe2: {  	v62 =	vadd.s32 $0x1BC, v0;
	_ =	sdelay $0x1  }
0xe3: {  	vm4 =	veq.s32 v1, $0x0  }
0xe4: {  	vm5 =	veq.s32 v2, $0x0;
	v1 =	vsel vm4, v3, v1  }
0xe5: {  	v2 =	vsel vm5, v3, v2;
	[tilespmem:v59+s13+$0x0] =	vst.idx.msk $0xffff, v1  }
0xe6: {  	[tilespmem:v62+s13+$0x0] =	vst.idx.msk $0xffff, v2;
	v2 =	vimm.s32 $0xB80;
	_ =	sdelay $0x2  }
0xe7: {  	v1 =	vld [tilespmem:$0xB80]  }
0xe8: {  	v3 =	vld [tilespmem:$0xB84]  }
0xe9: {  	v4 =	vld.idx.msk [tilespmem:v2+s3+$0x0], $0xffff  }
0xea: {  	v2 =	vadd.s32 $0x1CC, v0  }
0xeb: {  	v5 =	vor.u32 $0x1D0, v0;
	_ =	sdelay $0x1  }
0xec: {  	vm6 =	veq.s32 v1, $0x0;
	vm7 =	veq.s32 v3, $0x0  }
0xed: {  	v1 =	vsel vm6, v4, v1;
	v3 =	vsel vm7, v4, v3;
	v4 =	vimm.s32 $0xC00  }
0xee: {  	[tilespmem:v2+s13+$0x0] =	vst.idx.msk $0xffff, v1  }
0xef: {  	[tilespmem:v5+s13+$0x0] =	vst.idx.msk $0xffff, v3  }
0xf0: {  	v1 =	vld [tilespmem:$0xC00]  }
0xf1: {  	v3 =	vld [tilespmem:$0xC04]  }
0xf2: {  	v4 =	vld.idx.msk [tilespmem:v4+s3+$0x0], $0xffff  }
0xf3: {  	v8 =	vor.u32 $0x1E0, v0  }
0xf4: {  	v11 =	vadd.s32 $0x1E4, v0;
	_ =	sdelay $0x1  }
0xf5: {  	vm8 =	veq.s32 v1, $0x0;
	vm9 =	veq.s32 v3, $0x0  }
0xf6: {  	v1 =	vsel vm8, v4, v1;
	v3 =	vsel vm9, v4, v3;
	v4 =	vimm.s32 $0xC80  }
0xf7: {  	[tilespmem:v8+s13+$0x0] =	vst.idx.msk $0xffff, v1  }
0xf8: {  	[tilespmem:v11+s13+$0x0] =	vst.idx.msk $0xffff, v3  }
0xf9: {  	v1 =	vld [tilespmem:$0xC80]  }
0xfa: {  	v3 =	vld [tilespmem:$0xC84]  }
0xfb: {  	v4 =	vld.idx.msk [tilespmem:v4+s3+$0x0], $0xffff  }
0xfc: {  	v14 =	vadd.s32 $0x1F4, v0  }
0xfd: {  	v17 =	vadd.s32 $0x1F8, v0;
	_ =	sdelay $0x1  }
0xfe: {  	vm10 =	veq.s32 v1, $0x0;
	vm11 =	veq.s32 v3, $0x0  }
0xff: {  	v1 =	vsel vm10, v4, v1;
	v3 =	vsel vm11, v4, v3;
	v4 =	vimm.s32 $0xD00  }
0x100: {  	[tilespmem:v14+s13+$0x0] =	vst.idx.msk $0xffff, v1  }
0x101: {  	[tilespmem:v17+s13+$0x0] =	vst.idx.msk $0xffff, v3  }
0x102: {  	v1 =	vld [tilespmem:$0xD00]  }
0x103: {  	v3 =	vld [tilespmem:$0xD04]  }
0x104: {  	v4 =	vld.idx.msk [tilespmem:v4+s3+$0x0], $0xffff  }
0x105: {  	v20 =	vadd.s32 $0x208, v0  }
0x106: {  	v23 =	vadd.s32 $0x20C, v0;
	_ =	sdelay $0x1  }
0x107: {  	vm12 =	veq.s32 v1, $0x0;
	vm13 =	veq.s32 v3, $0x0  }
0x108: {  	v1 =	vsel vm12, v4, v1;
	v3 =	vsel vm13, v4, v3;
	v4 =	vimm.s32 $0xD80  }
0x109: {  	[tilespmem:v20+s13+$0x0] =	vst.idx.msk $0xffff, v1  }
0x10a: {  	[tilespmem:v23+s13+$0x0] =	vst.idx.msk $0xffff, v3  }
0x10b: {  	v1 =	vld [tilespmem:$0xD80]  }
0x10c: {  	v3 =	vld [tilespmem:$0xD84]  }
0x10d: {  	v4 =	vld.idx.msk [tilespmem:v4+s3+$0x0], $0xffff  }
0x10e: {  	v26 =	vadd.s32 $0x21C, v0  }
0x10f: {  	v29 =	vor.u32 $0x220, v0;
	_ =	sdelay $0x1  }
0x110: {  	vm14 =	veq.s32 v1, $0x0;
	vm15 =	veq.s32 v3, $0x0  }
0x111: {  	v1 =	vsel vm14, v4, v1;
	v3 =	vsel vm15, v4, v3;
	v4 =	vimm.s32 $0xE00  }
0x112: {  	[tilespmem:v26+s13+$0x0] =	vst.idx.msk $0xffff, v1  }
0x113: {  	[tilespmem:v29+s13+$0x0] =	vst.idx.msk $0xffff, v3  }
0x114: {  	v1 =	vld [tilespmem:$0xE00]  }
0x115: {  	v3 =	vld [tilespmem:$0xE04]  }
0x116: {  	v4 =	vld.idx.msk [tilespmem:v4+s3+$0x0], $0xffff  }
0x117: {  	v32 =	vor.u32 $0x230, v0  }
0x118: {  	v35 =	vadd.s32 $0x234, v0;
	_ =	sdelay $0x1  }
0x119: {  	vm4 =	veq.s32 v1, $0x0;
	vm5 =	veq.s32 v3, $0x0  }
0x11a: {  	v1 =	vsel vm4, v4, v1;
	v3 =	vsel vm5, v4, v3;
	v4 =	vimm.s32 $0xE80  }
0x11b: {  	[tilespmem:v32+s13+$0x0] =	vst.idx.msk $0xffff, v1  }
0x11c: {  	[tilespmem:v35+s13+$0x0] =	vst.idx.msk $0xffff, v3  }
0x11d: {  	v1 =	vld [tilespmem:$0xE80]  }
0x11e: {  	v3 =	vld [tilespmem:$0xE84]  }
0x11f: {  	v4 =	vld.idx.msk [tilespmem:v4+s3+$0x0], $0xffff  }
0x120: {  	v38 =	vadd.s32 $0x244, v0  }
0x121: {  	v41 =	vadd.s32 $0x248, v0;
	_ =	sdelay $0x1  }
0x122: {  	vm6 =	veq.s32 v1, $0x0;
	vm7 =	veq.s32 v3, $0x0  }
0x123: {  	v1 =	vsel vm6, v4, v1;
	v3 =	vsel vm7, v4, v3;
	v4 =	vimm.s32 $0xF00  }
0x124: {  	[tilespmem:v38+s13+$0x0] =	vst.idx.msk $0xffff, v1  }
0x125: {  	[tilespmem:v41+s13+$0x0] =	vst.idx.msk $0xffff, v3  }
0x126: {  	v1 =	vld [tilespmem:$0xF00]  }
0x127: {  	v3 =	vld [tilespmem:$0xF04]  }
0x128: {  	v4 =	vld.idx.msk [tilespmem:v4+s3+$0x0], $0xffff;
	_ =	sdelay $0x1  }
0x129: {  	v44 =	vadd.s32 $0x258, v0  }
0x12a: {  	v47 =	vadd.s32 $0x25C, v0  }
0x12b: {  	vm8 =	veq.s32 v1, $0x0;
	vm9 =	veq.s32 v3, $0x0  }
0x12c: {  	v1 =	vsel vm8, v4, v1;
	v3 =	vsel vm9, v4, v3;
	v4 =	vimm.s32 $0xF80;
	_ =	sdelay $0x1  }
0x12d: {  	[tilespmem:v44+s13+$0x0] =	vst.idx.msk $0xffff, v1  }
0x12e: {  	[tilespmem:v47+s13+$0x0] =	vst.idx.msk $0xffff, v3  }
0x12f: {  	v1 =	vld [tilespmem:$0xF80]  }
0x130: {  	v4 =	vld.idx.msk [tilespmem:v4+s3+$0x0], $0xffff  }
0x131: {  	v50 =	vadd.s32 $0x26C, v0  }
0x132: {  	v3 =	vld [tilespmem:$0xF84];
	_ =	sdelay $0x1  }
0x133: {  	v53 =	vor.u32 $0x270, v0;
	vm10 =	veq.s32 v1, $0x0  }
0x134: {  	v1 =	vsel vm10, v4, v1  }
0x135: {  	[tilespmem:v50+s13+$0x0] =	vst.idx.msk $0xffff, v1;
	v1 =	vimm.s32 $0x1000  }
0x136: {  	vm11 =	veq.s32 v3, $0x0  }
0x137: {  	v3 =	vsel vm11, v4, v3  }
0x138: {  	[tilespmem:v53+s13+$0x0] =	vst.idx.msk $0xffff, v3  }
0x139: {  	v4 =	vld [tilespmem:$0x1000]  }
0x13a: {  	v7 =	vld.idx.msk [tilespmem:v1+s3+$0x0], $0xffff  }
0x13b: {  	v1 =	vor.u32 $0x280, v0  }
0x13c: {  	v6 =	vld [tilespmem:$0x1004];
	_ =	sdelay $0x1  }
0x13d: {  	v3 =	vadd.s32 $0x284, v0;
	vm12 =	veq.s32 v4, $0x0  }
0x13e: {  	v4 =	vsel vm12, v7, v4  }
0x13f: {  	[tilespmem:v1+s13+$0x0] =	vst.idx.msk $0xffff, v4;
	v4 =	vimm.s32 $0x1080  }
0x140: {  	vm13 =	veq.s32 v6, $0x0  }
0x141: {  	v6 =	vsel vm13, v7, v6  }
0x142: {  	[tilespmem:v3+s13+$0x0] =	vst.idx.msk $0xffff, v6  }
0x143: {  	v7 =	vld [tilespmem:$0x1080]  }
0x144: {  	v10 =	vld.idx.msk [tilespmem:v4+s3+$0x0], $0xffff  }
0x145: {  	v4 =	vadd.s32 $0x294, v0  }
0x146: {  	v9 =	vld [tilespmem:$0x1084];
	_ =	sdelay $0x1  }
0x147: {  	v6 =	vadd.s32 $0x298, v0;
	vm14 =	veq.s32 v7, $0x0  }
0x148: {  	v7 =	vsel vm14, v10, v7  }
0x149: {  	[tilespmem:v4+s13+$0x0] =	vst.idx.msk $0xffff, v7;
	v7 =	vimm.s32 $0x1100  }
0x14a: {  	vm15 =	veq.s32 v9, $0x0  }
0x14b: {  	v9 =	vsel vm15, v10, v9  }
0x14c: {  	[tilespmem:v6+s13+$0x0] =	vst.idx.msk $0xffff, v9  }
0x14d: {  	v10 =	vld [tilespmem:$0x1100]  }
0x14e: {  	v13 =	vld.idx.msk [tilespmem:v7+s3+$0x0], $0xffff  }
0x14f: {  	v7 =	vadd.s32 $0x2A8, v0  }
0x150: {  	v12 =	vld [tilespmem:$0x1104];
	_ =	sdelay $0x1  }
0x151: {  	v9 =	vadd.s32 $0x2AC, v0;
	vm4 =	veq.s32 v10, $0x0  }
0x152: {  	v10 =	vsel vm4, v13, v10  }
0x153: {  	[tilespmem:v7+s13+$0x0] =	vst.idx.msk $0xffff, v10;
	v10 =	vimm.s32 $0x1180  }
0x154: {  	vm5 =	veq.s32 v12, $0x0  }
0x155: {  	v12 =	vsel vm5, v13, v12  }
0x156: {  	[tilespmem:v9+s13+$0x0] =	vst.idx.msk $0xffff, v12  }
0x157: {  	v13 =	vld [tilespmem:$0x1180]  }
0x158: {  	v16 =	vld.idx.msk [tilespmem:v10+s3+$0x0], $0xffff  }
0x159: {  	v10 =	vadd.s32 $0x2BC, v0  }
0x15a: {  	v15 =	vld [tilespmem:$0x1184];
	_ =	sdelay $0x1  }
0x15b: {  	v12 =	vor.u32 $0x2C0, v0;
	vm6 =	veq.s32 v13, $0x0  }
0x15c: {  	v13 =	vsel vm6, v16, v13  }
0x15d: {  	[tilespmem:v10+s13+$0x0] =	vst.idx.msk $0xffff, v13;
	v13 =	vimm.s32 $0x1200  }
0x15e: {  	vm7 =	veq.s32 v15, $0x0  }
0x15f: {  	v15 =	vsel vm7, v16, v15  }
0x160: {  	[tilespmem:v12+s13+$0x0] =	vst.idx.msk $0xffff, v15  }
0x161: {  	v16 =	vld [tilespmem:$0x1200]  }
0x162: {  	v19 =	vld.idx.msk [tilespmem:v13+s3+$0x0], $0xffff  }
0x163: {  	v13 =	vor.u32 $0x2D0, v0  }
0x164: {  	v18 =	vld [tilespmem:$0x1204];
	_ =	sdelay $0x1  }
0x165: {  	v15 =	vadd.s32 $0x2D4, v0;
	vm8 =	veq.s32 v16, $0x0  }
0x166: {  	v16 =	vsel vm8, v19, v16  }
0x167: {  	[tilespmem:v13+s13+$0x0] =	vst.idx.msk $0xffff, v16;
	v16 =	vimm.s32 $0x1280  }
0x168: {  	vm9 =	veq.s32 v18, $0x0  }
0x169: {  	v18 =	vsel vm9, v19, v18  }
0x16a: {  	[tilespmem:v15+s13+$0x0] =	vst.idx.msk $0xffff, v18  }
0x16b: {  	v19 =	vld [tilespmem:$0x1280]  }
0x16c: {  	v22 =	vld.idx.msk [tilespmem:v16+s3+$0x0], $0xffff  }
0x16d: {  	v16 =	vadd.s32 $0x2E4, v0  }
0x16e: {  	v21 =	vld [tilespmem:$0x1284];
	_ =	sdelay $0x1  }
0x16f: {  	v18 =	vadd.s32 $0x2E8, v0;
	vm10 =	veq.s32 v19, $0x0  }
0x170: {  	v19 =	vsel vm10, v22, v19  }
0x171: {  	[tilespmem:v16+s13+$0x0] =	vst.idx.msk $0xffff, v19;
	v19 =	vimm.s32 $0x1300  }
0x172: {  	vm11 =	veq.s32 v21, $0x0  }
0x173: {  	v21 =	vsel vm11, v22, v21  }
0x174: {  	[tilespmem:v18+s13+$0x0] =	vst.idx.msk $0xffff, v21  }
0x175: {  	v22 =	vld [tilespmem:$0x1300]  }
0x176: {  	v25 =	vld.idx.msk [tilespmem:v19+s3+$0x0], $0xffff  }
0x177: {  	v24 =	vld [tilespmem:$0x1304];
	v19 =	vadd.s32 $0x2F8, v0;
	_ =	sdelay $0x1  }
0x178: {  	v21 =	vadd.s32 $0x2FC, v0  }
0x179: {  	vm12 =	veq.s32 v22, $0x0  }
0x17a: {  	v22 =	vsel vm12, v25, v22  }
0x17b: {  	vm13 =	veq.s32 v24, $0x0;
	[tilespmem:v19+s13+$0x0] =	vst.idx.msk $0xffff, v22;
	v22 =	vimm.s32 $0x1380  }
0x17c: {  	v24 =	vsel vm13, v25, v24  }
0x17d: {  	[tilespmem:v21+s13+$0x0] =	vst.idx.msk $0xffff, v24  }
0x17e: {  	v25 =	vld [tilespmem:$0x1380]  }
0x17f: {  	v27 =	vld [tilespmem:$0x1384]  }
0x180: {  	v28 =	vld.idx.msk [tilespmem:v22+s3+$0x0], $0xffff  }
0x181: {  	v22 =	vadd.s32 $0x30C, v0  }
0x182: {  	v24 =	vor.u32 $0x310, v0;
	_ =	sdelay $0x1  }
0x183: {  	vm14 =	veq.s32 v25, $0x0  }
0x184: {  	vm15 =	veq.s32 v27, $0x0;
	v25 =	vsel vm14, v28, v25  }
0x185: {  	v27 =	vsel vm15, v28, v27;
	[tilespmem:v22+s13+$0x0] =	vst.idx.msk $0xffff, v25  }
0x186: {  	s20 =	simm.s32 $0x2E40;
	[tilespmem:v24+s13+$0x0] =	vst.idx.msk $0xffff, v27  }
0x187: {  	[tilespmem:s20], [sflag:$0x3] =	stream.indirect.gather [hbm4b:s6+s14], $0x20, s13, s14, $0xb8;
	[tilespmem:$0x10A40] =	vst v63  }
0x188: {  	s21 =	simm.s32 $0x2850;
	s19 =	simm.s32 $0x3840  }
0x189: {  	[tilespmem:s19], [sflag:$0x3] =	stream.indirect.gather [hbm4b:s6+s14], $0x20, s21, s14, $0xb8;
	[tilespmem:$0x10A40] =	vst v63  }
0x18a: {  	s22 =	simm.s32 $0x28A0;
	s23 =	simm.s32 $0x4240  }
0x18b: {  	[tilespmem:s23], [sflag:$0x3] =	stream.indirect.gather [hbm4b:s6+s14], $0x20, s22, s14, $0xb8;
	[tilespmem:$0x10A40] =	vst v63  }
0x18c: {  	s20 =	simm.s32 $0x4C40;
	s19 =	simm.s32 $0x28F0  }
0x18d: {  	[tilespmem:s20], [sflag:$0x3] =	stream.indirect.gather [hbm4b:s6+s14], $0x20, s19, s14, $0xb8;
	[tilespmem:$0x10A40] =	vst v63  }
0x18e: {  	s21 =	simm.s32 $0x2940;
	s22 =	simm.s32 $0x5640  }
0x18f: {  	[tilespmem:s22], [sflag:$0x3] =	stream.indirect.gather [hbm4b:s6+s14], $0x20, s21, s14, $0xb8;
	[tilespmem:$0x10A40] =	vst v63  }
0x190: {  	_ = 	snop  }
0x191: {  	[tilespmem:s25], [sflag:$0x3] =	stream.indirect.gather [hbm4b:s6+s14], $0x20, s24, s14, $0xb8;
	[tilespmem:$0x10A40] =	vst v63  }
0x192: {  	_ = 	snop  }
0x193: {  	[tilespmem:s28], [sflag:$0x3] =	stream.indirect.gather [hbm4b:s6+s14], $0x20, s26, s14, $0xb8;
	[tilespmem:$0x10A40] =	vst v63  }
0x194: {  	_ = 	snop  }
0x195: {  	[tilespmem:s30], [sflag:$0x3] =	stream.indirect.gather [hbm4b:s6+s14], $0x20, s29, s14, $0xb8;
	[tilespmem:$0x10A40] =	vst v63  }
0x196: {  	_ = 	snop  }
0x197: {  	[tilespmem:s0], [sflag:$0x3] =	stream.indirect.gather [hbm4b:s6+s14], $0x20, s31, s14, $0xb8;
	[tilespmem:$0x10A40] =	vst v63  }
.Ltmp2:
0x198: {  	_ = 	snop;
	(pc) =	sbr.rel .LBB2_2-.Ltmp2, $4  }
0x199: {  	_ = 	snop  }
0x19a: {  	[tilespmem:s7], [sflag:$0x3] =	stream.indirect.gather [hbm4b:s6+s14], $0x20, s2, s14, $0xb8;
	[tilespmem:$0x10A40] =	vst v63  }
0x19b: {  	s18 =	simm.s32 $0x0;
	s23 =	rddreg [dreg:$0x5]  }
0x19c: {  	[tilespmem:s3], [sflag:$0x1] =	stream.linear.gather [hbm4b:s23+s3], $0x1400, $0x38;
	[tilespmem:$0x10A40] =	vst v63  }
.LBB2_12:
0x19d: {  	s18 =	sadd.s32 $0x1, s18  }
0x19e: {  	p0 =	sne.s32 s18, $0x14  }
.Ltmp3:
0x19f: {  	_ = 	snop;
	(pc) =	sbr.rel @!p0 .LBB2_13-.Ltmp3, $1  }
0x1a0: {  	_ =	sdelay $0x3  }
.LBB2_2:
0x1a1: {  	s19 =	sshll.u32 s18, $0x6  }
0x1a2: {  	s19 =	sor.u32 s4, s19  }
0x1a3: {  	p0 =	sgt.u32 s19, $0x4C1  }
.Ltmp4:
0x1a4: {  	_ = 	snop;
	(pc) =	sbr.rel @p0 .LBB2_4-.Ltmp4, $1  }
0x1a5: {  	_ =	sdelay $0x3  }
0x1a6: {  	_ =	swait.ge [sflag:s8], $0x1400  }
0x1a7: {  	[sflag:s8] =	ssyncset.done $0x0  }
0x1a8: {  	[sflag:s8] =	ssyncadd.s32 $0xFFFFEC00  }
0x1a9: {  	v25 =	vld [tilespmem:$0x1400]  }
0x1aa: {  	v28 =	vld.msk [tilespmem:s11+$0x0], $0xffff;
	_ =	sdelay $0x3  }
0x1ab: {  	vm0 =	veq.s32 v25, $0x0  }
0x1ac: {  	v27 =	vld [tilespmem:$0x1404];
	v25 =	vsel vm0, v28, v25  }
0x1ad: {  	[tilespmem:v0+s9+$0x0] =	vst.idx.msk $0xffff, v25;
	v25 =	vld [tilespmem:$0x1FE30];
	_ =	sdelay $0x4  }
0x1ae: {  	vm9 =	veq.s32 v27, $0x0  }
0x1af: {  	v27 =	vsel vm9, v28, v27;
	v28 =	vimm.s32 $0x80;
	_ =	sdelay $0x1  }
0x1b0: {  	[tilespmem:v25+s9+$0x0] =	vst.idx.msk $0xffff, v27  }
0x1b1: {  	v25 =	vld [tilespmem:$0x1480]  }
0x1b2: {  	v27 =	vld [tilespmem:$0x1484]  }
0x1b3: {  	v28 =	vld.idx.msk [tilespmem:v28+s11+$0x0], $0xffff;
	_ =	sdelay $0x3  }
0x1b4: {  	vm10 =	veq.s32 v25, $0x0;
	vm11 =	veq.s32 v27, $0x0  }
0x1b5: {  	v25 =	vsel vm10, v28, v25;
	v27 =	vsel vm11, v28, v27;
	v28 =	vld [tilespmem:$0x1FE40];
	_ =	sdelay $0x7  }
0x1b6: {  	[tilespmem:v28+s9+$0x0] =	vst.idx.msk $0xffff, v25;
	v25 =	vld [tilespmem:$0x1FE50];
	_ =	sdelay $0x5  }
0x1b7: {  	v28 =	vimm.s32 $0x100;
	_ =	sdelay $0x1  }
0x1b8: {  	[tilespmem:v25+s9+$0x0] =	vst.idx.msk $0xffff, v27  }
0x1b9: {  	v25 =	vld [tilespmem:$0x1500]  }
0x1ba: {  	v27 =	vld [tilespmem:$0x1504]  }
0x1bb: {  	v28 =	vld.idx.msk [tilespmem:v28+s11+$0x0], $0xffff;
	_ =	sdelay $0x3  }
0x1bc: {  	vm12 =	veq.s32 v25, $0x0;
	vm13 =	veq.s32 v27, $0x0  }
0x1bd: {  	v25 =	vsel vm12, v28, v25;
	v27 =	vsel vm13, v28, v27;
	v28 =	vld [tilespmem:$0x1FE60];
	_ =	sdelay $0x7  }
0x1be: {  	[tilespmem:v28+s9+$0x0] =	vst.idx.msk $0xffff, v25;
	v25 =	vld [tilespmem:$0x1FE70];
	_ =	sdelay $0x5  }
0x1bf: {  	v28 =	vimm.s32 $0x180;
	_ =	sdelay $0x1  }
0x1c0: {  	[tilespmem:v25+s9+$0x0] =	vst.idx.msk $0xffff, v27  }
0x1c1: {  	v25 =	vld [tilespmem:$0x1580]  }
0x1c2: {  	v27 =	vld [tilespmem:$0x1584]  }
0x1c3: {  	v28 =	vld.idx.msk [tilespmem:v28+s11+$0x0], $0xffff;
	_ =	sdelay $0x3  }
0x1c4: {  	vm14 =	veq.s32 v25, $0x0;
	vm15 =	veq.s32 v27, $0x0  }
0x1c5: {  	v25 =	vsel vm14, v28, v25;
	v27 =	vsel vm15, v28, v27;
	v28 =	vld [tilespmem:$0x1FE80];
	_ =	sdelay $0x7  }
0x1c6: {  	[tilespmem:v28+s9+$0x0] =	vst.idx.msk $0xffff, v25;
	v25 =	vld [tilespmem:$0x1FE90];
	_ =	sdelay $0x5  }
0x1c7: {  	v28 =	vimm.s32 $0x200;
	_ =	sdelay $0x1  }
0x1c8: {  	[tilespmem:v25+s9+$0x0] =	vst.idx.msk $0xffff, v27  }
0x1c9: {  	v25 =	vld [tilespmem:$0x1600]  }
0x1ca: {  	v27 =	vld [tilespmem:$0x1604]  }
0x1cb: {  	v28 =	vld.idx.msk [tilespmem:v28+s11+$0x0], $0xffff;
	_ =	sdelay $0x3  }
0x1cc: {  	vm4 =	veq.s32 v25, $0x0;
	vm5 =	veq.s32 v27, $0x0  }
0x1cd: {  	v25 =	vsel vm4, v28, v25;
	v27 =	vsel vm5, v28, v27;
	v28 =	vld [tilespmem:$0x1FEA0];
	_ =	sdelay $0x7  }
0x1ce: {  	[tilespmem:v28+s9+$0x0] =	vst.idx.msk $0xffff, v25;
	v25 =	vld [tilespmem:$0x1FEB0];
	_ =	sdelay $0x5  }
0x1cf: {  	v28 =	vimm.s32 $0x280;
	_ =	sdelay $0x1  }
0x1d0: {  	[tilespmem:v25+s9+$0x0] =	vst.idx.msk $0xffff, v27  }
0x1d1: {  	v25 =	vld [tilespmem:$0x1680]  }
0x1d2: {  	v27 =	vld [tilespmem:$0x1684]  }
0x1d3: {  	v28 =	vld.idx.msk [tilespmem:v28+s11+$0x0], $0xffff;
	_ =	sdelay $0x3  }
0x1d4: {  	vm6 =	veq.s32 v25, $0x0;
	vm7 =	veq.s32 v27, $0x0  }
0x1d5: {  	v25 =	vsel vm6, v28, v25;
	v27 =	vsel vm7, v28, v27;
	v28 =	vld [tilespmem:$0x1FEC0];
	_ =	sdelay $0x7  }
0x1d6: {  	[tilespmem:v28+s9+$0x0] =	vst.idx.msk $0xffff, v25;
	v25 =	vld [tilespmem:$0x1FED0];
	_ =	sdelay $0x5  }
0x1d7: {  	v28 =	vimm.s32 $0x300;
	_ =	sdelay $0x1  }
0x1d8: {  	[tilespmem:v25+s9+$0x0] =	vst.idx.msk $0xffff, v27  }
0x1d9: {  	v25 =	vld [tilespmem:$0x1700]  }
0x1da: {  	v27 =	vld [tilespmem:$0x1704]  }
0x1db: {  	v28 =	vld.idx.msk [tilespmem:v28+s11+$0x0], $0xffff;
	_ =	sdelay $0x3  }
0x1dc: {  	vm8 =	veq.s32 v25, $0x0;
	vm9 =	veq.s32 v27, $0x0  }
0x1dd: {  	v25 =	vsel vm8, v28, v25;
	v27 =	vsel vm9, v28, v27;
	v28 =	vld [tilespmem:$0x1FEE0];
	_ =	sdelay $0x7  }
0x1de: {  	[tilespmem:v28+s9+$0x0] =	vst.idx.msk $0xffff, v25;
	v25 =	vld [tilespmem:$0x1FEF0];
	_ =	sdelay $0x5  }
0x1df: {  	v28 =	vimm.s32 $0x380;
	_ =	sdelay $0x1  }
0x1e0: {  	[tilespmem:v25+s9+$0x0] =	vst.idx.msk $0xffff, v27  }
0x1e1: {  	v25 =	vld [tilespmem:$0x1780]  }
0x1e2: {  	v27 =	vld [tilespmem:$0x1784]  }
0x1e3: {  	v28 =	vld.idx.msk [tilespmem:v28+s11+$0x0], $0xffff;
	_ =	sdelay $0x3  }
0x1e4: {  	vm10 =	veq.s32 v25, $0x0;
	vm11 =	veq.s32 v27, $0x0  }
0x1e5: {  	v25 =	vsel vm10, v28, v25;
	v27 =	vsel vm11, v28, v27;
	v28 =	vld [tilespmem:$0x1FF00];
	_ =	sdelay $0x7  }
0x1e6: {  	[tilespmem:v28+s9+$0x0] =	vst.idx.msk $0xffff, v25;
	v25 =	vld [tilespmem:$0x1FF10];
	_ =	sdelay $0x5  }
0x1e7: {  	v28 =	vimm.s32 $0x400;
	_ =	sdelay $0x1  }
0x1e8: {  	[tilespmem:v25+s9+$0x0] =	vst.idx.msk $0xffff, v27  }
0x1e9: {  	v25 =	vld [tilespmem:$0x1800]  }
0x1ea: {  	v27 =	vld [tilespmem:$0x1804]  }
0x1eb: {  	v28 =	vld.idx.msk [tilespmem:v28+s11+$0x0], $0xffff;
	_ =	sdelay $0x3  }
0x1ec: {  	vm12 =	veq.s32 v25, $0x0;
	vm13 =	veq.s32 v27, $0x0  }
0x1ed: {  	v25 =	vsel vm12, v28, v25;
	v27 =	vsel vm13, v28, v27;
	v28 =	vld [tilespmem:$0x1FF20];
	_ =	sdelay $0x7  }
0x1ee: {  	[tilespmem:v28+s9+$0x0] =	vst.idx.msk $0xffff, v25;
	v25 =	vld [tilespmem:$0x1FF30];
	_ =	sdelay $0x5  }
0x1ef: {  	v28 =	vimm.s32 $0x480;
	_ =	sdelay $0x1  }
0x1f0: {  	[tilespmem:v25+s9+$0x0] =	vst.idx.msk $0xffff, v27  }
0x1f1: {  	v25 =	vld [tilespmem:$0x1880]  }
0x1f2: {  	v27 =	vld [tilespmem:$0x1884]  }
0x1f3: {  	v28 =	vld.idx.msk [tilespmem:v28+s11+$0x0], $0xffff;
	_ =	sdelay $0x3  }
0x1f4: {  	vm14 =	veq.s32 v25, $0x0;
	vm15 =	veq.s32 v27, $0x0  }
0x1f5: {  	v25 =	vsel vm14, v28, v25;
	v27 =	vsel vm15, v28, v27;
	v28 =	vld [tilespmem:$0x1FF40];
	_ =	sdelay $0x7  }
0x1f6: {  	[tilespmem:v28+s9+$0x0] =	vst.idx.msk $0xffff, v25;
	v25 =	vld [tilespmem:$0x1FF50];
	_ =	sdelay $0x5  }
0x1f7: {  	v28 =	vimm.s32 $0x500;
	_ =	sdelay $0x1  }
0x1f8: {  	[tilespmem:v25+s9+$0x0] =	vst.idx.msk $0xffff, v27  }
0x1f9: {  	v25 =	vld [tilespmem:$0x1900]  }
0x1fa: {  	v27 =	vld [tilespmem:$0x1904]  }
0x1fb: {  	v28 =	vld.idx.msk [tilespmem:v28+s11+$0x0], $0xffff;
	_ =	sdelay $0x3  }
0x1fc: {  	vm4 =	veq.s32 v25, $0x0;
	vm5 =	veq.s32 v27, $0x0  }
0x1fd: {  	v25 =	vsel vm4, v28, v25;
	v27 =	vsel vm5, v28, v27;
	v28 =	vld [tilespmem:$0x1FF60];
	_ =	sdelay $0x7  }
0x1fe: {  	[tilespmem:v28+s9+$0x0] =	vst.idx.msk $0xffff, v25;
	v25 =	vld [tilespmem:$0x1FF70];
	_ =	sdelay $0x5  }
0x1ff: {  	v28 =	vimm.s32 $0x580;
	_ =	sdelay $0x1  }
0x200: {  	[tilespmem:v25+s9+$0x0] =	vst.idx.msk $0xffff, v27  }
0x201: {  	v25 =	vld [tilespmem:$0x1980]  }
0x202: {  	v27 =	vld [tilespmem:$0x1984]  }
0x203: {  	v28 =	vld.idx.msk [tilespmem:v28+s11+$0x0], $0xffff;
	_ =	sdelay $0x3  }
0x204: {  	vm6 =	veq.s32 v25, $0x0;
	vm7 =	veq.s32 v27, $0x0  }
0x205: {  	v25 =	vsel vm6, v28, v25;
	v27 =	vsel vm7, v28, v27;
	v28 =	vld [tilespmem:$0x1FF80];
	_ =	sdelay $0x7  }
0x206: {  	[tilespmem:v28+s9+$0x0] =	vst.idx.msk $0xffff, v25;
	v25 =	vld [tilespmem:$0x1FF90];
	_ =	sdelay $0x5  }
0x207: {  	v28 =	vimm.s32 $0x600;
	_ =	sdelay $0x1  }
0x208: {  	[tilespmem:v25+s9+$0x0] =	vst.idx.msk $0xffff, v27  }
0x209: {  	v25 =	vld [tilespmem:$0x1A00]  }
0x20a: {  	v27 =	vld [tilespmem:$0x1A04]  }
0x20b: {  	v28 =	vld.idx.msk [tilespmem:v28+s11+$0x0], $0xffff;
	_ =	sdelay $0x3  }
0x20c: {  	vm8 =	veq.s32 v25, $0x0;
	vm9 =	veq.s32 v27, $0x0  }
0x20d: {  	v25 =	vsel vm8, v28, v25;
	v27 =	vsel vm9, v28, v27;
	v28 =	vld [tilespmem:$0x1FFA0];
	_ =	sdelay $0x7  }
0x20e: {  	[tilespmem:v28+s9+$0x0] =	vst.idx.msk $0xffff, v25;
	v25 =	vld [tilespmem:$0x1FFB0];
	_ =	sdelay $0x5  }
0x20f: {  	v28 =	vimm.s32 $0x680;
	_ =	sdelay $0x1  }
0x210: {  	[tilespmem:v25+s9+$0x0] =	vst.idx.msk $0xffff, v27  }
0x211: {  	v25 =	vld [tilespmem:$0x1A80]  }
0x212: {  	v27 =	vld [tilespmem:$0x1A84]  }
0x213: {  	v28 =	vld.idx.msk [tilespmem:v28+s11+$0x0], $0xffff;
	_ =	sdelay $0x3  }
0x214: {  	vm10 =	veq.s32 v25, $0x0;
	vm11 =	veq.s32 v27, $0x0  }
0x215: {  	v25 =	vsel vm10, v28, v25;
	v27 =	vsel vm11, v28, v27;
	v28 =	vld [tilespmem:$0x1FFC0];
	_ =	sdelay $0x7  }
0x216: {  	[tilespmem:v28+s9+$0x0] =	vst.idx.msk $0xffff, v25;
	v25 =	vld [tilespmem:$0x1FFD0];
	_ =	sdelay $0x5  }
0x217: {  	v28 =	vimm.s32 $0x700;
	_ =	sdelay $0x1  }
0x218: {  	[tilespmem:v25+s9+$0x0] =	vst.idx.msk $0xffff, v27  }
0x219: {  	v25 =	vld [tilespmem:$0x1B00]  }
0x21a: {  	v27 =	vld [tilespmem:$0x1B04]  }
0x21b: {  	v28 =	vld.idx.msk [tilespmem:v28+s11+$0x0], $0xffff;
	_ =	sdelay $0x3  }
0x21c: {  	vm12 =	veq.s32 v25, $0x0;
	vm13 =	veq.s32 v27, $0x0  }
0x21d: {  	v25 =	vsel vm12, v28, v25;
	v27 =	vsel vm13, v28, v27;
	v28 =	vld [tilespmem:$0x1FFE0];
	_ =	sdelay $0x7  }
0x21e: {  	[tilespmem:v28+s9+$0x0] =	vst.idx.msk $0xffff, v25;
	v25 =	vld [tilespmem:$0x1FFF0];
	_ =	sdelay $0x5  }
0x21f: {  	v28 =	vimm.s32 $0x780;
	_ =	sdelay $0x1  }
0x220: {  	[tilespmem:v25+s9+$0x0] =	vst.idx.msk $0xffff, v27  }
0x221: {  	v25 =	vld [tilespmem:$0x1B80]  }
0x222: {  	v27 =	vld [tilespmem:$0x1B84]  }
0x223: {  	v28 =	vld.idx.msk [tilespmem:v28+s11+$0x0], $0xffff;
	_ =	sdelay $0x3  }
0x224: {  	vm14 =	veq.s32 v25, $0x0;
	vm15 =	veq.s32 v27, $0x0  }
0x225: {  	v25 =	vsel vm14, v28, v25;
	v27 =	vsel vm15, v28, v27;
	v28 =	vimm.s32 $0x800  }
0x226: {  	[tilespmem:v45+s9+$0x0] =	vst.idx.msk $0xffff, v25  }
0x227: {  	[tilespmem:v46+s9+$0x0] =	vst.idx.msk $0xffff, v27  }
0x228: {  	v25 =	vld [tilespmem:$0x1C00]  }
0x229: {  	v27 =	vld [tilespmem:$0x1C04]  }
0x22a: {  	v28 =	vld.idx.msk [tilespmem:v28+s11+$0x0], $0xffff;
	_ =	sdelay $0x3  }
0x22b: {  	vm4 =	veq.s32 v25, $0x0;
	vm5 =	veq.s32 v27, $0x0  }
0x22c: {  	v25 =	vsel vm4, v28, v25;
	v27 =	vsel vm5, v28, v27;
	v28 =	vimm.s32 $0x880  }
0x22d: {  	[tilespmem:v48+s9+$0x0] =	vst.idx.msk $0xffff, v25  }
0x22e: {  	[tilespmem:v49+s9+$0x0] =	vst.idx.msk $0xffff, v27  }
0x22f: {  	v25 =	vld [tilespmem:$0x1C80]  }
0x230: {  	v27 =	vld [tilespmem:$0x1C84]  }
0x231: {  	v28 =	vld.idx.msk [tilespmem:v28+s11+$0x0], $0xffff;
	_ =	sdelay $0x3  }
0x232: {  	vm6 =	veq.s32 v25, $0x0;
	vm7 =	veq.s32 v27, $0x0  }
0x233: {  	v25 =	vsel vm6, v28, v25;
	v27 =	vsel vm7, v28, v27;
	v28 =	vimm.s32 $0x900  }
0x234: {  	[tilespmem:v51+s9+$0x0] =	vst.idx.msk $0xffff, v25  }
0x235: {  	[tilespmem:v52+s9+$0x0] =	vst.idx.msk $0xffff, v27  }
0x236: {  	v25 =	vld [tilespmem:$0x1D00]  }
0x237: {  	v27 =	vld [tilespmem:$0x1D04]  }
0x238: {  	v28 =	vld.idx.msk [tilespmem:v28+s11+$0x0], $0xffff;
	_ =	sdelay $0x3  }
0x239: {  	vm8 =	veq.s32 v25, $0x0;
	vm9 =	veq.s32 v27, $0x0  }
0x23a: {  	v25 =	vsel vm8, v28, v25;
	v27 =	vsel vm9, v28, v27;
	v28 =	vimm.s32 $0x980  }
0x23b: {  	[tilespmem:v54+s9+$0x0] =	vst.idx.msk $0xffff, v25  }
0x23c: {  	[tilespmem:v55+s9+$0x0] =	vst.idx.msk $0xffff, v27  }
0x23d: {  	v25 =	vld [tilespmem:$0x1D80]  }
0x23e: {  	v27 =	vld [tilespmem:$0x1D84]  }
0x23f: {  	v28 =	vld.idx.msk [tilespmem:v28+s11+$0x0], $0xffff;
	_ =	sdelay $0x3  }
0x240: {  	vm10 =	veq.s32 v25, $0x0;
	vm11 =	veq.s32 v27, $0x0  }
0x241: {  	v25 =	vsel vm10, v28, v25;
	v27 =	vsel vm11, v28, v27;
	v28 =	vimm.s32 $0xA00  }
0x242: {  	[tilespmem:v57+s9+$0x0] =	vst.idx.msk $0xffff, v25  }
0x243: {  	[tilespmem:v58+s9+$0x0] =	vst.idx.msk $0xffff, v27  }
0x244: {  	v25 =	vld [tilespmem:$0x1E00]  }
0x245: {  	v27 =	vld [tilespmem:$0x1E04]  }
0x246: {  	v28 =	vld.idx.msk [tilespmem:v28+s11+$0x0], $0xffff;
	_ =	sdelay $0x3  }
0x247: {  	vm12 =	veq.s32 v25, $0x0;
	vm13 =	veq.s32 v27, $0x0  }
0x248: {  	v25 =	vsel vm12, v28, v25;
	v27 =	vsel vm13, v28, v27;
	v28 =	vimm.s32 $0xA80  }
0x249: {  	[tilespmem:v60+s9+$0x0] =	vst.idx.msk $0xffff, v25  }
0x24a: {  	[tilespmem:v61+s9+$0x0] =	vst.idx.msk $0xffff, v27  }
0x24b: {  	v25 =	vld [tilespmem:$0x1E80]  }
0x24c: {  	v27 =	vld [tilespmem:$0x1E84]  }
0x24d: {  	v28 =	vld.idx.msk [tilespmem:v28+s11+$0x0], $0xffff;
	_ =	sdelay $0x3  }
0x24e: {  	vm14 =	veq.s32 v25, $0x0;
	vm15 =	veq.s32 v27, $0x0  }
0x24f: {  	v25 =	vsel vm14, v28, v25;
	v27 =	vsel vm15, v28, v27;
	v28 =	vimm.s32 $0xB00  }
0x250: {  	[tilespmem:v63+s9+$0x0] =	vst.idx.msk $0xffff, v25  }
0x251: {  	[tilespmem:v56+s9+$0x0] =	vst.idx.msk $0xffff, v27  }
0x252: {  	v25 =	vld [tilespmem:$0x1F00]  }
0x253: {  	v27 =	vld [tilespmem:$0x1F04]  }
0x254: {  	v28 =	vld.idx.msk [tilespmem:v28+s11+$0x0], $0xffff;
	_ =	sdelay $0x3  }
0x255: {  	vm4 =	veq.s32 v25, $0x0;
	vm5 =	veq.s32 v27, $0x0  }
0x256: {  	v25 =	vsel vm4, v28, v25;
	v27 =	vsel vm5, v28, v27;
	v28 =	vimm.s32 $0xB80  }
0x257: {  	[tilespmem:v59+s9+$0x0] =	vst.idx.msk $0xffff, v25  }
0x258: {  	[tilespmem:v62+s9+$0x0] =	vst.idx.msk $0xffff, v27  }
0x259: {  	v25 =	vld [tilespmem:$0x1F80]  }
0x25a: {  	v27 =	vld [tilespmem:$0x1F84]  }
0x25b: {  	v28 =	vld.idx.msk [tilespmem:v28+s11+$0x0], $0xffff;
	_ =	sdelay $0x3  }
0x25c: {  	vm6 =	veq.s32 v25, $0x0;
	vm7 =	veq.s32 v27, $0x0  }
0x25d: {  	v25 =	vsel vm6, v28, v25;
	v27 =	vsel vm7, v28, v27;
	v28 =	vimm.s32 $0xC00  }
0x25e: {  	[tilespmem:v2+s9+$0x0] =	vst.idx.msk $0xffff, v25  }
0x25f: {  	[tilespmem:v5+s9+$0x0] =	vst.idx.msk $0xffff, v27  }
0x260: {  	v25 =	vld [tilespmem:$0x2000]  }
0x261: {  	v27 =	vld [tilespmem:$0x2004]  }
0x262: {  	v28 =	vld.idx.msk [tilespmem:v28+s11+$0x0], $0xffff;
	_ =	sdelay $0x3  }
0x263: {  	vm8 =	veq.s32 v25, $0x0;
	vm9 =	veq.s32 v27, $0x0  }
0x264: {  	v25 =	vsel vm8, v28, v25;
	v27 =	vsel vm9, v28, v27;
	v28 =	vimm.s32 $0xC80  }
0x265: {  	[tilespmem:v8+s9+$0x0] =	vst.idx.msk $0xffff, v25  }
0x266: {  	[tilespmem:v11+s9+$0x0] =	vst.idx.msk $0xffff, v27  }
0x267: {  	v25 =	vld [tilespmem:$0x2080]  }
0x268: {  	v27 =	vld [tilespmem:$0x2084]  }
0x269: {  	v28 =	vld.idx.msk [tilespmem:v28+s11+$0x0], $0xffff;
	_ =	sdelay $0x3  }
0x26a: {  	vm10 =	veq.s32 v25, $0x0;
	vm11 =	veq.s32 v27, $0x0  }
0x26b: {  	v25 =	vsel vm10, v28, v25;
	v27 =	vsel vm11, v28, v27;
	v28 =	vimm.s32 $0xD00  }
0x26c: {  	[tilespmem:v14+s9+$0x0] =	vst.idx.msk $0xffff, v25  }
0x26d: {  	[tilespmem:v17+s9+$0x0] =	vst.idx.msk $0xffff, v27  }
0x26e: {  	v25 =	vld [tilespmem:$0x2100]  }
0x26f: {  	v27 =	vld [tilespmem:$0x2104]  }
0x270: {  	v28 =	vld.idx.msk [tilespmem:v28+s11+$0x0], $0xffff;
	_ =	sdelay $0x3  }
0x271: {  	vm12 =	veq.s32 v25, $0x0;
	vm13 =	veq.s32 v27, $0x0  }
0x272: {  	v25 =	vsel vm12, v28, v25;
	v27 =	vsel vm13, v28, v27;
	v28 =	vimm.s32 $0xD80  }
0x273: {  	[tilespmem:v20+s9+$0x0] =	vst.idx.msk $0xffff, v25  }
0x274: {  	[tilespmem:v23+s9+$0x0] =	vst.idx.msk $0xffff, v27  }
0x275: {  	v25 =	vld [tilespmem:$0x2180]  }
0x276: {  	v27 =	vld [tilespmem:$0x2184]  }
0x277: {  	v28 =	vld.idx.msk [tilespmem:v28+s11+$0x0], $0xffff;
	_ =	sdelay $0x3  }
0x278: {  	vm14 =	veq.s32 v25, $0x0;
	vm15 =	veq.s32 v27, $0x0  }
0x279: {  	v25 =	vsel vm14, v28, v25;
	v27 =	vsel vm15, v28, v27;
	v28 =	vimm.s32 $0xE00  }
0x27a: {  	[tilespmem:v26+s9+$0x0] =	vst.idx.msk $0xffff, v25  }
0x27b: {  	[tilespmem:v29+s9+$0x0] =	vst.idx.msk $0xffff, v27  }
0x27c: {  	v25 =	vld [tilespmem:$0x2200]  }
0x27d: {  	v27 =	vld [tilespmem:$0x2204]  }
0x27e: {  	v28 =	vld.idx.msk [tilespmem:v28+s11+$0x0], $0xffff;
	_ =	sdelay $0x3  }
0x27f: {  	vm4 =	veq.s32 v25, $0x0;
	vm5 =	veq.s32 v27, $0x0  }
0x280: {  	v25 =	vsel vm4, v28, v25;
	v27 =	vsel vm5, v28, v27;
	v28 =	vimm.s32 $0xE80  }
0x281: {  	[tilespmem:v32+s9+$0x0] =	vst.idx.msk $0xffff, v25  }
0x282: {  	[tilespmem:v35+s9+$0x0] =	vst.idx.msk $0xffff, v27  }
0x283: {  	v25 =	vld [tilespmem:$0x2280]  }
0x284: {  	v27 =	vld [tilespmem:$0x2284]  }
0x285: {  	v28 =	vld.idx.msk [tilespmem:v28+s11+$0x0], $0xffff;
	_ =	sdelay $0x3  }
0x286: {  	vm6 =	veq.s32 v25, $0x0;
	vm7 =	veq.s32 v27, $0x0  }
0x287: {  	v25 =	vsel vm6, v28, v25;
	v27 =	vsel vm7, v28, v27;
	v28 =	vimm.s32 $0xF00  }
0x288: {  	[tilespmem:v38+s9+$0x0] =	vst.idx.msk $0xffff, v25  }
0x289: {  	[tilespmem:v41+s9+$0x0] =	vst.idx.msk $0xffff, v27  }
0x28a: {  	v25 =	vld [tilespmem:$0x2300]  }
0x28b: {  	v27 =	vld [tilespmem:$0x2304]  }
0x28c: {  	v28 =	vld.idx.msk [tilespmem:v28+s11+$0x0], $0xffff;
	_ =	sdelay $0x3  }
0x28d: {  	vm8 =	veq.s32 v25, $0x0;
	vm9 =	veq.s32 v27, $0x0  }
0x28e: {  	v25 =	vsel vm8, v28, v25;
	v27 =	vsel vm9, v28, v27;
	v28 =	vimm.s32 $0xF80  }
0x28f: {  	[tilespmem:v44+s9+$0x0] =	vst.idx.msk $0xffff, v25  }
0x290: {  	[tilespmem:v47+s9+$0x0] =	vst.idx.msk $0xffff, v27  }
0x291: {  	v25 =	vld [tilespmem:$0x2380]  }
0x292: {  	v27 =	vld [tilespmem:$0x2384]  }
0x293: {  	v28 =	vld.idx.msk [tilespmem:v28+s11+$0x0], $0xffff;
	_ =	sdelay $0x3  }
0x294: {  	vm10 =	veq.s32 v25, $0x0;
	vm11 =	veq.s32 v27, $0x0  }
0x295: {  	v25 =	vsel vm10, v28, v25;
	v27 =	vsel vm11, v28, v27;
	v28 =	vimm.s32 $0x1000  }
0x296: {  	[tilespmem:v50+s9+$0x0] =	vst.idx.msk $0xffff, v25  }
0x297: {  	[tilespmem:v53+s9+$0x0] =	vst.idx.msk $0xffff, v27  }
0x298: {  	v25 =	vld [tilespmem:$0x2400]  }
0x299: {  	v27 =	vld [tilespmem:$0x2404]  }
0x29a: {  	v28 =	vld.idx.msk [tilespmem:v28+s11+$0x0], $0xffff;
	_ =	sdelay $0x3  }
0x29b: {  	vm12 =	veq.s32 v25, $0x0;
	vm13 =	veq.s32 v27, $0x0  }
0x29c: {  	v25 =	vsel vm12, v28, v25;
	v27 =	vsel vm13, v28, v27;
	v28 =	vimm.s32 $0x1080  }
0x29d: {  	[tilespmem:v1+s9+$0x0] =	vst.idx.msk $0xffff, v25  }
0x29e: {  	[tilespmem:v3+s9+$0x0] =	vst.idx.msk $0xffff, v27  }
0x29f: {  	v25 =	vld [tilespmem:$0x2480]  }
0x2a0: {  	v27 =	vld [tilespmem:$0x2484]  }
0x2a1: {  	v28 =	vld.idx.msk [tilespmem:v28+s11+$0x0], $0xffff;
	_ =	sdelay $0x3  }
0x2a2: {  	vm14 =	veq.s32 v25, $0x0;
	vm15 =	veq.s32 v27, $0x0  }
0x2a3: {  	v25 =	vsel vm14, v28, v25;
	v27 =	vsel vm15, v28, v27;
	v28 =	vimm.s32 $0x1100  }
0x2a4: {  	[tilespmem:v4+s9+$0x0] =	vst.idx.msk $0xffff, v25  }
0x2a5: {  	[tilespmem:v6+s9+$0x0] =	vst.idx.msk $0xffff, v27  }
0x2a6: {  	v25 =	vld [tilespmem:$0x2500]  }
0x2a7: {  	v27 =	vld [tilespmem:$0x2504]  }
0x2a8: {  	v28 =	vld.idx.msk [tilespmem:v28+s11+$0x0], $0xffff;
	_ =	sdelay $0x3  }
0x2a9: {  	vm4 =	veq.s32 v25, $0x0;
	vm5 =	veq.s32 v27, $0x0  }
0x2aa: {  	v25 =	vsel vm4, v28, v25;
	v27 =	vsel vm5, v28, v27;
	v28 =	vimm.s32 $0x1180  }
0x2ab: {  	[tilespmem:v7+s9+$0x0] =	vst.idx.msk $0xffff, v25  }
0x2ac: {  	[tilespmem:v9+s9+$0x0] =	vst.idx.msk $0xffff, v27  }
0x2ad: {  	v25 =	vld [tilespmem:$0x2580]  }
0x2ae: {  	v27 =	vld [tilespmem:$0x2584]  }
0x2af: {  	v28 =	vld.idx.msk [tilespmem:v28+s11+$0x0], $0xffff;
	_ =	sdelay $0x3  }
0x2b0: {  	vm6 =	veq.s32 v25, $0x0;
	vm7 =	veq.s32 v27, $0x0  }
0x2b1: {  	v25 =	vsel vm6, v28, v25;
	v27 =	vsel vm7, v28, v27;
	v28 =	vimm.s32 $0x1200  }
0x2b2: {  	[tilespmem:v10+s9+$0x0] =	vst.idx.msk $0xffff, v25  }
0x2b3: {  	[tilespmem:v12+s9+$0x0] =	vst.idx.msk $0xffff, v27  }
0x2b4: {  	v25 =	vld [tilespmem:$0x2600]  }
0x2b5: {  	v27 =	vld [tilespmem:$0x2604]  }
0x2b6: {  	v28 =	vld.idx.msk [tilespmem:v28+s11+$0x0], $0xffff;
	_ =	sdelay $0x3  }
0x2b7: {  	vm8 =	veq.s32 v25, $0x0;
	vm9 =	veq.s32 v27, $0x0  }
0x2b8: {  	v25 =	vsel vm8, v28, v25;
	v27 =	vsel vm9, v28, v27;
	v28 =	vimm.s32 $0x1280  }
0x2b9: {  	[tilespmem:v13+s9+$0x0] =	vst.idx.msk $0xffff, v25  }
0x2ba: {  	[tilespmem:v15+s9+$0x0] =	vst.idx.msk $0xffff, v27  }
0x2bb: {  	v25 =	vld [tilespmem:$0x2680]  }
0x2bc: {  	v27 =	vld [tilespmem:$0x2684]  }
0x2bd: {  	v28 =	vld.idx.msk [tilespmem:v28+s11+$0x0], $0xffff;
	_ =	sdelay $0x3  }
0x2be: {  	vm10 =	veq.s32 v25, $0x0;
	vm11 =	veq.s32 v27, $0x0  }
0x2bf: {  	v25 =	vsel vm10, v28, v25;
	v27 =	vsel vm11, v28, v27;
	v28 =	vimm.s32 $0x1300  }
0x2c0: {  	[tilespmem:v16+s9+$0x0] =	vst.idx.msk $0xffff, v25  }
0x2c1: {  	[tilespmem:v18+s9+$0x0] =	vst.idx.msk $0xffff, v27  }
0x2c2: {  	v25 =	vld [tilespmem:$0x2700]  }
0x2c3: {  	v27 =	vld [tilespmem:$0x2704]  }
0x2c4: {  	v28 =	vld.idx.msk [tilespmem:v28+s11+$0x0], $0xffff;
	_ =	sdelay $0x3  }
0x2c5: {  	vm12 =	veq.s32 v25, $0x0;
	vm13 =	veq.s32 v27, $0x0  }
0x2c6: {  	v25 =	vsel vm12, v28, v25;
	v27 =	vsel vm13, v28, v27;
	v28 =	vimm.s32 $0x1380  }
0x2c7: {  	[tilespmem:v19+s9+$0x0] =	vst.idx.msk $0xffff, v25  }
0x2c8: {  	[tilespmem:v21+s9+$0x0] =	vst.idx.msk $0xffff, v27  }
0x2c9: {  	v25 =	vld [tilespmem:$0x2780]  }
0x2ca: {  	v27 =	vld [tilespmem:$0x2784]  }
0x2cb: {  	v28 =	vld.idx.msk [tilespmem:v28+s11+$0x0], $0xffff;
	_ =	sdelay $0x3  }
0x2cc: {  	vm14 =	veq.s32 v25, $0x0  }
0x2cd: {  	vm15 =	veq.s32 v27, $0x0;
	v25 =	vsel vm14, v28, v25  }
0x2ce: {  	v27 =	vsel vm15, v28, v27;
	[tilespmem:v22+s9+$0x0] =	vst.idx.msk $0xffff, v25  }
0x2cf: {  	s20 =	simm.s32 $0x9240;
	[tilespmem:v24+s9+$0x0] =	vst.idx.msk $0xffff, v27  }
0x2d0: {  	[tilespmem:s20], [sflag:$0x4] =	stream.indirect.gather [hbm4b:s6+s14], $0x20, s9, s14, $0xb8;
	[tilespmem:$0x10A40] =	vst v63  }
0x2d1: {  	s23 =	simm.s32 $0x2B70;
	s21 =	simm.s32 $0x9C40  }
0x2d2: {  	[tilespmem:s21], [sflag:$0x4] =	stream.indirect.gather [hbm4b:s6+s14], $0x20, s23, s14, $0xb8;
	[tilespmem:$0x10A40] =	vst v63  }
0x2d3: {  	s22 =	simm.s32 $0x2BC0;
	s23 =	simm.s32 $0xA640  }
0x2d4: {  	[tilespmem:s23], [sflag:$0x4] =	stream.indirect.gather [hbm4b:s6+s14], $0x20, s22, s14, $0xb8;
	[tilespmem:$0x10A40] =	vst v63  }
0x2d5: {  	s22 =	simm.s32 $0x2C10;
	s23 =	simm.s32 $0xB040  }
0x2d6: {  	[tilespmem:s23], [sflag:$0x4] =	stream.indirect.gather [hbm4b:s6+s14], $0x20, s22, s14, $0xb8;
	[tilespmem:$0x10A40] =	vst v63  }
0x2d7: {  	s22 =	simm.s32 $0x2C60;
	s23 =	simm.s32 $0xBA40  }
0x2d8: {  	[tilespmem:s23], [sflag:$0x4] =	stream.indirect.gather [hbm4b:s6+s14], $0x20, s22, s14, $0xb8;
	[tilespmem:$0x10A40] =	vst v63  }
0x2d9: {  	s22 =	simm.s32 $0x2CB0;
	s23 =	simm.s32 $0xC440  }
0x2da: {  	[tilespmem:s23], [sflag:$0x4] =	stream.indirect.gather [hbm4b:s6+s14], $0x20, s22, s14, $0xb8;
	[tilespmem:$0x10A40] =	vst v63  }
0x2db: {  	p0 =	sgt.u32 s19, $0x481;
	s22 =	simm.s32 $0x2D00;
	s23 =	simm.s32 $0xCE40  }
0x2dc: {  	[tilespmem:s23], [sflag:$0x4] =	stream.indirect.gather [hbm4b:s6+s14], $0x20, s22, s14, $0xb8;
	[tilespmem:$0x10A40] =	vst v63  }
0x2dd: {  	s20 =	smul.u32 @!p0 $0x1400, s19;
	s22 =	simm.s32 $0x2D50;
	s23 =	simm.s32 $0xD840  }
0x2de: {  	[tilespmem:s23], [sflag:$0x4] =	stream.indirect.gather [hbm4b:s6+s14], $0x20, s22, s14, $0xb8;
	[tilespmem:$0x10A40] =	vst v63  }
0x2df: {  	s21 =	simm.s32 $0x2DA0;
	s20 =	sshrl.u32 @!p0 s20, $0x3;
	s22 =	simm.s32 $0xE240  }
0x2e0: {  	[tilespmem:s22], [sflag:$0x4] =	stream.indirect.gather [hbm4b:s6+s14], $0x20, s21, s14, $0xb8;
	[tilespmem:$0x10A40] =	vst v63  }
0x2e1: {  	s20 =	sadd.s32 @!p0 s5, s20;
	s23 =	simm.s32 $0x2DF0;
	s22 =	simm.s32 $0xEC40  }
0x2e2: {  	[tilespmem:s22], [sflag:$0x4] =	stream.indirect.gather [hbm4b:s6+s14], $0x20, s23, s14, $0xb8;
	[tilespmem:$0x10A40] =	vst v63  }
0x2e3: {  	s20 =	sadd.s32 @!p0 $0xF000, s20;
	s21 =	simm.s32 @!p0 $0x0;
	s22 =	simm.s32 @!p0 $0x1400  }
0x2e4: {  	[tilespmem:s22], [sflag:$0x2] =	stream.linear.gather @!p0 [hbm4b:s20+s21], $0x1400, $0x38;
	[tilespmem:$0x10A40] =	vst v63  }
.LBB2_4:
0x2e5: {  	_ =	swait.ge [sflag:s10], $0xA00  }
0x2e6: {  	[sflag:s10] =	ssyncset.done $0x0  }
0x2e7: {  	[sflag:s10] =	ssyncadd.s32 $0xFFFFF600  }
0x2e8: {  	_ =	swait.ge [sflag:s10], $0xA00  }
0x2e9: {  	[sflag:s10] =	ssyncset.done $0x0  }
0x2ea: {  	[sflag:s10] =	ssyncadd.s32 $0xFFFFF600  }
0x2eb: {  	_ =	swait.ge [sflag:s10], $0xA00  }
0x2ec: {  	[sflag:s10] =	ssyncset.done $0x0  }
0x2ed: {  	[sflag:s10] =	ssyncadd.s32 $0xFFFFF600  }
0x2ee: {  	_ =	swait.ge [sflag:s10], $0xA00  }
0x2ef: {  	[sflag:s10] =	ssyncset.done $0x0  }
0x2f0: {  	[sflag:s10] =	ssyncadd.s32 $0xFFFFF600  }
0x2f1: {  	_ =	swait.ge [sflag:s10], $0xA00  }
0x2f2: {  	[sflag:s10] =	ssyncset.done $0x0  }
0x2f3: {  	[sflag:s10] =	ssyncadd.s32 $0xFFFFF600  }
0x2f4: {  	_ =	swait.ge [sflag:s10], $0xA00  }
0x2f5: {  	[sflag:s10] =	ssyncset.done $0x0  }
0x2f6: {  	[sflag:s10] =	ssyncadd.s32 $0xFFFFF600  }
0x2f7: {  	_ =	swait.ge [sflag:s10], $0xA00  }
0x2f8: {  	[sflag:s10] =	ssyncset.done $0x0  }
0x2f9: {  	[sflag:s10] =	ssyncadd.s32 $0xFFFFF600  }
0x2fa: {  	_ =	swait.ge [sflag:s10], $0xA00  }
0x2fb: {  	[sflag:s10] =	ssyncset.done $0x0  }
0x2fc: {  	[sflag:s10] =	ssyncadd.s32 $0xFFFFF600  }
0x2fd: {  	_ =	swait.ge [sflag:s10], $0xA00  }
0x2fe: {  	[sflag:s10] =	ssyncset.done $0x0  }
0x2ff: {  	[sflag:s10] =	ssyncadd.s32 $0xFFFFF600  }
0x300: {  	_ =	swait.ge [sflag:s10], $0xA00  }
0x301: {  	p0 =	seq.s32 s18, $0x0;
	[sflag:s10] =	ssyncset.done $0x0  }
0x302: {  	s20 =	simm.s32 @!p0 $0x5;
	[sflag:s10] =	ssyncadd.s32 $0xFFFFF600  }
0x303: {  	_ =	swait.ge @!p0 [sflag:s20], $0xA00  }
0x304: {  	[sflag:s20] =	ssyncset.done @!p0 $0x0  }
0x305: {  	[sflag:s20] =	ssyncadd.s32 @!p0 $0xFFFFF600;
	s20 =	simm.s32 $0x2F80  }
0x306: {  	v25 =	vld [tilespmem:s20+$0x20]  }
0x307: {  	v27 =	vld [tilespmem:s20+$0x0]  }
0x308: {  	v28 =	vld [tilespmem:s20+$0xFFFFFEE0]  }
0x309: {  	v30 =	vld [tilespmem:s20+$0xFFFFFEC0]  }
0x30a: {  	v31 =	vld [tilespmem:s20+$0xFFFFFF00]  }
0x30b: {  	v33 =	vld [tilespmem:s20+$0x40]  }
0x30c: {  	v34 =	vld [tilespmem:s20+$0x60]  }
0x30d: {  	v36 =	vld [tilespmem:s20+$0xFFFFFF20]  }
0x30e: {  	v28 =	vadd.bf16 v28, v30;
	v25 =	vadd.bf16 v25, v27;
	v27 =	vld [tilespmem:s20+$0x80]  }
0x30f: {  	v30 =	vld [tilespmem:s20+$0xFFFFFF40]  }
0x310: {  	v42 =	vld [tilespmem:s20+$0xFFFFFF60];
	v28 =	vadd.bf16 v31, v28;
	v25 =	vadd.bf16 v33, v25  }
0x311: {  	v31 =	vld [tilespmem:s20+$0xA0]  }
0x312: {  	v43 =	vld [tilespmem:s20+$0xC0];
	v28 =	vadd.bf16 v36, v28;
	v25 =	vadd.bf16 v34, v25  }
0x313: {  	v40 =	vld [tilespmem:s20+$0xFFFFFF80]  }
0x314: {  	v28 =	vadd.bf16 v30, v28;
	v25 =	vadd.bf16 v27, v25;
	v27 =	vld [tilespmem:s20+$0xE0]  }
0x315: {  	v30 =	vld [tilespmem:s20+$0xFFFFFFA0]  }
0x316: {  	v28 =	vadd.bf16 v42, v28;
	v25 =	vadd.bf16 v31, v25;
	v31 =	vld [tilespmem:s20+$0x100]  }
0x317: {  	v42 =	vld [tilespmem:s20+$0xFFFFFFC0]  }
0x318: {  	v28 =	vadd.bf16 v40, v28;
	v25 =	vadd.bf16 v43, v25;
	v43 =	vld [tilespmem:s20+$0x120]  }
0x319: {  	v40 =	vld [tilespmem:s20+$0xFFFFFFE0]  }
0x31a: {  	v28 =	vadd.bf16 v30, v28;
	v25 =	vadd.bf16 v27, v25;
	_ =	sdelay $0x1  }
0x31b: {  	v27 =	vadd.bf16 v42, v28;
	v25 =	vadd.bf16 v31, v25;
	_ =	sdelay $0x1  }
0x31c: {  	v27 =	vadd.bf16 v40, v27;
	v28 =	vadd.bf16 v43, v25;
	v25 =	vmul.u32 $0x2, v0  }
0x31d: {  	s22 =	simm.s32 $0x0  }
0x31e: {  	v28 =	vadd.bf16 v28, v27;
	v30 =	vor.u32 s22, v25;
	v27 =	vor.u32 $0x1, v25  }
0x31f: {  	v31 =	vor.u32 s22, v27  }
0x320: {  	v42 =	vunpack.i.l.bf16.f32 v28  }
0x321: {  	v28 =	vunpack.i.u.bf16.f32 v28;
	v33 =	vmul.f32 $5.000000070e-02, v42  }
0x322: {  	v28 =	vmul.f32 $5.000000070e-02, v28  }
0x323: {  	[tilespmem:v30+s15+$0x0] =	vst.idx.msk $0xffff, v33  }
0x324: {  	[tilespmem:v31+s15+$0x0] =	vst.idx.msk $0xffff, v28  }
0x325: {  	v28 =	vld [tilespmem:s20+$0xFFFFFED0]  }
0x326: {  	v30 =	vld [tilespmem:s20+$0x10]  }
0x327: {  	v31 =	vld [tilespmem:s20+$0xFFFFFEF0]  }
0x328: {  	v33 =	vld [tilespmem:s20+$0x30]  }
0x329: {  	v34 =	vld [tilespmem:s20+$0xFFFFFF10]  }
0x32a: {  	v43 =	vld [tilespmem:s20+$0x50]  }
0x32b: {  	v37 =	vld [tilespmem:s20+$0xFFFFFF30]  }
0x32c: {  	v39 =	vld [tilespmem:s20+$0x70]  }
0x32d: {  	v42 =	vld [tilespmem:s20+$0x90];
	v28 =	vadd.bf16 v31, v28;
	v30 =	vadd.bf16 v33, v30  }
0x32e: {  	v31 =	vld [tilespmem:s20+$0xFFFFFF50]  }
0x32f: {  	v36 =	vld [tilespmem:s20+$0xB0];
	v28 =	vadd.bf16 v34, v28;
	v30 =	vadd.bf16 v43, v30  }
0x330: {  	v43 =	vld [tilespmem:s20+$0xFFFFFF70]  }
0x331: {  	v28 =	vadd.bf16 v37, v28;
	v30 =	vadd.bf16 v39, v30;
	v37 =	vld [tilespmem:s20+$0xFFFFFF90]  }
0x332: {  	v39 =	vld [tilespmem:s20+$0xD0]  }
0x333: {  	v33 =	vld [tilespmem:s20+$0xFFFFFFB0];
	v28 =	vadd.bf16 v31, v28;
	v30 =	vadd.bf16 v42, v30  }
0x334: {  	v34 =	vld [tilespmem:s20+$0xFFFFFFD0]  }
0x335: {  	v31 =	vld [tilespmem:s20+$0xF0];
	v40 =	vadd.bf16 v43, v28;
	v42 =	vadd.bf16 v36, v30  }
0x336: {  	v28 =	vor.u32 $0x20, v25;
	v36 =	vld [tilespmem:s20+$0x110]  }
0x337: {  	s21 =	simm.s32 $0x1;
	v30 =	vor.u32 $0x21, v25;
	v40 =	vadd.bf16 v37, v40;
	v39 =	vadd.bf16 v39, v42;
	v37 =	vld [tilespmem:s20+$0xFFFFFFF0]  }
.LBB2_5:
0x338: {  	p1 =	sne.s32 s21, $0x27  }
0x339: {  	v33 =	vadd.bf16 v33, v40;
	v40 =	vld [tilespmem:s20+$0x130];
	s20 =	sadd.s32 $0x280, s20;
	s23 =	smov.u32 s21;
	s21 =	sadd.s32 $0x1, s21  }
0x33a: {  	v31 =	vadd.bf16 v31, v39  }
0x33b: {  	v33 =	vadd.bf16 v34, v33  }
0x33c: {  	v31 =	vadd.bf16 v36, v31;
	_ =	sdelay $0x1  }
0x33d: {  	v33 =	vadd.bf16 v37, v33;
	v31 =	vadd.bf16 v40, v31;
	_ =	sdelay $0x1  }
0x33e: {  	v31 =	vadd.bf16 v31, v33;
	v33 =	vor.u32 s22, v28  }
0x33f: {  	v34 =	vor.u32 s22, v30  }
0x340: {  	v36 =	vunpack.i.u.bf16.f32 v31;
	v31 =	vunpack.i.l.bf16.f32 v31  }
0x341: {  	v31 =	vmul.f32 $5.000000070e-02, v31  }
0x342: {  	v36 =	vmul.f32 $5.000000070e-02, v36  }
0x343: {  	[tilespmem:v33+s15+$0x0] =	vst.idx.msk $0xffff, v31  }
0x344: {  	[tilespmem:v34+s15+$0x0] =	vst.idx.msk $0xffff, v36  }
0x345: {  	v31 =	vld [tilespmem:s20+$0x20]  }
0x346: {  	v33 =	vld [tilespmem:s20+$0x0]  }
0x347: {  	v34 =	vld [tilespmem:s20+$0xFFFFFEE0]  }
0x348: {  	v36 =	vld [tilespmem:s20+$0xFFFFFEC0]  }
0x349: {  	v37 =	vld [tilespmem:s20+$0xFFFFFF00]  }
0x34a: {  	v39 =	vld [tilespmem:s20+$0x40]  }
0x34b: {  	v40 =	vld [tilespmem:s20+$0x60]  }
0x34c: {  	v42 =	vld [tilespmem:s20+$0xFFFFFF20]  }
0x34d: {  	v31 =	vadd.bf16 v31, v33;
	v34 =	vadd.bf16 v34, v36;
	v33 =	vld [tilespmem:s20+$0x80]  }
0x34e: {  	v36 =	vld [tilespmem:s20+$0xFFFFFF40]  }
0x34f: {  	v34 =	vadd.bf16 v37, v34;
	v31 =	vadd.bf16 v39, v31;
	v37 =	vld [tilespmem:s20+$0xA0]  }
0x350: {  	v39 =	vld [tilespmem:s20+$0xFFFFFF60]  }
0x351: {  	v34 =	vadd.bf16 v42, v34;
	v31 =	vadd.bf16 v40, v31;
	v40 =	vld [tilespmem:s20+$0xC0]  }
0x352: {  	v42 =	vld [tilespmem:s20+$0xFFFFFF80]  }
0x353: {  	v34 =	vadd.bf16 v36, v34;
	v31 =	vadd.bf16 v33, v31;
	v33 =	vld [tilespmem:s20+$0xE0]  }
0x354: {  	v36 =	vld [tilespmem:s20+$0xFFFFFFA0]  }
0x355: {  	v34 =	vadd.bf16 v39, v34;
	v31 =	vadd.bf16 v37, v31;
	v37 =	vld [tilespmem:s20+$0x100]  }
0x356: {  	v39 =	vld [tilespmem:s20+$0xFFFFFFC0]  }
0x357: {  	v34 =	vadd.bf16 v42, v34;
	v31 =	vadd.bf16 v40, v31;
	v40 =	vld [tilespmem:s20+$0x120]  }
0x358: {  	v42 =	vld [tilespmem:s20+$0xFFFFFFE0]  }
0x359: {  	v34 =	vadd.bf16 v36, v34;
	v31 =	vadd.bf16 v33, v31;
	_ =	sdelay $0x1  }
0x35a: {  	v33 =	vadd.bf16 v39, v34;
	v31 =	vadd.bf16 v37, v31;
	_ =	sdelay $0x1  }
0x35b: {  	v33 =	vadd.bf16 v42, v33;
	v31 =	vadd.bf16 v40, v31  }
0x35c: {  	s22 =	sshll.u32 s23, $0x6  }
0x35d: {  	v31 =	vadd.bf16 v31, v33;
	v33 =	vor.u32 s22, v25  }
0x35e: {  	v34 =	vor.u32 s22, v27  }
0x35f: {  	v36 =	vunpack.i.u.bf16.f32 v31;
	v31 =	vunpack.i.l.bf16.f32 v31  }
0x360: {  	v31 =	vmul.f32 $5.000000070e-02, v31  }
0x361: {  	v36 =	vmul.f32 $5.000000070e-02, v36  }
0x362: {  	[tilespmem:v33+s15+$0x0] =	vst.idx.msk $0xffff, v31  }
0x363: {  	[tilespmem:v34+s15+$0x0] =	vst.idx.msk $0xffff, v36  }
0x364: {  	v31 =	vld [tilespmem:s20+$0xFFFFFED0]  }
0x365: {  	v33 =	vld [tilespmem:s20+$0x10]  }
0x366: {  	v34 =	vld [tilespmem:s20+$0xFFFFFEF0]  }
0x367: {  	v36 =	vld [tilespmem:s20+$0x30]  }
0x368: {  	v37 =	vld [tilespmem:s20+$0xFFFFFF10]  }
0x369: {  	v39 =	vld [tilespmem:s20+$0x50]  }
0x36a: {  	v40 =	vld [tilespmem:s20+$0xFFFFFF30]  }
0x36b: {  	v31 =	vadd.bf16 v34, v31;
	v34 =	vld [tilespmem:s20+$0x70]  }
0x36c: {  	v33 =	vadd.bf16 v36, v33;
	v36 =	vld [tilespmem:s20+$0xFFFFFF50]  }
0x36d: {  	v31 =	vadd.bf16 v37, v31;
	v37 =	vld [tilespmem:s20+$0x90]  }
0x36e: {  	v33 =	vadd.bf16 v39, v33;
	v39 =	vld [tilespmem:s20+$0xFFFFFF70]  }
0x36f: {  	v31 =	vadd.bf16 v40, v31;
	v40 =	vld [tilespmem:s20+$0xB0]  }
0x370: {  	v33 =	vadd.bf16 v34, v33;
	v42 =	vld [tilespmem:s20+$0xFFFFFF90]  }
0x371: {  	v31 =	vadd.bf16 v36, v31;
	v43 =	vld [tilespmem:s20+$0xD0]  }
.Ltmp5:
0x372: {  	v34 =	vadd.bf16 v37, v33;
	v33 =	vld [tilespmem:s20+$0xFFFFFFB0];
	(pc) =	sbr.rel @p1 .LBB2_5-.Ltmp5, $4  }
0x373: {  	v36 =	vadd.bf16 v39, v31;
	v31 =	vld [tilespmem:s20+$0xF0]  }
0x374: {  	v37 =	vadd.bf16 v40, v34;
	v34 =	vld [tilespmem:s20+$0xFFFFFFD0]  }
0x375: {  	v40 =	vadd.bf16 v42, v36;
	v36 =	vld [tilespmem:s20+$0x110]  }
0x376: {  	v39 =	vadd.bf16 v43, v37;
	v37 =	vld [tilespmem:s20+$0xFFFFFFF0]  }
0x377: {  	v42 =	vld [tilespmem:s20+$0x130]  }
0x378: {  	v33 =	vadd.bf16 v33, v40;
	v31 =	vadd.bf16 v31, v39;
	_ =	sdelay $0x1  }
0x379: {  	v33 =	vadd.bf16 v34, v33;
	v31 =	vadd.bf16 v36, v31;
	_ =	sdelay $0x1  }
0x37a: {  	v33 =	vadd.bf16 v37, v33;
	v31 =	vadd.bf16 v42, v31;
	_ =	sdelay $0x1  }
0x37b: {  	v40 =	vor.u32 s22, v28;
	v31 =	vadd.bf16 v31, v33  }
0x37c: {  	s23 =	smul.u32 $0x140, s19;
	s19 =	sor.u32 $0x20, s19;
	v42 =	vor.u32 s22, v30  }
0x37d: {  	p1 =	sgt.u32 s19, $0x4C1;
	v43 =	vunpack.i.l.bf16.f32 v31  }
.Ltmp6:
0x37e: {  	v31 =	vunpack.i.u.bf16.f32 v31;
	v36 =	vmul.f32 $5.000000070e-02, v43;
	(pc) =	sbr.rel @p1 .LBB2_8-.Ltmp6, $4  }
0x37f: {  	v31 =	vmul.f32 $5.000000070e-02, v31  }
0x380: {  	[tilespmem:v40+s15+$0x0] =	vst.idx.msk $0xffff, v36  }
0x381: {  	s20 =	sadd.s32 s1, s23;
	[tilespmem:v42+s15+$0x0] =	vst.idx.msk $0xffff, v31  }
0x382: {  	[hbm4b:s20+s3] =	stream.linear.scatter [tilespmem:s15], [sflag:$0x5], $0xA00, $0x38;
	[tilespmem:$0x10A40] =	vst v63  }
0x383: {  	_ =	swait.ge [sflag:s12], $0x1400  }
0x384: {  	[sflag:s12] =	ssyncset.done $0x0  }
0x385: {  	[sflag:s12] =	ssyncadd.s32 $0xFFFFEC00  }
0x386: {  	v31 =	vld [tilespmem:$0x0]  }
0x387: {  	v34 =	vld.msk [tilespmem:s3+$0x0], $0xffff;
	_ =	sdelay $0x3  }
0x388: {  	vm0 =	veq.s32 v31, $0x0  }
0x389: {  	v33 =	vld [tilespmem:$0x4];
	v31 =	vsel vm0, v34, v31  }
0x38a: {  	[tilespmem:v0+s13+$0x0] =	vst.idx.msk $0xffff, v31;
	v31 =	vld [tilespmem:$0x1FE30];
	_ =	sdelay $0x4  }
0x38b: {  	v37 =	vimm.s32 $0x80  }
0x38c: {  	vm9 =	veq.s32 v33, $0x0  }
0x38d: {  	v33 =	vsel vm9, v34, v33  }
0x38e: {  	v39 =	vld [tilespmem:$0x1FE40];
	[tilespmem:v31+s13+$0x0] =	vst.idx.msk $0xffff, v33  }
0x38f: {  	v31 =	vld [tilespmem:$0x80]  }
0x390: {  	v34 =	vld.idx.msk [tilespmem:v37+s3+$0x0], $0xffff;
	_ =	sdelay $0x3  }
0x391: {  	vm10 =	veq.s32 v31, $0x0  }
0x392: {  	v33 =	vld [tilespmem:$0x84];
	v31 =	vsel vm10, v34, v31  }
0x393: {  	[tilespmem:v39+s13+$0x0] =	vst.idx.msk $0xffff, v31;
	v31 =	vld [tilespmem:$0x1FE50];
	_ =	sdelay $0x4  }
0x394: {  	v40 =	vimm.s32 $0x100  }
0x395: {  	vm11 =	veq.s32 v33, $0x0  }
0x396: {  	v33 =	vsel vm11, v34, v33  }
0x397: {  	v42 =	vld [tilespmem:$0x1FE60];
	[tilespmem:v31+s13+$0x0] =	vst.idx.msk $0xffff, v33  }
0x398: {  	v31 =	vld [tilespmem:$0x100]  }
0x399: {  	v34 =	vld.idx.msk [tilespmem:v40+s3+$0x0], $0xffff;
	_ =	sdelay $0x3  }
0x39a: {  	vm12 =	veq.s32 v31, $0x0  }
0x39b: {  	v33 =	vld [tilespmem:$0x104];
	v31 =	vsel vm12, v34, v31  }
0x39c: {  	[tilespmem:v42+s13+$0x0] =	vst.idx.msk $0xffff, v31;
	v31 =	vld [tilespmem:$0x1FE70];
	_ =	sdelay $0x4  }
0x39d: {  	v43 =	vimm.s32 $0x180  }
0x39e: {  	vm13 =	veq.s32 v33, $0x0  }
0x39f: {  	v33 =	vsel vm13, v34, v33  }
0x3a0: {  	v36 =	vld [tilespmem:$0x1FE80];
	[tilespmem:v31+s13+$0x0] =	vst.idx.msk $0xffff, v33  }
0x3a1: {  	v31 =	vld [tilespmem:$0x180]  }
0x3a2: {  	v34 =	vld.idx.msk [tilespmem:v43+s3+$0x0], $0xffff;
	_ =	sdelay $0x3  }
0x3a3: {  	vm14 =	veq.s32 v31, $0x0  }
0x3a4: {  	v33 =	vld [tilespmem:$0x184];
	v31 =	vsel vm14, v34, v31  }
0x3a5: {  	[tilespmem:v36+s13+$0x0] =	vst.idx.msk $0xffff, v31;
	v31 =	vld [tilespmem:$0x1FE90];
	_ =	sdelay $0x4  }
0x3a6: {  	v37 =	vimm.s32 $0x200  }
0x3a7: {  	vm15 =	veq.s32 v33, $0x0  }
0x3a8: {  	v33 =	vsel vm15, v34, v33  }
0x3a9: {  	v39 =	vld [tilespmem:$0x1FEA0];
	[tilespmem:v31+s13+$0x0] =	vst.idx.msk $0xffff, v33  }
0x3aa: {  	v31 =	vld [tilespmem:$0x200]  }
0x3ab: {  	v34 =	vld.idx.msk [tilespmem:v37+s3+$0x0], $0xffff;
	_ =	sdelay $0x3  }
0x3ac: {  	vm4 =	veq.s32 v31, $0x0  }
0x3ad: {  	v33 =	vld [tilespmem:$0x204];
	v31 =	vsel vm4, v34, v31  }
0x3ae: {  	[tilespmem:v39+s13+$0x0] =	vst.idx.msk $0xffff, v31;
	v31 =	vld [tilespmem:$0x1FEB0];
	_ =	sdelay $0x4  }
0x3af: {  	v40 =	vimm.s32 $0x280  }
0x3b0: {  	vm5 =	veq.s32 v33, $0x0  }
0x3b1: {  	v33 =	vsel vm5, v34, v33  }
0x3b2: {  	v42 =	vld [tilespmem:$0x1FEC0];
	[tilespmem:v31+s13+$0x0] =	vst.idx.msk $0xffff, v33  }
0x3b3: {  	v31 =	vld [tilespmem:$0x280]  }
0x3b4: {  	v34 =	vld.idx.msk [tilespmem:v40+s3+$0x0], $0xffff;
	_ =	sdelay $0x3  }
0x3b5: {  	vm6 =	veq.s32 v31, $0x0  }
0x3b6: {  	v33 =	vld [tilespmem:$0x284];
	v31 =	vsel vm6, v34, v31  }
0x3b7: {  	[tilespmem:v42+s13+$0x0] =	vst.idx.msk $0xffff, v31;
	v31 =	vld [tilespmem:$0x1FED0];
	_ =	sdelay $0x4  }
0x3b8: {  	v43 =	vimm.s32 $0x300  }
0x3b9: {  	vm7 =	veq.s32 v33, $0x0  }
0x3ba: {  	v33 =	vsel vm7, v34, v33  }
0x3bb: {  	v36 =	vld [tilespmem:$0x1FEE0];
	[tilespmem:v31+s13+$0x0] =	vst.idx.msk $0xffff, v33  }
0x3bc: {  	v31 =	vld [tilespmem:$0x300]  }
0x3bd: {  	v34 =	vld.idx.msk [tilespmem:v43+s3+$0x0], $0xffff;
	_ =	sdelay $0x3  }
0x3be: {  	vm8 =	veq.s32 v31, $0x0  }
0x3bf: {  	v33 =	vld [tilespmem:$0x304];
	v31 =	vsel vm8, v34, v31  }
0x3c0: {  	[tilespmem:v36+s13+$0x0] =	vst.idx.msk $0xffff, v31;
	v31 =	vld [tilespmem:$0x1FEF0];
	_ =	sdelay $0x4  }
0x3c1: {  	v37 =	vimm.s32 $0x380  }
0x3c2: {  	vm9 =	veq.s32 v33, $0x0  }
0x3c3: {  	v33 =	vsel vm9, v34, v33  }
0x3c4: {  	v39 =	vld [tilespmem:$0x1FF00];
	[tilespmem:v31+s13+$0x0] =	vst.idx.msk $0xffff, v33  }
0x3c5: {  	v31 =	vld [tilespmem:$0x380]  }
0x3c6: {  	v34 =	vld.idx.msk [tilespmem:v37+s3+$0x0], $0xffff;
	_ =	sdelay $0x3  }
0x3c7: {  	vm10 =	veq.s32 v31, $0x0  }
0x3c8: {  	v33 =	vld [tilespmem:$0x384];
	v31 =	vsel vm10, v34, v31  }
0x3c9: {  	[tilespmem:v39+s13+$0x0] =	vst.idx.msk $0xffff, v31;
	v31 =	vld [tilespmem:$0x1FF10];
	_ =	sdelay $0x4  }
0x3ca: {  	v40 =	vimm.s32 $0x400  }
0x3cb: {  	vm11 =	veq.s32 v33, $0x0  }
0x3cc: {  	v33 =	vsel vm11, v34, v33  }
0x3cd: {  	v42 =	vld [tilespmem:$0x1FF20];
	[tilespmem:v31+s13+$0x0] =	vst.idx.msk $0xffff, v33  }
0x3ce: {  	v31 =	vld [tilespmem:$0x400]  }
0x3cf: {  	v34 =	vld.idx.msk [tilespmem:v40+s3+$0x0], $0xffff;
	_ =	sdelay $0x3  }
0x3d0: {  	vm12 =	veq.s32 v31, $0x0  }
0x3d1: {  	v33 =	vld [tilespmem:$0x404];
	v31 =	vsel vm12, v34, v31  }
0x3d2: {  	[tilespmem:v42+s13+$0x0] =	vst.idx.msk $0xffff, v31;
	v31 =	vld [tilespmem:$0x1FF30];
	_ =	sdelay $0x4  }
0x3d3: {  	v43 =	vimm.s32 $0x480  }
0x3d4: {  	vm13 =	veq.s32 v33, $0x0  }
0x3d5: {  	v33 =	vsel vm13, v34, v33  }
0x3d6: {  	v36 =	vld [tilespmem:$0x1FF40];
	[tilespmem:v31+s13+$0x0] =	vst.idx.msk $0xffff, v33  }
0x3d7: {  	v31 =	vld [tilespmem:$0x480]  }
0x3d8: {  	v34 =	vld.idx.msk [tilespmem:v43+s3+$0x0], $0xffff;
	_ =	sdelay $0x3  }
0x3d9: {  	vm14 =	veq.s32 v31, $0x0  }
0x3da: {  	v33 =	vld [tilespmem:$0x484];
	v31 =	vsel vm14, v34, v31  }
0x3db: {  	[tilespmem:v36+s13+$0x0] =	vst.idx.msk $0xffff, v31;
	v31 =	vld [tilespmem:$0x1FF50];
	_ =	sdelay $0x4  }
0x3dc: {  	v37 =	vimm.s32 $0x500  }
0x3dd: {  	vm15 =	veq.s32 v33, $0x0  }
0x3de: {  	v33 =	vsel vm15, v34, v33  }
0x3df: {  	v39 =	vld [tilespmem:$0x1FF60];
	[tilespmem:v31+s13+$0x0] =	vst.idx.msk $0xffff, v33  }
0x3e0: {  	v31 =	vld [tilespmem:$0x500]  }
0x3e1: {  	v34 =	vld.idx.msk [tilespmem:v37+s3+$0x0], $0xffff;
	_ =	sdelay $0x3  }
0x3e2: {  	vm4 =	veq.s32 v31, $0x0  }
0x3e3: {  	v33 =	vld [tilespmem:$0x504];
	v31 =	vsel vm4, v34, v31  }
0x3e4: {  	[tilespmem:v39+s13+$0x0] =	vst.idx.msk $0xffff, v31;
	v31 =	vld [tilespmem:$0x1FF70];
	_ =	sdelay $0x4  }
0x3e5: {  	v40 =	vimm.s32 $0x580  }
0x3e6: {  	vm5 =	veq.s32 v33, $0x0  }
0x3e7: {  	v33 =	vsel vm5, v34, v33  }
0x3e8: {  	v42 =	vld [tilespmem:$0x1FF80];
	[tilespmem:v31+s13+$0x0] =	vst.idx.msk $0xffff, v33  }
0x3e9: {  	v31 =	vld [tilespmem:$0x580]  }
0x3ea: {  	v34 =	vld.idx.msk [tilespmem:v40+s3+$0x0], $0xffff;
	_ =	sdelay $0x3  }
0x3eb: {  	vm6 =	veq.s32 v31, $0x0  }
0x3ec: {  	v33 =	vld [tilespmem:$0x584];
	v31 =	vsel vm6, v34, v31  }
0x3ed: {  	[tilespmem:v42+s13+$0x0] =	vst.idx.msk $0xffff, v31;
	v31 =	vld [tilespmem:$0x1FF90];
	_ =	sdelay $0x4  }
0x3ee: {  	v43 =	vimm.s32 $0x600  }
0x3ef: {  	vm7 =	veq.s32 v33, $0x0  }
0x3f0: {  	v33 =	vsel vm7, v34, v33  }
0x3f1: {  	v36 =	vld [tilespmem:$0x1FFA0];
	[tilespmem:v31+s13+$0x0] =	vst.idx.msk $0xffff, v33  }
0x3f2: {  	v31 =	vld [tilespmem:$0x600]  }
0x3f3: {  	v34 =	vld.idx.msk [tilespmem:v43+s3+$0x0], $0xffff;
	_ =	sdelay $0x3  }
0x3f4: {  	vm8 =	veq.s32 v31, $0x0  }
0x3f5: {  	v33 =	vld [tilespmem:$0x604];
	v31 =	vsel vm8, v34, v31  }
0x3f6: {  	[tilespmem:v36+s13+$0x0] =	vst.idx.msk $0xffff, v31;
	v31 =	vld [tilespmem:$0x1FFB0];
	_ =	sdelay $0x4  }
0x3f7: {  	v37 =	vimm.s32 $0x680  }
0x3f8: {  	vm9 =	veq.s32 v33, $0x0  }
0x3f9: {  	v33 =	vsel vm9, v34, v33  }
0x3fa: {  	v39 =	vld [tilespmem:$0x1FFC0];
	[tilespmem:v31+s13+$0x0] =	vst.idx.msk $0xffff, v33  }
0x3fb: {  	v31 =	vld [tilespmem:$0x680]  }
0x3fc: {  	v34 =	vld.idx.msk [tilespmem:v37+s3+$0x0], $0xffff;
	_ =	sdelay $0x3  }
0x3fd: {  	vm10 =	veq.s32 v31, $0x0  }
0x3fe: {  	v33 =	vld [tilespmem:$0x684];
	v31 =	vsel vm10, v34, v31  }
0x3ff: {  	[tilespmem:v39+s13+$0x0] =	vst.idx.msk $0xffff, v31;
	v31 =	vld [tilespmem:$0x1FFD0];
	_ =	sdelay $0x4  }
0x400: {  	v40 =	vimm.s32 $0x700  }
0x401: {  	vm11 =	veq.s32 v33, $0x0  }
0x402: {  	v33 =	vsel vm11, v34, v33  }
0x403: {  	v42 =	vld [tilespmem:$0x1FFE0];
	[tilespmem:v31+s13+$0x0] =	vst.idx.msk $0xffff, v33  }
0x404: {  	v31 =	vld [tilespmem:$0x700]  }
0x405: {  	v34 =	vld.idx.msk [tilespmem:v40+s3+$0x0], $0xffff;
	_ =	sdelay $0x3  }
0x406: {  	vm12 =	veq.s32 v31, $0x0  }
0x407: {  	v33 =	vld [tilespmem:$0x704];
	v31 =	vsel vm12, v34, v31  }
0x408: {  	[tilespmem:v42+s13+$0x0] =	vst.idx.msk $0xffff, v31;
	v31 =	vld [tilespmem:$0x1FFF0];
	_ =	sdelay $0x5  }
0x409: {  	v43 =	vimm.s32 $0x780;
	vm13 =	veq.s32 v33, $0x0  }
0x40a: {  	v33 =	vsel vm13, v34, v33  }
0x40b: {  	[tilespmem:v31+s13+$0x0] =	vst.idx.msk $0xffff, v33  }
0x40c: {  	v31 =	vld [tilespmem:$0x780]  }
0x40d: {  	v33 =	vld [tilespmem:$0x784]  }
0x40e: {  	v34 =	vld.idx.msk [tilespmem:v43+s3+$0x0], $0xffff;
	_ =	sdelay $0x3  }
0x40f: {  	vm14 =	veq.s32 v31, $0x0  }
0x410: {  	v36 =	vimm.s32 $0x800;
	vm15 =	veq.s32 v33, $0x0;
	v31 =	vsel vm14, v34, v31  }
0x411: {  	v33 =	vsel vm15, v34, v33;
	[tilespmem:v45+s13+$0x0] =	vst.idx.msk $0xffff, v31  }
0x412: {  	[tilespmem:v46+s13+$0x0] =	vst.idx.msk $0xffff, v33  }
0x413: {  	v31 =	vld [tilespmem:$0x800]  }
0x414: {  	v33 =	vld [tilespmem:$0x804]  }
0x415: {  	v34 =	vld.idx.msk [tilespmem:v36+s3+$0x0], $0xffff;
	_ =	sdelay $0x3  }
0x416: {  	vm4 =	veq.s32 v31, $0x0  }
0x417: {  	v37 =	vimm.s32 $0x880;
	vm5 =	veq.s32 v33, $0x0;
	v31 =	vsel vm4, v34, v31  }
0x418: {  	v33 =	vsel vm5, v34, v33;
	[tilespmem:v48+s13+$0x0] =	vst.idx.msk $0xffff, v31  }
0x419: {  	[tilespmem:v49+s13+$0x0] =	vst.idx.msk $0xffff, v33  }
0x41a: {  	v31 =	vld [tilespmem:$0x880]  }
0x41b: {  	v33 =	vld [tilespmem:$0x884]  }
0x41c: {  	v34 =	vld.idx.msk [tilespmem:v37+s3+$0x0], $0xffff;
	_ =	sdelay $0x3  }
0x41d: {  	vm6 =	veq.s32 v31, $0x0  }
0x41e: {  	v39 =	vimm.s32 $0x900;
	vm7 =	veq.s32 v33, $0x0;
	v31 =	vsel vm6, v34, v31  }
0x41f: {  	v33 =	vsel vm7, v34, v33;
	[tilespmem:v51+s13+$0x0] =	vst.idx.msk $0xffff, v31  }
0x420: {  	[tilespmem:v52+s13+$0x0] =	vst.idx.msk $0xffff, v33  }
0x421: {  	v31 =	vld [tilespmem:$0x900]  }
0x422: {  	v33 =	vld [tilespmem:$0x904]  }
0x423: {  	v34 =	vld.idx.msk [tilespmem:v39+s3+$0x0], $0xffff;
	_ =	sdelay $0x3  }
0x424: {  	vm8 =	veq.s32 v31, $0x0  }
0x425: {  	v40 =	vimm.s32 $0x980;
	vm9 =	veq.s32 v33, $0x0;
	v31 =	vsel vm8, v34, v31  }
0x426: {  	v33 =	vsel vm9, v34, v33;
	[tilespmem:v54+s13+$0x0] =	vst.idx.msk $0xffff, v31  }
0x427: {  	[tilespmem:v55+s13+$0x0] =	vst.idx.msk $0xffff, v33  }
0x428: {  	v31 =	vld [tilespmem:$0x980]  }
0x429: {  	v33 =	vld [tilespmem:$0x984]  }
0x42a: {  	v34 =	vld.idx.msk [tilespmem:v40+s3+$0x0], $0xffff;
	_ =	sdelay $0x3  }
0x42b: {  	vm10 =	veq.s32 v31, $0x0  }
0x42c: {  	v42 =	vimm.s32 $0xA00;
	vm11 =	veq.s32 v33, $0x0;
	v31 =	vsel vm10, v34, v31  }
0x42d: {  	v33 =	vsel vm11, v34, v33;
	[tilespmem:v57+s13+$0x0] =	vst.idx.msk $0xffff, v31  }
0x42e: {  	[tilespmem:v58+s13+$0x0] =	vst.idx.msk $0xffff, v33  }
0x42f: {  	v31 =	vld [tilespmem:$0xA00]  }
0x430: {  	v33 =	vld [tilespmem:$0xA04]  }
0x431: {  	v34 =	vld.idx.msk [tilespmem:v42+s3+$0x0], $0xffff;
	_ =	sdelay $0x3  }
0x432: {  	vm12 =	veq.s32 v31, $0x0  }
0x433: {  	v43 =	vimm.s32 $0xA80;
	vm13 =	veq.s32 v33, $0x0;
	v31 =	vsel vm12, v34, v31  }
0x434: {  	v33 =	vsel vm13, v34, v33;
	[tilespmem:v60+s13+$0x0] =	vst.idx.msk $0xffff, v31  }
0x435: {  	[tilespmem:v61+s13+$0x0] =	vst.idx.msk $0xffff, v33  }
0x436: {  	v31 =	vld [tilespmem:$0xA80]  }
0x437: {  	v33 =	vld [tilespmem:$0xA84]  }
0x438: {  	v34 =	vld.idx.msk [tilespmem:v43+s3+$0x0], $0xffff;
	_ =	sdelay $0x3  }
0x439: {  	vm14 =	veq.s32 v31, $0x0  }
0x43a: {  	v36 =	vimm.s32 $0xB00;
	vm15 =	veq.s32 v33, $0x0;
	v31 =	vsel vm14, v34, v31  }
0x43b: {  	v33 =	vsel vm15, v34, v33;
	[tilespmem:v63+s13+$0x0] =	vst.idx.msk $0xffff, v31  }
0x43c: {  	[tilespmem:v56+s13+$0x0] =	vst.idx.msk $0xffff, v33  }
0x43d: {  	v31 =	vld [tilespmem:$0xB00]  }
0x43e: {  	v33 =	vld [tilespmem:$0xB04]  }
0x43f: {  	v34 =	vld.idx.msk [tilespmem:v36+s3+$0x0], $0xffff;
	_ =	sdelay $0x3  }
0x440: {  	vm4 =	veq.s32 v31, $0x0  }
0x441: {  	v37 =	vimm.s32 $0xB80;
	vm5 =	veq.s32 v33, $0x0;
	v31 =	vsel vm4, v34, v31  }
0x442: {  	v33 =	vsel vm5, v34, v33;
	[tilespmem:v59+s13+$0x0] =	vst.idx.msk $0xffff, v31  }
0x443: {  	[tilespmem:v62+s13+$0x0] =	vst.idx.msk $0xffff, v33  }
0x444: {  	v31 =	vld [tilespmem:$0xB80]  }
0x445: {  	v33 =	vld [tilespmem:$0xB84]  }
0x446: {  	v34 =	vld.idx.msk [tilespmem:v37+s3+$0x0], $0xffff;
	_ =	sdelay $0x3  }
0x447: {  	vm6 =	veq.s32 v31, $0x0  }
0x448: {  	v39 =	vimm.s32 $0xC00;
	vm7 =	veq.s32 v33, $0x0;
	v31 =	vsel vm6, v34, v31  }
0x449: {  	v33 =	vsel vm7, v34, v33;
	[tilespmem:v2+s13+$0x0] =	vst.idx.msk $0xffff, v31  }
0x44a: {  	[tilespmem:v5+s13+$0x0] =	vst.idx.msk $0xffff, v33  }
0x44b: {  	v31 =	vld [tilespmem:$0xC00]  }
0x44c: {  	v33 =	vld [tilespmem:$0xC04]  }
0x44d: {  	v34 =	vld.idx.msk [tilespmem:v39+s3+$0x0], $0xffff;
	_ =	sdelay $0x3  }
0x44e: {  	vm8 =	veq.s32 v31, $0x0  }
0x44f: {  	v40 =	vimm.s32 $0xC80;
	vm9 =	veq.s32 v33, $0x0;
	v31 =	vsel vm8, v34, v31  }
0x450: {  	v33 =	vsel vm9, v34, v33;
	[tilespmem:v8+s13+$0x0] =	vst.idx.msk $0xffff, v31  }
0x451: {  	[tilespmem:v11+s13+$0x0] =	vst.idx.msk $0xffff, v33  }
0x452: {  	v31 =	vld [tilespmem:$0xC80]  }
0x453: {  	v33 =	vld [tilespmem:$0xC84]  }
0x454: {  	v34 =	vld.idx.msk [tilespmem:v40+s3+$0x0], $0xffff;
	_ =	sdelay $0x3  }
0x455: {  	vm10 =	veq.s32 v31, $0x0  }
0x456: {  	v42 =	vimm.s32 $0xD00;
	vm11 =	veq.s32 v33, $0x0;
	v31 =	vsel vm10, v34, v31  }
0x457: {  	v33 =	vsel vm11, v34, v33;
	[tilespmem:v14+s13+$0x0] =	vst.idx.msk $0xffff, v31  }
0x458: {  	[tilespmem:v17+s13+$0x0] =	vst.idx.msk $0xffff, v33  }
0x459: {  	v31 =	vld [tilespmem:$0xD00]  }
0x45a: {  	v33 =	vld [tilespmem:$0xD04]  }
0x45b: {  	v34 =	vld.idx.msk [tilespmem:v42+s3+$0x0], $0xffff;
	_ =	sdelay $0x3  }
0x45c: {  	vm12 =	veq.s32 v31, $0x0  }
0x45d: {  	v43 =	vimm.s32 $0xD80;
	vm13 =	veq.s32 v33, $0x0;
	v31 =	vsel vm12, v34, v31  }
0x45e: {  	v33 =	vsel vm13, v34, v33;
	[tilespmem:v20+s13+$0x0] =	vst.idx.msk $0xffff, v31  }
0x45f: {  	[tilespmem:v23+s13+$0x0] =	vst.idx.msk $0xffff, v33  }
0x460: {  	v31 =	vld [tilespmem:$0xD80]  }
0x461: {  	v33 =	vld [tilespmem:$0xD84]  }
0x462: {  	v34 =	vld.idx.msk [tilespmem:v43+s3+$0x0], $0xffff;
	_ =	sdelay $0x3  }
0x463: {  	vm14 =	veq.s32 v31, $0x0  }
0x464: {  	v36 =	vimm.s32 $0xE00;
	vm15 =	veq.s32 v33, $0x0;
	v31 =	vsel vm14, v34, v31  }
0x465: {  	v33 =	vsel vm15, v34, v33;
	[tilespmem:v26+s13+$0x0] =	vst.idx.msk $0xffff, v31  }
0x466: {  	[tilespmem:v29+s13+$0x0] =	vst.idx.msk $0xffff, v33  }
0x467: {  	v31 =	vld [tilespmem:$0xE00]  }
0x468: {  	v33 =	vld [tilespmem:$0xE04]  }
0x469: {  	v34 =	vld.idx.msk [tilespmem:v36+s3+$0x0], $0xffff;
	_ =	sdelay $0x3  }
0x46a: {  	vm4 =	veq.s32 v31, $0x0  }
0x46b: {  	v37 =	vimm.s32 $0xE80;
	vm5 =	veq.s32 v33, $0x0;
	v31 =	vsel vm4, v34, v31  }
0x46c: {  	v33 =	vsel vm5, v34, v33;
	[tilespmem:v32+s13+$0x0] =	vst.idx.msk $0xffff, v31  }
0x46d: {  	[tilespmem:v35+s13+$0x0] =	vst.idx.msk $0xffff, v33  }
0x46e: {  	v31 =	vld [tilespmem:$0xE80]  }
0x46f: {  	v33 =	vld [tilespmem:$0xE84]  }
0x470: {  	v34 =	vld.idx.msk [tilespmem:v37+s3+$0x0], $0xffff;
	_ =	sdelay $0x3  }
0x471: {  	vm6 =	veq.s32 v31, $0x0  }
0x472: {  	v39 =	vimm.s32 $0xF00;
	vm7 =	veq.s32 v33, $0x0;
	v31 =	vsel vm6, v34, v31  }
0x473: {  	v33 =	vsel vm7, v34, v33;
	[tilespmem:v38+s13+$0x0] =	vst.idx.msk $0xffff, v31  }
0x474: {  	[tilespmem:v41+s13+$0x0] =	vst.idx.msk $0xffff, v33  }
0x475: {  	v31 =	vld [tilespmem:$0xF00]  }
0x476: {  	v33 =	vld [tilespmem:$0xF04]  }
0x477: {  	v34 =	vld.idx.msk [tilespmem:v39+s3+$0x0], $0xffff;
	_ =	sdelay $0x3  }
0x478: {  	vm8 =	veq.s32 v31, $0x0  }
0x479: {  	v40 =	vimm.s32 $0xF80;
	vm9 =	veq.s32 v33, $0x0;
	v31 =	vsel vm8, v34, v31  }
0x47a: {  	v33 =	vsel vm9, v34, v33;
	[tilespmem:v44+s13+$0x0] =	vst.idx.msk $0xffff, v31  }
0x47b: {  	[tilespmem:v47+s13+$0x0] =	vst.idx.msk $0xffff, v33  }
0x47c: {  	v31 =	vld [tilespmem:$0xF80]  }
0x47d: {  	v33 =	vld [tilespmem:$0xF84]  }
0x47e: {  	v34 =	vld.idx.msk [tilespmem:v40+s3+$0x0], $0xffff;
	_ =	sdelay $0x3  }
0x47f: {  	vm10 =	veq.s32 v31, $0x0  }
0x480: {  	v42 =	vimm.s32 $0x1000;
	vm11 =	veq.s32 v33, $0x0;
	v31 =	vsel vm10, v34, v31  }
0x481: {  	v33 =	vsel vm11, v34, v33;
	[tilespmem:v50+s13+$0x0] =	vst.idx.msk $0xffff, v31  }
0x482: {  	[tilespmem:v53+s13+$0x0] =	vst.idx.msk $0xffff, v33  }
0x483: {  	v31 =	vld [tilespmem:$0x1000]  }
0x484: {  	v33 =	vld [tilespmem:$0x1004]  }
0x485: {  	v34 =	vld.idx.msk [tilespmem:v42+s3+$0x0], $0xffff;
	_ =	sdelay $0x3  }
0x486: {  	vm12 =	veq.s32 v31, $0x0  }
0x487: {  	v43 =	vimm.s32 $0x1080;
	vm13 =	veq.s32 v33, $0x0;
	v31 =	vsel vm12, v34, v31  }
0x488: {  	v33 =	vsel vm13, v34, v33;
	[tilespmem:v1+s13+$0x0] =	vst.idx.msk $0xffff, v31  }
0x489: {  	[tilespmem:v3+s13+$0x0] =	vst.idx.msk $0xffff, v33  }
0x48a: {  	v31 =	vld [tilespmem:$0x1080]  }
0x48b: {  	v33 =	vld [tilespmem:$0x1084]  }
0x48c: {  	v34 =	vld.idx.msk [tilespmem:v43+s3+$0x0], $0xffff;
	_ =	sdelay $0x3  }
0x48d: {  	vm14 =	veq.s32 v31, $0x0  }
0x48e: {  	v36 =	vimm.s32 $0x1100;
	vm15 =	veq.s32 v33, $0x0;
	v31 =	vsel vm14, v34, v31  }
0x48f: {  	v33 =	vsel vm15, v34, v33;
	[tilespmem:v4+s13+$0x0] =	vst.idx.msk $0xffff, v31  }
0x490: {  	[tilespmem:v6+s13+$0x0] =	vst.idx.msk $0xffff, v33  }
0x491: {  	v31 =	vld [tilespmem:$0x1100]  }
0x492: {  	v33 =	vld [tilespmem:$0x1104]  }
0x493: {  	v34 =	vld.idx.msk [tilespmem:v36+s3+$0x0], $0xffff;
	_ =	sdelay $0x3  }
0x494: {  	vm4 =	veq.s32 v31, $0x0  }
0x495: {  	v37 =	vimm.s32 $0x1180;
	vm5 =	veq.s32 v33, $0x0;
	v31 =	vsel vm4, v34, v31  }
0x496: {  	v33 =	vsel vm5, v34, v33;
	[tilespmem:v7+s13+$0x0] =	vst.idx.msk $0xffff, v31  }
0x497: {  	[tilespmem:v9+s13+$0x0] =	vst.idx.msk $0xffff, v33  }
0x498: {  	v31 =	vld [tilespmem:$0x1180]  }
0x499: {  	v33 =	vld [tilespmem:$0x1184]  }
0x49a: {  	v34 =	vld.idx.msk [tilespmem:v37+s3+$0x0], $0xffff;
	_ =	sdelay $0x3  }
0x49b: {  	vm6 =	veq.s32 v31, $0x0  }
0x49c: {  	v39 =	vimm.s32 $0x1200;
	vm7 =	veq.s32 v33, $0x0;
	v31 =	vsel vm6, v34, v31  }
0x49d: {  	v33 =	vsel vm7, v34, v33;
	[tilespmem:v10+s13+$0x0] =	vst.idx.msk $0xffff, v31  }
0x49e: {  	[tilespmem:v12+s13+$0x0] =	vst.idx.msk $0xffff, v33  }
0x49f: {  	v31 =	vld [tilespmem:$0x1200]  }
0x4a0: {  	v33 =	vld [tilespmem:$0x1204]  }
0x4a1: {  	v34 =	vld.idx.msk [tilespmem:v39+s3+$0x0], $0xffff;
	_ =	sdelay $0x3  }
0x4a2: {  	vm8 =	veq.s32 v31, $0x0  }
0x4a3: {  	v40 =	vimm.s32 $0x1280;
	vm9 =	veq.s32 v33, $0x0;
	v31 =	vsel vm8, v34, v31  }
0x4a4: {  	v33 =	vsel vm9, v34, v33;
	[tilespmem:v13+s13+$0x0] =	vst.idx.msk $0xffff, v31  }
0x4a5: {  	[tilespmem:v15+s13+$0x0] =	vst.idx.msk $0xffff, v33  }
0x4a6: {  	v31 =	vld [tilespmem:$0x1280]  }
0x4a7: {  	v33 =	vld [tilespmem:$0x1284]  }
0x4a8: {  	v34 =	vld.idx.msk [tilespmem:v40+s3+$0x0], $0xffff;
	_ =	sdelay $0x3  }
0x4a9: {  	vm10 =	veq.s32 v31, $0x0  }
0x4aa: {  	v42 =	vimm.s32 $0x1300;
	vm11 =	veq.s32 v33, $0x0;
	v31 =	vsel vm10, v34, v31  }
0x4ab: {  	v33 =	vsel vm11, v34, v33;
	[tilespmem:v16+s13+$0x0] =	vst.idx.msk $0xffff, v31  }
0x4ac: {  	[tilespmem:v18+s13+$0x0] =	vst.idx.msk $0xffff, v33  }
0x4ad: {  	v31 =	vld [tilespmem:$0x1300]  }
0x4ae: {  	v33 =	vld [tilespmem:$0x1304]  }
0x4af: {  	v34 =	vld.idx.msk [tilespmem:v42+s3+$0x0], $0xffff;
	_ =	sdelay $0x3  }
0x4b0: {  	vm12 =	veq.s32 v31, $0x0  }
0x4b1: {  	v43 =	vimm.s32 $0x1380;
	vm13 =	veq.s32 v33, $0x0;
	v31 =	vsel vm12, v34, v31  }
0x4b2: {  	v33 =	vsel vm13, v34, v33;
	[tilespmem:v19+s13+$0x0] =	vst.idx.msk $0xffff, v31  }
0x4b3: {  	[tilespmem:v21+s13+$0x0] =	vst.idx.msk $0xffff, v33  }
0x4b4: {  	v31 =	vld [tilespmem:$0x1380]  }
0x4b5: {  	v33 =	vld [tilespmem:$0x1384]  }
0x4b6: {  	v34 =	vld.idx.msk [tilespmem:v43+s3+$0x0], $0xffff;
	_ =	sdelay $0x3  }
0x4b7: {  	vm14 =	veq.s32 v31, $0x0  }
0x4b8: {  	vm15 =	veq.s32 v33, $0x0;
	v31 =	vsel vm14, v34, v31  }
0x4b9: {  	v33 =	vsel vm15, v34, v33;
	[tilespmem:v22+s13+$0x0] =	vst.idx.msk $0xffff, v31  }
0x4ba: {  	s20 =	simm.s32 $0x2E40;
	[tilespmem:v24+s13+$0x0] =	vst.idx.msk $0xffff, v33  }
0x4bb: {  	[tilespmem:s20], [sflag:$0x3] =	stream.indirect.gather [hbm4b:s6+s14], $0x20, s13, s14, $0xb8;
	[tilespmem:$0x10A40] =	vst v63  }
0x4bc: {  	s23 =	simm.s32 $0x2850;
	s21 =	simm.s32 $0x3840  }
0x4bd: {  	[tilespmem:s21], [sflag:$0x3] =	stream.indirect.gather [hbm4b:s6+s14], $0x20, s23, s14, $0xb8;
	[tilespmem:$0x10A40] =	vst v63  }
0x4be: {  	s22 =	simm.s32 $0x28A0;
	s23 =	simm.s32 $0x4240  }
0x4bf: {  	[tilespmem:s23], [sflag:$0x3] =	stream.indirect.gather [hbm4b:s6+s14], $0x20, s22, s14, $0xb8;
	[tilespmem:$0x10A40] =	vst v63  }
0x4c0: {  	s22 =	simm.s32 $0x28F0;
	s23 =	simm.s32 $0x4C40  }
0x4c1: {  	[tilespmem:s23], [sflag:$0x3] =	stream.indirect.gather [hbm4b:s6+s14], $0x20, s22, s14, $0xb8;
	[tilespmem:$0x10A40] =	vst v63  }
0x4c2: {  	s22 =	simm.s32 $0x2940;
	s23 =	simm.s32 $0x5640  }
0x4c3: {  	[tilespmem:s23], [sflag:$0x3] =	stream.indirect.gather [hbm4b:s6+s14], $0x20, s22, s14, $0xb8;
	[tilespmem:$0x10A40] =	vst v63  }
0x4c4: {  	_ = 	snop  }
0x4c5: {  	[tilespmem:s25], [sflag:$0x3] =	stream.indirect.gather [hbm4b:s6+s14], $0x20, s24, s14, $0xb8;
	[tilespmem:$0x10A40] =	vst v63  }
0x4c6: {  	_ = 	snop  }
0x4c7: {  	[tilespmem:s28], [sflag:$0x3] =	stream.indirect.gather [hbm4b:s6+s14], $0x20, s26, s14, $0xb8;
	[tilespmem:$0x10A40] =	vst v63  }
0x4c8: {  	p1 =	sgt.u32 s19, $0x481  }
0x4c9: {  	[tilespmem:s30], [sflag:$0x3] =	stream.indirect.gather [hbm4b:s6+s14], $0x20, s29, s14, $0xb8;
	[tilespmem:$0x10A40] =	vst v63  }
0x4ca: {  	s20 =	smul.u32 @!p1 $0x1400, s19  }
0x4cb: {  	[tilespmem:s0], [sflag:$0x3] =	stream.indirect.gather [hbm4b:s6+s14], $0x20, s31, s14, $0xb8;
	[tilespmem:$0x10A40] =	vst v63  }
.Ltmp7:
0x4cc: {  	s20 =	sshrl.u32 @!p1 s20, $0x3;
	(pc) =	sbr.rel .LBB2_9-.Ltmp7, $4  }
0x4cd: {  	s20 =	sadd.s32 @!p1 s5, s20  }
0x4ce: {  	[tilespmem:s7], [sflag:$0x3] =	stream.indirect.gather [hbm4b:s6+s14], $0x20, s2, s14, $0xb8;
	[tilespmem:$0x10A40] =	vst v63  }
0x4cf: {  	s21 =	simm.s32 @!p1 $0x0;
	s20 =	sadd.s32 @!p1 $0xF000, s20  }
0x4d0: {  	[tilespmem:s21], [sflag:$0x1] =	stream.linear.gather @!p1 [hbm4b:s20+s21], $0x1400, $0x38;
	[tilespmem:$0x10A40] =	vst v63  }
.LBB2_8:
0x4d1: {  	p1 =	sgt.u32 s19, $0x4E1  }
.Ltmp8:
0x4d2: {  	_ = 	snop;
	(pc) =	sbr.rel @p1 .LBB2_12-.Ltmp8, $1  }
0x4d3: {  	_ =	sdelay $0x3  }
.LBB2_9:
0x4d4: {  	_ =	swait.ge [sflag:s16], $0xA00  }
0x4d5: {  	[sflag:s16] =	ssyncset.done $0x0  }
0x4d6: {  	[sflag:s16] =	ssyncadd.s32 $0xFFFFF600  }
0x4d7: {  	_ =	swait.ge [sflag:s16], $0xA00  }
0x4d8: {  	[sflag:s16] =	ssyncset.done $0x0  }
0x4d9: {  	[sflag:s16] =	ssyncadd.s32 $0xFFFFF600  }
0x4da: {  	_ =	swait.ge [sflag:s16], $0xA00  }
0x4db: {  	[sflag:s16] =	ssyncset.done $0x0  }
0x4dc: {  	[sflag:s16] =	ssyncadd.s32 $0xFFFFF600  }
0x4dd: {  	_ =	swait.ge [sflag:s16], $0xA00  }
0x4de: {  	[sflag:s16] =	ssyncset.done $0x0  }
0x4df: {  	[sflag:s16] =	ssyncadd.s32 $0xFFFFF600  }
0x4e0: {  	_ =	swait.ge [sflag:s16], $0xA00  }
0x4e1: {  	[sflag:s16] =	ssyncset.done $0x0  }
0x4e2: {  	[sflag:s16] =	ssyncadd.s32 $0xFFFFF600  }
0x4e3: {  	_ =	swait.ge [sflag:s16], $0xA00  }
0x4e4: {  	[sflag:s16] =	ssyncset.done $0x0  }
0x4e5: {  	[sflag:s16] =	ssyncadd.s32 $0xFFFFF600  }
0x4e6: {  	_ =	swait.ge [sflag:s16], $0xA00  }
0x4e7: {  	[sflag:s16] =	ssyncset.done $0x0  }
0x4e8: {  	[sflag:s16] =	ssyncadd.s32 $0xFFFFF600  }
0x4e9: {  	_ =	swait.ge [sflag:s16], $0xA00  }
0x4ea: {  	[sflag:s16] =	ssyncset.done $0x0  }
0x4eb: {  	[sflag:s16] =	ssyncadd.s32 $0xFFFFF600  }
0x4ec: {  	_ =	swait.ge [sflag:s16], $0xA00  }
0x4ed: {  	[sflag:s16] =	ssyncset.done $0x0  }
0x4ee: {  	[sflag:s16] =	ssyncadd.s32 $0xFFFFF600  }
0x4ef: {  	_ =	swait.ge [sflag:s16], $0xA00  }
0x4f0: {  	[sflag:s16] =	ssyncset.done $0x0  }
0x4f1: {  	s20 =	simm.s32 @!p0 $0x6;
	[sflag:s16] =	ssyncadd.s32 $0xFFFFF600  }
0x4f2: {  	_ =	swait.ge @!p0 [sflag:s20], $0xA00  }
0x4f3: {  	[sflag:s20] =	ssyncset.done @!p0 $0x0  }
0x4f4: {  	[sflag:s20] =	ssyncadd.s32 @!p0 $0xFFFFF600;
	s20 =	simm.s32 $0x9380  }
0x4f5: {  	v31 =	vld [tilespmem:s20+$0x0]  }
0x4f6: {  	v33 =	vld [tilespmem:s20+$0x20]  }
0x4f7: {  	v34 =	vld [tilespmem:s20+$0xFFFFFEE0]  }
0x4f8: {  	v36 =	vld [tilespmem:s20+$0xFFFFFEC0]  }
0x4f9: {  	v37 =	vld [tilespmem:s20+$0x40]  }
0x4fa: {  	v39 =	vld [tilespmem:s20+$0xFFFFFF00]  }
0x4fb: {  	v40 =	vld [tilespmem:s20+$0x60]  }
0x4fc: {  	v42 =	vld [tilespmem:s20+$0xFFFFFF20]  }
0x4fd: {  	v34 =	vadd.bf16 v34, v36;
	v31 =	vadd.bf16 v33, v31;
	v33 =	vld [tilespmem:s20+$0x80]  }
0x4fe: {  	v36 =	vld [tilespmem:s20+$0xFFFFFF40]  }
0x4ff: {  	v34 =	vadd.bf16 v39, v34;
	v31 =	vadd.bf16 v37, v31;
	v37 =	vld [tilespmem:s20+$0xA0]  }
0x500: {  	v39 =	vld [tilespmem:s20+$0xFFFFFF60]  }
0x501: {  	v34 =	vadd.bf16 v42, v34;
	v31 =	vadd.bf16 v40, v31;
	v40 =	vld [tilespmem:s20+$0xC0]  }
0x502: {  	v42 =	vld [tilespmem:s20+$0xFFFFFF80]  }
0x503: {  	v34 =	vadd.bf16 v36, v34;
	v31 =	vadd.bf16 v33, v31;
	v33 =	vld [tilespmem:s20+$0xE0]  }
0x504: {  	v36 =	vld [tilespmem:s20+$0xFFFFFFA0]  }
0x505: {  	v34 =	vadd.bf16 v39, v34;
	v31 =	vadd.bf16 v37, v31;
	v37 =	vld [tilespmem:s20+$0x100]  }
0x506: {  	v39 =	vld [tilespmem:s20+$0xFFFFFFC0]  }
0x507: {  	v34 =	vadd.bf16 v42, v34;
	v31 =	vadd.bf16 v40, v31;
	v40 =	vld [tilespmem:s20+$0x120]  }
0x508: {  	v42 =	vld [tilespmem:s20+$0xFFFFFFE0]  }
0x509: {  	v34 =	vadd.bf16 v36, v34;
	v31 =	vadd.bf16 v33, v31;
	_ =	sdelay $0x1  }
0x50a: {  	v39 =	vadd.bf16 v39, v34;
	v31 =	vadd.bf16 v37, v31;
	_ =	sdelay $0x1  }
0x50b: {  	v33 =	vadd.bf16 v42, v39;
	v31 =	vadd.bf16 v40, v31  }
0x50c: {  	s22 =	simm.s32 $0x0  }
0x50d: {  	v43 =	vor.u32 s22, v25;
	v31 =	vadd.bf16 v31, v33  }
0x50e: {  	v40 =	vor.u32 s22, v27  }
0x50f: {  	v42 =	vunpack.i.l.bf16.f32 v31  }
0x510: {  	v31 =	vunpack.i.u.bf16.f32 v31;
	v36 =	vmul.f32 $5.000000070e-02, v42  }
0x511: {  	v31 =	vmul.f32 $5.000000070e-02, v31  }
0x512: {  	[tilespmem:v43+s17+$0x0] =	vst.idx.msk $0xffff, v36  }
0x513: {  	[tilespmem:v40+s17+$0x0] =	vst.idx.msk $0xffff, v31  }
0x514: {  	v31 =	vld [tilespmem:s20+$0xFFFFFED0]  }
0x515: {  	v33 =	vld [tilespmem:s20+$0x10]  }
0x516: {  	v34 =	vld [tilespmem:s20+$0xFFFFFEF0]  }
0x517: {  	v36 =	vld [tilespmem:s20+$0x30]  }
0x518: {  	v37 =	vld [tilespmem:s20+$0xFFFFFF10]  }
0x519: {  	v39 =	vld [tilespmem:s20+$0x50]  }
0x51a: {  	v40 =	vld [tilespmem:s20+$0xFFFFFF30]  }
0x51b: {  	v42 =	vld [tilespmem:s20+$0x70]  }
0x51c: {  	v31 =	vadd.bf16 v34, v31;
	v33 =	vadd.bf16 v36, v33;
	v34 =	vld [tilespmem:s20+$0xFFFFFF50]  }
0x51d: {  	v36 =	vld [tilespmem:s20+$0x90]  }
0x51e: {  	v31 =	vadd.bf16 v37, v31;
	v33 =	vadd.bf16 v39, v33;
	v37 =	vld [tilespmem:s20+$0xFFFFFF70]  }
0x51f: {  	v39 =	vld [tilespmem:s20+$0xB0]  }
0x520: {  	v31 =	vadd.bf16 v40, v31;
	v33 =	vadd.bf16 v42, v33;
	v40 =	vld [tilespmem:s20+$0xFFFFFF90]  }
0x521: {  	v42 =	vld [tilespmem:s20+$0xD0]  }
0x522: {  	v31 =	vadd.bf16 v34, v31;
	v33 =	vadd.bf16 v36, v33;
	v34 =	vld [tilespmem:s20+$0xFFFFFFB0]  }
0x523: {  	v36 =	vld [tilespmem:s20+$0xF0]  }
0x524: {  	v31 =	vadd.bf16 v37, v31;
	v33 =	vadd.bf16 v39, v33;
	v37 =	vld [tilespmem:s20+$0xFFFFFFD0]  }
0x525: {  	v39 =	vld [tilespmem:s20+$0x110]  }
0x526: {  	v31 =	vadd.bf16 v40, v31;
	v33 =	vadd.bf16 v42, v33;
	v40 =	vld [tilespmem:s20+$0x130]  }
0x527: {  	v42 =	vld [tilespmem:s20+$0xFFFFFFF0]  }
0x528: {  	v31 =	vadd.bf16 v34, v31;
	v33 =	vadd.bf16 v36, v33;
	_ =	sdelay $0x1  }
0x529: {  	v31 =	vadd.bf16 v37, v31;
	v33 =	vadd.bf16 v39, v33;
	_ =	sdelay $0x1  }
0x52a: {  	v31 =	vadd.bf16 v42, v31;
	v33 =	vadd.bf16 v40, v33;
	_ =	sdelay $0x1  }
0x52b: {  	v43 =	vadd.bf16 v33, v31  }
0x52c: {  	v31 =	vor.u32 s22, v28  }
0x52d: {  	s21 =	simm.s32 $0x1;
	v33 =	vor.u32 s22, v30;
	v34 =	vunpack.i.u.bf16.f32 v43;
	v36 =	vunpack.i.l.bf16.f32 v43  }
.LBB2_10:
0x52e: {  	p0 =	sne.s32 s21, $0x27  }
0x52f: {  	v36 =	vmul.f32 $5.000000070e-02, v36;
	s20 =	sadd.s32 $0x280, s20;
	s22 =	smov.u32 s21;
	s21 =	sadd.s32 $0x1, s21  }
0x530: {  	v34 =	vmul.f32 $5.000000070e-02, v34  }
0x531: {  	[tilespmem:v31+s17+$0x0] =	vst.idx.msk $0xffff, v36  }
0x532: {  	[tilespmem:v33+s17+$0x0] =	vst.idx.msk $0xffff, v34  }
0x533: {  	v31 =	vld [tilespmem:s20+$0x0]  }
0x534: {  	v33 =	vld [tilespmem:s20+$0x20]  }
0x535: {  	v34 =	vld [tilespmem:s20+$0xFFFFFEE0]  }
0x536: {  	v36 =	vld [tilespmem:s20+$0xFFFFFEC0]  }
0x537: {  	v37 =	vld [tilespmem:s20+$0x40]  }
0x538: {  	v39 =	vld [tilespmem:s20+$0xFFFFFF00]  }
0x539: {  	v40 =	vld [tilespmem:s20+$0x60]  }
0x53a: {  	v42 =	vld [tilespmem:s20+$0xFFFFFF20]  }
0x53b: {  	v31 =	vadd.bf16 v33, v31;
	v34 =	vadd.bf16 v34, v36;
	v33 =	vld [tilespmem:s20+$0x80]  }
0x53c: {  	v36 =	vld [tilespmem:s20+$0xFFFFFF40]  }
0x53d: {  	v31 =	vadd.bf16 v37, v31;
	v34 =	vadd.bf16 v39, v34;
	v37 =	vld [tilespmem:s20+$0xA0]  }
0x53e: {  	v39 =	vld [tilespmem:s20+$0xFFFFFF60]  }
0x53f: {  	v31 =	vadd.bf16 v40, v31;
	v34 =	vadd.bf16 v42, v34;
	v40 =	vld [tilespmem:s20+$0xC0]  }
0x540: {  	v42 =	vld [tilespmem:s20+$0xFFFFFF80]  }
0x541: {  	v31 =	vadd.bf16 v33, v31;
	v34 =	vadd.bf16 v36, v34;
	v33 =	vld [tilespmem:s20+$0xE0]  }
0x542: {  	v36 =	vld [tilespmem:s20+$0xFFFFFFA0]  }
0x543: {  	v31 =	vadd.bf16 v37, v31;
	v34 =	vadd.bf16 v39, v34;
	v37 =	vld [tilespmem:s20+$0x100]  }
0x544: {  	v39 =	vld [tilespmem:s20+$0xFFFFFFC0]  }
0x545: {  	v31 =	vadd.bf16 v40, v31;
	v34 =	vadd.bf16 v42, v34;
	v40 =	vld [tilespmem:s20+$0x120]  }
0x546: {  	v42 =	vld [tilespmem:s20+$0xFFFFFFE0]  }
0x547: {  	v31 =	vadd.bf16 v33, v31;
	v34 =	vadd.bf16 v36, v34;
	_ =	sdelay $0x1  }
0x548: {  	v31 =	vadd.bf16 v37, v31;
	v33 =	vadd.bf16 v39, v34;
	_ =	sdelay $0x1  }
0x549: {  	v31 =	vadd.bf16 v40, v31;
	v33 =	vadd.bf16 v42, v33  }
0x54a: {  	s22 =	sshll.u32 s22, $0x6  }
0x54b: {  	v31 =	vadd.bf16 v31, v33;
	v33 =	vor.u32 s22, v25  }
0x54c: {  	v34 =	vor.u32 s22, v27  }
0x54d: {  	v36 =	vunpack.i.u.bf16.f32 v31;
	v31 =	vunpack.i.l.bf16.f32 v31  }
0x54e: {  	v31 =	vmul.f32 $5.000000070e-02, v31  }
0x54f: {  	v36 =	vmul.f32 $5.000000070e-02, v36  }
0x550: {  	[tilespmem:v33+s17+$0x0] =	vst.idx.msk $0xffff, v31  }
0x551: {  	[tilespmem:v34+s17+$0x0] =	vst.idx.msk $0xffff, v36  }
0x552: {  	v31 =	vld [tilespmem:s20+$0xFFFFFED0]  }
0x553: {  	v33 =	vld [tilespmem:s20+$0x10]  }
0x554: {  	v34 =	vld [tilespmem:s20+$0xFFFFFEF0]  }
0x555: {  	v36 =	vld [tilespmem:s20+$0x30]  }
0x556: {  	v37 =	vld [tilespmem:s20+$0xFFFFFF10]  }
0x557: {  	v39 =	vld [tilespmem:s20+$0x50]  }
0x558: {  	v40 =	vld [tilespmem:s20+$0xFFFFFF30]  }
0x559: {  	v31 =	vadd.bf16 v34, v31;
	v34 =	vld [tilespmem:s20+$0x70]  }
0x55a: {  	v33 =	vadd.bf16 v36, v33;
	v36 =	vld [tilespmem:s20+$0xFFFFFF50]  }
0x55b: {  	v31 =	vadd.bf16 v37, v31;
	v37 =	vld [tilespmem:s20+$0x90]  }
0x55c: {  	v33 =	vadd.bf16 v39, v33;
	v39 =	vld [tilespmem:s20+$0xFFFFFF70]  }
0x55d: {  	v31 =	vadd.bf16 v40, v31;
	v40 =	vld [tilespmem:s20+$0xB0]  }
0x55e: {  	v33 =	vadd.bf16 v34, v33;
	v34 =	vld [tilespmem:s20+$0xFFFFFF90]  }
0x55f: {  	v31 =	vadd.bf16 v36, v31;
	v36 =	vld [tilespmem:s20+$0xD0]  }
0x560: {  	v33 =	vadd.bf16 v37, v33;
	v37 =	vld [tilespmem:s20+$0xFFFFFFB0]  }
0x561: {  	v31 =	vadd.bf16 v39, v31;
	v39 =	vld [tilespmem:s20+$0xF0]  }
0x562: {  	v33 =	vadd.bf16 v40, v33;
	v40 =	vld [tilespmem:s20+$0xFFFFFFD0]  }
0x563: {  	v31 =	vadd.bf16 v34, v31;
	v34 =	vld [tilespmem:s20+$0x110]  }
0x564: {  	v33 =	vadd.bf16 v36, v33;
	v36 =	vld [tilespmem:s20+$0x130]  }
0x565: {  	v31 =	vadd.bf16 v37, v31;
	v37 =	vld [tilespmem:s20+$0xFFFFFFF0]  }
0x566: {  	v33 =	vadd.bf16 v39, v33  }
0x567: {  	v31 =	vadd.bf16 v40, v31  }
0x568: {  	v33 =	vadd.bf16 v34, v33;
	_ =	sdelay $0x1  }
.Ltmp9:
0x569: {  	v31 =	vadd.bf16 v37, v31;
	v33 =	vadd.bf16 v36, v33;
	(pc) =	sbr.rel @p0 .LBB2_10-.Ltmp9, $4  }
0x56a: {  	_ = 	snop  }
0x56b: {  	v36 =	vadd.bf16 v33, v31;
	v31 =	vor.u32 s22, v28  }
0x56c: {  	v33 =	vor.u32 s22, v30  }
0x56d: {  	v34 =	vunpack.i.u.bf16.f32 v36;
	v36 =	vunpack.i.l.bf16.f32 v36  }
0x56e: {  	_ =	sdelay $0x1  }
.Ltmp10:
0x56f: {  	v25 =	vmul.f32 $5.000000070e-02, v36;
	(pc) =	sbr.rel .LBB2_12-.Ltmp10, $4  }
0x570: {  	v27 =	vmul.f32 $5.000000070e-02, v34;
	s19 =	smul.u32 $0x140, s19  }
0x571: {  	[tilespmem:v31+s17+$0x0] =	vst.idx.msk $0xffff, v25  }
0x572: {  	s19 =	sadd.s32 s1, s19;
	[tilespmem:v33+s17+$0x0] =	vst.idx.msk $0xffff, v27  }
0x573: {  	[hbm4b:s19+s3] =	stream.linear.scatter [tilespmem:s17], [sflag:$0x6], $0xA00, $0x38;
	[tilespmem:$0x10A40] =	vst v63  }
.LBB2_14:
0x574: {  	_ =	sfence.sel $0x180000  }
0x575: {  	[bflag:$0x0] =	sbarrier.arrive $0xFFFF  }
0x576: {  	_ =	strace $0x90000047  }
0x577: {  	s0 =	stileid.u32;
	[bflag:$0x2] =	sbarrier.arrive $0xFFFF  }
0x578: {  	p0 =	sne.s32 s0, $0x0;
	s0 =	rddreg [dreg:$0x2]  }
0x579: {  	s0 =	sadd.s32 @!p0 $0x100000, s0  }
0x57a: {  	[sflag:s0] =	ssyncadd.tile.s32 @!p0 $0x1;
	_ =	shalt  }
.Lfunc_end2:
_tile_overlayer_lowered:
.L_overlay_start_2:
0x57b: {  	(tag) =	ssettag $0x2  }
0x57c: {  	s0 =	rddreg [dreg:$0x0];
	s2 =	stileid.u32  }
0x57d: {  	s1 =	rddreg [dreg:$0x1];
	p0 =	sne.s32 s2, $0x0  }
0x57e: {  	s3 =	rddreg [dreg:$0x2];
	[bflag:$0x3] =	sbarrier.arrive $0xFFFF;
	s2 =	simm.s32 @!p0 $0x1C07  }
0x57f: {  	[timem:s3], [sflag:s2] =	dma.local @!p0 [hbm:s0], s1  }
0x580: {  	s0 =	simm.s32 @!p0 $0x7  }
0x581: {  	_ =	swait.ge @!p0 [sflag:s0], s1  }
0x582: {  	s1 =	ssub.s32 @!p0 $0x0, s1;
	[sflag:s0] =	ssyncset.done @!p0 $0x0  }
0x583: {  	[sflag:s0] =	ssyncadd.s32 @!p0 s1  }
0x584: {  	[bflag:$0x3] =	sbarrier.arrive $0xFFFF  }
0x585: {  	_ =	shalt  }

</sc_bundles>
